<compile_context>
chip_gen: v7x
topology: tpu7x:2x2x1
jax: 0.10.2.dev20260603
libtpu: 0.0.44.dev20260713+nightly
codegen_flags: <defaults>
</compile_context>

<pallas_src>
import jax
import jax.numpy as jnp
from jax import lax
from jax.experimental import pallas as pl
from jax.experimental.pallas import tpu as pltpu
from jax.experimental.pallas import tpu_sc as plsc

N = 10000
E = 320000
D = 128
DE = 16

NC = 2
NS = 16
NW = NC * NS

CHUNK = 40
NCHUNKS = E // CHUNK
NITER = NCHUNKS // NW
NPAIRS = NITER // 2
CH2 = 128
NCHUNKS2 = E // CH2
NITER2 = -(-NCHUNKS2 // NW)
N_PAD = 10240
ROWS_PER_TILE = N_PAD // NS


def _tc_proj_body(x_ref, w1_ref, w2_ref, p1_ref, p2_ref):
    x = x_ref[...]
    p1_ref[...] = jnp.dot(x, w1_ref[...], preferred_element_type=jnp.float32)
    p2_ref[...] = jnp.dot(x, w2_ref[...], preferred_element_type=jnp.float32)


def _tc_e_body(g_ref, f_ref, w3_ref, b_ref, o_ref):
    o_ref[...] = (g_ref[...]
                  + jnp.dot(f_ref[...], w3_ref[...],
                            preferred_element_type=jnp.float32)
                  + b_ref[...])


def _tc_n_body(x_ref, sums_ref, comb_ref, w3_ref, be_ref,
               wn1_ref, wn2_ref, bn_ref, o_ref):
    counts = comb_ref[0, :, DE:DE + 1] + comb_ref[1, :, DE:DE + 1]
    sef = comb_ref[0, :, 0:DE] + comb_ref[1, :, 0:DE]
    sums = (sums_ref[0] + sums_ref[1]
            + jnp.dot(sef, w3_ref[...], preferred_element_type=jnp.float32)
            + counts * be_ref[...])
    agg = sums / jnp.maximum(counts, 1.0)
    o_ref[...] = (jnp.dot(x_ref[...], wn1_ref[...],
                          preferred_element_type=jnp.float32)
                  + jnp.dot(agg, wn2_ref[...],
                            preferred_element_type=jnp.float32)
                  + bn_ref[...])


def _sc_body(p1_hbm, p2_hbm, src_hbm, dst_hbm,
             g_hbm, sums_hbm,
             idxs0, idxd0, idxS0, A0, B0,
             idxs1, idxd1, idxS1, A1, B1,
             idxs2, idxd2, idxS2, A2, B2,
             acc_sh,
             semIs0, semId0, semA0, semB0, semW0, semS0,
             semIs1, semId1, semA1, semB1, semW1, semS1,
             semIs2, semId2, semA2, semB2, semW2, semS2):
    cid = lax.axis_index("c")
    sid = lax.axis_index("s")
    wid = sid * NC + cid

    def _zrow(i, carry):
        for j in range(D // 16):
            A0[i, pl.ds(j * 16, 16)] = jnp.zeros((16,), jnp.float32)
        return carry

    lax.fori_loop(0, CHUNK, _zrow, 0)

    off = sid * ROWS_PER_TILE
    for t in range(ROWS_PER_TILE // CHUNK):
        pltpu.sync_copy(A0, acc_sh.at[pl.ds(off + t * CHUNK, CHUNK)])
    plsc.subcore_barrier()

    slots = ((idxs0, idxd0, idxS0, A0, B0,
              semIs0, semId0, semA0, semB0, semW0, semS0),
             (idxs1, idxd1, idxS1, A1, B1,
              semIs1, semId1, semA1, semB1, semW1, semS1),
             (idxs2, idxd2, idxS2, A2, B2,
              semIs2, semId2, semA2, semB2, semW2, semS2))

    def _fire_idx(k, s):
        idxs, idxd, semIs, semId = s[0], s[1], s[5], s[6]
        base = (wid + k * NW) * CHUNK
        pltpu.async_copy(src_hbm.at[pl.ds(base, CHUNK)], idxs, semIs)
        pltpu.async_copy(dst_hbm.at[pl.ds(base, CHUNK)], idxd, semId)

    def _fire_gather(k, s):
        idxs, idxd, semIs, semId, semA, semB = \
            s[0], s[1], s[5], s[6], s[7], s[8]
        base = (wid + k * NW) * CHUNK
        pltpu.make_async_copy(src_hbm.at[pl.ds(base, CHUNK)], idxs,
                              semIs).wait()
        pltpu.make_async_copy(dst_hbm.at[pl.ds(base, CHUNK)], idxd,
                              semId).wait()
        pltpu.async_copy(p1_hbm.at[idxs], s[3], semA)
        pltpu.async_copy(p2_hbm.at[idxd], s[4], semB)

    def _drain(s):
        idxS, A, semW, semS = s[2], s[3], s[9], s[10]
        pltpu.make_async_copy(A, g_hbm.at[pl.ds(0, CHUNK)], semW).wait()
        pltpu.make_async_copy(A, acc_sh.at[idxS], semS).wait()

    def _step(k, b):
        s = slots[b]
        s1 = slots[(b + 2) % 3]
        idxs, idxd, idxS, A, B = s[0], s[1], s[2], s[3], s[4]
        semA, semB, semW, semS = s[7], s[8], s[9], s[10]

        @pl.when(k < NITER)
        def _():
            pltpu.make_async_copy(p1_hbm.at[idxs], A, semA).wait()
            pltpu.make_async_copy(p2_hbm.at[idxd], B, semB).wait()
            for j0 in (0, 16, CHUNK - 16):
                sl = pl.ds(j0, 16)
                idxS[sl] = idxd[sl]

            @pl.when(k + 3 < NITER)
            def _():
                _fire_idx(k + 3, s)

            base = (wid + k * NW) * CHUNK

            @plsc.parallel_loop(0, CHUNK, step=1, unroll=4)
            def _row(i):
                for j in range(D // 16):
                    sl = pl.ds(j * 16, 16)
                    plsc.addupdate(A.at[i, sl], B[i, sl])

            pltpu.async_copy(A, g_hbm.at[pl.ds(base, CHUNK)], semW)
            pltpu.async_copy(A, acc_sh.at[idxS], semS, add=True)

        @pl.when((k >= 1) & (k - 1 < NITER))
        def _():
            _drain(s1)

        @pl.when(k + 2 < NITER)
        def _():
            _fire_gather(k + 2, s1)

    for kk in range(3):
        _fire_idx(kk, slots[kk])
    _fire_gather(0, slots[0])
    _fire_gather(1, slots[1])

    NTRI = -(-(NITER + 2) // 3)

    def _tri(kt, carry):
        k0 = kt * 3
        _step(k0, 0)
        _step(k0 + 1, 1)
        _step(k0 + 2, 2)
        return carry

    lax.fori_loop(0, NTRI, _tri, 0)
    plsc.subcore_barrier()

    for t in range(ROWS_PER_TILE // CHUNK):
        pltpu.sync_copy(acc_sh.at[pl.ds(off + t * CHUNK, CHUNK)], A0)
        pltpu.sync_copy(A0, sums_hbm.at[pl.ds(cid * N_PAD + off + t * CHUNK,
                                              CHUNK)])


_sc_gather = pl.kernel(
    _sc_body,
    out_type=(
        jax.ShapeDtypeStruct((E, D), jnp.float32),
        jax.ShapeDtypeStruct((NC * N_PAD, D), jnp.float32),
    ),
    mesh=plsc.VectorSubcoreMesh(core_axis_name="c", subcore_axis_name="s"),
    scratch_types=(
        [pltpu.VMEM((CHUNK,), jnp.int32),
         pltpu.VMEM((CHUNK,), jnp.int32),
         pltpu.VMEM((CHUNK,), jnp.int32),
         pltpu.VMEM((CHUNK, D), jnp.float32),
         pltpu.VMEM((CHUNK, D), jnp.float32),
         ] * 3
        + [pltpu.VMEM_SHARED((N_PAD, D), jnp.float32)]
        + [pltpu.SemaphoreType.DMA] * 18
    ),
)


def _sc_ef_body(ef_hbm, dst_hbm, comb_hbm,
                idxd0, idxd1, F, idxS, F2, comb_sh,
                semI0, semI1, semF):
    cid = lax.axis_index("c")
    sid = lax.axis_index("s")
    wid = sid * NC + cid

    def _zrow(i, carry):
        for j in range(D // 16):
            F2[i, pl.ds(j * 16, 16)] = jnp.zeros((16,), jnp.float32)
        return carry

    lax.fori_loop(0, CH2, _zrow, 0)

    off = sid * ROWS_PER_TILE
    for t in range(ROWS_PER_TILE // CH2):
        pltpu.sync_copy(F2, comb_sh.at[pl.ds(off + t * CH2, CH2)])
    plsc.subcore_barrier()

    def _orow(i, carry):
        F2[i, pl.ds(DE, 16)] = jnp.ones((16,), jnp.float32)
        return carry

    lax.fori_loop(0, CH2, _orow, 0)

    def _fire_idx(k, idxd, semI):
        @pl.when(wid + k * NW < NCHUNKS2)
        def _():
            base = (wid + k * NW) * CH2
            pltpu.async_copy(dst_hbm.at[pl.ds(base, CH2)], idxd, semI)

    def _fire_f(k):
        @pl.when(wid + k * NW < NCHUNKS2)
        def _():
            base = (wid + k * NW) * CH2
            pltpu.async_copy(ef_hbm.at[pl.ds(base, CH2)], F, semF)

    def _proc(k, idxd, semI):
        c = wid + k * NW

        @pl.when(c < NCHUNKS2)
        def _():
            base = c * CH2
            pltpu.make_async_copy(dst_hbm.at[pl.ds(base, CH2)], idxd,
                                  semI).wait()
            pltpu.make_async_copy(ef_hbm.at[pl.ds(base, CH2)], F,
                                  semF).wait()
            for j0 in range(0, CH2, 16):
                sl = pl.ds(j0, 16)
                idxS[sl] = idxd[sl]
            _fire_idx(k + 2, idxd, semI)

            def _crow(i, carry2):
                F2[i, pl.ds(0, DE)] = F[i, :]
                return carry2

            lax.fori_loop(0, CH2, _crow, 0)
            _fire_f(k + 1)
            pltpu.sync_copy(F2, comb_sh.at[idxS], add=True)

    _fire_idx(0, idxd0, semI0)
    _fire_idx(1, idxd1, semI1)
    _fire_f(0)

    def _pair(ko, carry):
        k0 = ko * 2
        _proc(k0, idxd0, semI0)
        _proc(k0 + 1, idxd1, semI1)
        return carry

    lax.fori_loop(0, -(-NITER2 // 2), _pair, 0)
    plsc.subcore_barrier()

    for t in range(ROWS_PER_TILE // CH2):
        pltpu.sync_copy(comb_sh.at[pl.ds(off + t * CH2, CH2)], F2)
        pltpu.sync_copy(F2, comb_hbm.at[pl.ds(cid * N_PAD + off + t * CH2,
                                              CH2)])


_sc_efcnt = pl.kernel(
    _sc_ef_body,
    out_type=(
        jax.ShapeDtypeStruct((NC * N_PAD, D), jnp.float32),
    ),
    mesh=plsc.VectorSubcoreMesh(core_axis_name="c", subcore_axis_name="s"),
    scratch_types=[
        pltpu.VMEM((CH2,), jnp.int32),
        pltpu.VMEM((CH2,), jnp.int32),
        pltpu.VMEM((CH2, DE), jnp.float32),
        pltpu.VMEM((CH2,), jnp.int32),
        pltpu.VMEM((CH2, D), jnp.float32),
        pltpu.VMEM_SHARED((N_PAD, D), jnp.float32),
        pltpu.SemaphoreType.DMA,
        pltpu.SemaphoreType.DMA,
        pltpu.SemaphoreType.DMA,
    ],
)


@jax.jit
def kernel(node_feats, edge_feats, edge_index, W_e, b_e, W_n, b_n):
    src = edge_index[0].astype(jnp.int32)
    dst = edge_index[1].astype(jnp.int32)
    W1 = W_e[0:D]
    W2 = W_e[D:2 * D]
    W3 = W_e[2 * D:]
    Wn1 = W_n[0:D]
    Wn2 = W_n[D:]
    be_row = b_e.reshape(1, D)
    bn_row = b_n.reshape(1, D)

    p1, p2 = pl.pallas_call(
        _tc_proj_body,
        out_shape=(jax.ShapeDtypeStruct((N, D), jnp.float32),
                   jax.ShapeDtypeStruct((N, D), jnp.float32)),
    )(node_feats, W1, W2)

    g, sums_p = _sc_gather(p1, p2, src, dst)

    nblk = 32
    blk = E // nblk
    e = pl.pallas_call(
        _tc_e_body,
        grid=(nblk,),
        in_specs=[
            pl.BlockSpec((blk, D), lambda i: (i, 0)),
            pl.BlockSpec((blk, DE), lambda i: (i, 0)),
            pl.BlockSpec((DE, D), lambda i: (0, 0)),
            pl.BlockSpec((1, D), lambda i: (0, 0)),
        ],
        out_specs=pl.BlockSpec((blk, D), lambda i: (i, 0)),
        out_shape=jax.ShapeDtypeStruct((E, D), jnp.float32),
    )(g, edge_feats, W3, be_row)

    comb_p, = _sc_efcnt(edge_feats, dst)

    n = pl.pallas_call(
        _tc_n_body,
        grid=(1,),
        in_specs=[
            pl.BlockSpec((N, D), lambda i: (0, 0)),
            pl.BlockSpec((2, N, D), lambda i: (0, 0, 0)),
            pl.BlockSpec((2, N, D), lambda i: (0, 0, 0)),
            pl.BlockSpec((DE, D), lambda i: (0, 0)),
            pl.BlockSpec((1, D), lambda i: (0, 0)),
            pl.BlockSpec((D, D), lambda i: (0, 0)),
            pl.BlockSpec((D, D), lambda i: (0, 0)),
            pl.BlockSpec((1, D), lambda i: (0, 0)),
        ],
        out_specs=pl.BlockSpec((N, D), lambda i: (0, 0)),
        out_shape=jax.ShapeDtypeStruct((N, D), jnp.float32),
    )(node_feats, sums_p.reshape(NC, N_PAD, D)[:, :N],
      comb_p.reshape(NC, N_PAD, D)[:, :N], W3, be_row, Wn1, Wn2, bn_row)

    return (n, e)

# --- scband reference (transcript-rebuilt; emitter-appended) ---
"""Pipeline reference for scband-interaction-layer-53025666236778 (READ-ONLY COPY).

The authoritative reference and input builder live on the scoring server;
editing this copy changes nothing except your own understanding.
"""

import jax, jax.numpy as jnp
import numpy as np

N_NODES = 10000
N_EDGES = 320000
D_NODE = 128
D_EDGE = 16
D_OUT_E = 128
D_OUT_N = 128


def setup_inputs(seed: int = 0) -> dict:
    key = jax.random.key(seed)
    k1, k2, k3, k4, k5, k6, k7 = jax.random.split(key, 7)
    node_feats = jax.random.normal(k1, (N_NODES, D_NODE), dtype=jnp.float32)
    edge_feats = jax.random.normal(k2, (N_EDGES, D_EDGE), dtype=jnp.float32)
    edge_index = jax.random.randint(k3, (2, N_EDGES), 0, N_NODES, dtype=jnp.int64)
    # edge_fc: Linear(2*D_NODE + D_EDGE -> D_OUT_E)
    fan_e = 2 * D_NODE + D_EDGE
    lim_e = 1.0 / np.sqrt(fan_e)
    W_e = jax.random.uniform(k4, (fan_e, D_OUT_E), minval=-lim_e, maxval=lim_e, dtype=jnp.float32)
    b_e = jax.random.uniform(k5, (D_OUT_E,), minval=-lim_e, maxval=lim_e, dtype=jnp.float32)
    # node_fc: Linear(D_NODE + D_OUT_E -> D_OUT_N)
    fan_n = D_NODE + D_OUT_E
    lim_n = 1.0 / np.sqrt(fan_n)
    W_n = jax.random.uniform(k6, (fan_n, D_OUT_N), minval=-lim_n, maxval=lim_n, dtype=jnp.float32)
    b_n = jax.random.uniform(k7, (D_OUT_N,), minval=-lim_n, maxval=lim_n, dtype=jnp.float32)
    return {"node_feats": node_feats, "edge_feats": edge_feats, "edge_index": edge_index,
            "W_e": W_e, "b_e": b_e, "W_n": W_n, "b_n": b_n}


def reference(node_feats, edge_feats, edge_index, W_e, b_e, W_n, b_n):
    src = edge_index[0]
    dst = edge_index[1]
    # apply_edges: edge_fc(cat([src_feat, dst_feat, edge_feat]))
    x_e = jnp.concatenate([node_feats[src], node_feats[dst], edge_feats], axis=1)
    e = x_e @ W_e + b_e
    # update_all: copy_e -> mean over incoming edges at dst
    n_nodes = node_feats.shape[0]
    sums = jax.ops.segment_sum(e, dst, num_segments=n_nodes)
    counts = jax.ops.segment_sum(jnp.ones((e.shape[0], 1), dtype=e.dtype), dst, num_segments=n_nodes)
    agg = sums / jnp.maximum(counts, 1.0)
    x_n = jnp.concatenate([node_feats, agg], axis=1)
    n = x_n @ W_n + b_n
    return (n, e)

if __name__ == "__main__":
    import jax
    _d = setup_inputs()
    print(jax.jit(kernel)(*tuple(_d.values())))

</pallas_src>

<mosaic_0001>
#map = affine_map<(d0, d1) -> (0, 0)>
#map1 = affine_map<(d0, d1) -> (0)>
module attributes {stable_mosaic.version = 14 : i64} {
  func.func @_sc_body(%arg0: i32, %arg1: i32, %arg2: memref<10000x128xf32, #tpu.memory_space<hbm>>, %arg3: memref<10000x128xf32, #tpu.memory_space<hbm>>, %arg4: memref<320000xi32, #tpu.memory_space<hbm>>, %arg5: memref<320000xi32, #tpu.memory_space<hbm>>, %arg6: memref<320000x128xf32, #tpu.memory_space<hbm>>, %arg7: memref<20480x128xf32, #tpu.memory_space<hbm>>, %arg8: memref<40xi32, #tpu.memory_space<vmem>>, %arg9: memref<40xi32, #tpu.memory_space<vmem>>, %arg10: memref<40xi32, #tpu.memory_space<vmem>>, %arg11: memref<40x128xf32, #tpu.memory_space<vmem>>, %arg12: memref<40x128xf32, #tpu.memory_space<vmem>>, %arg13: memref<40xi32, #tpu.memory_space<vmem>>, %arg14: memref<40xi32, #tpu.memory_space<vmem>>, %arg15: memref<40xi32, #tpu.memory_space<vmem>>, %arg16: memref<40x128xf32, #tpu.memory_space<vmem>>, %arg17: memref<40x128xf32, #tpu.memory_space<vmem>>, %arg18: memref<40xi32, #tpu.memory_space<vmem>>, %arg19: memref<40xi32, #tpu.memory_space<vmem>>, %arg20: memref<40xi32, #tpu.memory_space<vmem>>, %arg21: memref<40x128xf32, #tpu.memory_space<vmem>>, %arg22: memref<40x128xf32, #tpu.memory_space<vmem>>, %arg23: memref<10240x128xf32, #tpu.memory_space<vmem_shared>>, %arg24: memref<!tpu.dma_semaphore, #tpu.memory_space<semaphore_mem>>, %arg25: memref<!tpu.dma_semaphore, #tpu.memory_space<semaphore_mem>>, %arg26: memref<!tpu.dma_semaphore, #tpu.memory_space<semaphore_mem>>, %arg27: memref<!tpu.dma_semaphore, #tpu.memory_space<semaphore_mem>>, %arg28: memref<!tpu.dma_semaphore, #tpu.memory_space<semaphore_mem>>, %arg29: memref<!tpu.dma_semaphore, #tpu.memory_space<semaphore_mem>>, %arg30: memref<!tpu.dma_semaphore, #tpu.memory_space<semaphore_mem>>, %arg31: memref<!tpu.dma_semaphore, #tpu.memory_space<semaphore_mem>>, %arg32: memref<!tpu.dma_semaphore, #tpu.memory_space<semaphore_mem>>, %arg33: memref<!tpu.dma_semaphore, #tpu.memory_space<semaphore_mem>>, %arg34: memref<!tpu.dma_semaphore, #tpu.memory_space<semaphore_mem>>, %arg35: memref<!tpu.dma_semaphore, #tpu.memory_space<semaphore_mem>>, %arg36: memref<!tpu.dma_semaphore, #tpu.memory_space<semaphore_mem>>, %arg37: memref<!tpu.dma_semaphore, #tpu.memory_space<semaphore_mem>>, %arg38: memref<!tpu.dma_semaphore, #tpu.memory_space<semaphore_mem>>, %arg39: memref<!tpu.dma_semaphore, #tpu.memory_space<semaphore_mem>>, %arg40: memref<!tpu.dma_semaphore, #tpu.memory_space<semaphore_mem>>, %arg41: memref<!tpu.dma_semaphore, #tpu.memory_space<semaphore_mem>>) attributes {dimension_semantics = [#tpu.dimension_semantics<core_parallel>, #tpu.dimension_semantics<subcore_parallel>], iteration_bounds = array<i64: 2, 16>, scalar_prefetch = 0 : i64, scratch_operands = 34 : i64, tpu.core_type = #tpu.core_type<sc_vector_subcore>, window_params = [{transform_indices = #map}, {transform_indices = #map}, {transform_indices = #map1}, {transform_indices = #map1}, {transform_indices = #map}, {transform_indices = #map}]} {
    %mul3A = arith.constant 2 : i32
    %mul3A_0 = arith.muli %arg1, %mul3A : i32
    %add3A = arith.addi %mul3A_0, %arg0 : i32
    %scan3A = arith.constant 0 : i32
    %scan3A_1 = arith.constant 0 : i32
    %scan3A_2 = arith.constant 40 : i32
    %scan3A_3 = arith.addi %scan3A_1, %scan3A_2 : i32
    %scan3A_4 = arith.constant 1 : i32
    scf.for %scan3A_209 = %scan3A_1 to %scan3A_3 step %scan3A_4  : i32 {
      %broadcast_in_dim3A = arith.constant 0.000000e+00 : f32
      %broadcast_in_dim3A_210 = vector.broadcast %broadcast_in_dim3A : f32 to vector<16xf32>
      %swap3A = arith.index_cast %scan3A_209 : i32 to index
      %swap3A_211 = arith.constant 0 : index
      %swap3A_212 = tpu.vector_load %arg11[%swap3A, %swap3A_211] {strides = array<i32>} : memref<40x128xf32, #tpu.memory_space<vmem>>, vector<1x16xf32>,
      %swap3A_213 = vector.shape_cast %swap3A_212 : vector<1x16xf32> to vector<16xf32>
      %swap3A_214 = vector.shape_cast %broadcast_in_dim3A_210 : vector<16xf32> to vector<1x16xf32>
      tpu.vector_store %arg11[%swap3A, %swap3A_211], %swap3A_214 {strides = array<i32>} : memref<40x128xf32, #tpu.memory_space<vmem>>, vector<1x16xf32>,
      %broadcast_in_dim3A_215 = arith.constant 0.000000e+00 : f32
      %broadcast_in_dim3A_216 = vector.broadcast %broadcast_in_dim3A_215 : f32 to vector<16xf32>
      %swap3A_217 = arith.index_cast %scan3A_209 : i32 to index
      %swap3A_218 = arith.constant 16 : index
      %swap3A_219 = tpu.vector_load %arg11[%swap3A_217, %swap3A_218] {strides = array<i32>} : memref<40x128xf32, #tpu.memory_space<vmem>>, vector<1x16xf32>,
      %swap3A_220 = vector.shape_cast %swap3A_219 : vector<1x16xf32> to vector<16xf32>
      %swap3A_221 = vector.shape_cast %broadcast_in_dim3A_216 : vector<16xf32> to vector<1x16xf32>
      tpu.vector_store %arg11[%swap3A_217, %swap3A_218], %swap3A_221 {strides = array<i32>} : memref<40x128xf32, #tpu.memory_space<vmem>>, vector<1x16xf32>,
      %broadcast_in_dim3A_222 = arith.constant 0.000000e+00 : f32
      %broadcast_in_dim3A_223 = vector.broadcast %broadcast_in_dim3A_222 : f32 to vector<16xf32>
      %swap3A_224 = arith.index_cast %scan3A_209 : i32 to index
      %swap3A_225 = arith.constant 32 : index
      %swap3A_226 = tpu.vector_load %arg11[%swap3A_224, %swap3A_225] {strides = array<i32>} : memref<40x128xf32, #tpu.memory_space<vmem>>, vector<1x16xf32>,
      %swap3A_227 = vector.shape_cast %swap3A_226 : vector<1x16xf32> to vector<16xf32>
      %swap3A_228 = vector.shape_cast %broadcast_in_dim3A_223 : vector<16xf32> to vector<1x16xf32>
      tpu.vector_store %arg11[%swap3A_224, %swap3A_225], %swap3A_228 {strides = array<i32>} : memref<40x128xf32, #tpu.memory_space<vmem>>, vector<1x16xf32>,
      %broadcast_in_dim3A_229 = arith.constant 0.000000e+00 : f32
      %broadcast_in_dim3A_230 = vector.broadcast %broadcast_in_dim3A_229 : f32 to vector<16xf32>
      %swap3A_231 = arith.index_cast %scan3A_209 : i32 to index
      %swap3A_232 = arith.constant 48 : index
      %swap3A_233 = tpu.vector_load %arg11[%swap3A_231, %swap3A_232] {strides = array<i32>} : memref<40x128xf32, #tpu.memory_space<vmem>>, vector<1x16xf32>,
      %swap3A_234 = vector.shape_cast %swap3A_233 : vector<1x16xf32> to vector<16xf32>
      %swap3A_235 = vector.shape_cast %broadcast_in_dim3A_230 : vector<16xf32> to vector<1x16xf32>
      tpu.vector_store %arg11[%swap3A_231, %swap3A_232], %swap3A_235 {strides = array<i32>} : memref<40x128xf32, #tpu.memory_space<vmem>>, vector<1x16xf32>,
      %broadcast_in_dim3A_236 = arith.constant 0.000000e+00 : f32
      %broadcast_in_dim3A_237 = vector.broadcast %broadcast_in_dim3A_236 : f32 to vector<16xf32>
      %swap3A_238 = arith.index_cast %scan3A_209 : i32 to index
      %swap3A_239 = arith.constant 64 : index
      %swap3A_240 = tpu.vector_load %arg11[%swap3A_238, %swap3A_239] {strides = array<i32>} : memref<40x128xf32, #tpu.memory_space<vmem>>, vector<1x16xf32>,
      %swap3A_241 = vector.shape_cast %swap3A_240 : vector<1x16xf32> to vector<16xf32>
      %swap3A_242 = vector.shape_cast %broadcast_in_dim3A_237 : vector<16xf32> to vector<1x16xf32>
      tpu.vector_store %arg11[%swap3A_238, %swap3A_239], %swap3A_242 {strides = array<i32>} : memref<40x128xf32, #tpu.memory_space<vmem>>, vector<1x16xf32>,
      %broadcast_in_dim3A_243 = arith.constant 0.000000e+00 : f32
      %broadcast_in_dim3A_244 = vector.broadcast %broadcast_in_dim3A_243 : f32 to vector<16xf32>
      %swap3A_245 = arith.index_cast %scan3A_209 : i32 to index
      %swap3A_246 = arith.constant 80 : index
      %swap3A_247 = tpu.vector_load %arg11[%swap3A_245, %swap3A_246] {strides = array<i32>} : memref<40x128xf32, #tpu.memory_space<vmem>>, vector<1x16xf32>,
      %swap3A_248 = vector.shape_cast %swap3A_247 : vector<1x16xf32> to vector<16xf32>
      %swap3A_249 = vector.shape_cast %broadcast_in_dim3A_244 : vector<16xf32> to vector<1x16xf32>
      tpu.vector_store %arg11[%swap3A_245, %swap3A_246], %swap3A_249 {strides = array<i32>} : memref<40x128xf32, #tpu.memory_space<vmem>>, vector<1x16xf32>,
      %broadcast_in_dim3A_250 = arith.constant 0.000000e+00 : f32
      %broadcast_in_dim3A_251 = vector.broadcast %broadcast_in_dim3A_250 : f32 to vector<16xf32>
      %swap3A_252 = arith.index_cast %scan3A_209 : i32 to index
      %swap3A_253 = arith.constant 96 : index
      %swap3A_254 = tpu.vector_load %arg11[%swap3A_252, %swap3A_253] {strides = array<i32>} : memref<40x128xf32, #tpu.memory_space<vmem>>, vector<1x16xf32>,
      %swap3A_255 = vector.shape_cast %swap3A_254 : vector<1x16xf32> to vector<16xf32>
      %swap3A_256 = vector.shape_cast %broadcast_in_dim3A_251 : vector<16xf32> to vector<1x16xf32>
      tpu.vector_store %arg11[%swap3A_252, %swap3A_253], %swap3A_256 {strides = array<i32>} : memref<40x128xf32, #tpu.memory_space<vmem>>, vector<1x16xf32>,
      %broadcast_in_dim3A_257 = arith.constant 0.000000e+00 : f32
      %broadcast_in_dim3A_258 = vector.broadcast %broadcast_in_dim3A_257 : f32 to vector<16xf32>
      %swap3A_259 = arith.index_cast %scan3A_209 : i32 to index
      %swap3A_260 = arith.constant 112 : index
      %swap3A_261 = tpu.vector_load %arg11[%swap3A_259, %swap3A_260] {strides = array<i32>} : memref<40x128xf32, #tpu.memory_space<vmem>>, vector<1x16xf32>,
      %swap3A_262 = vector.shape_cast %swap3A_261 : vector<1x16xf32> to vector<16xf32>
      %swap3A_263 = vector.shape_cast %broadcast_in_dim3A_258 : vector<16xf32> to vector<1x16xf32>
      tpu.vector_store %arg11[%swap3A_259, %swap3A_260], %swap3A_263 {strides = array<i32>} : memref<40x128xf32, #tpu.memory_space<vmem>>, vector<1x16xf32>,
    }
    %scan3A_5 = arith.constant 40 : i32
    %mul3A_6 = arith.constant 640 : i32
    %mul3A_7 = arith.muli %arg1, %mul3A_6 : i32
    %add3A_8 = arith.constant 0 : i32
    %add3A_9 = arith.addi %mul3A_7, %add3A_8 : i32
    "tpu.region"() ({
      %run_scoped3A = tpu.sem_alloc : memref<!tpu.dma_semaphore, #tpu.memory_space<semaphore_mem>>
      %dma_start3A_209 = arith.constant 0 : i32
      %dma_start3A_210 = tpu.memref_slice %arg23[%add3A_9, %dma_start3A_209] : memref<10240x128xf32, #tpu.memory_space<vmem_shared>> -> memref<40x128xf32, #tpu.memory_space<vmem_shared>>
      %dma_start3A_211 = arith.constant 0 : i32
      %dma_start3A_212 = tpu.memref_slice %arg23[%add3A_9, %dma_start3A_211] : memref<10240x128xf32, #tpu.memory_space<vmem_shared>> -> memref<40x128xf32, #tpu.memory_space<vmem_shared>>
      tpu.enqueue_dma source(%arg11 : memref<40x128xf32, #tpu.memory_space<vmem>>) target(%dma_start3A_212 : memref<40x128xf32, #tpu.memory_space<vmem_shared>>) target_semaphore(%run_scoped3A : memref<!tpu.dma_semaphore, #tpu.memory_space<semaphore_mem>>)
      %dma_wait3A_213 = arith.constant 0 : i32
      %dma_wait3A_214 = tpu.memref_slice %arg23[%add3A_9, %dma_wait3A_213] : memref<10240x128xf32, #tpu.memory_space<vmem_shared>> -> memref<40x128xf32, #tpu.memory_space<vmem_shared>>
      %dma_wait3A_215 = arith.constant 0 : i32
      %dma_wait3A_216 = tpu.memref_slice %arg23[%add3A_9, %dma_wait3A_215] : memref<10240x128xf32, #tpu.memory_space<vmem_shared>> -> memref<40x128xf32, #tpu.memory_space<vmem_shared>>
      tpu.wait_dma2 semaphore(%run_scoped3A : memref<!tpu.dma_semaphore, #tpu.memory_space<semaphore_mem>>) src(%arg11 : memref<40x128xf32, #tpu.memory_space<vmem>>) dst(%dma_wait3A_216 : memref<40x128xf32, #tpu.memory_space<vmem_shared>>)
      tpu.yield
    }) : () -> ()
    %add3A_10 = arith.constant 40 : i32
    %add3A_11 = arith.addi %mul3A_7, %add3A_10 : i32
    "tpu.region"() ({
      %run_scoped3A = tpu.sem_alloc : memref<!tpu.dma_semaphore, #tpu.memory_space<semaphore_mem>>
      %dma_start3A_209 = arith.constant 0 : i32
      %dma_start3A_210 = tpu.memref_slice %arg23[%add3A_11, %dma_start3A_209] : memref<10240x128xf32, #tpu.memory_space<vmem_shared>> -> memref<40x128xf32, #tpu.memory_space<vmem_shared>>
      %dma_start3A_211 = arith.constant 0 : i32
      %dma_start3A_212 = tpu.memref_slice %arg23[%add3A_11, %dma_start3A_211] : memref<10240x128xf32, #tpu.memory_space<vmem_shared>> -> memref<40x128xf32, #tpu.memory_space<vmem_shared>>
      tpu.enqueue_dma source(%arg11 : memref<40x128xf32, #tpu.memory_space<vmem>>) target(%dma_start3A_212 : memref<40x128xf32, #tpu.memory_space<vmem_shared>>) target_semaphore(%run_scoped3A : memref<!tpu.dma_semaphore, #tpu.memory_space<semaphore_mem>>)
      %dma_wait3A_213 = arith.constant 0 : i32
      %dma_wait3A_214 = tpu.memref_slice %arg23[%add3A_11, %dma_wait3A_213] : memref<10240x128xf32, #tpu.memory_space<vmem_shared>> -> memref<40x128xf32, #tpu.memory_space<vmem_shared>>
      %dma_wait3A_215 = arith.constant 0 : i32
      %dma_wait3A_216 = tpu.memref_slice %arg23[%add3A_11, %dma_wait3A_215] : memref<10240x128xf32, #tpu.memory_space<vmem_shared>> -> memref<40x128xf32, #tpu.memory_space<vmem_shared>>
      tpu.wait_dma2 semaphore(%run_scoped3A : memref<!tpu.dma_semaphore, #tpu.memory_space<semaphore_mem>>) src(%arg11 : memref<40x128xf32, #tpu.memory_space<vmem>>) dst(%dma_wait3A_216 : memref<40x128xf32, #tpu.memory_space<vmem_shared>>)
      tpu.yield
    }) : () -> ()
    %add3A_12 = arith.constant 80 : i32
    %add3A_13 = arith.addi %mul3A_7, %add3A_12 : i32
    "tpu.region"() ({
      %run_scoped3A = tpu.sem_alloc : memref<!tpu.dma_semaphore, #tpu.memory_space<semaphore_mem>>
      %dma_start3A_209 = arith.constant 0 : i32
      %dma_start3A_210 = tpu.memref_slice %arg23[%add3A_13, %dma_start3A_209] : memref<10240x128xf32, #tpu.memory_space<vmem_shared>> -> memref<40x128xf32, #tpu.memory_space<vmem_shared>>
      %dma_start3A_211 = arith.constant 0 : i32
      %dma_start3A_212 = tpu.memref_slice %arg23[%add3A_13, %dma_start3A_211] : memref<10240x128xf32, #tpu.memory_space<vmem_shared>> -> memref<40x128xf32, #tpu.memory_space<vmem_shared>>
      tpu.enqueue_dma source(%arg11 : memref<40x128xf32, #tpu.memory_space<vmem>>) target(%dma_start3A_212 : memref<40x128xf32, #tpu.memory_space<vmem_shared>>) target_semaphore(%run_scoped3A : memref<!tpu.dma_semaphore, #tpu.memory_space<semaphore_mem>>)
      %dma_wait3A_213 = arith.constant 0 : i32
      %dma_wait3A_214 = tpu.memref_slice %arg23[%add3A_13, %dma_wait3A_213] : memref<10240x128xf32, #tpu.memory_space<vmem_shared>> -> memref<40x128xf32, #tpu.memory_space<vmem_shared>>
      %dma_wait3A_215 = arith.constant 0 : i32
      %dma_wait3A_216 = tpu.memref_slice %arg23[%add3A_13, %dma_wait3A_215] : memref<10240x128xf32, #tpu.memory_space<vmem_shared>> -> memref<40x128xf32, #tpu.memory_space<vmem_shared>>
      tpu.wait_dma2 semaphore(%run_scoped3A : memref<!tpu.dma_semaphore, #tpu.memory_space<semaphore_mem>>) src(%arg11 : memref<40x128xf32, #tpu.memory_space<vmem>>) dst(%dma_wait3A_216 : memref<40x128xf32, #tpu.memory_space<vmem_shared>>)
      tpu.yield
    }) : () -> ()
    %add3A_14 = arith.constant 120 : i32
    %add3A_15 = arith.addi %mul3A_7, %add3A_14 : i32
    "tpu.region"() ({
      %run_scoped3A = tpu.sem_alloc : memref<!tpu.dma_semaphore, #tpu.memory_space<semaphore_mem>>
      %dma_start3A_209 = arith.constant 0 : i32
      %dma_start3A_210 = tpu.memref_slice %arg23[%add3A_15, %dma_start3A_209] : memref<10240x128xf32, #tpu.memory_space<vmem_shared>> -> memref<40x128xf32, #tpu.memory_space<vmem_shared>>
      %dma_start3A_211 = arith.constant 0 : i32
      %dma_start3A_212 = tpu.memref_slice %arg23[%add3A_15, %dma_start3A_211] : memref<10240x128xf32, #tpu.memory_space<vmem_shared>> -> memref<40x128xf32, #tpu.memory_space<vmem_shared>>
      tpu.enqueue_dma source(%arg11 : memref<40x128xf32, #tpu.memory_space<vmem>>) target(%dma_start3A_212 : memref<40x128xf32, #tpu.memory_space<vmem_shared>>) target_semaphore(%run_scoped3A : memref<!tpu.dma_semaphore, #tpu.memory_space<semaphore_mem>>)
      %dma_wait3A_213 = arith.constant 0 : i32
      %dma_wait3A_214 = tpu.memref_slice %arg23[%add3A_15, %dma_wait3A_213] : memref<10240x128xf32, #tpu.memory_space<vmem_shared>> -> memref<40x128xf32, #tpu.memory_space<vmem_shared>>
      %dma_wait3A_215 = arith.constant 0 : i32
      %dma_wait3A_216 = tpu.memref_slice %arg23[%add3A_15, %dma_wait3A_215] : memref<10240x128xf32, #tpu.memory_space<vmem_shared>> -> memref<40x128xf32, #tpu.memory_space<vmem_shared>>
      tpu.wait_dma2 semaphore(%run_scoped3A : memref<!tpu.dma_semaphore, #tpu.memory_space<semaphore_mem>>) src(%arg11 : memref<40x128xf32, #tpu.memory_space<vmem>>) dst(%dma_wait3A_216 : memref<40x128xf32, #tpu.memory_space<vmem_shared>>)
      tpu.yield
    }) : () -> ()
    %add3A_16 = arith.constant 160 : i32
    %add3A_17 = arith.addi %mul3A_7, %add3A_16 : i32
    "tpu.region"() ({
      %run_scoped3A = tpu.sem_alloc : memref<!tpu.dma_semaphore, #tpu.memory_space<semaphore_mem>>
      %dma_start3A_209 = arith.constant 0 : i32
      %dma_start3A_210 = tpu.memref_slice %arg23[%add3A_17, %dma_start3A_209] : memref<10240x128xf32, #tpu.memory_space<vmem_shared>> -> memref<40x128xf32, #tpu.memory_space<vmem_shared>>
      %dma_start3A_211 = arith.constant 0 : i32
      %dma_start3A_212 = tpu.memref_slice %arg23[%add3A_17, %dma_start3A_211] : memref<10240x128xf32, #tpu.memory_space<vmem_shared>> -> memref<40x128xf32, #tpu.memory_space<vmem_shared>>
      tpu.enqueue_dma source(%arg11 : memref<40x128xf32, #tpu.memory_space<vmem>>) target(%dma_start3A_212 : memref<40x128xf32, #tpu.memory_space<vmem_shared>>) target_semaphore(%run_scoped3A : memref<!tpu.dma_semaphore, #tpu.memory_space<semaphore_mem>>)
      %dma_wait3A_213 = arith.constant 0 : i32
      %dma_wait3A_214 = tpu.memref_slice %arg23[%add3A_17, %dma_wait3A_213] : memref<10240x128xf32, #tpu.memory_space<vmem_shared>> -> memref<40x128xf32, #tpu.memory_space<vmem_shared>>
      %dma_wait3A_215 = arith.constant 0 : i32
      %dma_wait3A_216 = tpu.memref_slice %arg23[%add3A_17, %dma_wait3A_215] : memref<10240x128xf32, #tpu.memory_space<vmem_shared>> -> memref<40x128xf32, #tpu.memory_space<vmem_shared>>
      tpu.wait_dma2 semaphore(%run_scoped3A : memref<!tpu.dma_semaphore, #tpu.memory_space<semaphore_mem>>) src(%arg11 : memref<40x128xf32, #tpu.memory_space<vmem>>) dst(%dma_wait3A_216 : memref<40x128xf32, #tpu.memory_space<vmem_shared>>)
      tpu.yield
    }) : () -> ()
    %add3A_18 = arith.constant 200 : i32
    %add3A_19 = arith.addi %mul3A_7, %add3A_18 : i32
    "tpu.region"() ({
      %run_scoped3A = tpu.sem_alloc : memref<!tpu.dma_semaphore, #tpu.memory_space<semaphore_mem>>
      %dma_start3A_209 = arith.constant 0 : i32
      %dma_start3A_210 = tpu.memref_slice %arg23[%add3A_19, %dma_start3A_209] : memref<10240x128xf32, #tpu.memory_space<vmem_shared>> -> memref<40x128xf32, #tpu.memory_space<vmem_shared>>
      %dma_start3A_211 = arith.constant 0 : i32
      %dma_start3A_212 = tpu.memref_slice %arg23[%add3A_19, %dma_start3A_211] : memref<10240x128xf32, #tpu.memory_space<vmem_shared>> -> memref<40x128xf32, #tpu.memory_space<vmem_shared>>
      tpu.enqueue_dma source(%arg11 : memref<40x128xf32, #tpu.memory_space<vmem>>) target(%dma_start3A_212 : memref<40x128xf32, #tpu.memory_space<vmem_shared>>) target_semaphore(%run_scoped3A : memref<!tpu.dma_semaphore, #tpu.memory_space<semaphore_mem>>)
      %dma_wait3A_213 = arith.constant 0 : i32
      %dma_wait3A_214 = tpu.memref_slice %arg23[%add3A_19, %dma_wait3A_213] : memref<10240x128xf32, #tpu.memory_space<vmem_shared>> -> memref<40x128xf32, #tpu.memory_space<vmem_shared>>
      %dma_wait3A_215 = arith.constant 0 : i32
      %dma_wait3A_216 = tpu.memref_slice %arg23[%add3A_19, %dma_wait3A_215] : memref<10240x128xf32, #tpu.memory_space<vmem_shared>> -> memref<40x128xf32, #tpu.memory_space<vmem_shared>>
      tpu.wait_dma2 semaphore(%run_scoped3A : memref<!tpu.dma_semaphore, #tpu.memory_space<semaphore_mem>>) src(%arg11 : memref<40x128xf32, #tpu.memory_space<vmem>>) dst(%dma_wait3A_216 : memref<40x128xf32, #tpu.memory_space<vmem_shared>>)
      tpu.yield
    }) : () -> ()
    %add3A_20 = arith.constant 240 : i32
    %add3A_21 = arith.addi %mul3A_7, %add3A_20 : i32
    "tpu.region"() ({
      %run_scoped3A = tpu.sem_alloc : memref<!tpu.dma_semaphore, #tpu.memory_space<semaphore_mem>>
      %dma_start3A_209 = arith.constant 0 : i32
      %dma_start3A_210 = tpu.memref_slice %arg23[%add3A_21, %dma_start3A_209] : memref<10240x128xf32, #tpu.memory_space<vmem_shared>> -> memref<40x128xf32, #tpu.memory_space<vmem_shared>>
      %dma_start3A_211 = arith.constant 0 : i32
      %dma_start3A_212 = tpu.memref_slice %arg23[%add3A_21, %dma_start3A_211] : memref<10240x128xf32, #tpu.memory_space<vmem_shared>> -> memref<40x128xf32, #tpu.memory_space<vmem_shared>>
      tpu.enqueue_dma source(%arg11 : memref<40x128xf32, #tpu.memory_space<vmem>>) target(%dma_start3A_212 : memref<40x128xf32, #tpu.memory_space<vmem_shared>>) target_semaphore(%run_scoped3A : memref<!tpu.dma_semaphore, #tpu.memory_space<semaphore_mem>>)
      %dma_wait3A_213 = arith.constant 0 : i32
      %dma_wait3A_214 = tpu.memref_slice %arg23[%add3A_21, %dma_wait3A_213] : memref<10240x128xf32, #tpu.memory_space<vmem_shared>> -> memref<40x128xf32, #tpu.memory_space<vmem_shared>>
      %dma_wait3A_215 = arith.constant 0 : i32
      %dma_wait3A_216 = tpu.memref_slice %arg23[%add3A_21, %dma_wait3A_215] : memref<10240x128xf32, #tpu.memory_space<vmem_shared>> -> memref<40x128xf32, #tpu.memory_space<vmem_shared>>
      tpu.wait_dma2 semaphore(%run_scoped3A : memref<!tpu.dma_semaphore, #tpu.memory_space<semaphore_mem>>) src(%arg11 : memref<40x128xf32, #tpu.memory_space<vmem>>) dst(%dma_wait3A_216 : memref<40x128xf32, #tpu.memory_space<vmem_shared>>)
      tpu.yield
    }) : () -> ()
    %add3A_22 = arith.constant 280 : i32
    %add3A_23 = arith.addi %mul3A_7, %add3A_22 : i32
    "tpu.region"() ({
      %run_scoped3A = tpu.sem_alloc : memref<!tpu.dma_semaphore, #tpu.memory_space<semaphore_mem>>
      %dma_start3A_209 = arith.constant 0 : i32
      %dma_start3A_210 = tpu.memref_slice %arg23[%add3A_23, %dma_start3A_209] : memref<10240x128xf32, #tpu.memory_space<vmem_shared>> -> memref<40x128xf32, #tpu.memory_space<vmem_shared>>
      %dma_start3A_211 = arith.constant 0 : i32
      %dma_start3A_212 = tpu.memref_slice %arg23[%add3A_23, %dma_start3A_211] : memref<10240x128xf32, #tpu.memory_space<vmem_shared>> -> memref<40x128xf32, #tpu.memory_space<vmem_shared>>
      tpu.enqueue_dma source(%arg11 : memref<40x128xf32, #tpu.memory_space<vmem>>) target(%dma_start3A_212 : memref<40x128xf32, #tpu.memory_space<vmem_shared>>) target_semaphore(%run_scoped3A : memref<!tpu.dma_semaphore, #tpu.memory_space<semaphore_mem>>)
      %dma_wait3A_213 = arith.constant 0 : i32
      %dma_wait3A_214 = tpu.memref_slice %arg23[%add3A_23, %dma_wait3A_213] : memref<10240x128xf32, #tpu.memory_space<vmem_shared>> -> memref<40x128xf32, #tpu.memory_space<vmem_shared>>
      %dma_wait3A_215 = arith.constant 0 : i32
      %dma_wait3A_216 = tpu.memref_slice %arg23[%add3A_23, %dma_wait3A_215] : memref<10240x128xf32, #tpu.memory_space<vmem_shared>> -> memref<40x128xf32, #tpu.memory_space<vmem_shared>>
      tpu.wait_dma2 semaphore(%run_scoped3A : memref<!tpu.dma_semaphore, #tpu.memory_space<semaphore_mem>>) src(%arg11 : memref<40x128xf32, #tpu.memory_space<vmem>>) dst(%dma_wait3A_216 : memref<40x128xf32, #tpu.memory_space<vmem_shared>>)
      tpu.yield
    }) : () -> ()
    %add3A_24 = arith.constant 320 : i32
    %add3A_25 = arith.addi %mul3A_7, %add3A_24 : i32
    "tpu.region"() ({
      %run_scoped3A = tpu.sem_alloc : memref<!tpu.dma_semaphore, #tpu.memory_space<semaphore_mem>>
      %dma_start3A_209 = arith.constant 0 : i32
      %dma_start3A_210 = tpu.memref_slice %arg23[%add3A_25, %dma_start3A_209] : memref<10240x128xf32, #tpu.memory_space<vmem_shared>> -> memref<40x128xf32, #tpu.memory_space<vmem_shared>>
      %dma_start3A_211 = arith.constant 0 : i32
      %dma_start3A_212 = tpu.memref_slice %arg23[%add3A_25, %dma_start3A_211] : memref<10240x128xf32, #tpu.memory_space<vmem_shared>> -> memref<40x128xf32, #tpu.memory_space<vmem_shared>>
      tpu.enqueue_dma source(%arg11 : memref<40x128xf32, #tpu.memory_space<vmem>>) target(%dma_start3A_212 : memref<40x128xf32, #tpu.memory_space<vmem_shared>>) target_semaphore(%run_scoped3A : memref<!tpu.dma_semaphore, #tpu.memory_space<semaphore_mem>>)
      %dma_wait3A_213 = arith.constant 0 : i32
      %dma_wait3A_214 = tpu.memref_slice %arg23[%add3A_25, %dma_wait3A_213] : memref<10240x128xf32, #tpu.memory_space<vmem_shared>> -> memref<40x128xf32, #tpu.memory_space<vmem_shared>>
      %dma_wait3A_215 = arith.constant 0 : i32
      %dma_wait3A_216 = tpu.memref_slice %arg23[%add3A_25, %dma_wait3A_215] : memref<10240x128xf32, #tpu.memory_space<vmem_shared>> -> memref<40x128xf32, #tpu.memory_space<vmem_shared>>
      tpu.wait_dma2 semaphore(%run_scoped3A : memref<!tpu.dma_semaphore, #tpu.memory_space<semaphore_mem>>) src(%arg11 : memref<40x128xf32, #tpu.memory_space<vmem>>) dst(%dma_wait3A_216 : memref<40x128xf32, #tpu.memory_space<vmem_shared>>)
      tpu.yield
    }) : () -> ()
    %add3A_26 = arith.constant 360 : i32
    %add3A_27 = arith.addi %mul3A_7, %add3A_26 : i32
    "tpu.region"() ({
      %run_scoped3A = tpu.sem_alloc : memref<!tpu.dma_semaphore, #tpu.memory_space<semaphore_mem>>
      %dma_start3A_209 = arith.constant 0 : i32
      %dma_start3A_210 = tpu.memref_slice %arg23[%add3A_27, %dma_start3A_209] : memref<10240x128xf32, #tpu.memory_space<vmem_shared>> -> memref<40x128xf32, #tpu.memory_space<vmem_shared>>
      %dma_start3A_211 = arith.constant 0 : i32
      %dma_start3A_212 = tpu.memref_slice %arg23[%add3A_27, %dma_start3A_211] : memref<10240x128xf32, #tpu.memory_space<vmem_shared>> -> memref<40x128xf32, #tpu.memory_space<vmem_shared>>
      tpu.enqueue_dma source(%arg11 : memref<40x128xf32, #tpu.memory_space<vmem>>) target(%dma_start3A_212 : memref<40x128xf32, #tpu.memory_space<vmem_shared>>) target_semaphore(%run_scoped3A : memref<!tpu.dma_semaphore, #tpu.memory_space<semaphore_mem>>)
      %dma_wait3A_213 = arith.constant 0 : i32
      %dma_wait3A_214 = tpu.memref_slice %arg23[%add3A_27, %dma_wait3A_213] : memref<10240x128xf32, #tpu.memory_space<vmem_shared>> -> memref<40x128xf32, #tpu.memory_space<vmem_shared>>
      %dma_wait3A_215 = arith.constant 0 : i32
      %dma_wait3A_216 = tpu.memref_slice %arg23[%add3A_27, %dma_wait3A_215] : memref<10240x128xf32, #tpu.memory_space<vmem_shared>> -> memref<40x128xf32, #tpu.memory_space<vmem_shared>>
      tpu.wait_dma2 semaphore(%run_scoped3A : memref<!tpu.dma_semaphore, #tpu.memory_space<semaphore_mem>>) src(%arg11 : memref<40x128xf32, #tpu.memory_space<vmem>>) dst(%dma_wait3A_216 : memref<40x128xf32, #tpu.memory_space<vmem_shared>>)
      tpu.yield
    }) : () -> ()
    %add3A_28 = arith.constant 400 : i32
    %add3A_29 = arith.addi %mul3A_7, %add3A_28 : i32
    "tpu.region"() ({
      %run_scoped3A = tpu.sem_alloc : memref<!tpu.dma_semaphore, #tpu.memory_space<semaphore_mem>>
      %dma_start3A_209 = arith.constant 0 : i32
      %dma_start3A_210 = tpu.memref_slice %arg23[%add3A_29, %dma_start3A_209] : memref<10240x128xf32, #tpu.memory_space<vmem_shared>> -> memref<40x128xf32, #tpu.memory_space<vmem_shared>>
      %dma_start3A_211 = arith.constant 0 : i32
      %dma_start3A_212 = tpu.memref_slice %arg23[%add3A_29, %dma_start3A_211] : memref<10240x128xf32, #tpu.memory_space<vmem_shared>> -> memref<40x128xf32, #tpu.memory_space<vmem_shared>>
      tpu.enqueue_dma source(%arg11 : memref<40x128xf32, #tpu.memory_space<vmem>>) target(%dma_start3A_212 : memref<40x128xf32, #tpu.memory_space<vmem_shared>>) target_semaphore(%run_scoped3A : memref<!tpu.dma_semaphore, #tpu.memory_space<semaphore_mem>>)
      %dma_wait3A_213 = arith.constant 0 : i32
      %dma_wait3A_214 = tpu.memref_slice %arg23[%add3A_29, %dma_wait3A_213] : memref<10240x128xf32, #tpu.memory_space<vmem_shared>> -> memref<40x128xf32, #tpu.memory_space<vmem_shared>>
      %dma_wait3A_215 = arith.constant 0 : i32
      %dma_wait3A_216 = tpu.memref_slice %arg23[%add3A_29, %dma_wait3A_215] : memref<10240x128xf32, #tpu.memory_space<vmem_shared>> -> memref<40x128xf32, #tpu.memory_space<vmem_shared>>
      tpu.wait_dma2 semaphore(%run_scoped3A : memref<!tpu.dma_semaphore, #tpu.memory_space<semaphore_mem>>) src(%arg11 : memref<40x128xf32, #tpu.memory_space<vmem>>) dst(%dma_wait3A_216 : memref<40x128xf32, #tpu.memory_space<vmem_shared>>)
      tpu.yield
    }) : () -> ()
    %add3A_30 = arith.constant 440 : i32
    %add3A_31 = arith.addi %mul3A_7, %add3A_30 : i32
    "tpu.region"() ({
      %run_scoped3A = tpu.sem_alloc : memref<!tpu.dma_semaphore, #tpu.memory_space<semaphore_mem>>
      %dma_start3A_209 = arith.constant 0 : i32
      %dma_start3A_210 = tpu.memref_slice %arg23[%add3A_31, %dma_start3A_209] : memref<10240x128xf32, #tpu.memory_space<vmem_shared>> -> memref<40x128xf32, #tpu.memory_space<vmem_shared>>
      %dma_start3A_211 = arith.constant 0 : i32
      %dma_start3A_212 = tpu.memref_slice %arg23[%add3A_31, %dma_start3A_211] : memref<10240x128xf32, #tpu.memory_space<vmem_shared>> -> memref<40x128xf32, #tpu.memory_space<vmem_shared>>
      tpu.enqueue_dma source(%arg11 : memref<40x128xf32, #tpu.memory_space<vmem>>) target(%dma_start3A_212 : memref<40x128xf32, #tpu.memory_space<vmem_shared>>) target_semaphore(%run_scoped3A : memref<!tpu.dma_semaphore, #tpu.memory_space<semaphore_mem>>)
      %dma_wait3A_213 = arith.constant 0 : i32
      %dma_wait3A_214 = tpu.memref_slice %arg23[%add3A_31, %dma_wait3A_213] : memref<10240x128xf32, #tpu.memory_space<vmem_shared>> -> memref<40x128xf32, #tpu.memory_space<vmem_shared>>
      %dma_wait3A_215 = arith.constant 0 : i32
      %dma_wait3A_216 = tpu.memref_slice %arg23[%add3A_31, %dma_wait3A_215] : memref<10240x128xf32, #tpu.memory_space<vmem_shared>> -> memref<40x128xf32, #tpu.memory_space<vmem_shared>>
      tpu.wait_dma2 semaphore(%run_scoped3A : memref<!tpu.dma_semaphore, #tpu.memory_space<semaphore_mem>>) src(%arg11 : memref<40x128xf32, #tpu.memory_space<vmem>>) dst(%dma_wait3A_216 : memref<40x128xf32, #tpu.memory_space<vmem_shared>>)
      tpu.yield
    }) : () -> ()
    %add3A_32 = arith.constant 480 : i32
    %add3A_33 = arith.addi %mul3A_7, %add3A_32 : i32
    "tpu.region"() ({
      %run_scoped3A = tpu.sem_alloc : memref<!tpu.dma_semaphore, #tpu.memory_space<semaphore_mem>>
      %dma_start3A_209 = arith.constant 0 : i32
      %dma_start3A_210 = tpu.memref_slice %arg23[%add3A_33, %dma_start3A_209] : memref<10240x128xf32, #tpu.memory_space<vmem_shared>> -> memref<40x128xf32, #tpu.memory_space<vmem_shared>>
      %dma_start3A_211 = arith.constant 0 : i32
      %dma_start3A_212 = tpu.memref_slice %arg23[%add3A_33, %dma_start3A_211] : memref<10240x128xf32, #tpu.memory_space<vmem_shared>> -> memref<40x128xf32, #tpu.memory_space<vmem_shared>>
      tpu.enqueue_dma source(%arg11 : memref<40x128xf32, #tpu.memory_space<vmem>>) target(%dma_start3A_212 : memref<40x128xf32, #tpu.memory_space<vmem_shared>>) target_semaphore(%run_scoped3A : memref<!tpu.dma_semaphore, #tpu.memory_space<semaphore_mem>>)
      %dma_wait3A_213 = arith.constant 0 : i32
      %dma_wait3A_214 = tpu.memref_slice %arg23[%add3A_33, %dma_wait3A_213] : memref<10240x128xf32, #tpu.memory_space<vmem_shared>> -> memref<40x128xf32, #tpu.memory_space<vmem_shared>>
      %dma_wait3A_215 = arith.constant 0 : i32
      %dma_wait3A_216 = tpu.memref_slice %arg23[%add3A_33, %dma_wait3A_215] : memref<10240x128xf32, #tpu.memory_space<vmem_shared>> -> memref<40x128xf32, #tpu.memory_space<vmem_shared>>
      tpu.wait_dma2 semaphore(%run_scoped3A : memref<!tpu.dma_semaphore, #tpu.memory_space<semaphore_mem>>) src(%arg11 : memref<40x128xf32, #tpu.memory_space<vmem>>) dst(%dma_wait3A_216 : memref<40x128xf32, #tpu.memory_space<vmem_shared>>)
      tpu.yield
    }) : () -> ()
    %add3A_34 = arith.constant 520 : i32
    %add3A_35 = arith.addi %mul3A_7, %add3A_34 : i32
    "tpu.region"() ({
      %run_scoped3A = tpu.sem_alloc : memref<!tpu.dma_semaphore, #tpu.memory_space<semaphore_mem>>
      %dma_start3A_209 = arith.constant 0 : i32
      %dma_start3A_210 = tpu.memref_slice %arg23[%add3A_35, %dma_start3A_209] : memref<10240x128xf32, #tpu.memory_space<vmem_shared>> -> memref<40x128xf32, #tpu.memory_space<vmem_shared>>
      %dma_start3A_211 = arith.constant 0 : i32
      %dma_start3A_212 = tpu.memref_slice %arg23[%add3A_35, %dma_start3A_211] : memref<10240x128xf32, #tpu.memory_space<vmem_shared>> -> memref<40x128xf32, #tpu.memory_space<vmem_shared>>
      tpu.enqueue_dma source(%arg11 : memref<40x128xf32, #tpu.memory_space<vmem>>) target(%dma_start3A_212 : memref<40x128xf32, #tpu.memory_space<vmem_shared>>) target_semaphore(%run_scoped3A : memref<!tpu.dma_semaphore, #tpu.memory_space<semaphore_mem>>)
      %dma_wait3A_213 = arith.constant 0 : i32
      %dma_wait3A_214 = tpu.memref_slice %arg23[%add3A_35, %dma_wait3A_213] : memref<10240x128xf32, #tpu.memory_space<vmem_shared>> -> memref<40x128xf32, #tpu.memory_space<vmem_shared>>
      %dma_wait3A_215 = arith.constant 0 : i32
      %dma_wait3A_216 = tpu.memref_slice %arg23[%add3A_35, %dma_wait3A_215] : memref<10240x128xf32, #tpu.memory_space<vmem_shared>> -> memref<40x128xf32, #tpu.memory_space<vmem_shared>>
      tpu.wait_dma2 semaphore(%run_scoped3A : memref<!tpu.dma_semaphore, #tpu.memory_space<semaphore_mem>>) src(%arg11 : memref<40x128xf32, #tpu.memory_space<vmem>>) dst(%dma_wait3A_216 : memref<40x128xf32, #tpu.memory_space<vmem_shared>>)
      tpu.yield
    }) : () -> ()
    %add3A_36 = arith.constant 560 : i32
    %add3A_37 = arith.addi %mul3A_7, %add3A_36 : i32
    "tpu.region"() ({
      %run_scoped3A = tpu.sem_alloc : memref<!tpu.dma_semaphore, #tpu.memory_space<semaphore_mem>>
      %dma_start3A_209 = arith.constant 0 : i32
      %dma_start3A_210 = tpu.memref_slice %arg23[%add3A_37, %dma_start3A_209] : memref<10240x128xf32, #tpu.memory_space<vmem_shared>> -> memref<40x128xf32, #tpu.memory_space<vmem_shared>>
      %dma_start3A_211 = arith.constant 0 : i32
      %dma_start3A_212 = tpu.memref_slice %arg23[%add3A_37, %dma_start3A_211] : memref<10240x128xf32, #tpu.memory_space<vmem_shared>> -> memref<40x128xf32, #tpu.memory_space<vmem_shared>>
      tpu.enqueue_dma source(%arg11 : memref<40x128xf32, #tpu.memory_space<vmem>>) target(%dma_start3A_212 : memref<40x128xf32, #tpu.memory_space<vmem_shared>>) target_semaphore(%run_scoped3A : memref<!tpu.dma_semaphore, #tpu.memory_space<semaphore_mem>>)
      %dma_wait3A_213 = arith.constant 0 : i32
      %dma_wait3A_214 = tpu.memref_slice %arg23[%add3A_37, %dma_wait3A_213] : memref<10240x128xf32, #tpu.memory_space<vmem_shared>> -> memref<40x128xf32, #tpu.memory_space<vmem_shared>>
      %dma_wait3A_215 = arith.constant 0 : i32
      %dma_wait3A_216 = tpu.memref_slice %arg23[%add3A_37, %dma_wait3A_215] : memref<10240x128xf32, #tpu.memory_space<vmem_shared>> -> memref<40x128xf32, #tpu.memory_space<vmem_shared>>
      tpu.wait_dma2 semaphore(%run_scoped3A : memref<!tpu.dma_semaphore, #tpu.memory_space<semaphore_mem>>) src(%arg11 : memref<40x128xf32, #tpu.memory_space<vmem>>) dst(%dma_wait3A_216 : memref<40x128xf32, #tpu.memory_space<vmem_shared>>)
      tpu.yield
    }) : () -> ()
    %add3A_38 = arith.constant 600 : i32
    %add3A_39 = arith.addi %mul3A_7, %add3A_38 : i32
    "tpu.region"() ({
      %run_scoped3A = tpu.sem_alloc : memref<!tpu.dma_semaphore, #tpu.memory_space<semaphore_mem>>
      %dma_start3A_209 = arith.constant 0 : i32
      %dma_start3A_210 = tpu.memref_slice %arg23[%add3A_39, %dma_start3A_209] : memref<10240x128xf32, #tpu.memory_space<vmem_shared>> -> memref<40x128xf32, #tpu.memory_space<vmem_shared>>
      %dma_start3A_211 = arith.constant 0 : i32
      %dma_start3A_212 = tpu.memref_slice %arg23[%add3A_39, %dma_start3A_211] : memref<10240x128xf32, #tpu.memory_space<vmem_shared>> -> memref<40x128xf32, #tpu.memory_space<vmem_shared>>
      tpu.enqueue_dma source(%arg11 : memref<40x128xf32, #tpu.memory_space<vmem>>) target(%dma_start3A_212 : memref<40x128xf32, #tpu.memory_space<vmem_shared>>) target_semaphore(%run_scoped3A : memref<!tpu.dma_semaphore, #tpu.memory_space<semaphore_mem>>)
      %dma_wait3A_213 = arith.constant 0 : i32
      %dma_wait3A_214 = tpu.memref_slice %arg23[%add3A_39, %dma_wait3A_213] : memref<10240x128xf32, #tpu.memory_space<vmem_shared>> -> memref<40x128xf32, #tpu.memory_space<vmem_shared>>
      %dma_wait3A_215 = arith.constant 0 : i32
      %dma_wait3A_216 = tpu.memref_slice %arg23[%add3A_39, %dma_wait3A_215] : memref<10240x128xf32, #tpu.memory_space<vmem_shared>> -> memref<40x128xf32, #tpu.memory_space<vmem_shared>>
      tpu.wait_dma2 semaphore(%run_scoped3A : memref<!tpu.dma_semaphore, #tpu.memory_space<semaphore_mem>>) src(%arg11 : memref<40x128xf32, #tpu.memory_space<vmem>>) dst(%dma_wait3A_216 : memref<40x128xf32, #tpu.memory_space<vmem_shared>>)
      tpu.yield
    }) : () -> ()
    %barrier3A = arith.constant 0 : index
    tpu.barrier barrier_id(%barrier3A)
    %add3A_40 = arith.constant 0 : i32
    %add3A_41 = arith.addi %add3A, %add3A_40 : i32
    %mul3A_42 = arith.constant 40 : i32
    %mul3A_43 = arith.muli %add3A_41, %mul3A_42 : i32
    %dma_start3A = tpu.memref_slice %arg4[%mul3A_43] : memref<320000xi32, #tpu.memory_space<hbm>> -> memref<40xi32, #tpu.memory_space<hbm>>
    %dma_start3A_44 = tpu.memref_slice %arg4[%mul3A_43] : memref<320000xi32, #tpu.memory_space<hbm>> -> memref<40xi32, #tpu.memory_space<hbm>>
    tpu.enqueue_dma source(%dma_start3A_44 : memref<40xi32, #tpu.memory_space<hbm>>) target(%arg8 : memref<40xi32, #tpu.memory_space<vmem>>) target_semaphore(%arg24 : memref<!tpu.dma_semaphore, #tpu.memory_space<semaphore_mem>>)
    %dma_start3A_45 = tpu.memref_slice %arg5[%mul3A_43] : memref<320000xi32, #tpu.memory_space<hbm>> -> memref<40xi32, #tpu.memory_space<hbm>>
    %dma_start3A_46 = tpu.memref_slice %arg5[%mul3A_43] : memref<320000xi32, #tpu.memory_space<hbm>> -> memref<40xi32, #tpu.memory_space<hbm>>
    tpu.enqueue_dma source(%dma_start3A_46 : memref<40xi32, #tpu.memory_space<hbm>>) target(%arg9 : memref<40xi32, #tpu.memory_space<vmem>>) target_semaphore(%arg25 : memref<!tpu.dma_semaphore, #tpu.memory_space<semaphore_mem>>)
    %add3A_47 = arith.constant 32 : i32
    %add3A_48 = arith.addi %add3A, %add3A_47 : i32
    %mul3A_49 = arith.constant 40 : i32
    %mul3A_50 = arith.muli %add3A_48, %mul3A_49 : i32
    %dma_start3A_51 = tpu.memref_slice %arg4[%mul3A_50] : memref<320000xi32, #tpu.memory_space<hbm>> -> memref<40xi32, #tpu.memory_space<hbm>>
    %dma_start3A_52 = tpu.memref_slice %arg4[%mul3A_50] : memref<320000xi32, #tpu.memory_space<hbm>> -> memref<40xi32, #tpu.memory_space<hbm>>
    tpu.enqueue_dma source(%dma_start3A_52 : memref<40xi32, #tpu.memory_space<hbm>>) target(%arg13 : memref<40xi32, #tpu.memory_space<vmem>>) target_semaphore(%arg30 : memref<!tpu.dma_semaphore, #tpu.memory_space<semaphore_mem>>)
    %dma_start3A_53 = tpu.memref_slice %arg5[%mul3A_50] : memref<320000xi32, #tpu.memory_space<hbm>> -> memref<40xi32, #tpu.memory_space<hbm>>
    %dma_start3A_54 = tpu.memref_slice %arg5[%mul3A_50] : memref<320000xi32, #tpu.memory_space<hbm>> -> memref<40xi32, #tpu.memory_space<hbm>>
    tpu.enqueue_dma source(%dma_start3A_54 : memref<40xi32, #tpu.memory_space<hbm>>) target(%arg14 : memref<40xi32, #tpu.memory_space<vmem>>) target_semaphore(%arg31 : memref<!tpu.dma_semaphore, #tpu.memory_space<semaphore_mem>>)
    %add3A_55 = arith.constant 64 : i32
    %add3A_56 = arith.addi %add3A, %add3A_55 : i32
    %mul3A_57 = arith.constant 40 : i32
    %mul3A_58 = arith.muli %add3A_56, %mul3A_57 : i32
    %dma_start3A_59 = tpu.memref_slice %arg4[%mul3A_58] : memref<320000xi32, #tpu.memory_space<hbm>> -> memref<40xi32, #tpu.memory_space<hbm>>
    %dma_start3A_60 = tpu.memref_slice %arg4[%mul3A_58] : memref<320000xi32, #tpu.memory_space<hbm>> -> memref<40xi32, #tpu.memory_space<hbm>>
    tpu.enqueue_dma source(%dma_start3A_60 : memref<40xi32, #tpu.memory_space<hbm>>) target(%arg18 : memref<40xi32, #tpu.memory_space<vmem>>) target_semaphore(%arg36 : memref<!tpu.dma_semaphore, #tpu.memory_space<semaphore_mem>>)
    %dma_start3A_61 = tpu.memref_slice %arg5[%mul3A_58] : memref<320000xi32, #tpu.memory_space<hbm>> -> memref<40xi32, #tpu.memory_space<hbm>>
    %dma_start3A_62 = tpu.memref_slice %arg5[%mul3A_58] : memref<320000xi32, #tpu.memory_space<hbm>> -> memref<40xi32, #tpu.memory_space<hbm>>
    tpu.enqueue_dma source(%dma_start3A_62 : memref<40xi32, #tpu.memory_space<hbm>>) target(%arg19 : memref<40xi32, #tpu.memory_space<vmem>>) target_semaphore(%arg37 : memref<!tpu.dma_semaphore, #tpu.memory_space<semaphore_mem>>)
    %add3A_63 = arith.constant 0 : i32
    %add3A_64 = arith.addi %add3A, %add3A_63 : i32
    %mul3A_65 = arith.constant 40 : i32
    %mul3A_66 = arith.muli %add3A_64, %mul3A_65 : i32
    %dma_wait3A = tpu.memref_slice %arg4[%mul3A_66] : memref<320000xi32, #tpu.memory_space<hbm>> -> memref<40xi32, #tpu.memory_space<hbm>>
    %dma_wait3A_67 = tpu.memref_slice %arg4[%mul3A_66] : memref<320000xi32, #tpu.memory_space<hbm>> -> memref<40xi32, #tpu.memory_space<hbm>>
    tpu.wait_dma2 semaphore(%arg24 : memref<!tpu.dma_semaphore, #tpu.memory_space<semaphore_mem>>) src(%dma_wait3A_67 : memref<40xi32, #tpu.memory_space<hbm>>) dst(%arg8 : memref<40xi32, #tpu.memory_space<vmem>>)
    %dma_wait3A_68 = tpu.memref_slice %arg5[%mul3A_66] : memref<320000xi32, #tpu.memory_space<hbm>> -> memref<40xi32, #tpu.memory_space<hbm>>
    %dma_wait3A_69 = tpu.memref_slice %arg5[%mul3A_66] : memref<320000xi32, #tpu.memory_space<hbm>> -> memref<40xi32, #tpu.memory_space<hbm>>
    tpu.wait_dma2 semaphore(%arg25 : memref<!tpu.dma_semaphore, #tpu.memory_space<semaphore_mem>>) src(%dma_wait3A_69 : memref<40xi32, #tpu.memory_space<hbm>>) dst(%arg9 : memref<40xi32, #tpu.memory_space<vmem>>)
    %dma_start3A_70 = arith.constant 0 : i32
    %dma_start3A_71 = arith.constant 0 : i32
    %dma_start3A_72 = tpu.memref_slice %arg2[%dma_start3A_70, %dma_start3A_71] : memref<10000x128xf32, #tpu.memory_space<hbm>> -> memref<10000x128xf32, #tpu.memory_space<hbm>>
    tpu.enqueue_indirect_dma source(%dma_start3A_72 : memref<10000x128xf32, #tpu.memory_space<hbm>>) target(%arg11 : memref<40x128xf32, #tpu.memory_space<vmem>>) offsets(%arg8 : memref<40xi32, #tpu.memory_space<vmem>>) semaphore(%arg26 : memref<!tpu.dma_semaphore, #tpu.memory_space<semaphore_mem>>)
    %dma_start3A_73 = arith.constant 0 : i32
    %dma_start3A_74 = arith.constant 0 : i32
    %dma_start3A_75 = tpu.memref_slice %arg3[%dma_start3A_73, %dma_start3A_74] : memref<10000x128xf32, #tpu.memory_space<hbm>> -> memref<10000x128xf32, #tpu.memory_space<hbm>>
    tpu.enqueue_indirect_dma source(%dma_start3A_75 : memref<10000x128xf32, #tpu.memory_space<hbm>>) target(%arg12 : memref<40x128xf32, #tpu.memory_space<vmem>>) offsets(%arg9 : memref<40xi32, #tpu.memory_space<vmem>>) semaphore(%arg27 : memref<!tpu.dma_semaphore, #tpu.memory_space<semaphore_mem>>)
    %add3A_76 = arith.constant 32 : i32
    %add3A_77 = arith.addi %add3A, %add3A_76 : i32
    %mul3A_78 = arith.constant 40 : i32
    %mul3A_79 = arith.muli %add3A_77, %mul3A_78 : i32
    %dma_wait3A_80 = tpu.memref_slice %arg4[%mul3A_79] : memref<320000xi32, #tpu.memory_space<hbm>> -> memref<40xi32, #tpu.memory_space<hbm>>
    %dma_wait3A_81 = tpu.memref_slice %arg4[%mul3A_79] : memref<320000xi32, #tpu.memory_space<hbm>> -> memref<40xi32, #tpu.memory_space<hbm>>
    tpu.wait_dma2 semaphore(%arg30 : memref<!tpu.dma_semaphore, #tpu.memory_space<semaphore_mem>>) src(%dma_wait3A_81 : memref<40xi32, #tpu.memory_space<hbm>>) dst(%arg13 : memref<40xi32, #tpu.memory_space<vmem>>)
    %dma_wait3A_82 = tpu.memref_slice %arg5[%mul3A_79] : memref<320000xi32, #tpu.memory_space<hbm>> -> memref<40xi32, #tpu.memory_space<hbm>>
    %dma_wait3A_83 = tpu.memref_slice %arg5[%mul3A_79] : memref<320000xi32, #tpu.memory_space<hbm>> -> memref<40xi32, #tpu.memory_space<hbm>>
    tpu.wait_dma2 semaphore(%arg31 : memref<!tpu.dma_semaphore, #tpu.memory_space<semaphore_mem>>) src(%dma_wait3A_83 : memref<40xi32, #tpu.memory_space<hbm>>) dst(%arg14 : memref<40xi32, #tpu.memory_space<vmem>>)
    %dma_start3A_84 = arith.constant 0 : i32
    %dma_start3A_85 = arith.constant 0 : i32
    %dma_start3A_86 = tpu.memref_slice %arg2[%dma_start3A_84, %dma_start3A_85] : memref<10000x128xf32, #tpu.memory_space<hbm>> -> memref<10000x128xf32, #tpu.memory_space<hbm>>
    tpu.enqueue_indirect_dma source(%dma_start3A_86 : memref<10000x128xf32, #tpu.memory_space<hbm>>) target(%arg16 : memref<40x128xf32, #tpu.memory_space<vmem>>) offsets(%arg13 : memref<40xi32, #tpu.memory_space<vmem>>) semaphore(%arg32 : memref<!tpu.dma_semaphore, #tpu.memory_space<semaphore_mem>>)
    %dma_start3A_87 = arith.constant 0 : i32
    %dma_start3A_88 = arith.constant 0 : i32
    %dma_start3A_89 = tpu.memref_slice %arg3[%dma_start3A_87, %dma_start3A_88] : memref<10000x128xf32, #tpu.memory_space<hbm>> -> memref<10000x128xf32, #tpu.memory_space<hbm>>
    tpu.enqueue_indirect_dma source(%dma_start3A_89 : memref<10000x128xf32, #tpu.memory_space<hbm>>) target(%arg17 : memref<40x128xf32, #tpu.memory_space<vmem>>) offsets(%arg14 : memref<40xi32, #tpu.memory_space<vmem>>) semaphore(%arg33 : memref<!tpu.dma_semaphore, #tpu.memory_space<semaphore_mem>>)
    %scan3A_90 = arith.constant 0 : i32
    %scan3A_91 = arith.constant 0 : i32
    %scan3A_92 = arith.constant 84 : i32
    %scan3A_93 = arith.addi %scan3A_91, %scan3A_92 : i32
    %scan3A_94 = arith.constant 1 : i32
    scf.for %scan3A_209 = %scan3A_91 to %scan3A_93 step %scan3A_94  : i32 {
      %mul3A_210 = arith.constant 3 : i32
      %mul3A_211 = arith.muli %scan3A_209, %mul3A_210 : i32
      %lt3A = arith.constant 250 : i32
      %lt3A_212 = arith.cmpi slt, %mul3A_211, %lt3A : i32
      %convert_element_type3A = arith.extui %lt3A_212 : i1 to i32
      %cond3A = arith.constant 0 : i32
      %cond3A_213 = arith.cmpi ne, %convert_element_type3A, %cond3A : i32
      scf.if %cond3A_213 {
        %dma_wait3A_276 = arith.constant 0 : i32
        %dma_wait3A_277 = arith.constant 0 : i32
        %dma_wait3A_278 = tpu.memref_slice %arg2[%dma_wait3A_276, %dma_wait3A_277] : memref<10000x128xf32, #tpu.memory_space<hbm>> -> memref<10000x128xf32, #tpu.memory_space<hbm>>
        tpu.wait_indirect_dma semaphore(%arg26 : memref<!tpu.dma_semaphore, #tpu.memory_space<semaphore_mem>>) src(%dma_wait3A_278 : memref<10000x128xf32, #tpu.memory_space<hbm>>) dst(%arg11 : memref<40x128xf32, #tpu.memory_space<vmem>>)
        %dma_wait3A_279 = arith.constant 0 : i32
        %dma_wait3A_280 = arith.constant 0 : i32
        %dma_wait3A_281 = tpu.memref_slice %arg3[%dma_wait3A_279, %dma_wait3A_280] : memref<10000x128xf32, #tpu.memory_space<hbm>> -> memref<10000x128xf32, #tpu.memory_space<hbm>>
        tpu.wait_indirect_dma semaphore(%arg27 : memref<!tpu.dma_semaphore, #tpu.memory_space<semaphore_mem>>) src(%dma_wait3A_281 : memref<10000x128xf32, #tpu.memory_space<hbm>>) dst(%arg12 : memref<40x128xf32, #tpu.memory_space<vmem>>)
        %get3A = arith.constant 0 : index
        %get3A_282 = tpu.vector_load %arg9[%get3A] {strides = array<i32>} : memref<40xi32, #tpu.memory_space<vmem>>, vector<16xi32>,
        %get3A_283 = vector.shape_cast %get3A_282 : vector<16xi32> to vector<16xi32>
        %swap3A = arith.constant 0 : index
        %swap3A_284 = tpu.vector_load %arg10[%swap3A] {strides = array<i32>} : memref<40xi32, #tpu.memory_space<vmem>>, vector<16xi32>,
        %swap3A_285 = vector.shape_cast %swap3A_284 : vector<16xi32> to vector<16xi32>
        %swap3A_286 = vector.shape_cast %get3A_283 : vector<16xi32> to vector<16xi32>
        tpu.vector_store %arg10[%swap3A], %swap3A_286 {strides = array<i32>} : memref<40xi32, #tpu.memory_space<vmem>>, vector<16xi32>,
        %get3A_287 = arith.constant 16 : index
        %get3A_288 = tpu.vector_load %arg9[%get3A_287] {strides = array<i32>} : memref<40xi32, #tpu.memory_space<vmem>>, vector<16xi32>,
        %get3A_289 = vector.shape_cast %get3A_288 : vector<16xi32> to vector<16xi32>
        %swap3A_290 = arith.constant 16 : index
        %swap3A_291 = tpu.vector_load %arg10[%swap3A_290] {strides = array<i32>} : memref<40xi32, #tpu.memory_space<vmem>>, vector<16xi32>,
        %swap3A_292 = vector.shape_cast %swap3A_291 : vector<16xi32> to vector<16xi32>
        %swap3A_293 = vector.shape_cast %get3A_289 : vector<16xi32> to vector<16xi32>
        tpu.vector_store %arg10[%swap3A_290], %swap3A_293 {strides = array<i32>} : memref<40xi32, #tpu.memory_space<vmem>>, vector<16xi32>,
        %get3A_294 = arith.constant 24 : index
        %get3A_295 = tpu.vector_load %arg9[%get3A_294] {strides = array<i32>} : memref<40xi32, #tpu.memory_space<vmem>>, vector<16xi32>,
        %get3A_296 = vector.shape_cast %get3A_295 : vector<16xi32> to vector<16xi32>
        %swap3A_297 = arith.constant 24 : index
        %swap3A_298 = tpu.vector_load %arg10[%swap3A_297] {strides = array<i32>} : memref<40xi32, #tpu.memory_space<vmem>>, vector<16xi32>,
        %swap3A_299 = vector.shape_cast %swap3A_298 : vector<16xi32> to vector<16xi32>
        %swap3A_300 = vector.shape_cast %get3A_296 : vector<16xi32> to vector<16xi32>
        tpu.vector_store %arg10[%swap3A_297], %swap3A_300 {strides = array<i32>} : memref<40xi32, #tpu.memory_space<vmem>>, vector<16xi32>,
        %add3A_301 = arith.constant 3 : i32
        %add3A_302 = arith.addi %mul3A_211, %add3A_301 : i32
        %lt3A_303 = arith.constant 250 : i32
        %lt3A_304 = arith.cmpi slt, %add3A_302, %lt3A_303 : i32
        %convert_element_type3A_305 = arith.extui %lt3A_304 : i1 to i32
        %cond3A_306 = arith.constant 0 : i32
        %cond3A_307 = arith.cmpi ne, %convert_element_type3A_305, %cond3A_306 : i32
        scf.if %cond3A_307 {
          %add3A_322 = arith.constant 3 : i32
          %add3A_323 = arith.addi %mul3A_211, %add3A_322 : i32
          %mul3A_324 = arith.constant 32 : i32
          %mul3A_325 = arith.muli %add3A_323, %mul3A_324 : i32
          %add3A_326 = arith.addi %add3A, %mul3A_325 : i32
          %mul3A_327 = arith.constant 40 : i32
          %mul3A_328 = arith.muli %add3A_326, %mul3A_327 : i32
          %dma_start3A_329 = tpu.memref_slice %arg4[%mul3A_328] : memref<320000xi32, #tpu.memory_space<hbm>> -> memref<40xi32, #tpu.memory_space<hbm>>
          %dma_start3A_330 = tpu.memref_slice %arg4[%mul3A_328] : memref<320000xi32, #tpu.memory_space<hbm>> -> memref<40xi32, #tpu.memory_space<hbm>>
          tpu.enqueue_dma source(%dma_start3A_330 : memref<40xi32, #tpu.memory_space<hbm>>) target(%arg8 : memref<40xi32, #tpu.memory_space<vmem>>) target_semaphore(%arg24 : memref<!tpu.dma_semaphore, #tpu.memory_space<semaphore_mem>>)
          %dma_start3A_331 = tpu.memref_slice %arg5[%mul3A_328] : memref<320000xi32, #tpu.memory_space<hbm>> -> memref<40xi32, #tpu.memory_space<hbm>>
          %dma_start3A_332 = tpu.memref_slice %arg5[%mul3A_328] : memref<320000xi32, #tpu.memory_space<hbm>> -> memref<40xi32, #tpu.memory_space<hbm>>
          tpu.enqueue_dma source(%dma_start3A_332 : memref<40xi32, #tpu.memory_space<hbm>>) target(%arg9 : memref<40xi32, #tpu.memory_space<vmem>>) target_semaphore(%arg25 : memref<!tpu.dma_semaphore, #tpu.memory_space<semaphore_mem>>)
        } else {
        }
        %mul3A_308 = arith.constant 32 : i32
        %mul3A_309 = arith.muli %mul3A_211, %mul3A_308 : i32
        %add3A_310 = arith.addi %add3A, %mul3A_309 : i32
        %mul3A_311 = arith.constant 40 : i32
        %mul3A_312 = arith.muli %add3A_310, %mul3A_311 : i32
        %parallel_loop3A = arith.constant 0 : i32
        %parallel_loop3A_313 = arith.constant 40 : i32
        %parallel_loop3A_314 = arith.constant 1 : i32
        scf.for %parallel_loop3A_322 = %parallel_loop3A to %parallel_loop3A_313 step %parallel_loop3A_314  : i32 {
          %parallel_loop3A_323 = arith.index_cast %parallel_loop3A_322 : i32 to index
          %parallel_loop3A_324 = arith.constant 0 : index
          %parallel_loop3A_325 = tpu.vector_load %arg12[%parallel_loop3A_323, %parallel_loop3A_324] {strides = array<i32>} : memref<40x128xf32, #tpu.memory_space<vmem>>, vector<1x16xf32>,
          %parallel_loop3A_326 = vector.shape_cast %parallel_loop3A_325 : vector<1x16xf32> to vector<16xf32>
          %parallel_loop3A_327 = arith.index_cast %parallel_loop3A_322 : i32 to index
          %parallel_loop3A_328 = arith.constant 0 : index
          %parallel_loop3A_329 = tpu.vector_load %arg11[%parallel_loop3A_327, %parallel_loop3A_328] {strides = array<i32>} : memref<40x128xf32, #tpu.memory_space<vmem>>, vector<1x16xf32>,
          %parallel_loop3A_330 = vector.shape_cast %parallel_loop3A_329 : vector<1x16xf32> to vector<16xf32>
          %parallel_loop3A_331 = vector.shape_cast %parallel_loop3A_326 : vector<16xf32> to vector<1x16xf32>
          tpu.vector_store %arg11[%parallel_loop3A_327, %parallel_loop3A_328], %parallel_loop3A_331 {add = true, strides = array<i32>} : memref<40x128xf32, #tpu.memory_space<vmem>>, vector<1x16xf32>,
          %parallel_loop3A_332 = arith.index_cast %parallel_loop3A_322 : i32 to index
          %parallel_loop3A_333 = arith.constant 16 : index
          %parallel_loop3A_334 = tpu.vector_load %arg12[%parallel_loop3A_332, %parallel_loop3A_333] {strides = array<i32>} : memref<40x128xf32, #tpu.memory_space<vmem>>, vector<1x16xf32>,
          %parallel_loop3A_335 = vector.shape_cast %parallel_loop3A_334 : vector<1x16xf32> to vector<16xf32>
          %parallel_loop3A_336 = arith.index_cast %parallel_loop3A_322 : i32 to index
          %parallel_loop3A_337 = arith.constant 16 : index
          %parallel_loop3A_338 = tpu.vector_load %arg11[%parallel_loop3A_336, %parallel_loop3A_337] {strides = array<i32>} : memref<40x128xf32, #tpu.memory_space<vmem>>, vector<1x16xf32>,
          %parallel_loop3A_339 = vector.shape_cast %parallel_loop3A_338 : vector<1x16xf32> to vector<16xf32>
          %parallel_loop3A_340 = vector.shape_cast %parallel_loop3A_335 : vector<16xf32> to vector<1x16xf32>
          tpu.vector_store %arg11[%parallel_loop3A_336, %parallel_loop3A_337], %parallel_loop3A_340 {add = true, strides = array<i32>} : memref<40x128xf32, #tpu.memory_space<vmem>>, vector<1x16xf32>,
          %parallel_loop3A_341 = arith.index_cast %parallel_loop3A_322 : i32 to index
          %parallel_loop3A_342 = arith.constant 32 : index
          %parallel_loop3A_343 = tpu.vector_load %arg12[%parallel_loop3A_341, %parallel_loop3A_342] {strides = array<i32>} : memref<40x128xf32, #tpu.memory_space<vmem>>, vector<1x16xf32>,
          %parallel_loop3A_344 = vector.shape_cast %parallel_loop3A_343 : vector<1x16xf32> to vector<16xf32>
          %parallel_loop3A_345 = arith.index_cast %parallel_loop3A_322 : i32 to index
          %parallel_loop3A_346 = arith.constant 32 : index
          %parallel_loop3A_347 = tpu.vector_load %arg11[%parallel_loop3A_345, %parallel_loop3A_346] {strides = array<i32>} : memref<40x128xf32, #tpu.memory_space<vmem>>, vector<1x16xf32>,
          %parallel_loop3A_348 = vector.shape_cast %parallel_loop3A_347 : vector<1x16xf32> to vector<16xf32>
          %parallel_loop3A_349 = vector.shape_cast %parallel_loop3A_344 : vector<16xf32> to vector<1x16xf32>
          tpu.vector_store %arg11[%parallel_loop3A_345, %parallel_loop3A_346], %parallel_loop3A_349 {add = true, strides = array<i32>} : memref<40x128xf32, #tpu.memory_space<vmem>>, vector<1x16xf32>,
          %parallel_loop3A_350 = arith.index_cast %parallel_loop3A_322 : i32 to index
          %parallel_loop3A_351 = arith.constant 48 : index
          %parallel_loop3A_352 = tpu.vector_load %arg12[%parallel_loop3A_350, %parallel_loop3A_351] {strides = array<i32>} : memref<40x128xf32, #tpu.memory_space<vmem>>, vector<1x16xf32>,
          %parallel_loop3A_353 = vector.shape_cast %parallel_loop3A_352 : vector<1x16xf32> to vector<16xf32>
          %parallel_loop3A_354 = arith.index_cast %parallel_loop3A_322 : i32 to index
          %parallel_loop3A_355 = arith.constant 48 : index
          %parallel_loop3A_356 = tpu.vector_load %arg11[%parallel_loop3A_354, %parallel_loop3A_355] {strides = array<i32>} : memref<40x128xf32, #tpu.memory_space<vmem>>, vector<1x16xf32>,
          %parallel_loop3A_357 = vector.shape_cast %parallel_loop3A_356 : vector<1x16xf32> to vector<16xf32>
          %parallel_loop3A_358 = vector.shape_cast %parallel_loop3A_353 : vector<16xf32> to vector<1x16xf32>
          tpu.vector_store %arg11[%parallel_loop3A_354, %parallel_loop3A_355], %parallel_loop3A_358 {add = true, strides = array<i32>} : memref<40x128xf32, #tpu.memory_space<vmem>>, vector<1x16xf32>,
          %parallel_loop3A_359 = arith.index_cast %parallel_loop3A_322 : i32 to index
          %parallel_loop3A_360 = arith.constant 64 : index
          %parallel_loop3A_361 = tpu.vector_load %arg12[%parallel_loop3A_359, %parallel_loop3A_360] {strides = array<i32>} : memref<40x128xf32, #tpu.memory_space<vmem>>, vector<1x16xf32>,
          %parallel_loop3A_362 = vector.shape_cast %parallel_loop3A_361 : vector<1x16xf32> to vector<16xf32>
          %parallel_loop3A_363 = arith.index_cast %parallel_loop3A_322 : i32 to index
          %parallel_loop3A_364 = arith.constant 64 : index
          %parallel_loop3A_365 = tpu.vector_load %arg11[%parallel_loop3A_363, %parallel_loop3A_364] {strides = array<i32>} : memref<40x128xf32, #tpu.memory_space<vmem>>, vector<1x16xf32>,
          %parallel_loop3A_366 = vector.shape_cast %parallel_loop3A_365 : vector<1x16xf32> to vector<16xf32>
          %parallel_loop3A_367 = vector.shape_cast %parallel_loop3A_362 : vector<16xf32> to vector<1x16xf32>
          tpu.vector_store %arg11[%parallel_loop3A_363, %parallel_loop3A_364], %parallel_loop3A_367 {add = true, strides = array<i32>} : memref<40x128xf32, #tpu.memory_space<vmem>>, vector<1x16xf32>,
          %parallel_loop3A_368 = arith.index_cast %parallel_loop3A_322 : i32 to index
          %parallel_loop3A_369 = arith.constant 80 : index
          %parallel_loop3A_370 = tpu.vector_load %arg12[%parallel_loop3A_368, %parallel_loop3A_369] {strides = array<i32>} : memref<40x128xf32, #tpu.memory_space<vmem>>, vector<1x16xf32>,
          %parallel_loop3A_371 = vector.shape_cast %parallel_loop3A_370 : vector<1x16xf32> to vector<16xf32>
          %parallel_loop3A_372 = arith.index_cast %parallel_loop3A_322 : i32 to index
          %parallel_loop3A_373 = arith.constant 80 : index
          %parallel_loop3A_374 = tpu.vector_load %arg11[%parallel_loop3A_372, %parallel_loop3A_373] {strides = array<i32>} : memref<40x128xf32, #tpu.memory_space<vmem>>, vector<1x16xf32>,
          %parallel_loop3A_375 = vector.shape_cast %parallel_loop3A_374 : vector<1x16xf32> to vector<16xf32>
          %parallel_loop3A_376 = vector.shape_cast %parallel_loop3A_371 : vector<16xf32> to vector<1x16xf32>
          tpu.vector_store %arg11[%parallel_loop3A_372, %parallel_loop3A_373], %parallel_loop3A_376 {add = true, strides = array<i32>} : memref<40x128xf32, #tpu.memory_space<vmem>>, vector<1x16xf32>,
          %parallel_loop3A_377 = arith.index_cast %parallel_loop3A_322 : i32 to index
          %parallel_loop3A_378 = arith.constant 96 : index
          %parallel_loop3A_379 = tpu.vector_load %arg12[%parallel_loop3A_377, %parallel_loop3A_378] {strides = array<i32>} : memref<40x128xf32, #tpu.memory_space<vmem>>, vector<1x16xf32>,
          %parallel_loop3A_380 = vector.shape_cast %parallel_loop3A_379 : vector<1x16xf32> to vector<16xf32>
          %parallel_loop3A_381 = arith.index_cast %parallel_loop3A_322 : i32 to index
          %parallel_loop3A_382 = arith.constant 96 : index
          %parallel_loop3A_383 = tpu.vector_load %arg11[%parallel_loop3A_381, %parallel_loop3A_382] {strides = array<i32>} : memref<40x128xf32, #tpu.memory_space<vmem>>, vector<1x16xf32>,
          %parallel_loop3A_384 = vector.shape_cast %parallel_loop3A_383 : vector<1x16xf32> to vector<16xf32>
          %parallel_loop3A_385 = vector.shape_cast %parallel_loop3A_380 : vector<16xf32> to vector<1x16xf32>
          tpu.vector_store %arg11[%parallel_loop3A_381, %parallel_loop3A_382], %parallel_loop3A_385 {add = true, strides = array<i32>} : memref<40x128xf32, #tpu.memory_space<vmem>>, vector<1x16xf32>,
          %parallel_loop3A_386 = arith.index_cast %parallel_loop3A_322 : i32 to index
          %parallel_loop3A_387 = arith.constant 112 : index
          %parallel_loop3A_388 = tpu.vector_load %arg12[%parallel_loop3A_386, %parallel_loop3A_387] {strides = array<i32>} : memref<40x128xf32, #tpu.memory_space<vmem>>, vector<1x16xf32>,
          %parallel_loop3A_389 = vector.shape_cast %parallel_loop3A_388 : vector<1x16xf32> to vector<16xf32>
          %parallel_loop3A_390 = arith.index_cast %parallel_loop3A_322 : i32 to index
          %parallel_loop3A_391 = arith.constant 112 : index
          %parallel_loop3A_392 = tpu.vector_load %arg11[%parallel_loop3A_390, %parallel_loop3A_391] {strides = array<i32>} : memref<40x128xf32, #tpu.memory_space<vmem>>, vector<1x16xf32>,
          %parallel_loop3A_393 = vector.shape_cast %parallel_loop3A_392 : vector<1x16xf32> to vector<16xf32>
          %parallel_loop3A_394 = vector.shape_cast %parallel_loop3A_389 : vector<16xf32> to vector<1x16xf32>
          tpu.vector_store %arg11[%parallel_loop3A_390, %parallel_loop3A_391], %parallel_loop3A_394 {add = true, strides = array<i32>} : memref<40x128xf32, #tpu.memory_space<vmem>>, vector<1x16xf32>,
        } {sc.loop_unroll_factor = 4 : i64, sc.parallel_access}
        %dma_start3A_315 = arith.constant 0 : i32
        %dma_start3A_316 = tpu.memref_slice %arg6[%mul3A_312, %dma_start3A_315] : memref<320000x128xf32, #tpu.memory_space<hbm>> -> memref<40x128xf32, #tpu.memory_space<hbm>>
        %dma_start3A_317 = arith.constant 0 : i32
        %dma_start3A_318 = tpu.memref_slice %arg6[%mul3A_312, %dma_start3A_317] : memref<320000x128xf32, #tpu.memory_space<hbm>> -> memref<40x128xf32, #tpu.memory_space<hbm>>
        tpu.enqueue_dma source(%arg11 : memref<40x128xf32, #tpu.memory_space<vmem>>) target(%dma_start3A_318 : memref<40x128xf32, #tpu.memory_space<hbm>>) target_semaphore(%arg28 : memref<!tpu.dma_semaphore, #tpu.memory_space<semaphore_mem>>)
        %dma_start3A_319 = arith.constant 0 : i32
        %dma_start3A_320 = arith.constant 0 : i32
        %dma_start3A_321 = tpu.memref_slice %arg23[%dma_start3A_319, %dma_start3A_320] : memref<10240x128xf32, #tpu.memory_space<vmem_shared>> -> memref<10240x128xf32, #tpu.memory_space<vmem_shared>>
        tpu.enqueue_indirect_dma source(%arg11 : memref<40x128xf32, #tpu.memory_space<vmem>>) target(%dma_start3A_321 : memref<10240x128xf32, #tpu.memory_space<vmem_shared>>) offsets(%arg10 : memref<40xi32, #tpu.memory_space<vmem>>) semaphore(%arg29 : memref<!tpu.dma_semaphore, #tpu.memory_space<semaphore_mem>>) {add = true}
      } else {
      }
      %ge3A = arith.constant 1 : i32
      %ge3A_214 = arith.cmpi sge, %mul3A_211, %ge3A : i32
      %sub3A = arith.constant 1 : i32
      %sub3A_215 = arith.subi %mul3A_211, %sub3A : i32
      %lt3A_216 = arith.constant 250 : i32
      %lt3A_217 = arith.cmpi slt, %sub3A_215, %lt3A_216 : i32
      %and3A = arith.andi %ge3A_214, %lt3A_217 : i1
      %convert_element_type3A_218 = arith.extui %and3A : i1 to i32
      %cond3A_219 = arith.constant 0 : i32
      %cond3A_220 = arith.cmpi ne, %convert_element_type3A_218, %cond3A_219 : i32
      scf.if %cond3A_220 {
        %dma_wait3A_276 = arith.constant 0 : i32
        %dma_wait3A_277 = arith.constant 0 : i32
        %dma_wait3A_278 = tpu.memref_slice %arg6[%dma_wait3A_276, %dma_wait3A_277] : memref<320000x128xf32, #tpu.memory_space<hbm>> -> memref<40x128xf32, #tpu.memory_space<hbm>>
        %dma_wait3A_279 = arith.constant 0 : i32
        %dma_wait3A_280 = arith.constant 0 : i32
        %dma_wait3A_281 = tpu.memref_slice %arg6[%dma_wait3A_279, %dma_wait3A_280] : memref<320000x128xf32, #tpu.memory_space<hbm>> -> memref<40x128xf32, #tpu.memory_space<hbm>>
        tpu.wait_dma2 semaphore(%arg40 : memref<!tpu.dma_semaphore, #tpu.memory_space<semaphore_mem>>) src(%arg21 : memref<40x128xf32, #tpu.memory_space<vmem>>) dst(%dma_wait3A_281 : memref<40x128xf32, #tpu.memory_space<hbm>>)
        %dma_wait3A_282 = arith.constant 0 : i32
        %dma_wait3A_283 = arith.constant 0 : i32
        %dma_wait3A_284 = tpu.memref_slice %arg23[%dma_wait3A_282, %dma_wait3A_283] : memref<10240x128xf32, #tpu.memory_space<vmem_shared>> -> memref<10240x128xf32, #tpu.memory_space<vmem_shared>>
        tpu.wait_indirect_dma semaphore(%arg41 : memref<!tpu.dma_semaphore, #tpu.memory_space<semaphore_mem>>) src(%arg21 : memref<40x128xf32, #tpu.memory_space<vmem>>) dst(%dma_wait3A_284 : memref<10240x128xf32, #tpu.memory_space<vmem_shared>>)
      } else {
      }
      %add3A_221 = arith.constant 2 : i32
      %add3A_222 = arith.addi %mul3A_211, %add3A_221 : i32
      %lt3A_223 = arith.constant 250 : i32
      %lt3A_224 = arith.cmpi slt, %add3A_222, %lt3A_223 : i32
      %convert_element_type3A_225 = arith.extui %lt3A_224 : i1 to i32
      %cond3A_226 = arith.constant 0 : i32
      %cond3A_227 = arith.cmpi ne, %convert_element_type3A_225, %cond3A_226 : i32
      scf.if %cond3A_227 {
        %add3A_276 = arith.constant 2 : i32
        %add3A_277 = arith.addi %mul3A_211, %add3A_276 : i32
        %mul3A_278 = arith.constant 32 : i32
        %mul3A_279 = arith.muli %add3A_277, %mul3A_278 : i32
        %add3A_280 = arith.addi %add3A, %mul3A_279 : i32
        %mul3A_281 = arith.constant 40 : i32
        %mul3A_282 = arith.muli %add3A_280, %mul3A_281 : i32
        %dma_wait3A_283 = tpu.memref_slice %arg4[%mul3A_282] : memref<320000xi32, #tpu.memory_space<hbm>> -> memref<40xi32, #tpu.memory_space<hbm>>
        %dma_wait3A_284 = tpu.memref_slice %arg4[%mul3A_282] : memref<320000xi32, #tpu.memory_space<hbm>> -> memref<40xi32, #tpu.memory_space<hbm>>
        tpu.wait_dma2 semaphore(%arg36 : memref<!tpu.dma_semaphore, #tpu.memory_space<semaphore_mem>>) src(%dma_wait3A_284 : memref<40xi32, #tpu.memory_space<hbm>>) dst(%arg18 : memref<40xi32, #tpu.memory_space<vmem>>)
        %dma_wait3A_285 = tpu.memref_slice %arg5[%mul3A_282] : memref<320000xi32, #tpu.memory_space<hbm>> -> memref<40xi32, #tpu.memory_space<hbm>>
        %dma_wait3A_286 = tpu.memref_slice %arg5[%mul3A_282] : memref<320000xi32, #tpu.memory_space<hbm>> -> memref<40xi32, #tpu.memory_space<hbm>>
        tpu.wait_dma2 semaphore(%arg37 : memref<!tpu.dma_semaphore, #tpu.memory_space<semaphore_mem>>) src(%dma_wait3A_286 : memref<40xi32, #tpu.memory_space<hbm>>) dst(%arg19 : memref<40xi32, #tpu.memory_space<vmem>>)
        %dma_start3A_287 = arith.constant 0 : i32
        %dma_start3A_288 = arith.constant 0 : i32
        %dma_start3A_289 = tpu.memref_slice %arg2[%dma_start3A_287, %dma_start3A_288] : memref<10000x128xf32, #tpu.memory_space<hbm>> -> memref<10000x128xf32, #tpu.memory_space<hbm>>
        tpu.enqueue_indirect_dma source(%dma_start3A_289 : memref<10000x128xf32, #tpu.memory_space<hbm>>) target(%arg21 : memref<40x128xf32, #tpu.memory_space<vmem>>) offsets(%arg18 : memref<40xi32, #tpu.memory_space<vmem>>) semaphore(%arg38 : memref<!tpu.dma_semaphore, #tpu.memory_space<semaphore_mem>>)
        %dma_start3A_290 = arith.constant 0 : i32
        %dma_start3A_291 = arith.constant 0 : i32
        %dma_start3A_292 = tpu.memref_slice %arg3[%dma_start3A_290, %dma_start3A_291] : memref<10000x128xf32, #tpu.memory_space<hbm>> -> memref<10000x128xf32, #tpu.memory_space<hbm>>
        tpu.enqueue_indirect_dma source(%dma_start3A_292 : memref<10000x128xf32, #tpu.memory_space<hbm>>) target(%arg22 : memref<40x128xf32, #tpu.memory_space<vmem>>) offsets(%arg19 : memref<40xi32, #tpu.memory_space<vmem>>) semaphore(%arg39 : memref<!tpu.dma_semaphore, #tpu.memory_space<semaphore_mem>>)
      } else {
      }
      %add3A_228 = arith.constant 1 : i32
      %add3A_229 = arith.addi %mul3A_211, %add3A_228 : i32
      %lt3A_230 = arith.constant 250 : i32
      %lt3A_231 = arith.cmpi slt, %add3A_229, %lt3A_230 : i32
      %convert_element_type3A_232 = arith.extui %lt3A_231 : i1 to i32
      %cond3A_233 = arith.constant 0 : i32
      %cond3A_234 = arith.cmpi ne, %convert_element_type3A_232, %cond3A_233 : i32
      scf.if %cond3A_234 {
        %dma_wait3A_276 = arith.constant 0 : i32
        %dma_wait3A_277 = arith.constant 0 : i32
        %dma_wait3A_278 = tpu.memref_slice %arg2[%dma_wait3A_276, %dma_wait3A_277] : memref<10000x128xf32, #tpu.memory_space<hbm>> -> memref<10000x128xf32, #tpu.memory_space<hbm>>
        tpu.wait_indirect_dma semaphore(%arg32 : memref<!tpu.dma_semaphore, #tpu.memory_space<semaphore_mem>>) src(%dma_wait3A_278 : memref<10000x128xf32, #tpu.memory_space<hbm>>) dst(%arg16 : memref<40x128xf32, #tpu.memory_space<vmem>>)
        %dma_wait3A_279 = arith.constant 0 : i32
        %dma_wait3A_280 = arith.constant 0 : i32
        %dma_wait3A_281 = tpu.memref_slice %arg3[%dma_wait3A_279, %dma_wait3A_280] : memref<10000x128xf32, #tpu.memory_space<hbm>> -> memref<10000x128xf32, #tpu.memory_space<hbm>>
        tpu.wait_indirect_dma semaphore(%arg33 : memref<!tpu.dma_semaphore, #tpu.memory_space<semaphore_mem>>) src(%dma_wait3A_281 : memref<10000x128xf32, #tpu.memory_space<hbm>>) dst(%arg17 : memref<40x128xf32, #tpu.memory_space<vmem>>)
        %get3A = arith.constant 0 : index
        %get3A_282 = tpu.vector_load %arg14[%get3A] {strides = array<i32>} : memref<40xi32, #tpu.memory_space<vmem>>, vector<16xi32>,
        %get3A_283 = vector.shape_cast %get3A_282 : vector<16xi32> to vector<16xi32>
        %swap3A = arith.constant 0 : index
        %swap3A_284 = tpu.vector_load %arg15[%swap3A] {strides = array<i32>} : memref<40xi32, #tpu.memory_space<vmem>>, vector<16xi32>,
        %swap3A_285 = vector.shape_cast %swap3A_284 : vector<16xi32> to vector<16xi32>
        %swap3A_286 = vector.shape_cast %get3A_283 : vector<16xi32> to vector<16xi32>
        tpu.vector_store %arg15[%swap3A], %swap3A_286 {strides = array<i32>} : memref<40xi32, #tpu.memory_space<vmem>>, vector<16xi32>,
        %get3A_287 = arith.constant 16 : index
        %get3A_288 = tpu.vector_load %arg14[%get3A_287] {strides = array<i32>} : memref<40xi32, #tpu.memory_space<vmem>>, vector<16xi32>,
        %get3A_289 = vector.shape_cast %get3A_288 : vector<16xi32> to vector<16xi32>
        %swap3A_290 = arith.constant 16 : index
        %swap3A_291 = tpu.vector_load %arg15[%swap3A_290] {strides = array<i32>} : memref<40xi32, #tpu.memory_space<vmem>>, vector<16xi32>,
        %swap3A_292 = vector.shape_cast %swap3A_291 : vector<16xi32> to vector<16xi32>
        %swap3A_293 = vector.shape_cast %get3A_289 : vector<16xi32> to vector<16xi32>
        tpu.vector_store %arg15[%swap3A_290], %swap3A_293 {strides = array<i32>} : memref<40xi32, #tpu.memory_space<vmem>>, vector<16xi32>,
        %get3A_294 = arith.constant 24 : index
        %get3A_295 = tpu.vector_load %arg14[%get3A_294] {strides = array<i32>} : memref<40xi32, #tpu.memory_space<vmem>>, vector<16xi32>,
        %get3A_296 = vector.shape_cast %get3A_295 : vector<16xi32> to vector<16xi32>
        %swap3A_297 = arith.constant 24 : index
        %swap3A_298 = tpu.vector_load %arg15[%swap3A_297] {strides = array<i32>} : memref<40xi32, #tpu.memory_space<vmem>>, vector<16xi32>,
        %swap3A_299 = vector.shape_cast %swap3A_298 : vector<16xi32> to vector<16xi32>
        %swap3A_300 = vector.shape_cast %get3A_296 : vector<16xi32> to vector<16xi32>
        tpu.vector_store %arg15[%swap3A_297], %swap3A_300 {strides = array<i32>} : memref<40xi32, #tpu.memory_space<vmem>>, vector<16xi32>,
        %add3A_301 = arith.constant 3 : i32
        %add3A_302 = arith.addi %add3A_229, %add3A_301 : i32
        %lt3A_303 = arith.constant 250 : i32
        %lt3A_304 = arith.cmpi slt, %add3A_302, %lt3A_303 : i32
        %convert_element_type3A_305 = arith.extui %lt3A_304 : i1 to i32
        %cond3A_306 = arith.constant 0 : i32
        %cond3A_307 = arith.cmpi ne, %convert_element_type3A_305, %cond3A_306 : i32
        scf.if %cond3A_307 {
          %add3A_322 = arith.constant 3 : i32
          %add3A_323 = arith.addi %add3A_229, %add3A_322 : i32
          %mul3A_324 = arith.constant 32 : i32
          %mul3A_325 = arith.muli %add3A_323, %mul3A_324 : i32
          %add3A_326 = arith.addi %add3A, %mul3A_325 : i32
          %mul3A_327 = arith.constant 40 : i32
          %mul3A_328 = arith.muli %add3A_326, %mul3A_327 : i32
          %dma_start3A_329 = tpu.memref_slice %arg4[%mul3A_328] : memref<320000xi32, #tpu.memory_space<hbm>> -> memref<40xi32, #tpu.memory_space<hbm>>
          %dma_start3A_330 = tpu.memref_slice %arg4[%mul3A_328] : memref<320000xi32, #tpu.memory_space<hbm>> -> memref<40xi32, #tpu.memory_space<hbm>>
          tpu.enqueue_dma source(%dma_start3A_330 : memref<40xi32, #tpu.memory_space<hbm>>) target(%arg13 : memref<40xi32, #tpu.memory_space<vmem>>) target_semaphore(%arg30 : memref<!tpu.dma_semaphore, #tpu.memory_space<semaphore_mem>>)
          %dma_start3A_331 = tpu.memref_slice %arg5[%mul3A_328] : memref<320000xi32, #tpu.memory_space<hbm>> -> memref<40xi32, #tpu.memory_space<hbm>>
          %dma_start3A_332 = tpu.memref_slice %arg5[%mul3A_328] : memref<320000xi32, #tpu.memory_space<hbm>> -> memref<40xi32, #tpu.memory_space<hbm>>
          tpu.enqueue_dma source(%dma_start3A_332 : memref<40xi32, #tpu.memory_space<hbm>>) target(%arg14 : memref<40xi32, #tpu.memory_space<vmem>>) target_semaphore(%arg31 : memref<!tpu.dma_semaphore, #tpu.memory_space<semaphore_mem>>)
        } else {
        }
        %mul3A_308 = arith.constant 32 : i32
        %mul3A_309 = arith.muli %add3A_229, %mul3A_308 : i32
        %add3A_310 = arith.addi %add3A, %mul3A_309 : i32
        %mul3A_311 = arith.constant 40 : i32
        %mul3A_312 = arith.muli %add3A_310, %mul3A_311 : i32
        %parallel_loop3A = arith.constant 0 : i32
        %parallel_loop3A_313 = arith.constant 40 : i32
        %parallel_loop3A_314 = arith.constant 1 : i32
        scf.for %parallel_loop3A_322 = %parallel_loop3A to %parallel_loop3A_313 step %parallel_loop3A_314  : i32 {
          %parallel_loop3A_323 = arith.index_cast %parallel_loop3A_322 : i32 to index
          %parallel_loop3A_324 = arith.constant 0 : index
          %parallel_loop3A_325 = tpu.vector_load %arg17[%parallel_loop3A_323, %parallel_loop3A_324] {strides = array<i32>} : memref<40x128xf32, #tpu.memory_space<vmem>>, vector<1x16xf32>,
          %parallel_loop3A_326 = vector.shape_cast %parallel_loop3A_325 : vector<1x16xf32> to vector<16xf32>
          %parallel_loop3A_327 = arith.index_cast %parallel_loop3A_322 : i32 to index
          %parallel_loop3A_328 = arith.constant 0 : index
          %parallel_loop3A_329 = tpu.vector_load %arg16[%parallel_loop3A_327, %parallel_loop3A_328] {strides = array<i32>} : memref<40x128xf32, #tpu.memory_space<vmem>>, vector<1x16xf32>,
          %parallel_loop3A_330 = vector.shape_cast %parallel_loop3A_329 : vector<1x16xf32> to vector<16xf32>
          %parallel_loop3A_331 = vector.shape_cast %parallel_loop3A_326 : vector<16xf32> to vector<1x16xf32>
          tpu.vector_store %arg16[%parallel_loop3A_327, %parallel_loop3A_328], %parallel_loop3A_331 {add = true, strides = array<i32>} : memref<40x128xf32, #tpu.memory_space<vmem>>, vector<1x16xf32>,
          %parallel_loop3A_332 = arith.index_cast %parallel_loop3A_322 : i32 to index
          %parallel_loop3A_333 = arith.constant 16 : index
          %parallel_loop3A_334 = tpu.vector_load %arg17[%parallel_loop3A_332, %parallel_loop3A_333] {strides = array<i32>} : memref<40x128xf32, #tpu.memory_space<vmem>>, vector<1x16xf32>,
          %parallel_loop3A_335 = vector.shape_cast %parallel_loop3A_334 : vector<1x16xf32> to vector<16xf32>
          %parallel_loop3A_336 = arith.index_cast %parallel_loop3A_322 : i32 to index
          %parallel_loop3A_337 = arith.constant 16 : index
          %parallel_loop3A_338 = tpu.vector_load %arg16[%parallel_loop3A_336, %parallel_loop3A_337] {strides = array<i32>} : memref<40x128xf32, #tpu.memory_space<vmem>>, vector<1x16xf32>,
          %parallel_loop3A_339 = vector.shape_cast %parallel_loop3A_338 : vector<1x16xf32> to vector<16xf32>
          %parallel_loop3A_340 = vector.shape_cast %parallel_loop3A_335 : vector<16xf32> to vector<1x16xf32>
          tpu.vector_store %arg16[%parallel_loop3A_336, %parallel_loop3A_337], %parallel_loop3A_340 {add = true, strides = array<i32>} : memref<40x128xf32, #tpu.memory_space<vmem>>, vector<1x16xf32>,
          %parallel_loop3A_341 = arith.index_cast %parallel_loop3A_322 : i32 to index
          %parallel_loop3A_342 = arith.constant 32 : index
          %parallel_loop3A_343 = tpu.vector_load %arg17[%parallel_loop3A_341, %parallel_loop3A_342] {strides = array<i32>} : memref<40x128xf32, #tpu.memory_space<vmem>>, vector<1x16xf32>,
          %parallel_loop3A_344 = vector.shape_cast %parallel_loop3A_343 : vector<1x16xf32> to vector<16xf32>
          %parallel_loop3A_345 = arith.index_cast %parallel_loop3A_322 : i32 to index
          %parallel_loop3A_346 = arith.constant 32 : index
          %parallel_loop3A_347 = tpu.vector_load %arg16[%parallel_loop3A_345, %parallel_loop3A_346] {strides = array<i32>} : memref<40x128xf32, #tpu.memory_space<vmem>>, vector<1x16xf32>,
          %parallel_loop3A_348 = vector.shape_cast %parallel_loop3A_347 : vector<1x16xf32> to vector<16xf32>
          %parallel_loop3A_349 = vector.shape_cast %parallel_loop3A_344 : vector<16xf32> to vector<1x16xf32>
          tpu.vector_store %arg16[%parallel_loop3A_345, %parallel_loop3A_346], %parallel_loop3A_349 {add = true, strides = array<i32>} : memref<40x128xf32, #tpu.memory_space<vmem>>, vector<1x16xf32>,
          %parallel_loop3A_350 = arith.index_cast %parallel_loop3A_322 : i32 to index
          %parallel_loop3A_351 = arith.constant 48 : index
          %parallel_loop3A_352 = tpu.vector_load %arg17[%parallel_loop3A_350, %parallel_loop3A_351] {strides = array<i32>} : memref<40x128xf32, #tpu.memory_space<vmem>>, vector<1x16xf32>,
          %parallel_loop3A_353 = vector.shape_cast %parallel_loop3A_352 : vector<1x16xf32> to vector<16xf32>
          %parallel_loop3A_354 = arith.index_cast %parallel_loop3A_322 : i32 to index
          %parallel_loop3A_355 = arith.constant 48 : index
          %parallel_loop3A_356 = tpu.vector_load %arg16[%parallel_loop3A_354, %parallel_loop3A_355] {strides = array<i32>} : memref<40x128xf32, #tpu.memory_space<vmem>>, vector<1x16xf32>,
          %parallel_loop3A_357 = vector.shape_cast %parallel_loop3A_356 : vector<1x16xf32> to vector<16xf32>
          %parallel_loop3A_358 = vector.shape_cast %parallel_loop3A_353 : vector<16xf32> to vector<1x16xf32>
          tpu.vector_store %arg16[%parallel_loop3A_354, %parallel_loop3A_355], %parallel_loop3A_358 {add = true, strides = array<i32>} : memref<40x128xf32, #tpu.memory_space<vmem>>, vector<1x16xf32>,
          %parallel_loop3A_359 = arith.index_cast %parallel_loop3A_322 : i32 to index
          %parallel_loop3A_360 = arith.constant 64 : index
          %parallel_loop3A_361 = tpu.vector_load %arg17[%parallel_loop3A_359, %parallel_loop3A_360] {strides = array<i32>} : memref<40x128xf32, #tpu.memory_space<vmem>>, vector<1x16xf32>,
          %parallel_loop3A_362 = vector.shape_cast %parallel_loop3A_361 : vector<1x16xf32> to vector<16xf32>
          %parallel_loop3A_363 = arith.index_cast %parallel_loop3A_322 : i32 to index
          %parallel_loop3A_364 = arith.constant 64 : index
          %parallel_loop3A_365 = tpu.vector_load %arg16[%parallel_loop3A_363, %parallel_loop3A_364] {strides = array<i32>} : memref<40x128xf32, #tpu.memory_space<vmem>>, vector<1x16xf32>,
          %parallel_loop3A_366 = vector.shape_cast %parallel_loop3A_365 : vector<1x16xf32> to vector<16xf32>
          %parallel_loop3A_367 = vector.shape_cast %parallel_loop3A_362 : vector<16xf32> to vector<1x16xf32>
          tpu.vector_store %arg16[%parallel_loop3A_363, %parallel_loop3A_364], %parallel_loop3A_367 {add = true, strides = array<i32>} : memref<40x128xf32, #tpu.memory_space<vmem>>, vector<1x16xf32>,
          %parallel_loop3A_368 = arith.index_cast %parallel_loop3A_322 : i32 to index
          %parallel_loop3A_369 = arith.constant 80 : index
          %parallel_loop3A_370 = tpu.vector_load %arg17[%parallel_loop3A_368, %parallel_loop3A_369] {strides = array<i32>} : memref<40x128xf32, #tpu.memory_space<vmem>>, vector<1x16xf32>,
          %parallel_loop3A_371 = vector.shape_cast %parallel_loop3A_370 : vector<1x16xf32> to vector<16xf32>
          %parallel_loop3A_372 = arith.index_cast %parallel_loop3A_322 : i32 to index
          %parallel_loop3A_373 = arith.constant 80 : index
          %parallel_loop3A_374 = tpu.vector_load %arg16[%parallel_loop3A_372, %parallel_loop3A_373] {strides = array<i32>} : memref<40x128xf32, #tpu.memory_space<vmem>>, vector<1x16xf32>,
          %parallel_loop3A_375 = vector.shape_cast %parallel_loop3A_374 : vector<1x16xf32> to vector<16xf32>
          %parallel_loop3A_376 = vector.shape_cast %parallel_loop3A_371 : vector<16xf32> to vector<1x16xf32>
          tpu.vector_store %arg16[%parallel_loop3A_372, %parallel_loop3A_373], %parallel_loop3A_376 {add = true, strides = array<i32>} : memref<40x128xf32, #tpu.memory_space<vmem>>, vector<1x16xf32>,
          %parallel_loop3A_377 = arith.index_cast %parallel_loop3A_322 : i32 to index
          %parallel_loop3A_378 = arith.constant 96 : index
          %parallel_loop3A_379 = tpu.vector_load %arg17[%parallel_loop3A_377, %parallel_loop3A_378] {strides = array<i32>} : memref<40x128xf32, #tpu.memory_space<vmem>>, vector<1x16xf32>,
          %parallel_loop3A_380 = vector.shape_cast %parallel_loop3A_379 : vector<1x16xf32> to vector<16xf32>
          %parallel_loop3A_381 = arith.index_cast %parallel_loop3A_322 : i32 to index
          %parallel_loop3A_382 = arith.constant 96 : index
          %parallel_loop3A_383 = tpu.vector_load %arg16[%parallel_loop3A_381, %parallel_loop3A_382] {strides = array<i32>} : memref<40x128xf32, #tpu.memory_space<vmem>>, vector<1x16xf32>,
          %parallel_loop3A_384 = vector.shape_cast %parallel_loop3A_383 : vector<1x16xf32> to vector<16xf32>
          %parallel_loop3A_385 = vector.shape_cast %parallel_loop3A_380 : vector<16xf32> to vector<1x16xf32>
          tpu.vector_store %arg16[%parallel_loop3A_381, %parallel_loop3A_382], %parallel_loop3A_385 {add = true, strides = array<i32>} : memref<40x128xf32, #tpu.memory_space<vmem>>, vector<1x16xf32>,
          %parallel_loop3A_386 = arith.index_cast %parallel_loop3A_322 : i32 to index
          %parallel_loop3A_387 = arith.constant 112 : index
          %parallel_loop3A_388 = tpu.vector_load %arg17[%parallel_loop3A_386, %parallel_loop3A_387] {strides = array<i32>} : memref<40x128xf32, #tpu.memory_space<vmem>>, vector<1x16xf32>,
          %parallel_loop3A_389 = vector.shape_cast %parallel_loop3A_388 : vector<1x16xf32> to vector<16xf32>
          %parallel_loop3A_390 = arith.index_cast %parallel_loop3A_322 : i32 to index
          %parallel_loop3A_391 = arith.constant 112 : index
          %parallel_loop3A_392 = tpu.vector_load %arg16[%parallel_loop3A_390, %parallel_loop3A_391] {strides = array<i32>} : memref<40x128xf32, #tpu.memory_space<vmem>>, vector<1x16xf32>,
          %parallel_loop3A_393 = vector.shape_cast %parallel_loop3A_392 : vector<1x16xf32> to vector<16xf32>
          %parallel_loop3A_394 = vector.shape_cast %parallel_loop3A_389 : vector<16xf32> to vector<1x16xf32>
          tpu.vector_store %arg16[%parallel_loop3A_390, %parallel_loop3A_391], %parallel_loop3A_394 {add = true, strides = array<i32>} : memref<40x128xf32, #tpu.memory_space<vmem>>, vector<1x16xf32>,
        } {sc.loop_unroll_factor = 4 : i64, sc.parallel_access}
        %dma_start3A_315 = arith.constant 0 : i32
        %dma_start3A_316 = tpu.memref_slice %arg6[%mul3A_312, %dma_start3A_315] : memref<320000x128xf32, #tpu.memory_space<hbm>> -> memref<40x128xf32, #tpu.memory_space<hbm>>
        %dma_start3A_317 = arith.constant 0 : i32
        %dma_start3A_318 = tpu.memref_slice %arg6[%mul3A_312, %dma_start3A_317] : memref<320000x128xf32, #tpu.memory_space<hbm>> -> memref<40x128xf32, #tpu.memory_space<hbm>>
        tpu.enqueue_dma source(%arg16 : memref<40x128xf32, #tpu.memory_space<vmem>>) target(%dma_start3A_318 : memref<40x128xf32, #tpu.memory_space<hbm>>) target_semaphore(%arg34 : memref<!tpu.dma_semaphore, #tpu.memory_space<semaphore_mem>>)
        %dma_start3A_319 = arith.constant 0 : i32
        %dma_start3A_320 = arith.constant 0 : i32
        %dma_start3A_321 = tpu.memref_slice %arg23[%dma_start3A_319, %dma_start3A_320] : memref<10240x128xf32, #tpu.memory_space<vmem_shared>> -> memref<10240x128xf32, #tpu.memory_space<vmem_shared>>
        tpu.enqueue_indirect_dma source(%arg16 : memref<40x128xf32, #tpu.memory_space<vmem>>) target(%dma_start3A_321 : memref<10240x128xf32, #tpu.memory_space<vmem_shared>>) offsets(%arg15 : memref<40xi32, #tpu.memory_space<vmem>>) semaphore(%arg35 : memref<!tpu.dma_semaphore, #tpu.memory_space<semaphore_mem>>) {add = true}
      } else {
      }
      %ge3A_235 = arith.constant 1 : i32
      %ge3A_236 = arith.cmpi sge, %add3A_229, %ge3A_235 : i32
      %sub3A_237 = arith.constant 1 : i32
      %sub3A_238 = arith.subi %add3A_229, %sub3A_237 : i32
      %lt3A_239 = arith.constant 250 : i32
      %lt3A_240 = arith.cmpi slt, %sub3A_238, %lt3A_239 : i32
      %and3A_241 = arith.andi %ge3A_236, %lt3A_240 : i1
      %convert_element_type3A_242 = arith.extui %and3A_241 : i1 to i32
      %cond3A_243 = arith.constant 0 : i32
      %cond3A_244 = arith.cmpi ne, %convert_element_type3A_242, %cond3A_243 : i32
      scf.if %cond3A_244 {
        %dma_wait3A_276 = arith.constant 0 : i32
        %dma_wait3A_277 = arith.constant 0 : i32
        %dma_wait3A_278 = tpu.memref_slice %arg6[%dma_wait3A_276, %dma_wait3A_277] : memref<320000x128xf32, #tpu.memory_space<hbm>> -> memref<40x128xf32, #tpu.memory_space<hbm>>
        %dma_wait3A_279 = arith.constant 0 : i32
        %dma_wait3A_280 = arith.constant 0 : i32
        %dma_wait3A_281 = tpu.memref_slice %arg6[%dma_wait3A_279, %dma_wait3A_280] : memref<320000x128xf32, #tpu.memory_space<hbm>> -> memref<40x128xf32, #tpu.memory_space<hbm>>
        tpu.wait_dma2 semaphore(%arg28 : memref<!tpu.dma_semaphore, #tpu.memory_space<semaphore_mem>>) src(%arg11 : memref<40x128xf32, #tpu.memory_space<vmem>>) dst(%dma_wait3A_281 : memref<40x128xf32, #tpu.memory_space<hbm>>)
        %dma_wait3A_282 = arith.constant 0 : i32
        %dma_wait3A_283 = arith.constant 0 : i32
        %dma_wait3A_284 = tpu.memref_slice %arg23[%dma_wait3A_282, %dma_wait3A_283] : memref<10240x128xf32, #tpu.memory_space<vmem_shared>> -> memref<10240x128xf32, #tpu.memory_space<vmem_shared>>
        tpu.wait_indirect_dma semaphore(%arg29 : memref<!tpu.dma_semaphore, #tpu.memory_space<semaphore_mem>>) src(%arg11 : memref<40x128xf32, #tpu.memory_space<vmem>>) dst(%dma_wait3A_284 : memref<10240x128xf32, #tpu.memory_space<vmem_shared>>)
      } else {
      }
      %add3A_245 = arith.constant 2 : i32
      %add3A_246 = arith.addi %add3A_229, %add3A_245 : i32
      %lt3A_247 = arith.constant 250 : i32
      %lt3A_248 = arith.cmpi slt, %add3A_246, %lt3A_247 : i32
      %convert_element_type3A_249 = arith.extui %lt3A_248 : i1 to i32
      %cond3A_250 = arith.constant 0 : i32
      %cond3A_251 = arith.cmpi ne, %convert_element_type3A_249, %cond3A_250 : i32
      scf.if %cond3A_251 {
        %add3A_276 = arith.constant 2 : i32
        %add3A_277 = arith.addi %add3A_229, %add3A_276 : i32
        %mul3A_278 = arith.constant 32 : i32
        %mul3A_279 = arith.muli %add3A_277, %mul3A_278 : i32
        %add3A_280 = arith.addi %add3A, %mul3A_279 : i32
        %mul3A_281 = arith.constant 40 : i32
        %mul3A_282 = arith.muli %add3A_280, %mul3A_281 : i32
        %dma_wait3A_283 = tpu.memref_slice %arg4[%mul3A_282] : memref<320000xi32, #tpu.memory_space<hbm>> -> memref<40xi32, #tpu.memory_space<hbm>>
        %dma_wait3A_284 = tpu.memref_slice %arg4[%mul3A_282] : memref<320000xi32, #tpu.memory_space<hbm>> -> memref<40xi32, #tpu.memory_space<hbm>>
        tpu.wait_dma2 semaphore(%arg24 : memref<!tpu.dma_semaphore, #tpu.memory_space<semaphore_mem>>) src(%dma_wait3A_284 : memref<40xi32, #tpu.memory_space<hbm>>) dst(%arg8 : memref<40xi32, #tpu.memory_space<vmem>>)
        %dma_wait3A_285 = tpu.memref_slice %arg5[%mul3A_282] : memref<320000xi32, #tpu.memory_space<hbm>> -> memref<40xi32, #tpu.memory_space<hbm>>
        %dma_wait3A_286 = tpu.memref_slice %arg5[%mul3A_282] : memref<320000xi32, #tpu.memory_space<hbm>> -> memref<40xi32, #tpu.memory_space<hbm>>
        tpu.wait_dma2 semaphore(%arg25 : memref<!tpu.dma_semaphore, #tpu.memory_space<semaphore_mem>>) src(%dma_wait3A_286 : memref<40xi32, #tpu.memory_space<hbm>>) dst(%arg9 : memref<40xi32, #tpu.memory_space<vmem>>)
        %dma_start3A_287 = arith.constant 0 : i32
        %dma_start3A_288 = arith.constant 0 : i32
        %dma_start3A_289 = tpu.memref_slice %arg2[%dma_start3A_287, %dma_start3A_288] : memref<10000x128xf32, #tpu.memory_space<hbm>> -> memref<10000x128xf32, #tpu.memory_space<hbm>>
        tpu.enqueue_indirect_dma source(%dma_start3A_289 : memref<10000x128xf32, #tpu.memory_space<hbm>>) target(%arg11 : memref<40x128xf32, #tpu.memory_space<vmem>>) offsets(%arg8 : memref<40xi32, #tpu.memory_space<vmem>>) semaphore(%arg26 : memref<!tpu.dma_semaphore, #tpu.memory_space<semaphore_mem>>)
        %dma_start3A_290 = arith.constant 0 : i32
        %dma_start3A_291 = arith.constant 0 : i32
        %dma_start3A_292 = tpu.memref_slice %arg3[%dma_start3A_290, %dma_start3A_291] : memref<10000x128xf32, #tpu.memory_space<hbm>> -> memref<10000x128xf32, #tpu.memory_space<hbm>>
        tpu.enqueue_indirect_dma source(%dma_start3A_292 : memref<10000x128xf32, #tpu.memory_space<hbm>>) target(%arg12 : memref<40x128xf32, #tpu.memory_space<vmem>>) offsets(%arg9 : memref<40xi32, #tpu.memory_space<vmem>>) semaphore(%arg27 : memref<!tpu.dma_semaphore, #tpu.memory_space<semaphore_mem>>)
      } else {
      }
      %add3A_252 = arith.constant 2 : i32
      %add3A_253 = arith.addi %mul3A_211, %add3A_252 : i32
      %lt3A_254 = arith.constant 250 : i32
      %lt3A_255 = arith.cmpi slt, %add3A_253, %lt3A_254 : i32
      %convert_element_type3A_256 = arith.extui %lt3A_255 : i1 to i32
      %cond3A_257 = arith.constant 0 : i32
      %cond3A_258 = arith.cmpi ne, %convert_element_type3A_256, %cond3A_257 : i32
      scf.if %cond3A_258 {
        %dma_wait3A_276 = arith.constant 0 : i32
        %dma_wait3A_277 = arith.constant 0 : i32
        %dma_wait3A_278 = tpu.memref_slice %arg2[%dma_wait3A_276, %dma_wait3A_277] : memref<10000x128xf32, #tpu.memory_space<hbm>> -> memref<10000x128xf32, #tpu.memory_space<hbm>>
        tpu.wait_indirect_dma semaphore(%arg38 : memref<!tpu.dma_semaphore, #tpu.memory_space<semaphore_mem>>) src(%dma_wait3A_278 : memref<10000x128xf32, #tpu.memory_space<hbm>>) dst(%arg21 : memref<40x128xf32, #tpu.memory_space<vmem>>)
        %dma_wait3A_279 = arith.constant 0 : i32
        %dma_wait3A_280 = arith.constant 0 : i32
        %dma_wait3A_281 = tpu.memref_slice %arg3[%dma_wait3A_279, %dma_wait3A_280] : memref<10000x128xf32, #tpu.memory_space<hbm>> -> memref<10000x128xf32, #tpu.memory_space<hbm>>
        tpu.wait_indirect_dma semaphore(%arg39 : memref<!tpu.dma_semaphore, #tpu.memory_space<semaphore_mem>>) src(%dma_wait3A_281 : memref<10000x128xf32, #tpu.memory_space<hbm>>) dst(%arg22 : memref<40x128xf32, #tpu.memory_space<vmem>>)
        %get3A = arith.constant 0 : index
        %get3A_282 = tpu.vector_load %arg19[%get3A] {strides = array<i32>} : memref<40xi32, #tpu.memory_space<vmem>>, vector<16xi32>,
        %get3A_283 = vector.shape_cast %get3A_282 : vector<16xi32> to vector<16xi32>
        %swap3A = arith.constant 0 : index
        %swap3A_284 = tpu.vector_load %arg20[%swap3A] {strides = array<i32>} : memref<40xi32, #tpu.memory_space<vmem>>, vector<16xi32>,
        %swap3A_285 = vector.shape_cast %swap3A_284 : vector<16xi32> to vector<16xi32>
        %swap3A_286 = vector.shape_cast %get3A_283 : vector<16xi32> to vector<16xi32>
        tpu.vector_store %arg20[%swap3A], %swap3A_286 {strides = array<i32>} : memref<40xi32, #tpu.memory_space<vmem>>, vector<16xi32>,
        %get3A_287 = arith.constant 16 : index
        %get3A_288 = tpu.vector_load %arg19[%get3A_287] {strides = array<i32>} : memref<40xi32, #tpu.memory_space<vmem>>, vector<16xi32>,
        %get3A_289 = vector.shape_cast %get3A_288 : vector<16xi32> to vector<16xi32>
        %swap3A_290 = arith.constant 16 : index
        %swap3A_291 = tpu.vector_load %arg20[%swap3A_290] {strides = array<i32>} : memref<40xi32, #tpu.memory_space<vmem>>, vector<16xi32>,
        %swap3A_292 = vector.shape_cast %swap3A_291 : vector<16xi32> to vector<16xi32>
        %swap3A_293 = vector.shape_cast %get3A_289 : vector<16xi32> to vector<16xi32>
        tpu.vector_store %arg20[%swap3A_290], %swap3A_293 {strides = array<i32>} : memref<40xi32, #tpu.memory_space<vmem>>, vector<16xi32>,
        %get3A_294 = arith.constant 24 : index
        %get3A_295 = tpu.vector_load %arg19[%get3A_294] {strides = array<i32>} : memref<40xi32, #tpu.memory_space<vmem>>, vector<16xi32>,
        %get3A_296 = vector.shape_cast %get3A_295 : vector<16xi32> to vector<16xi32>
        %swap3A_297 = arith.constant 24 : index
        %swap3A_298 = tpu.vector_load %arg20[%swap3A_297] {strides = array<i32>} : memref<40xi32, #tpu.memory_space<vmem>>, vector<16xi32>,
        %swap3A_299 = vector.shape_cast %swap3A_298 : vector<16xi32> to vector<16xi32>
        %swap3A_300 = vector.shape_cast %get3A_296 : vector<16xi32> to vector<16xi32>
        tpu.vector_store %arg20[%swap3A_297], %swap3A_300 {strides = array<i32>} : memref<40xi32, #tpu.memory_space<vmem>>, vector<16xi32>,
        %add3A_301 = arith.constant 3 : i32
        %add3A_302 = arith.addi %add3A_253, %add3A_301 : i32
        %lt3A_303 = arith.constant 250 : i32
        %lt3A_304 = arith.cmpi slt, %add3A_302, %lt3A_303 : i32
        %convert_element_type3A_305 = arith.extui %lt3A_304 : i1 to i32
        %cond3A_306 = arith.constant 0 : i32
        %cond3A_307 = arith.cmpi ne, %convert_element_type3A_305, %cond3A_306 : i32
        scf.if %cond3A_307 {
          %add3A_322 = arith.constant 3 : i32
          %add3A_323 = arith.addi %add3A_253, %add3A_322 : i32
          %mul3A_324 = arith.constant 32 : i32
          %mul3A_325 = arith.muli %add3A_323, %mul3A_324 : i32
          %add3A_326 = arith.addi %add3A, %mul3A_325 : i32
          %mul3A_327 = arith.constant 40 : i32
          %mul3A_328 = arith.muli %add3A_326, %mul3A_327 : i32
          %dma_start3A_329 = tpu.memref_slice %arg4[%mul3A_328] : memref<320000xi32, #tpu.memory_space<hbm>> -> memref<40xi32, #tpu.memory_space<hbm>>
          %dma_start3A_330 = tpu.memref_slice %arg4[%mul3A_328] : memref<320000xi32, #tpu.memory_space<hbm>> -> memref<40xi32, #tpu.memory_space<hbm>>
          tpu.enqueue_dma source(%dma_start3A_330 : memref<40xi32, #tpu.memory_space<hbm>>) target(%arg18 : memref<40xi32, #tpu.memory_space<vmem>>) target_semaphore(%arg36 : memref<!tpu.dma_semaphore, #tpu.memory_space<semaphore_mem>>)
          %dma_start3A_331 = tpu.memref_slice %arg5[%mul3A_328] : memref<320000xi32, #tpu.memory_space<hbm>> -> memref<40xi32, #tpu.memory_space<hbm>>
          %dma_start3A_332 = tpu.memref_slice %arg5[%mul3A_328] : memref<320000xi32, #tpu.memory_space<hbm>> -> memref<40xi32, #tpu.memory_space<hbm>>
          tpu.enqueue_dma source(%dma_start3A_332 : memref<40xi32, #tpu.memory_space<hbm>>) target(%arg19 : memref<40xi32, #tpu.memory_space<vmem>>) target_semaphore(%arg37 : memref<!tpu.dma_semaphore, #tpu.memory_space<semaphore_mem>>)
        } else {
        }
        %mul3A_308 = arith.constant 32 : i32
        %mul3A_309 = arith.muli %add3A_253, %mul3A_308 : i32
        %add3A_310 = arith.addi %add3A, %mul3A_309 : i32
        %mul3A_311 = arith.constant 40 : i32
        %mul3A_312 = arith.muli %add3A_310, %mul3A_311 : i32
        %parallel_loop3A = arith.constant 0 : i32
        %parallel_loop3A_313 = arith.constant 40 : i32
        %parallel_loop3A_314 = arith.constant 1 : i32
        scf.for %parallel_loop3A_322 = %parallel_loop3A to %parallel_loop3A_313 step %parallel_loop3A_314  : i32 {
          %parallel_loop3A_323 = arith.index_cast %parallel_loop3A_322 : i32 to index
          %parallel_loop3A_324 = arith.constant 0 : index
          %parallel_loop3A_325 = tpu.vector_load %arg22[%parallel_loop3A_323, %parallel_loop3A_324] {strides = array<i32>} : memref<40x128xf32, #tpu.memory_space<vmem>>, vector<1x16xf32>,
          %parallel_loop3A_326 = vector.shape_cast %parallel_loop3A_325 : vector<1x16xf32> to vector<16xf32>
          %parallel_loop3A_327 = arith.index_cast %parallel_loop3A_322 : i32 to index
          %parallel_loop3A_328 = arith.constant 0 : index
          %parallel_loop3A_329 = tpu.vector_load %arg21[%parallel_loop3A_327, %parallel_loop3A_328] {strides = array<i32>} : memref<40x128xf32, #tpu.memory_space<vmem>>, vector<1x16xf32>,
          %parallel_loop3A_330 = vector.shape_cast %parallel_loop3A_329 : vector<1x16xf32> to vector<16xf32>
          %parallel_loop3A_331 = vector.shape_cast %parallel_loop3A_326 : vector<16xf32> to vector<1x16xf32>
          tpu.vector_store %arg21[%parallel_loop3A_327, %parallel_loop3A_328], %parallel_loop3A_331 {add = true, strides = array<i32>} : memref<40x128xf32, #tpu.memory_space<vmem>>, vector<1x16xf32>,
          %parallel_loop3A_332 = arith.index_cast %parallel_loop3A_322 : i32 to index
          %parallel_loop3A_333 = arith.constant 16 : index
          %parallel_loop3A_334 = tpu.vector_load %arg22[%parallel_loop3A_332, %parallel_loop3A_333] {strides = array<i32>} : memref<40x128xf32, #tpu.memory_space<vmem>>, vector<1x16xf32>,
          %parallel_loop3A_335 = vector.shape_cast %parallel_loop3A_334 : vector<1x16xf32> to vector<16xf32>
          %parallel_loop3A_336 = arith.index_cast %parallel_loop3A_322 : i32 to index
          %parallel_loop3A_337 = arith.constant 16 : index
          %parallel_loop3A_338 = tpu.vector_load %arg21[%parallel_loop3A_336, %parallel_loop3A_337] {strides = array<i32>} : memref<40x128xf32, #tpu.memory_space<vmem>>, vector<1x16xf32>,
          %parallel_loop3A_339 = vector.shape_cast %parallel_loop3A_338 : vector<1x16xf32> to vector<16xf32>
          %parallel_loop3A_340 = vector.shape_cast %parallel_loop3A_335 : vector<16xf32> to vector<1x16xf32>
          tpu.vector_store %arg21[%parallel_loop3A_336, %parallel_loop3A_337], %parallel_loop3A_340 {add = true, strides = array<i32>} : memref<40x128xf32, #tpu.memory_space<vmem>>, vector<1x16xf32>,
          %parallel_loop3A_341 = arith.index_cast %parallel_loop3A_322 : i32 to index
          %parallel_loop3A_342 = arith.constant 32 : index
          %parallel_loop3A_343 = tpu.vector_load %arg22[%parallel_loop3A_341, %parallel_loop3A_342] {strides = array<i32>} : memref<40x128xf32, #tpu.memory_space<vmem>>, vector<1x16xf32>,
          %parallel_loop3A_344 = vector.shape_cast %parallel_loop3A_343 : vector<1x16xf32> to vector<16xf32>
          %parallel_loop3A_345 = arith.index_cast %parallel_loop3A_322 : i32 to index
          %parallel_loop3A_346 = arith.constant 32 : index
          %parallel_loop3A_347 = tpu.vector_load %arg21[%parallel_loop3A_345, %parallel_loop3A_346] {strides = array<i32>} : memref<40x128xf32, #tpu.memory_space<vmem>>, vector<1x16xf32>,
          %parallel_loop3A_348 = vector.shape_cast %parallel_loop3A_347 : vector<1x16xf32> to vector<16xf32>
          %parallel_loop3A_349 = vector.shape_cast %parallel_loop3A_344 : vector<16xf32> to vector<1x16xf32>
          tpu.vector_store %arg21[%parallel_loop3A_345, %parallel_loop3A_346], %parallel_loop3A_349 {add = true, strides = array<i32>} : memref<40x128xf32, #tpu.memory_space<vmem>>, vector<1x16xf32>,
          %parallel_loop3A_350 = arith.index_cast %parallel_loop3A_322 : i32 to index
          %parallel_loop3A_351 = arith.constant 48 : index
          %parallel_loop3A_352 = tpu.vector_load %arg22[%parallel_loop3A_350, %parallel_loop3A_351] {strides = array<i32>} : memref<40x128xf32, #tpu.memory_space<vmem>>, vector<1x16xf32>,
          %parallel_loop3A_353 = vector.shape_cast %parallel_loop3A_352 : vector<1x16xf32> to vector<16xf32>
          %parallel_loop3A_354 = arith.index_cast %parallel_loop3A_322 : i32 to index
          %parallel_loop3A_355 = arith.constant 48 : index
          %parallel_loop3A_356 = tpu.vector_load %arg21[%parallel_loop3A_354, %parallel_loop3A_355] {strides = array<i32>} : memref<40x128xf32, #tpu.memory_space<vmem>>, vector<1x16xf32>,
          %parallel_loop3A_357 = vector.shape_cast %parallel_loop3A_356 : vector<1x16xf32> to vector<16xf32>
          %parallel_loop3A_358 = vector.shape_cast %parallel_loop3A_353 : vector<16xf32> to vector<1x16xf32>
          tpu.vector_store %arg21[%parallel_loop3A_354, %parallel_loop3A_355], %parallel_loop3A_358 {add = true, strides = array<i32>} : memref<40x128xf32, #tpu.memory_space<vmem>>, vector<1x16xf32>,
          %parallel_loop3A_359 = arith.index_cast %parallel_loop3A_322 : i32 to index
          %parallel_loop3A_360 = arith.constant 64 : index
          %parallel_loop3A_361 = tpu.vector_load %arg22[%parallel_loop3A_359, %parallel_loop3A_360] {strides = array<i32>} : memref<40x128xf32, #tpu.memory_space<vmem>>, vector<1x16xf32>,
          %parallel_loop3A_362 = vector.shape_cast %parallel_loop3A_361 : vector<1x16xf32> to vector<16xf32>
          %parallel_loop3A_363 = arith.index_cast %parallel_loop3A_322 : i32 to index
          %parallel_loop3A_364 = arith.constant 64 : index
          %parallel_loop3A_365 = tpu.vector_load %arg21[%parallel_loop3A_363, %parallel_loop3A_364] {strides = array<i32>} : memref<40x128xf32, #tpu.memory_space<vmem>>, vector<1x16xf32>,
          %parallel_loop3A_366 = vector.shape_cast %parallel_loop3A_365 : vector<1x16xf32> to vector<16xf32>
          %parallel_loop3A_367 = vector.shape_cast %parallel_loop3A_362 : vector<16xf32> to vector<1x16xf32>
          tpu.vector_store %arg21[%parallel_loop3A_363, %parallel_loop3A_364], %parallel_loop3A_367 {add = true, strides = array<i32>} : memref<40x128xf32, #tpu.memory_space<vmem>>, vector<1x16xf32>,
          %parallel_loop3A_368 = arith.index_cast %parallel_loop3A_322 : i32 to index
          %parallel_loop3A_369 = arith.constant 80 : index
          %parallel_loop3A_370 = tpu.vector_load %arg22[%parallel_loop3A_368, %parallel_loop3A_369] {strides = array<i32>} : memref<40x128xf32, #tpu.memory_space<vmem>>, vector<1x16xf32>,
          %parallel_loop3A_371 = vector.shape_cast %parallel_loop3A_370 : vector<1x16xf32> to vector<16xf32>
          %parallel_loop3A_372 = arith.index_cast %parallel_loop3A_322 : i32 to index
          %parallel_loop3A_373 = arith.constant 80 : index
          %parallel_loop3A_374 = tpu.vector_load %arg21[%parallel_loop3A_372, %parallel_loop3A_373] {strides = array<i32>} : memref<40x128xf32, #tpu.memory_space<vmem>>, vector<1x16xf32>,
          %parallel_loop3A_375 = vector.shape_cast %parallel_loop3A_374 : vector<1x16xf32> to vector<16xf32>
          %parallel_loop3A_376 = vector.shape_cast %parallel_loop3A_371 : vector<16xf32> to vector<1x16xf32>
          tpu.vector_store %arg21[%parallel_loop3A_372, %parallel_loop3A_373], %parallel_loop3A_376 {add = true, strides = array<i32>} : memref<40x128xf32, #tpu.memory_space<vmem>>, vector<1x16xf32>,
          %parallel_loop3A_377 = arith.index_cast %parallel_loop3A_322 : i32 to index
          %parallel_loop3A_378 = arith.constant 96 : index
          %parallel_loop3A_379 = tpu.vector_load %arg22[%parallel_loop3A_377, %parallel_loop3A_378] {strides = array<i32>} : memref<40x128xf32, #tpu.memory_space<vmem>>, vector<1x16xf32>,
          %parallel_loop3A_380 = vector.shape_cast %parallel_loop3A_379 : vector<1x16xf32> to vector<16xf32>
          %parallel_loop3A_381 = arith.index_cast %parallel_loop3A_322 : i32 to index
          %parallel_loop3A_382 = arith.constant 96 : index
          %parallel_loop3A_383 = tpu.vector_load %arg21[%parallel_loop3A_381, %parallel_loop3A_382] {strides = array<i32>} : memref<40x128xf32, #tpu.memory_space<vmem>>, vector<1x16xf32>,
          %parallel_loop3A_384 = vector.shape_cast %parallel_loop3A_383 : vector<1x16xf32> to vector<16xf32>
          %parallel_loop3A_385 = vector.shape_cast %parallel_loop3A_380 : vector<16xf32> to vector<1x16xf32>
          tpu.vector_store %arg21[%parallel_loop3A_381, %parallel_loop3A_382], %parallel_loop3A_385 {add = true, strides = array<i32>} : memref<40x128xf32, #tpu.memory_space<vmem>>, vector<1x16xf32>,
          %parallel_loop3A_386 = arith.index_cast %parallel_loop3A_322 : i32 to index
          %parallel_loop3A_387 = arith.constant 112 : index
          %parallel_loop3A_388 = tpu.vector_load %arg22[%parallel_loop3A_386, %parallel_loop3A_387] {strides = array<i32>} : memref<40x128xf32, #tpu.memory_space<vmem>>, vector<1x16xf32>,
          %parallel_loop3A_389 = vector.shape_cast %parallel_loop3A_388 : vector<1x16xf32> to vector<16xf32>
          %parallel_loop3A_390 = arith.index_cast %parallel_loop3A_322 : i32 to index
          %parallel_loop3A_391 = arith.constant 112 : index
          %parallel_loop3A_392 = tpu.vector_load %arg21[%parallel_loop3A_390, %parallel_loop3A_391] {strides = array<i32>} : memref<40x128xf32, #tpu.memory_space<vmem>>, vector<1x16xf32>,
          %parallel_loop3A_393 = vector.shape_cast %parallel_loop3A_392 : vector<1x16xf32> to vector<16xf32>
          %parallel_loop3A_394 = vector.shape_cast %parallel_loop3A_389 : vector<16xf32> to vector<1x16xf32>
          tpu.vector_store %arg21[%parallel_loop3A_390, %parallel_loop3A_391], %parallel_loop3A_394 {add = true, strides = array<i32>} : memref<40x128xf32, #tpu.memory_space<vmem>>, vector<1x16xf32>,
        } {sc.loop_unroll_factor = 4 : i64, sc.parallel_access}
        %dma_start3A_315 = arith.constant 0 : i32
        %dma_start3A_316 = tpu.memref_slice %arg6[%mul3A_312, %dma_start3A_315] : memref<320000x128xf32, #tpu.memory_space<hbm>> -> memref<40x128xf32, #tpu.memory_space<hbm>>
        %dma_start3A_317 = arith.constant 0 : i32
        %dma_start3A_318 = tpu.memref_slice %arg6[%mul3A_312, %dma_start3A_317] : memref<320000x128xf32, #tpu.memory_space<hbm>> -> memref<40x128xf32, #tpu.memory_space<hbm>>
        tpu.enqueue_dma source(%arg21 : memref<40x128xf32, #tpu.memory_space<vmem>>) target(%dma_start3A_318 : memref<40x128xf32, #tpu.memory_space<hbm>>) target_semaphore(%arg40 : memref<!tpu.dma_semaphore, #tpu.memory_space<semaphore_mem>>)
        %dma_start3A_319 = arith.constant 0 : i32
        %dma_start3A_320 = arith.constant 0 : i32
        %dma_start3A_321 = tpu.memref_slice %arg23[%dma_start3A_319, %dma_start3A_320] : memref<10240x128xf32, #tpu.memory_space<vmem_shared>> -> memref<10240x128xf32, #tpu.memory_space<vmem_shared>>
        tpu.enqueue_indirect_dma source(%arg21 : memref<40x128xf32, #tpu.memory_space<vmem>>) target(%dma_start3A_321 : memref<10240x128xf32, #tpu.memory_space<vmem_shared>>) offsets(%arg20 : memref<40xi32, #tpu.memory_space<vmem>>) semaphore(%arg41 : memref<!tpu.dma_semaphore, #tpu.memory_space<semaphore_mem>>) {add = true}
      } else {
      }
      %ge3A_259 = arith.constant 1 : i32
      %ge3A_260 = arith.cmpi sge, %add3A_253, %ge3A_259 : i32
      %sub3A_261 = arith.constant 1 : i32
      %sub3A_262 = arith.subi %add3A_253, %sub3A_261 : i32
      %lt3A_263 = arith.constant 250 : i32
      %lt3A_264 = arith.cmpi slt, %sub3A_262, %lt3A_263 : i32
      %and3A_265 = arith.andi %ge3A_260, %lt3A_264 : i1
      %convert_element_type3A_266 = arith.extui %and3A_265 : i1 to i32
      %cond3A_267 = arith.constant 0 : i32
      %cond3A_268 = arith.cmpi ne, %convert_element_type3A_266, %cond3A_267 : i32
      scf.if %cond3A_268 {
        %dma_wait3A_276 = arith.constant 0 : i32
        %dma_wait3A_277 = arith.constant 0 : i32
        %dma_wait3A_278 = tpu.memref_slice %arg6[%dma_wait3A_276, %dma_wait3A_277] : memref<320000x128xf32, #tpu.memory_space<hbm>> -> memref<40x128xf32, #tpu.memory_space<hbm>>
        %dma_wait3A_279 = arith.constant 0 : i32
        %dma_wait3A_280 = arith.constant 0 : i32
        %dma_wait3A_281 = tpu.memref_slice %arg6[%dma_wait3A_279, %dma_wait3A_280] : memref<320000x128xf32, #tpu.memory_space<hbm>> -> memref<40x128xf32, #tpu.memory_space<hbm>>
        tpu.wait_dma2 semaphore(%arg34 : memref<!tpu.dma_semaphore, #tpu.memory_space<semaphore_mem>>) src(%arg16 : memref<40x128xf32, #tpu.memory_space<vmem>>) dst(%dma_wait3A_281 : memref<40x128xf32, #tpu.memory_space<hbm>>)
        %dma_wait3A_282 = arith.constant 0 : i32
        %dma_wait3A_283 = arith.constant 0 : i32
        %dma_wait3A_284 = tpu.memref_slice %arg23[%dma_wait3A_282, %dma_wait3A_283] : memref<10240x128xf32, #tpu.memory_space<vmem_shared>> -> memref<10240x128xf32, #tpu.memory_space<vmem_shared>>
        tpu.wait_indirect_dma semaphore(%arg35 : memref<!tpu.dma_semaphore, #tpu.memory_space<semaphore_mem>>) src(%arg16 : memref<40x128xf32, #tpu.memory_space<vmem>>) dst(%dma_wait3A_284 : memref<10240x128xf32, #tpu.memory_space<vmem_shared>>)
      } else {
      }
      %add3A_269 = arith.constant 2 : i32
      %add3A_270 = arith.addi %add3A_253, %add3A_269 : i32
      %lt3A_271 = arith.constant 250 : i32
      %lt3A_272 = arith.cmpi slt, %add3A_270, %lt3A_271 : i32
      %convert_element_type3A_273 = arith.extui %lt3A_272 : i1 to i32
      %cond3A_274 = arith.constant 0 : i32
      %cond3A_275 = arith.cmpi ne, %convert_element_type3A_273, %cond3A_274 : i32
      scf.if %cond3A_275 {
        %add3A_276 = arith.constant 2 : i32
        %add3A_277 = arith.addi %add3A_253, %add3A_276 : i32
        %mul3A_278 = arith.constant 32 : i32
        %mul3A_279 = arith.muli %add3A_277, %mul3A_278 : i32
        %add3A_280 = arith.addi %add3A, %mul3A_279 : i32
        %mul3A_281 = arith.constant 40 : i32
        %mul3A_282 = arith.muli %add3A_280, %mul3A_281 : i32
        %dma_wait3A_283 = tpu.memref_slice %arg4[%mul3A_282] : memref<320000xi32, #tpu.memory_space<hbm>> -> memref<40xi32, #tpu.memory_space<hbm>>
        %dma_wait3A_284 = tpu.memref_slice %arg4[%mul3A_282] : memref<320000xi32, #tpu.memory_space<hbm>> -> memref<40xi32, #tpu.memory_space<hbm>>
        tpu.wait_dma2 semaphore(%arg30 : memref<!tpu.dma_semaphore, #tpu.memory_space<semaphore_mem>>) src(%dma_wait3A_284 : memref<40xi32, #tpu.memory_space<hbm>>) dst(%arg13 : memref<40xi32, #tpu.memory_space<vmem>>)
        %dma_wait3A_285 = tpu.memref_slice %arg5[%mul3A_282] : memref<320000xi32, #tpu.memory_space<hbm>> -> memref<40xi32, #tpu.memory_space<hbm>>
        %dma_wait3A_286 = tpu.memref_slice %arg5[%mul3A_282] : memref<320000xi32, #tpu.memory_space<hbm>> -> memref<40xi32, #tpu.memory_space<hbm>>
        tpu.wait_dma2 semaphore(%arg31 : memref<!tpu.dma_semaphore, #tpu.memory_space<semaphore_mem>>) src(%dma_wait3A_286 : memref<40xi32, #tpu.memory_space<hbm>>) dst(%arg14 : memref<40xi32, #tpu.memory_space<vmem>>)
        %dma_start3A_287 = arith.constant 0 : i32
        %dma_start3A_288 = arith.constant 0 : i32
        %dma_start3A_289 = tpu.memref_slice %arg2[%dma_start3A_287, %dma_start3A_288] : memref<10000x128xf32, #tpu.memory_space<hbm>> -> memref<10000x128xf32, #tpu.memory_space<hbm>>
        tpu.enqueue_indirect_dma source(%dma_start3A_289 : memref<10000x128xf32, #tpu.memory_space<hbm>>) target(%arg16 : memref<40x128xf32, #tpu.memory_space<vmem>>) offsets(%arg13 : memref<40xi32, #tpu.memory_space<vmem>>) semaphore(%arg32 : memref<!tpu.dma_semaphore, #tpu.memory_space<semaphore_mem>>)
        %dma_start3A_290 = arith.constant 0 : i32
        %dma_start3A_291 = arith.constant 0 : i32
        %dma_start3A_292 = tpu.memref_slice %arg3[%dma_start3A_290, %dma_start3A_291] : memref<10000x128xf32, #tpu.memory_space<hbm>> -> memref<10000x128xf32, #tpu.memory_space<hbm>>
        tpu.enqueue_indirect_dma source(%dma_start3A_292 : memref<10000x128xf32, #tpu.memory_space<hbm>>) target(%arg17 : memref<40x128xf32, #tpu.memory_space<vmem>>) offsets(%arg14 : memref<40xi32, #tpu.memory_space<vmem>>) semaphore(%arg33 : memref<!tpu.dma_semaphore, #tpu.memory_space<semaphore_mem>>)
      } else {
      }
    }
    %scan3A_95 = arith.constant 84 : i32
    %barrier3A_96 = arith.constant 0 : index
    tpu.barrier barrier_id(%barrier3A_96)
    %add3A_97 = arith.constant 0 : i32
    %add3A_98 = arith.addi %mul3A_7, %add3A_97 : i32
    "tpu.region"() ({
      %run_scoped3A = tpu.sem_alloc : memref<!tpu.dma_semaphore, #tpu.memory_space<semaphore_mem>>
      %dma_start3A_209 = arith.constant 0 : i32
      %dma_start3A_210 = tpu.memref_slice %arg23[%add3A_98, %dma_start3A_209] : memref<10240x128xf32, #tpu.memory_space<vmem_shared>> -> memref<40x128xf32, #tpu.memory_space<vmem_shared>>
      %dma_start3A_211 = arith.constant 0 : i32
      %dma_start3A_212 = tpu.memref_slice %arg23[%add3A_98, %dma_start3A_211] : memref<10240x128xf32, #tpu.memory_space<vmem_shared>> -> memref<40x128xf32, #tpu.memory_space<vmem_shared>>
      tpu.enqueue_dma source(%dma_start3A_212 : memref<40x128xf32, #tpu.memory_space<vmem_shared>>) target(%arg11 : memref<40x128xf32, #tpu.memory_space<vmem>>) target_semaphore(%run_scoped3A : memref<!tpu.dma_semaphore, #tpu.memory_space<semaphore_mem>>)
      %dma_wait3A_213 = arith.constant 0 : i32
      %dma_wait3A_214 = tpu.memref_slice %arg23[%add3A_98, %dma_wait3A_213] : memref<10240x128xf32, #tpu.memory_space<vmem_shared>> -> memref<40x128xf32, #tpu.memory_space<vmem_shared>>
      %dma_wait3A_215 = arith.constant 0 : i32
      %dma_wait3A_216 = tpu.memref_slice %arg23[%add3A_98, %dma_wait3A_215] : memref<10240x128xf32, #tpu.memory_space<vmem_shared>> -> memref<40x128xf32, #tpu.memory_space<vmem_shared>>
      tpu.wait_dma2 semaphore(%run_scoped3A : memref<!tpu.dma_semaphore, #tpu.memory_space<semaphore_mem>>) src(%dma_wait3A_216 : memref<40x128xf32, #tpu.memory_space<vmem_shared>>) dst(%arg11 : memref<40x128xf32, #tpu.memory_space<vmem>>)
      tpu.yield
    }) : () -> ()
    %mul3A_99 = arith.constant 10240 : i32
    %mul3A_100 = arith.muli %arg0, %mul3A_99 : i32
    %add3A_101 = arith.addi %mul3A_100, %mul3A_7 : i32
    %add3A_102 = arith.constant 0 : i32
    %add3A_103 = arith.addi %add3A_101, %add3A_102 : i32
    "tpu.region"() ({
      %run_scoped3A = tpu.sem_alloc : memref<!tpu.dma_semaphore, #tpu.memory_space<semaphore_mem>>
      %dma_start3A_209 = arith.constant 0 : i32
      %dma_start3A_210 = tpu.memref_slice %arg7[%add3A_103, %dma_start3A_209] : memref<20480x128xf32, #tpu.memory_space<hbm>> -> memref<40x128xf32, #tpu.memory_space<hbm>>
      %dma_start3A_211 = arith.constant 0 : i32
      %dma_start3A_212 = tpu.memref_slice %arg7[%add3A_103, %dma_start3A_211] : memref<20480x128xf32, #tpu.memory_space<hbm>> -> memref<40x128xf32, #tpu.memory_space<hbm>>
      tpu.enqueue_dma source(%arg11 : memref<40x128xf32, #tpu.memory_space<vmem>>) target(%dma_start3A_212 : memref<40x128xf32, #tpu.memory_space<hbm>>) target_semaphore(%run_scoped3A : memref<!tpu.dma_semaphore, #tpu.memory_space<semaphore_mem>>)
      %dma_wait3A_213 = arith.constant 0 : i32
      %dma_wait3A_214 = tpu.memref_slice %arg7[%add3A_103, %dma_wait3A_213] : memref<20480x128xf32, #tpu.memory_space<hbm>> -> memref<40x128xf32, #tpu.memory_space<hbm>>
      %dma_wait3A_215 = arith.constant 0 : i32
      %dma_wait3A_216 = tpu.memref_slice %arg7[%add3A_103, %dma_wait3A_215] : memref<20480x128xf32, #tpu.memory_space<hbm>> -> memref<40x128xf32, #tpu.memory_space<hbm>>
      tpu.wait_dma2 semaphore(%run_scoped3A : memref<!tpu.dma_semaphore, #tpu.memory_space<semaphore_mem>>) src(%arg11 : memref<40x128xf32, #tpu.memory_space<vmem>>) dst(%dma_wait3A_216 : memref<40x128xf32, #tpu.memory_space<hbm>>)
      tpu.yield
    }) : () -> ()
    %add3A_104 = arith.constant 40 : i32
    %add3A_105 = arith.addi %mul3A_7, %add3A_104 : i32
    "tpu.region"() ({
      %run_scoped3A = tpu.sem_alloc : memref<!tpu.dma_semaphore, #tpu.memory_space<semaphore_mem>>
      %dma_start3A_209 = arith.constant 0 : i32
      %dma_start3A_210 = tpu.memref_slice %arg23[%add3A_105, %dma_start3A_209] : memref<10240x128xf32, #tpu.memory_space<vmem_shared>> -> memref<40x128xf32, #tpu.memory_space<vmem_shared>>
      %dma_start3A_211 = arith.constant 0 : i32
      %dma_start3A_212 = tpu.memref_slice %arg23[%add3A_105, %dma_start3A_211] : memref<10240x128xf32, #tpu.memory_space<vmem_shared>> -> memref<40x128xf32, #tpu.memory_space<vmem_shared>>
      tpu.enqueue_dma source(%dma_start3A_212 : memref<40x128xf32, #tpu.memory_space<vmem_shared>>) target(%arg11 : memref<40x128xf32, #tpu.memory_space<vmem>>) target_semaphore(%run_scoped3A : memref<!tpu.dma_semaphore, #tpu.memory_space<semaphore_mem>>)
      %dma_wait3A_213 = arith.constant 0 : i32
      %dma_wait3A_214 = tpu.memref_slice %arg23[%add3A_105, %dma_wait3A_213] : memref<10240x128xf32, #tpu.memory_space<vmem_shared>> -> memref<40x128xf32, #tpu.memory_space<vmem_shared>>
      %dma_wait3A_215 = arith.constant 0 : i32
      %dma_wait3A_216 = tpu.memref_slice %arg23[%add3A_105, %dma_wait3A_215] : memref<10240x128xf32, #tpu.memory_space<vmem_shared>> -> memref<40x128xf32, #tpu.memory_space<vmem_shared>>
      tpu.wait_dma2 semaphore(%run_scoped3A : memref<!tpu.dma_semaphore, #tpu.memory_space<semaphore_mem>>) src(%dma_wait3A_216 : memref<40x128xf32, #tpu.memory_space<vmem_shared>>) dst(%arg11 : memref<40x128xf32, #tpu.memory_space<vmem>>)
      tpu.yield
    }) : () -> ()
    %mul3A_106 = arith.constant 10240 : i32
    %mul3A_107 = arith.muli %arg0, %mul3A_106 : i32
    %add3A_108 = arith.addi %mul3A_107, %mul3A_7 : i32
    %add3A_109 = arith.constant 40 : i32
    %add3A_110 = arith.addi %add3A_108, %add3A_109 : i32
    "tpu.region"() ({
      %run_scoped3A = tpu.sem_alloc : memref<!tpu.dma_semaphore, #tpu.memory_space<semaphore_mem>>
      %dma_start3A_209 = arith.constant 0 : i32
      %dma_start3A_210 = tpu.memref_slice %arg7[%add3A_110, %dma_start3A_209] : memref<20480x128xf32, #tpu.memory_space<hbm>> -> memref<40x128xf32, #tpu.memory_space<hbm>>
      %dma_start3A_211 = arith.constant 0 : i32
      %dma_start3A_212 = tpu.memref_slice %arg7[%add3A_110, %dma_start3A_211] : memref<20480x128xf32, #tpu.memory_space<hbm>> -> memref<40x128xf32, #tpu.memory_space<hbm>>
      tpu.enqueue_dma source(%arg11 : memref<40x128xf32, #tpu.memory_space<vmem>>) target(%dma_start3A_212 : memref<40x128xf32, #tpu.memory_space<hbm>>) target_semaphore(%run_scoped3A : memref<!tpu.dma_semaphore, #tpu.memory_space<semaphore_mem>>)
      %dma_wait3A_213 = arith.constant 0 : i32
      %dma_wait3A_214 = tpu.memref_slice %arg7[%add3A_110, %dma_wait3A_213] : memref<20480x128xf32, #tpu.memory_space<hbm>> -> memref<40x128xf32, #tpu.memory_space<hbm>>
      %dma_wait3A_215 = arith.constant 0 : i32
      %dma_wait3A_216 = tpu.memref_slice %arg7[%add3A_110, %dma_wait3A_215] : memref<20480x128xf32, #tpu.memory_space<hbm>> -> memref<40x128xf32, #tpu.memory_space<hbm>>
      tpu.wait_dma2 semaphore(%run_scoped3A : memref<!tpu.dma_semaphore, #tpu.memory_space<semaphore_mem>>) src(%arg11 : memref<40x128xf32, #tpu.memory_space<vmem>>) dst(%dma_wait3A_216 : memref<40x128xf32, #tpu.memory_space<hbm>>)
      tpu.yield
    }) : () -> ()
    %add3A_111 = arith.constant 80 : i32
    %add3A_112 = arith.addi %mul3A_7, %add3A_111 : i32
    "tpu.region"() ({
      %run_scoped3A = tpu.sem_alloc : memref<!tpu.dma_semaphore, #tpu.memory_space<semaphore_mem>>
      %dma_start3A_209 = arith.constant 0 : i32
      %dma_start3A_210 = tpu.memref_slice %arg23[%add3A_112, %dma_start3A_209] : memref<10240x128xf32, #tpu.memory_space<vmem_shared>> -> memref<40x128xf32, #tpu.memory_space<vmem_shared>>
      %dma_start3A_211 = arith.constant 0 : i32
      %dma_start3A_212 = tpu.memref_slice %arg23[%add3A_112, %dma_start3A_211] : memref<10240x128xf32, #tpu.memory_space<vmem_shared>> -> memref<40x128xf32, #tpu.memory_space<vmem_shared>>
      tpu.enqueue_dma source(%dma_start3A_212 : memref<40x128xf32, #tpu.memory_space<vmem_shared>>) target(%arg11 : memref<40x128xf32, #tpu.memory_space<vmem>>) target_semaphore(%run_scoped3A : memref<!tpu.dma_semaphore, #tpu.memory_space<semaphore_mem>>)
      %dma_wait3A_213 = arith.constant 0 : i32
      %dma_wait3A_214 = tpu.memref_slice %arg23[%add3A_112, %dma_wait3A_213] : memref<10240x128xf32, #tpu.memory_space<vmem_shared>> -> memref<40x128xf32, #tpu.memory_space<vmem_shared>>
      %dma_wait3A_215 = arith.constant 0 : i32
      %dma_wait3A_216 = tpu.memref_slice %arg23[%add3A_112, %dma_wait3A_215] : memref<10240x128xf32, #tpu.memory_space<vmem_shared>> -> memref<40x128xf32, #tpu.memory_space<vmem_shared>>
      tpu.wait_dma2 semaphore(%run_scoped3A : memref<!tpu.dma_semaphore, #tpu.memory_space<semaphore_mem>>) src(%dma_wait3A_216 : memref<40x128xf32, #tpu.memory_space<vmem_shared>>) dst(%arg11 : memref<40x128xf32, #tpu.memory_space<vmem>>)
      tpu.yield
    }) : () -> ()
    %mul3A_113 = arith.constant 10240 : i32
    %mul3A_114 = arith.muli %arg0, %mul3A_113 : i32
    %add3A_115 = arith.addi %mul3A_114, %mul3A_7 : i32
    %add3A_116 = arith.constant 80 : i32
    %add3A_117 = arith.addi %add3A_115, %add3A_116 : i32
    "tpu.region"() ({
      %run_scoped3A = tpu.sem_alloc : memref<!tpu.dma_semaphore, #tpu.memory_space<semaphore_mem>>
      %dma_start3A_209 = arith.constant 0 : i32
      %dma_start3A_210 = tpu.memref_slice %arg7[%add3A_117, %dma_start3A_209] : memref<20480x128xf32, #tpu.memory_space<hbm>> -> memref<40x128xf32, #tpu.memory_space<hbm>>
      %dma_start3A_211 = arith.constant 0 : i32
      %dma_start3A_212 = tpu.memref_slice %arg7[%add3A_117, %dma_start3A_211] : memref<20480x128xf32, #tpu.memory_space<hbm>> -> memref<40x128xf32, #tpu.memory_space<hbm>>
      tpu.enqueue_dma source(%arg11 : memref<40x128xf32, #tpu.memory_space<vmem>>) target(%dma_start3A_212 : memref<40x128xf32, #tpu.memory_space<hbm>>) target_semaphore(%run_scoped3A : memref<!tpu.dma_semaphore, #tpu.memory_space<semaphore_mem>>)
      %dma_wait3A_213 = arith.constant 0 : i32
      %dma_wait3A_214 = tpu.memref_slice %arg7[%add3A_117, %dma_wait3A_213] : memref<20480x128xf32, #tpu.memory_space<hbm>> -> memref<40x128xf32, #tpu.memory_space<hbm>>
      %dma_wait3A_215 = arith.constant 0 : i32
      %dma_wait3A_216 = tpu.memref_slice %arg7[%add3A_117, %dma_wait3A_215] : memref<20480x128xf32, #tpu.memory_space<hbm>> -> memref<40x128xf32, #tpu.memory_space<hbm>>
      tpu.wait_dma2 semaphore(%run_scoped3A : memref<!tpu.dma_semaphore, #tpu.memory_space<semaphore_mem>>) src(%arg11 : memref<40x128xf32, #tpu.memory_space<vmem>>) dst(%dma_wait3A_216 : memref<40x128xf32, #tpu.memory_space<hbm>>)
      tpu.yield
    }) : () -> ()
    %add3A_118 = arith.constant 120 : i32
    %add3A_119 = arith.addi %mul3A_7, %add3A_118 : i32
    "tpu.region"() ({
      %run_scoped3A = tpu.sem_alloc : memref<!tpu.dma_semaphore, #tpu.memory_space<semaphore_mem>>
      %dma_start3A_209 = arith.constant 0 : i32
      %dma_start3A_210 = tpu.memref_slice %arg23[%add3A_119, %dma_start3A_209] : memref<10240x128xf32, #tpu.memory_space<vmem_shared>> -> memref<40x128xf32, #tpu.memory_space<vmem_shared>>
      %dma_start3A_211 = arith.constant 0 : i32
      %dma_start3A_212 = tpu.memref_slice %arg23[%add3A_119, %dma_start3A_211] : memref<10240x128xf32, #tpu.memory_space<vmem_shared>> -> memref<40x128xf32, #tpu.memory_space<vmem_shared>>
      tpu.enqueue_dma source(%dma_start3A_212 : memref<40x128xf32, #tpu.memory_space<vmem_shared>>) target(%arg11 : memref<40x128xf32, #tpu.memory_space<vmem>>) target_semaphore(%run_scoped3A : memref<!tpu.dma_semaphore, #tpu.memory_space<semaphore_mem>>)
      %dma_wait3A_213 = arith.constant 0 : i32
      %dma_wait3A_214 = tpu.memref_slice %arg23[%add3A_119, %dma_wait3A_213] : memref<10240x128xf32, #tpu.memory_space<vmem_shared>> -> memref<40x128xf32, #tpu.memory_space<vmem_shared>>
      %dma_wait3A_215 = arith.constant 0 : i32
      %dma_wait3A_216 = tpu.memref_slice %arg23[%add3A_119, %dma_wait3A_215] : memref<10240x128xf32, #tpu.memory_space<vmem_shared>> -> memref<40x128xf32, #tpu.memory_space<vmem_shared>>
      tpu.wait_dma2 semaphore(%run_scoped3A : memref<!tpu.dma_semaphore, #tpu.memory_space<semaphore_mem>>) src(%dma_wait3A_216 : memref<40x128xf32, #tpu.memory_space<vmem_shared>>) dst(%arg11 : memref<40x128xf32, #tpu.memory_space<vmem>>)
      tpu.yield
    }) : () -> ()
    %mul3A_120 = arith.constant 10240 : i32
    %mul3A_121 = arith.muli %arg0, %mul3A_120 : i32
    %add3A_122 = arith.addi %mul3A_121, %mul3A_7 : i32
    %add3A_123 = arith.constant 120 : i32
    %add3A_124 = arith.addi %add3A_122, %add3A_123 : i32
    "tpu.region"() ({
      %run_scoped3A = tpu.sem_alloc : memref<!tpu.dma_semaphore, #tpu.memory_space<semaphore_mem>>
      %dma_start3A_209 = arith.constant 0 : i32
      %dma_start3A_210 = tpu.memref_slice %arg7[%add3A_124, %dma_start3A_209] : memref<20480x128xf32, #tpu.memory_space<hbm>> -> memref<40x128xf32, #tpu.memory_space<hbm>>
      %dma_start3A_211 = arith.constant 0 : i32
      %dma_start3A_212 = tpu.memref_slice %arg7[%add3A_124, %dma_start3A_211] : memref<20480x128xf32, #tpu.memory_space<hbm>> -> memref<40x128xf32, #tpu.memory_space<hbm>>
      tpu.enqueue_dma source(%arg11 : memref<40x128xf32, #tpu.memory_space<vmem>>) target(%dma_start3A_212 : memref<40x128xf32, #tpu.memory_space<hbm>>) target_semaphore(%run_scoped3A : memref<!tpu.dma_semaphore, #tpu.memory_space<semaphore_mem>>)
      %dma_wait3A_213 = arith.constant 0 : i32
      %dma_wait3A_214 = tpu.memref_slice %arg7[%add3A_124, %dma_wait3A_213] : memref<20480x128xf32, #tpu.memory_space<hbm>> -> memref<40x128xf32, #tpu.memory_space<hbm>>
      %dma_wait3A_215 = arith.constant 0 : i32
      %dma_wait3A_216 = tpu.memref_slice %arg7[%add3A_124, %dma_wait3A_215] : memref<20480x128xf32, #tpu.memory_space<hbm>> -> memref<40x128xf32, #tpu.memory_space<hbm>>
      tpu.wait_dma2 semaphore(%run_scoped3A : memref<!tpu.dma_semaphore, #tpu.memory_space<semaphore_mem>>) src(%arg11 : memref<40x128xf32, #tpu.memory_space<vmem>>) dst(%dma_wait3A_216 : memref<40x128xf32, #tpu.memory_space<hbm>>)
      tpu.yield
    }) : () -> ()
    %add3A_125 = arith.constant 160 : i32
    %add3A_126 = arith.addi %mul3A_7, %add3A_125 : i32
    "tpu.region"() ({
      %run_scoped3A = tpu.sem_alloc : memref<!tpu.dma_semaphore, #tpu.memory_space<semaphore_mem>>
      %dma_start3A_209 = arith.constant 0 : i32
      %dma_start3A_210 = tpu.memref_slice %arg23[%add3A_126, %dma_start3A_209] : memref<10240x128xf32, #tpu.memory_space<vmem_shared>> -> memref<40x128xf32, #tpu.memory_space<vmem_shared>>
      %dma_start3A_211 = arith.constant 0 : i32
      %dma_start3A_212 = tpu.memref_slice %arg23[%add3A_126, %dma_start3A_211] : memref<10240x128xf32, #tpu.memory_space<vmem_shared>> -> memref<40x128xf32, #tpu.memory_space<vmem_shared>>
      tpu.enqueue_dma source(%dma_start3A_212 : memref<40x128xf32, #tpu.memory_space<vmem_shared>>) target(%arg11 : memref<40x128xf32, #tpu.memory_space<vmem>>) target_semaphore(%run_scoped3A : memref<!tpu.dma_semaphore, #tpu.memory_space<semaphore_mem>>)
      %dma_wait3A_213 = arith.constant 0 : i32
      %dma_wait3A_214 = tpu.memref_slice %arg23[%add3A_126, %dma_wait3A_213] : memref<10240x128xf32, #tpu.memory_space<vmem_shared>> -> memref<40x128xf32, #tpu.memory_space<vmem_shared>>
      %dma_wait3A_215 = arith.constant 0 : i32
      %dma_wait3A_216 = tpu.memref_slice %arg23[%add3A_126, %dma_wait3A_215] : memref<10240x128xf32, #tpu.memory_space<vmem_shared>> -> memref<40x128xf32, #tpu.memory_space<vmem_shared>>
      tpu.wait_dma2 semaphore(%run_scoped3A : memref<!tpu.dma_semaphore, #tpu.memory_space<semaphore_mem>>) src(%dma_wait3A_216 : memref<40x128xf32, #tpu.memory_space<vmem_shared>>) dst(%arg11 : memref<40x128xf32, #tpu.memory_space<vmem>>)
      tpu.yield
    }) : () -> ()
    %mul3A_127 = arith.constant 10240 : i32
    %mul3A_128 = arith.muli %arg0, %mul3A_127 : i32
    %add3A_129 = arith.addi %mul3A_128, %mul3A_7 : i32
    %add3A_130 = arith.constant 160 : i32
    %add3A_131 = arith.addi %add3A_129, %add3A_130 : i32
    "tpu.region"() ({
      %run_scoped3A = tpu.sem_alloc : memref<!tpu.dma_semaphore, #tpu.memory_space<semaphore_mem>>
      %dma_start3A_209 = arith.constant 0 : i32
      %dma_start3A_210 = tpu.memref_slice %arg7[%add3A_131, %dma_start3A_209] : memref<20480x128xf32, #tpu.memory_space<hbm>> -> memref<40x128xf32, #tpu.memory_space<hbm>>
      %dma_start3A_211 = arith.constant 0 : i32
      %dma_start3A_212 = tpu.memref_slice %arg7[%add3A_131, %dma_start3A_211] : memref<20480x128xf32, #tpu.memory_space<hbm>> -> memref<40x128xf32, #tpu.memory_space<hbm>>
      tpu.enqueue_dma source(%arg11 : memref<40x128xf32, #tpu.memory_space<vmem>>) target(%dma_start3A_212 : memref<40x128xf32, #tpu.memory_space<hbm>>) target_semaphore(%run_scoped3A : memref<!tpu.dma_semaphore, #tpu.memory_space<semaphore_mem>>)
      %dma_wait3A_213 = arith.constant 0 : i32
      %dma_wait3A_214 = tpu.memref_slice %arg7[%add3A_131, %dma_wait3A_213] : memref<20480x128xf32, #tpu.memory_space<hbm>> -> memref<40x128xf32, #tpu.memory_space<hbm>>
      %dma_wait3A_215 = arith.constant 0 : i32
      %dma_wait3A_216 = tpu.memref_slice %arg7[%add3A_131, %dma_wait3A_215] : memref<20480x128xf32, #tpu.memory_space<hbm>> -> memref<40x128xf32, #tpu.memory_space<hbm>>
      tpu.wait_dma2 semaphore(%run_scoped3A : memref<!tpu.dma_semaphore, #tpu.memory_space<semaphore_mem>>) src(%arg11 : memref<40x128xf32, #tpu.memory_space<vmem>>) dst(%dma_wait3A_216 : memref<40x128xf32, #tpu.memory_space<hbm>>)
      tpu.yield
    }) : () -> ()
    %add3A_132 = arith.constant 200 : i32
    %add3A_133 = arith.addi %mul3A_7, %add3A_132 : i32
    "tpu.region"() ({
      %run_scoped3A = tpu.sem_alloc : memref<!tpu.dma_semaphore, #tpu.memory_space<semaphore_mem>>
      %dma_start3A_209 = arith.constant 0 : i32
      %dma_start3A_210 = tpu.memref_slice %arg23[%add3A_133, %dma_start3A_209] : memref<10240x128xf32, #tpu.memory_space<vmem_shared>> -> memref<40x128xf32, #tpu.memory_space<vmem_shared>>
      %dma_start3A_211 = arith.constant 0 : i32
      %dma_start3A_212 = tpu.memref_slice %arg23[%add3A_133, %dma_start3A_211] : memref<10240x128xf32, #tpu.memory_space<vmem_shared>> -> memref<40x128xf32, #tpu.memory_space<vmem_shared>>
      tpu.enqueue_dma source(%dma_start3A_212 : memref<40x128xf32, #tpu.memory_space<vmem_shared>>) target(%arg11 : memref<40x128xf32, #tpu.memory_space<vmem>>) target_semaphore(%run_scoped3A : memref<!tpu.dma_semaphore, #tpu.memory_space<semaphore_mem>>)
      %dma_wait3A_213 = arith.constant 0 : i32
      %dma_wait3A_214 = tpu.memref_slice %arg23[%add3A_133, %dma_wait3A_213] : memref<10240x128xf32, #tpu.memory_space<vmem_shared>> -> memref<40x128xf32, #tpu.memory_space<vmem_shared>>
      %dma_wait3A_215 = arith.constant 0 : i32
      %dma_wait3A_216 = tpu.memref_slice %arg23[%add3A_133, %dma_wait3A_215] : memref<10240x128xf32, #tpu.memory_space<vmem_shared>> -> memref<40x128xf32, #tpu.memory_space<vmem_shared>>
      tpu.wait_dma2 semaphore(%run_scoped3A : memref<!tpu.dma_semaphore, #tpu.memory_space<semaphore_mem>>) src(%dma_wait3A_216 : memref<40x128xf32, #tpu.memory_space<vmem_shared>>) dst(%arg11 : memref<40x128xf32, #tpu.memory_space<vmem>>)
      tpu.yield
    }) : () -> ()
    %mul3A_134 = arith.constant 10240 : i32
    %mul3A_135 = arith.muli %arg0, %mul3A_134 : i32
    %add3A_136 = arith.addi %mul3A_135, %mul3A_7 : i32
    %add3A_137 = arith.constant 200 : i32
    %add3A_138 = arith.addi %add3A_136, %add3A_137 : i32
    "tpu.region"() ({
      %run_scoped3A = tpu.sem_alloc : memref<!tpu.dma_semaphore, #tpu.memory_space<semaphore_mem>>
      %dma_start3A_209 = arith.constant 0 : i32
      %dma_start3A_210 = tpu.memref_slice %arg7[%add3A_138, %dma_start3A_209] : memref<20480x128xf32, #tpu.memory_space<hbm>> -> memref<40x128xf32, #tpu.memory_space<hbm>>
      %dma_start3A_211 = arith.constant 0 : i32
      %dma_start3A_212 = tpu.memref_slice %arg7[%add3A_138, %dma_start3A_211] : memref<20480x128xf32, #tpu.memory_space<hbm>> -> memref<40x128xf32, #tpu.memory_space<hbm>>
      tpu.enqueue_dma source(%arg11 : memref<40x128xf32, #tpu.memory_space<vmem>>) target(%dma_start3A_212 : memref<40x128xf32, #tpu.memory_space<hbm>>) target_semaphore(%run_scoped3A : memref<!tpu.dma_semaphore, #tpu.memory_space<semaphore_mem>>)
      %dma_wait3A_213 = arith.constant 0 : i32
      %dma_wait3A_214 = tpu.memref_slice %arg7[%add3A_138, %dma_wait3A_213] : memref<20480x128xf32, #tpu.memory_space<hbm>> -> memref<40x128xf32, #tpu.memory_space<hbm>>
      %dma_wait3A_215 = arith.constant 0 : i32
      %dma_wait3A_216 = tpu.memref_slice %arg7[%add3A_138, %dma_wait3A_215] : memref<20480x128xf32, #tpu.memory_space<hbm>> -> memref<40x128xf32, #tpu.memory_space<hbm>>
      tpu.wait_dma2 semaphore(%run_scoped3A : memref<!tpu.dma_semaphore, #tpu.memory_space<semaphore_mem>>) src(%arg11 : memref<40x128xf32, #tpu.memory_space<vmem>>) dst(%dma_wait3A_216 : memref<40x128xf32, #tpu.memory_space<hbm>>)
      tpu.yield
    }) : () -> ()
    %add3A_139 = arith.constant 240 : i32
    %add3A_140 = arith.addi %mul3A_7, %add3A_139 : i32
    "tpu.region"() ({
      %run_scoped3A = tpu.sem_alloc : memref<!tpu.dma_semaphore, #tpu.memory_space<semaphore_mem>>
      %dma_start3A_209 = arith.constant 0 : i32
      %dma_start3A_210 = tpu.memref_slice %arg23[%add3A_140, %dma_start3A_209] : memref<10240x128xf32, #tpu.memory_space<vmem_shared>> -> memref<40x128xf32, #tpu.memory_space<vmem_shared>>
      %dma_start3A_211 = arith.constant 0 : i32
      %dma_start3A_212 = tpu.memref_slice %arg23[%add3A_140, %dma_start3A_211] : memref<10240x128xf32, #tpu.memory_space<vmem_shared>> -> memref<40x128xf32, #tpu.memory_space<vmem_shared>>
      tpu.enqueue_dma source(%dma_start3A_212 : memref<40x128xf32, #tpu.memory_space<vmem_shared>>) target(%arg11 : memref<40x128xf32, #tpu.memory_space<vmem>>) target_semaphore(%run_scoped3A : memref<!tpu.dma_semaphore, #tpu.memory_space<semaphore_mem>>)
      %dma_wait3A_213 = arith.constant 0 : i32
      %dma_wait3A_214 = tpu.memref_slice %arg23[%add3A_140, %dma_wait3A_213] : memref<10240x128xf32, #tpu.memory_space<vmem_shared>> -> memref<40x128xf32, #tpu.memory_space<vmem_shared>>
      %dma_wait3A_215 = arith.constant 0 : i32
      %dma_wait3A_216 = tpu.memref_slice %arg23[%add3A_140, %dma_wait3A_215] : memref<10240x128xf32, #tpu.memory_space<vmem_shared>> -> memref<40x128xf32, #tpu.memory_space<vmem_shared>>
      tpu.wait_dma2 semaphore(%run_scoped3A : memref<!tpu.dma_semaphore, #tpu.memory_space<semaphore_mem>>) src(%dma_wait3A_216 : memref<40x128xf32, #tpu.memory_space<vmem_shared>>) dst(%arg11 : memref<40x128xf32, #tpu.memory_space<vmem>>)
      tpu.yield
    }) : () -> ()
    %mul3A_141 = arith.constant 10240 : i32
    %mul3A_142 = arith.muli %arg0, %mul3A_141 : i32
    %add3A_143 = arith.addi %mul3A_142, %mul3A_7 : i32
    %add3A_144 = arith.constant 240 : i32
    %add3A_145 = arith.addi %add3A_143, %add3A_144 : i32
    "tpu.region"() ({
      %run_scoped3A = tpu.sem_alloc : memref<!tpu.dma_semaphore, #tpu.memory_space<semaphore_mem>>
      %dma_start3A_209 = arith.constant 0 : i32
      %dma_start3A_210 = tpu.memref_slice %arg7[%add3A_145, %dma_start3A_209] : memref<20480x128xf32, #tpu.memory_space<hbm>> -> memref<40x128xf32, #tpu.memory_space<hbm>>
      %dma_start3A_211 = arith.constant 0 : i32
      %dma_start3A_212 = tpu.memref_slice %arg7[%add3A_145, %dma_start3A_211] : memref<20480x128xf32, #tpu.memory_space<hbm>> -> memref<40x128xf32, #tpu.memory_space<hbm>>
      tpu.enqueue_dma source(%arg11 : memref<40x128xf32, #tpu.memory_space<vmem>>) target(%dma_start3A_212 : memref<40x128xf32, #tpu.memory_space<hbm>>) target_semaphore(%run_scoped3A : memref<!tpu.dma_semaphore, #tpu.memory_space<semaphore_mem>>)
      %dma_wait3A_213 = arith.constant 0 : i32
      %dma_wait3A_214 = tpu.memref_slice %arg7[%add3A_145, %dma_wait3A_213] : memref<20480x128xf32, #tpu.memory_space<hbm>> -> memref<40x128xf32, #tpu.memory_space<hbm>>
      %dma_wait3A_215 = arith.constant 0 : i32
      %dma_wait3A_216 = tpu.memref_slice %arg7[%add3A_145, %dma_wait3A_215] : memref<20480x128xf32, #tpu.memory_space<hbm>> -> memref<40x128xf32, #tpu.memory_space<hbm>>
      tpu.wait_dma2 semaphore(%run_scoped3A : memref<!tpu.dma_semaphore, #tpu.memory_space<semaphore_mem>>) src(%arg11 : memref<40x128xf32, #tpu.memory_space<vmem>>) dst(%dma_wait3A_216 : memref<40x128xf32, #tpu.memory_space<hbm>>)
      tpu.yield
    }) : () -> ()
    %add3A_146 = arith.constant 280 : i32
    %add3A_147 = arith.addi %mul3A_7, %add3A_146 : i32
    "tpu.region"() ({
      %run_scoped3A = tpu.sem_alloc : memref<!tpu.dma_semaphore, #tpu.memory_space<semaphore_mem>>
      %dma_start3A_209 = arith.constant 0 : i32
      %dma_start3A_210 = tpu.memref_slice %arg23[%add3A_147, %dma_start3A_209] : memref<10240x128xf32, #tpu.memory_space<vmem_shared>> -> memref<40x128xf32, #tpu.memory_space<vmem_shared>>
      %dma_start3A_211 = arith.constant 0 : i32
      %dma_start3A_212 = tpu.memref_slice %arg23[%add3A_147, %dma_start3A_211] : memref<10240x128xf32, #tpu.memory_space<vmem_shared>> -> memref<40x128xf32, #tpu.memory_space<vmem_shared>>
      tpu.enqueue_dma source(%dma_start3A_212 : memref<40x128xf32, #tpu.memory_space<vmem_shared>>) target(%arg11 : memref<40x128xf32, #tpu.memory_space<vmem>>) target_semaphore(%run_scoped3A : memref<!tpu.dma_semaphore, #tpu.memory_space<semaphore_mem>>)
      %dma_wait3A_213 = arith.constant 0 : i32
      %dma_wait3A_214 = tpu.memref_slice %arg23[%add3A_147, %dma_wait3A_213] : memref<10240x128xf32, #tpu.memory_space<vmem_shared>> -> memref<40x128xf32, #tpu.memory_space<vmem_shared>>
      %dma_wait3A_215 = arith.constant 0 : i32
      %dma_wait3A_216 = tpu.memref_slice %arg23[%add3A_147, %dma_wait3A_215] : memref<10240x128xf32, #tpu.memory_space<vmem_shared>> -> memref<40x128xf32, #tpu.memory_space<vmem_shared>>
      tpu.wait_dma2 semaphore(%run_scoped3A : memref<!tpu.dma_semaphore, #tpu.memory_space<semaphore_mem>>) src(%dma_wait3A_216 : memref<40x128xf32, #tpu.memory_space<vmem_shared>>) dst(%arg11 : memref<40x128xf32, #tpu.memory_space<vmem>>)
      tpu.yield
    }) : () -> ()
    %mul3A_148 = arith.constant 10240 : i32
    %mul3A_149 = arith.muli %arg0, %mul3A_148 : i32
    %add3A_150 = arith.addi %mul3A_149, %mul3A_7 : i32
    %add3A_151 = arith.constant 280 : i32
    %add3A_152 = arith.addi %add3A_150, %add3A_151 : i32
    "tpu.region"() ({
      %run_scoped3A = tpu.sem_alloc : memref<!tpu.dma_semaphore, #tpu.memory_space<semaphore_mem>>
      %dma_start3A_209 = arith.constant 0 : i32
      %dma_start3A_210 = tpu.memref_slice %arg7[%add3A_152, %dma_start3A_209] : memref<20480x128xf32, #tpu.memory_space<hbm>> -> memref<40x128xf32, #tpu.memory_space<hbm>>
      %dma_start3A_211 = arith.constant 0 : i32
      %dma_start3A_212 = tpu.memref_slice %arg7[%add3A_152, %dma_start3A_211] : memref<20480x128xf32, #tpu.memory_space<hbm>> -> memref<40x128xf32, #tpu.memory_space<hbm>>
      tpu.enqueue_dma source(%arg11 : memref<40x128xf32, #tpu.memory_space<vmem>>) target(%dma_start3A_212 : memref<40x128xf32, #tpu.memory_space<hbm>>) target_semaphore(%run_scoped3A : memref<!tpu.dma_semaphore, #tpu.memory_space<semaphore_mem>>)
      %dma_wait3A_213 = arith.constant 0 : i32
      %dma_wait3A_214 = tpu.memref_slice %arg7[%add3A_152, %dma_wait3A_213] : memref<20480x128xf32, #tpu.memory_space<hbm>> -> memref<40x128xf32, #tpu.memory_space<hbm>>
      %dma_wait3A_215 = arith.constant 0 : i32
      %dma_wait3A_216 = tpu.memref_slice %arg7[%add3A_152, %dma_wait3A_215] : memref<20480x128xf32, #tpu.memory_space<hbm>> -> memref<40x128xf32, #tpu.memory_space<hbm>>
      tpu.wait_dma2 semaphore(%run_scoped3A : memref<!tpu.dma_semaphore, #tpu.memory_space<semaphore_mem>>) src(%arg11 : memref<40x128xf32, #tpu.memory_space<vmem>>) dst(%dma_wait3A_216 : memref<40x128xf32, #tpu.memory_space<hbm>>)
      tpu.yield
    }) : () -> ()
    %add3A_153 = arith.constant 320 : i32
    %add3A_154 = arith.addi %mul3A_7, %add3A_153 : i32
    "tpu.region"() ({
      %run_scoped3A = tpu.sem_alloc : memref<!tpu.dma_semaphore, #tpu.memory_space<semaphore_mem>>
      %dma_start3A_209 = arith.constant 0 : i32
      %dma_start3A_210 = tpu.memref_slice %arg23[%add3A_154, %dma_start3A_209] : memref<10240x128xf32, #tpu.memory_space<vmem_shared>> -> memref<40x128xf32, #tpu.memory_space<vmem_shared>>
      %dma_start3A_211 = arith.constant 0 : i32
      %dma_start3A_212 = tpu.memref_slice %arg23[%add3A_154, %dma_start3A_211] : memref<10240x128xf32, #tpu.memory_space<vmem_shared>> -> memref<40x128xf32, #tpu.memory_space<vmem_shared>>
      tpu.enqueue_dma source(%dma_start3A_212 : memref<40x128xf32, #tpu.memory_space<vmem_shared>>) target(%arg11 : memref<40x128xf32, #tpu.memory_space<vmem>>) target_semaphore(%run_scoped3A : memref<!tpu.dma_semaphore, #tpu.memory_space<semaphore_mem>>)
      %dma_wait3A_213 = arith.constant 0 : i32
      %dma_wait3A_214 = tpu.memref_slice %arg23[%add3A_154, %dma_wait3A_213] : memref<10240x128xf32, #tpu.memory_space<vmem_shared>> -> memref<40x128xf32, #tpu.memory_space<vmem_shared>>
      %dma_wait3A_215 = arith.constant 0 : i32
      %dma_wait3A_216 = tpu.memref_slice %arg23[%add3A_154, %dma_wait3A_215] : memref<10240x128xf32, #tpu.memory_space<vmem_shared>> -> memref<40x128xf32, #tpu.memory_space<vmem_shared>>
      tpu.wait_dma2 semaphore(%run_scoped3A : memref<!tpu.dma_semaphore, #tpu.memory_space<semaphore_mem>>) src(%dma_wait3A_216 : memref<40x128xf32, #tpu.memory_space<vmem_shared>>) dst(%arg11 : memref<40x128xf32, #tpu.memory_space<vmem>>)
      tpu.yield
    }) : () -> ()
    %mul3A_155 = arith.constant 10240 : i32
    %mul3A_156 = arith.muli %arg0, %mul3A_155 : i32
    %add3A_157 = arith.addi %mul3A_156, %mul3A_7 : i32
    %add3A_158 = arith.constant 320 : i32
    %add3A_159 = arith.addi %add3A_157, %add3A_158 : i32
    "tpu.region"() ({
      %run_scoped3A = tpu.sem_alloc : memref<!tpu.dma_semaphore, #tpu.memory_space<semaphore_mem>>
      %dma_start3A_209 = arith.constant 0 : i32
      %dma_start3A_210 = tpu.memref_slice %arg7[%add3A_159, %dma_start3A_209] : memref<20480x128xf32, #tpu.memory_space<hbm>> -> memref<40x128xf32, #tpu.memory_space<hbm>>
      %dma_start3A_211 = arith.constant 0 : i32
      %dma_start3A_212 = tpu.memref_slice %arg7[%add3A_159, %dma_start3A_211] : memref<20480x128xf32, #tpu.memory_space<hbm>> -> memref<40x128xf32, #tpu.memory_space<hbm>>
      tpu.enqueue_dma source(%arg11 : memref<40x128xf32, #tpu.memory_space<vmem>>) target(%dma_start3A_212 : memref<40x128xf32, #tpu.memory_space<hbm>>) target_semaphore(%run_scoped3A : memref<!tpu.dma_semaphore, #tpu.memory_space<semaphore_mem>>)
      %dma_wait3A_213 = arith.constant 0 : i32
      %dma_wait3A_214 = tpu.memref_slice %arg7[%add3A_159, %dma_wait3A_213] : memref<20480x128xf32, #tpu.memory_space<hbm>> -> memref<40x128xf32, #tpu.memory_space<hbm>>
      %dma_wait3A_215 = arith.constant 0 : i32
      %dma_wait3A_216 = tpu.memref_slice %arg7[%add3A_159, %dma_wait3A_215] : memref<20480x128xf32, #tpu.memory_space<hbm>> -> memref<40x128xf32, #tpu.memory_space<hbm>>
      tpu.wait_dma2 semaphore(%run_scoped3A : memref<!tpu.dma_semaphore, #tpu.memory_space<semaphore_mem>>) src(%arg11 : memref<40x128xf32, #tpu.memory_space<vmem>>) dst(%dma_wait3A_216 : memref<40x128xf32, #tpu.memory_space<hbm>>)
      tpu.yield
    }) : () -> ()
    %add3A_160 = arith.constant 360 : i32
    %add3A_161 = arith.addi %mul3A_7, %add3A_160 : i32
    "tpu.region"() ({
      %run_scoped3A = tpu.sem_alloc : memref<!tpu.dma_semaphore, #tpu.memory_space<semaphore_mem>>
      %dma_start3A_209 = arith.constant 0 : i32
      %dma_start3A_210 = tpu.memref_slice %arg23[%add3A_161, %dma_start3A_209] : memref<10240x128xf32, #tpu.memory_space<vmem_shared>> -> memref<40x128xf32, #tpu.memory_space<vmem_shared>>
      %dma_start3A_211 = arith.constant 0 : i32
      %dma_start3A_212 = tpu.memref_slice %arg23[%add3A_161, %dma_start3A_211] : memref<10240x128xf32, #tpu.memory_space<vmem_shared>> -> memref<40x128xf32, #tpu.memory_space<vmem_shared>>
      tpu.enqueue_dma source(%dma_start3A_212 : memref<40x128xf32, #tpu.memory_space<vmem_shared>>) target(%arg11 : memref<40x128xf32, #tpu.memory_space<vmem>>) target_semaphore(%run_scoped3A : memref<!tpu.dma_semaphore, #tpu.memory_space<semaphore_mem>>)
      %dma_wait3A_213 = arith.constant 0 : i32
      %dma_wait3A_214 = tpu.memref_slice %arg23[%add3A_161, %dma_wait3A_213] : memref<10240x128xf32, #tpu.memory_space<vmem_shared>> -> memref<40x128xf32, #tpu.memory_space<vmem_shared>>
      %dma_wait3A_215 = arith.constant 0 : i32
      %dma_wait3A_216 = tpu.memref_slice %arg23[%add3A_161, %dma_wait3A_215] : memref<10240x128xf32, #tpu.memory_space<vmem_shared>> -> memref<40x128xf32, #tpu.memory_space<vmem_shared>>
      tpu.wait_dma2 semaphore(%run_scoped3A : memref<!tpu.dma_semaphore, #tpu.memory_space<semaphore_mem>>) src(%dma_wait3A_216 : memref<40x128xf32, #tpu.memory_space<vmem_shared>>) dst(%arg11 : memref<40x128xf32, #tpu.memory_space<vmem>>)
      tpu.yield
    }) : () -> ()
    %mul3A_162 = arith.constant 10240 : i32
    %mul3A_163 = arith.muli %arg0, %mul3A_162 : i32
    %add3A_164 = arith.addi %mul3A_163, %mul3A_7 : i32
    %add3A_165 = arith.constant 360 : i32
    %add3A_166 = arith.addi %add3A_164, %add3A_165 : i32
    "tpu.region"() ({
      %run_scoped3A = tpu.sem_alloc : memref<!tpu.dma_semaphore, #tpu.memory_space<semaphore_mem>>
      %dma_start3A_209 = arith.constant 0 : i32
      %dma_start3A_210 = tpu.memref_slice %arg7[%add3A_166, %dma_start3A_209] : memref<20480x128xf32, #tpu.memory_space<hbm>> -> memref<40x128xf32, #tpu.memory_space<hbm>>
      %dma_start3A_211 = arith.constant 0 : i32
      %dma_start3A_212 = tpu.memref_slice %arg7[%add3A_166, %dma_start3A_211] : memref<20480x128xf32, #tpu.memory_space<hbm>> -> memref<40x128xf32, #tpu.memory_space<hbm>>
      tpu.enqueue_dma source(%arg11 : memref<40x128xf32, #tpu.memory_space<vmem>>) target(%dma_start3A_212 : memref<40x128xf32, #tpu.memory_space<hbm>>) target_semaphore(%run_scoped3A : memref<!tpu.dma_semaphore, #tpu.memory_space<semaphore_mem>>)
      %dma_wait3A_213 = arith.constant 0 : i32
      %dma_wait3A_214 = tpu.memref_slice %arg7[%add3A_166, %dma_wait3A_213] : memref<20480x128xf32, #tpu.memory_space<hbm>> -> memref<40x128xf32, #tpu.memory_space<hbm>>
      %dma_wait3A_215 = arith.constant 0 : i32
      %dma_wait3A_216 = tpu.memref_slice %arg7[%add3A_166, %dma_wait3A_215] : memref<20480x128xf32, #tpu.memory_space<hbm>> -> memref<40x128xf32, #tpu.memory_space<hbm>>
      tpu.wait_dma2 semaphore(%run_scoped3A : memref<!tpu.dma_semaphore, #tpu.memory_space<semaphore_mem>>) src(%arg11 : memref<40x128xf32, #tpu.memory_space<vmem>>) dst(%dma_wait3A_216 : memref<40x128xf32, #tpu.memory_space<hbm>>)
      tpu.yield
    }) : () -> ()
    %add3A_167 = arith.constant 400 : i32
    %add3A_168 = arith.addi %mul3A_7, %add3A_167 : i32
    "tpu.region"() ({
      %run_scoped3A = tpu.sem_alloc : memref<!tpu.dma_semaphore, #tpu.memory_space<semaphore_mem>>
      %dma_start3A_209 = arith.constant 0 : i32
      %dma_start3A_210 = tpu.memref_slice %arg23[%add3A_168, %dma_start3A_209] : memref<10240x128xf32, #tpu.memory_space<vmem_shared>> -> memref<40x128xf32, #tpu.memory_space<vmem_shared>>
      %dma_start3A_211 = arith.constant 0 : i32
      %dma_start3A_212 = tpu.memref_slice %arg23[%add3A_168, %dma_start3A_211] : memref<10240x128xf32, #tpu.memory_space<vmem_shared>> -> memref<40x128xf32, #tpu.memory_space<vmem_shared>>
      tpu.enqueue_dma source(%dma_start3A_212 : memref<40x128xf32, #tpu.memory_space<vmem_shared>>) target(%arg11 : memref<40x128xf32, #tpu.memory_space<vmem>>) target_semaphore(%run_scoped3A : memref<!tpu.dma_semaphore, #tpu.memory_space<semaphore_mem>>)
      %dma_wait3A_213 = arith.constant 0 : i32
      %dma_wait3A_214 = tpu.memref_slice %arg23[%add3A_168, %dma_wait3A_213] : memref<10240x128xf32, #tpu.memory_space<vmem_shared>> -> memref<40x128xf32, #tpu.memory_space<vmem_shared>>
      %dma_wait3A_215 = arith.constant 0 : i32
      %dma_wait3A_216 = tpu.memref_slice %arg23[%add3A_168, %dma_wait3A_215] : memref<10240x128xf32, #tpu.memory_space<vmem_shared>> -> memref<40x128xf32, #tpu.memory_space<vmem_shared>>
      tpu.wait_dma2 semaphore(%run_scoped3A : memref<!tpu.dma_semaphore, #tpu.memory_space<semaphore_mem>>) src(%dma_wait3A_216 : memref<40x128xf32, #tpu.memory_space<vmem_shared>>) dst(%arg11 : memref<40x128xf32, #tpu.memory_space<vmem>>)
      tpu.yield
    }) : () -> ()
    %mul3A_169 = arith.constant 10240 : i32
    %mul3A_170 = arith.muli %arg0, %mul3A_169 : i32
    %add3A_171 = arith.addi %mul3A_170, %mul3A_7 : i32
    %add3A_172 = arith.constant 400 : i32
    %add3A_173 = arith.addi %add3A_171, %add3A_172 : i32
    "tpu.region"() ({
      %run_scoped3A = tpu.sem_alloc : memref<!tpu.dma_semaphore, #tpu.memory_space<semaphore_mem>>
      %dma_start3A_209 = arith.constant 0 : i32
      %dma_start3A_210 = tpu.memref_slice %arg7[%add3A_173, %dma_start3A_209] : memref<20480x128xf32, #tpu.memory_space<hbm>> -> memref<40x128xf32, #tpu.memory_space<hbm>>
      %dma_start3A_211 = arith.constant 0 : i32
      %dma_start3A_212 = tpu.memref_slice %arg7[%add3A_173, %dma_start3A_211] : memref<20480x128xf32, #tpu.memory_space<hbm>> -> memref<40x128xf32, #tpu.memory_space<hbm>>
      tpu.enqueue_dma source(%arg11 : memref<40x128xf32, #tpu.memory_space<vmem>>) target(%dma_start3A_212 : memref<40x128xf32, #tpu.memory_space<hbm>>) target_semaphore(%run_scoped3A : memref<!tpu.dma_semaphore, #tpu.memory_space<semaphore_mem>>)
      %dma_wait3A_213 = arith.constant 0 : i32
      %dma_wait3A_214 = tpu.memref_slice %arg7[%add3A_173, %dma_wait3A_213] : memref<20480x128xf32, #tpu.memory_space<hbm>> -> memref<40x128xf32, #tpu.memory_space<hbm>>
      %dma_wait3A_215 = arith.constant 0 : i32
      %dma_wait3A_216 = tpu.memref_slice %arg7[%add3A_173, %dma_wait3A_215] : memref<20480x128xf32, #tpu.memory_space<hbm>> -> memref<40x128xf32, #tpu.memory_space<hbm>>
      tpu.wait_dma2 semaphore(%run_scoped3A : memref<!tpu.dma_semaphore, #tpu.memory_space<semaphore_mem>>) src(%arg11 : memref<40x128xf32, #tpu.memory_space<vmem>>) dst(%dma_wait3A_216 : memref<40x128xf32, #tpu.memory_space<hbm>>)
      tpu.yield
    }) : () -> ()
    %add3A_174 = arith.constant 440 : i32
    %add3A_175 = arith.addi %mul3A_7, %add3A_174 : i32
    "tpu.region"() ({
      %run_scoped3A = tpu.sem_alloc : memref<!tpu.dma_semaphore, #tpu.memory_space<semaphore_mem>>
      %dma_start3A_209 = arith.constant 0 : i32
      %dma_start3A_210 = tpu.memref_slice %arg23[%add3A_175, %dma_start3A_209] : memref<10240x128xf32, #tpu.memory_space<vmem_shared>> -> memref<40x128xf32, #tpu.memory_space<vmem_shared>>
      %dma_start3A_211 = arith.constant 0 : i32
      %dma_start3A_212 = tpu.memref_slice %arg23[%add3A_175, %dma_start3A_211] : memref<10240x128xf32, #tpu.memory_space<vmem_shared>> -> memref<40x128xf32, #tpu.memory_space<vmem_shared>>
      tpu.enqueue_dma source(%dma_start3A_212 : memref<40x128xf32, #tpu.memory_space<vmem_shared>>) target(%arg11 : memref<40x128xf32, #tpu.memory_space<vmem>>) target_semaphore(%run_scoped3A : memref<!tpu.dma_semaphore, #tpu.memory_space<semaphore_mem>>)
      %dma_wait3A_213 = arith.constant 0 : i32
      %dma_wait3A_214 = tpu.memref_slice %arg23[%add3A_175, %dma_wait3A_213] : memref<10240x128xf32, #tpu.memory_space<vmem_shared>> -> memref<40x128xf32, #tpu.memory_space<vmem_shared>>
      %dma_wait3A_215 = arith.constant 0 : i32
      %dma_wait3A_216 = tpu.memref_slice %arg23[%add3A_175, %dma_wait3A_215] : memref<10240x128xf32, #tpu.memory_space<vmem_shared>> -> memref<40x128xf32, #tpu.memory_space<vmem_shared>>
      tpu.wait_dma2 semaphore(%run_scoped3A : memref<!tpu.dma_semaphore, #tpu.memory_space<semaphore_mem>>) src(%dma_wait3A_216 : memref<40x128xf32, #tpu.memory_space<vmem_shared>>) dst(%arg11 : memref<40x128xf32, #tpu.memory_space<vmem>>)
      tpu.yield
    }) : () -> ()
    %mul3A_176 = arith.constant 10240 : i32
    %mul3A_177 = arith.muli %arg0, %mul3A_176 : i32
    %add3A_178 = arith.addi %mul3A_177, %mul3A_7 : i32
    %add3A_179 = arith.constant 440 : i32
    %add3A_180 = arith.addi %add3A_178, %add3A_179 : i32
    "tpu.region"() ({
      %run_scoped3A = tpu.sem_alloc : memref<!tpu.dma_semaphore, #tpu.memory_space<semaphore_mem>>
      %dma_start3A_209 = arith.constant 0 : i32
      %dma_start3A_210 = tpu.memref_slice %arg7[%add3A_180, %dma_start3A_209] : memref<20480x128xf32, #tpu.memory_space<hbm>> -> memref<40x128xf32, #tpu.memory_space<hbm>>
      %dma_start3A_211 = arith.constant 0 : i32
      %dma_start3A_212 = tpu.memref_slice %arg7[%add3A_180, %dma_start3A_211] : memref<20480x128xf32, #tpu.memory_space<hbm>> -> memref<40x128xf32, #tpu.memory_space<hbm>>
      tpu.enqueue_dma source(%arg11 : memref<40x128xf32, #tpu.memory_space<vmem>>) target(%dma_start3A_212 : memref<40x128xf32, #tpu.memory_space<hbm>>) target_semaphore(%run_scoped3A : memref<!tpu.dma_semaphore, #tpu.memory_space<semaphore_mem>>)
      %dma_wait3A_213 = arith.constant 0 : i32
      %dma_wait3A_214 = tpu.memref_slice %arg7[%add3A_180, %dma_wait3A_213] : memref<20480x128xf32, #tpu.memory_space<hbm>> -> memref<40x128xf32, #tpu.memory_space<hbm>>
      %dma_wait3A_215 = arith.constant 0 : i32
      %dma_wait3A_216 = tpu.memref_slice %arg7[%add3A_180, %dma_wait3A_215] : memref<20480x128xf32, #tpu.memory_space<hbm>> -> memref<40x128xf32, #tpu.memory_space<hbm>>
      tpu.wait_dma2 semaphore(%run_scoped3A : memref<!tpu.dma_semaphore, #tpu.memory_space<semaphore_mem>>) src(%arg11 : memref<40x128xf32, #tpu.memory_space<vmem>>) dst(%dma_wait3A_216 : memref<40x128xf32, #tpu.memory_space<hbm>>)
      tpu.yield
    }) : () -> ()
    %add3A_181 = arith.constant 480 : i32
    %add3A_182 = arith.addi %mul3A_7, %add3A_181 : i32
    "tpu.region"() ({
      %run_scoped3A = tpu.sem_alloc : memref<!tpu.dma_semaphore, #tpu.memory_space<semaphore_mem>>
      %dma_start3A_209 = arith.constant 0 : i32
      %dma_start3A_210 = tpu.memref_slice %arg23[%add3A_182, %dma_start3A_209] : memref<10240x128xf32, #tpu.memory_space<vmem_shared>> -> memref<40x128xf32, #tpu.memory_space<vmem_shared>>
      %dma_start3A_211 = arith.constant 0 : i32
      %dma_start3A_212 = tpu.memref_slice %arg23[%add3A_182, %dma_start3A_211] : memref<10240x128xf32, #tpu.memory_space<vmem_shared>> -> memref<40x128xf32, #tpu.memory_space<vmem_shared>>
      tpu.enqueue_dma source(%dma_start3A_212 : memref<40x128xf32, #tpu.memory_space<vmem_shared>>) target(%arg11 : memref<40x128xf32, #tpu.memory_space<vmem>>) target_semaphore(%run_scoped3A : memref<!tpu.dma_semaphore, #tpu.memory_space<semaphore_mem>>)
      %dma_wait3A_213 = arith.constant 0 : i32
      %dma_wait3A_214 = tpu.memref_slice %arg23[%add3A_182, %dma_wait3A_213] : memref<10240x128xf32, #tpu.memory_space<vmem_shared>> -> memref<40x128xf32, #tpu.memory_space<vmem_shared>>
      %dma_wait3A_215 = arith.constant 0 : i32
      %dma_wait3A_216 = tpu.memref_slice %arg23[%add3A_182, %dma_wait3A_215] : memref<10240x128xf32, #tpu.memory_space<vmem_shared>> -> memref<40x128xf32, #tpu.memory_space<vmem_shared>>
      tpu.wait_dma2 semaphore(%run_scoped3A : memref<!tpu.dma_semaphore, #tpu.memory_space<semaphore_mem>>) src(%dma_wait3A_216 : memref<40x128xf32, #tpu.memory_space<vmem_shared>>) dst(%arg11 : memref<40x128xf32, #tpu.memory_space<vmem>>)
      tpu.yield
    }) : () -> ()
    %mul3A_183 = arith.constant 10240 : i32
    %mul3A_184 = arith.muli %arg0, %mul3A_183 : i32
    %add3A_185 = arith.addi %mul3A_184, %mul3A_7 : i32
    %add3A_186 = arith.constant 480 : i32
    %add3A_187 = arith.addi %add3A_185, %add3A_186 : i32
    "tpu.region"() ({
      %run_scoped3A = tpu.sem_alloc : memref<!tpu.dma_semaphore, #tpu.memory_space<semaphore_mem>>
      %dma_start3A_209 = arith.constant 0 : i32
      %dma_start3A_210 = tpu.memref_slice %arg7[%add3A_187, %dma_start3A_209] : memref<20480x128xf32, #tpu.memory_space<hbm>> -> memref<40x128xf32, #tpu.memory_space<hbm>>
      %dma_start3A_211 = arith.constant 0 : i32
      %dma_start3A_212 = tpu.memref_slice %arg7[%add3A_187, %dma_start3A_211] : memref<20480x128xf32, #tpu.memory_space<hbm>> -> memref<40x128xf32, #tpu.memory_space<hbm>>
      tpu.enqueue_dma source(%arg11 : memref<40x128xf32, #tpu.memory_space<vmem>>) target(%dma_start3A_212 : memref<40x128xf32, #tpu.memory_space<hbm>>) target_semaphore(%run_scoped3A : memref<!tpu.dma_semaphore, #tpu.memory_space<semaphore_mem>>)
      %dma_wait3A_213 = arith.constant 0 : i32
      %dma_wait3A_214 = tpu.memref_slice %arg7[%add3A_187, %dma_wait3A_213] : memref<20480x128xf32, #tpu.memory_space<hbm>> -> memref<40x128xf32, #tpu.memory_space<hbm>>
      %dma_wait3A_215 = arith.constant 0 : i32
      %dma_wait3A_216 = tpu.memref_slice %arg7[%add3A_187, %dma_wait3A_215] : memref<20480x128xf32, #tpu.memory_space<hbm>> -> memref<40x128xf32, #tpu.memory_space<hbm>>
      tpu.wait_dma2 semaphore(%run_scoped3A : memref<!tpu.dma_semaphore, #tpu.memory_space<semaphore_mem>>) src(%arg11 : memref<40x128xf32, #tpu.memory_space<vmem>>) dst(%dma_wait3A_216 : memref<40x128xf32, #tpu.memory_space<hbm>>)
      tpu.yield
    }) : () -> ()
    %add3A_188 = arith.constant 520 : i32
    %add3A_189 = arith.addi %mul3A_7, %add3A_188 : i32
    "tpu.region"() ({
      %run_scoped3A = tpu.sem_alloc : memref<!tpu.dma_semaphore, #tpu.memory_space<semaphore_mem>>
      %dma_start3A_209 = arith.constant 0 : i32
      %dma_start3A_210 = tpu.memref_slice %arg23[%add3A_189, %dma_start3A_209] : memref<10240x128xf32, #tpu.memory_space<vmem_shared>> -> memref<40x128xf32, #tpu.memory_space<vmem_shared>>
      %dma_start3A_211 = arith.constant 0 : i32
      %dma_start3A_212 = tpu.memref_slice %arg23[%add3A_189, %dma_start3A_211] : memref<10240x128xf32, #tpu.memory_space<vmem_shared>> -> memref<40x128xf32, #tpu.memory_space<vmem_shared>>
      tpu.enqueue_dma source(%dma_start3A_212 : memref<40x128xf32, #tpu.memory_space<vmem_shared>>) target(%arg11 : memref<40x128xf32, #tpu.memory_space<vmem>>) target_semaphore(%run_scoped3A : memref<!tpu.dma_semaphore, #tpu.memory_space<semaphore_mem>>)
      %dma_wait3A_213 = arith.constant 0 : i32
      %dma_wait3A_214 = tpu.memref_slice %arg23[%add3A_189, %dma_wait3A_213] : memref<10240x128xf32, #tpu.memory_space<vmem_shared>> -> memref<40x128xf32, #tpu.memory_space<vmem_shared>>
      %dma_wait3A_215 = arith.constant 0 : i32
      %dma_wait3A_216 = tpu.memref_slice %arg23[%add3A_189, %dma_wait3A_215] : memref<10240x128xf32, #tpu.memory_space<vmem_shared>> -> memref<40x128xf32, #tpu.memory_space<vmem_shared>>
      tpu.wait_dma2 semaphore(%run_scoped3A : memref<!tpu.dma_semaphore, #tpu.memory_space<semaphore_mem>>) src(%dma_wait3A_216 : memref<40x128xf32, #tpu.memory_space<vmem_shared>>) dst(%arg11 : memref<40x128xf32, #tpu.memory_space<vmem>>)
      tpu.yield
    }) : () -> ()
    %mul3A_190 = arith.constant 10240 : i32
    %mul3A_191 = arith.muli %arg0, %mul3A_190 : i32
    %add3A_192 = arith.addi %mul3A_191, %mul3A_7 : i32
    %add3A_193 = arith.constant 520 : i32
    %add3A_194 = arith.addi %add3A_192, %add3A_193 : i32
    "tpu.region"() ({
      %run_scoped3A = tpu.sem_alloc : memref<!tpu.dma_semaphore, #tpu.memory_space<semaphore_mem>>
      %dma_start3A_209 = arith.constant 0 : i32
      %dma_start3A_210 = tpu.memref_slice %arg7[%add3A_194, %dma_start3A_209] : memref<20480x128xf32, #tpu.memory_space<hbm>> -> memref<40x128xf32, #tpu.memory_space<hbm>>
      %dma_start3A_211 = arith.constant 0 : i32
      %dma_start3A_212 = tpu.memref_slice %arg7[%add3A_194, %dma_start3A_211] : memref<20480x128xf32, #tpu.memory_space<hbm>> -> memref<40x128xf32, #tpu.memory_space<hbm>>
      tpu.enqueue_dma source(%arg11 : memref<40x128xf32, #tpu.memory_space<vmem>>) target(%dma_start3A_212 : memref<40x128xf32, #tpu.memory_space<hbm>>) target_semaphore(%run_scoped3A : memref<!tpu.dma_semaphore, #tpu.memory_space<semaphore_mem>>)
      %dma_wait3A_213 = arith.constant 0 : i32
      %dma_wait3A_214 = tpu.memref_slice %arg7[%add3A_194, %dma_wait3A_213] : memref<20480x128xf32, #tpu.memory_space<hbm>> -> memref<40x128xf32, #tpu.memory_space<hbm>>
      %dma_wait3A_215 = arith.constant 0 : i32
      %dma_wait3A_216 = tpu.memref_slice %arg7[%add3A_194, %dma_wait3A_215] : memref<20480x128xf32, #tpu.memory_space<hbm>> -> memref<40x128xf32, #tpu.memory_space<hbm>>
      tpu.wait_dma2 semaphore(%run_scoped3A : memref<!tpu.dma_semaphore, #tpu.memory_space<semaphore_mem>>) src(%arg11 : memref<40x128xf32, #tpu.memory_space<vmem>>) dst(%dma_wait3A_216 : memref<40x128xf32, #tpu.memory_space<hbm>>)
      tpu.yield
    }) : () -> ()
    %add3A_195 = arith.constant 560 : i32
    %add3A_196 = arith.addi %mul3A_7, %add3A_195 : i32
    "tpu.region"() ({
      %run_scoped3A = tpu.sem_alloc : memref<!tpu.dma_semaphore, #tpu.memory_space<semaphore_mem>>
      %dma_start3A_209 = arith.constant 0 : i32
      %dma_start3A_210 = tpu.memref_slice %arg23[%add3A_196, %dma_start3A_209] : memref<10240x128xf32, #tpu.memory_space<vmem_shared>> -> memref<40x128xf32, #tpu.memory_space<vmem_shared>>
      %dma_start3A_211 = arith.constant 0 : i32
      %dma_start3A_212 = tpu.memref_slice %arg23[%add3A_196, %dma_start3A_211] : memref<10240x128xf32, #tpu.memory_space<vmem_shared>> -> memref<40x128xf32, #tpu.memory_space<vmem_shared>>
      tpu.enqueue_dma source(%dma_start3A_212 : memref<40x128xf32, #tpu.memory_space<vmem_shared>>) target(%arg11 : memref<40x128xf32, #tpu.memory_space<vmem>>) target_semaphore(%run_scoped3A : memref<!tpu.dma_semaphore, #tpu.memory_space<semaphore_mem>>)
      %dma_wait3A_213 = arith.constant 0 : i32
      %dma_wait3A_214 = tpu.memref_slice %arg23[%add3A_196, %dma_wait3A_213] : memref<10240x128xf32, #tpu.memory_space<vmem_shared>> -> memref<40x128xf32, #tpu.memory_space<vmem_shared>>
      %dma_wait3A_215 = arith.constant 0 : i32
      %dma_wait3A_216 = tpu.memref_slice %arg23[%add3A_196, %dma_wait3A_215] : memref<10240x128xf32, #tpu.memory_space<vmem_shared>> -> memref<40x128xf32, #tpu.memory_space<vmem_shared>>
      tpu.wait_dma2 semaphore(%run_scoped3A : memref<!tpu.dma_semaphore, #tpu.memory_space<semaphore_mem>>) src(%dma_wait3A_216 : memref<40x128xf32, #tpu.memory_space<vmem_shared>>) dst(%arg11 : memref<40x128xf32, #tpu.memory_space<vmem>>)
      tpu.yield
    }) : () -> ()
    %mul3A_197 = arith.constant 10240 : i32
    %mul3A_198 = arith.muli %arg0, %mul3A_197 : i32
    %add3A_199 = arith.addi %mul3A_198, %mul3A_7 : i32
    %add3A_200 = arith.constant 560 : i32
    %add3A_201 = arith.addi %add3A_199, %add3A_200 : i32
    "tpu.region"() ({
      %run_scoped3A = tpu.sem_alloc : memref<!tpu.dma_semaphore, #tpu.memory_space<semaphore_mem>>
      %dma_start3A_209 = arith.constant 0 : i32
      %dma_start3A_210 = tpu.memref_slice %arg7[%add3A_201, %dma_start3A_209] : memref<20480x128xf32, #tpu.memory_space<hbm>> -> memref<40x128xf32, #tpu.memory_space<hbm>>
      %dma_start3A_211 = arith.constant 0 : i32
      %dma_start3A_212 = tpu.memref_slice %arg7[%add3A_201, %dma_start3A_211] : memref<20480x128xf32, #tpu.memory_space<hbm>> -> memref<40x128xf32, #tpu.memory_space<hbm>>
      tpu.enqueue_dma source(%arg11 : memref<40x128xf32, #tpu.memory_space<vmem>>) target(%dma_start3A_212 : memref<40x128xf32, #tpu.memory_space<hbm>>) target_semaphore(%run_scoped3A : memref<!tpu.dma_semaphore, #tpu.memory_space<semaphore_mem>>)
      %dma_wait3A_213 = arith.constant 0 : i32
      %dma_wait3A_214 = tpu.memref_slice %arg7[%add3A_201, %dma_wait3A_213] : memref<20480x128xf32, #tpu.memory_space<hbm>> -> memref<40x128xf32, #tpu.memory_space<hbm>>
      %dma_wait3A_215 = arith.constant 0 : i32
      %dma_wait3A_216 = tpu.memref_slice %arg7[%add3A_201, %dma_wait3A_215] : memref<20480x128xf32, #tpu.memory_space<hbm>> -> memref<40x128xf32, #tpu.memory_space<hbm>>
      tpu.wait_dma2 semaphore(%run_scoped3A : memref<!tpu.dma_semaphore, #tpu.memory_space<semaphore_mem>>) src(%arg11 : memref<40x128xf32, #tpu.memory_space<vmem>>) dst(%dma_wait3A_216 : memref<40x128xf32, #tpu.memory_space<hbm>>)
      tpu.yield
    }) : () -> ()
    %add3A_202 = arith.constant 600 : i32
    %add3A_203 = arith.addi %mul3A_7, %add3A_202 : i32
    "tpu.region"() ({
      %run_scoped3A = tpu.sem_alloc : memref<!tpu.dma_semaphore, #tpu.memory_space<semaphore_mem>>
      %dma_start3A_209 = arith.constant 0 : i32
      %dma_start3A_210 = tpu.memref_slice %arg23[%add3A_203, %dma_start3A_209] : memref<10240x128xf32, #tpu.memory_space<vmem_shared>> -> memref<40x128xf32, #tpu.memory_space<vmem_shared>>
      %dma_start3A_211 = arith.constant 0 : i32
      %dma_start3A_212 = tpu.memref_slice %arg23[%add3A_203, %dma_start3A_211] : memref<10240x128xf32, #tpu.memory_space<vmem_shared>> -> memref<40x128xf32, #tpu.memory_space<vmem_shared>>
      tpu.enqueue_dma source(%dma_start3A_212 : memref<40x128xf32, #tpu.memory_space<vmem_shared>>) target(%arg11 : memref<40x128xf32, #tpu.memory_space<vmem>>) target_semaphore(%run_scoped3A : memref<!tpu.dma_semaphore, #tpu.memory_space<semaphore_mem>>)
      %dma_wait3A_213 = arith.constant 0 : i32
      %dma_wait3A_214 = tpu.memref_slice %arg23[%add3A_203, %dma_wait3A_213] : memref<10240x128xf32, #tpu.memory_space<vmem_shared>> -> memref<40x128xf32, #tpu.memory_space<vmem_shared>>
      %dma_wait3A_215 = arith.constant 0 : i32
      %dma_wait3A_216 = tpu.memref_slice %arg23[%add3A_203, %dma_wait3A_215] : memref<10240x128xf32, #tpu.memory_space<vmem_shared>> -> memref<40x128xf32, #tpu.memory_space<vmem_shared>>
      tpu.wait_dma2 semaphore(%run_scoped3A : memref<!tpu.dma_semaphore, #tpu.memory_space<semaphore_mem>>) src(%dma_wait3A_216 : memref<40x128xf32, #tpu.memory_space<vmem_shared>>) dst(%arg11 : memref<40x128xf32, #tpu.memory_space<vmem>>)
      tpu.yield
    }) : () -> ()
    %mul3A_204 = arith.constant 10240 : i32
    %mul3A_205 = arith.muli %arg0, %mul3A_204 : i32
    %add3A_206 = arith.addi %mul3A_205, %mul3A_7 : i32
    %add3A_207 = arith.constant 600 : i32
    %add3A_208 = arith.addi %add3A_206, %add3A_207 : i32
    "tpu.region"() ({
      %run_scoped3A = tpu.sem_alloc : memref<!tpu.dma_semaphore, #tpu.memory_space<semaphore_mem>>
      %dma_start3A_209 = arith.constant 0 : i32
      %dma_start3A_210 = tpu.memref_slice %arg7[%add3A_208, %dma_start3A_209] : memref<20480x128xf32, #tpu.memory_space<hbm>> -> memref<40x128xf32, #tpu.memory_space<hbm>>
      %dma_start3A_211 = arith.constant 0 : i32
      %dma_start3A_212 = tpu.memref_slice %arg7[%add3A_208, %dma_start3A_211] : memref<20480x128xf32, #tpu.memory_space<hbm>> -> memref<40x128xf32, #tpu.memory_space<hbm>>
      tpu.enqueue_dma source(%arg11 : memref<40x128xf32, #tpu.memory_space<vmem>>) target(%dma_start3A_212 : memref<40x128xf32, #tpu.memory_space<hbm>>) target_semaphore(%run_scoped3A : memref<!tpu.dma_semaphore, #tpu.memory_space<semaphore_mem>>)
      %dma_wait3A_213 = arith.constant 0 : i32
      %dma_wait3A_214 = tpu.memref_slice %arg7[%add3A_208, %dma_wait3A_213] : memref<20480x128xf32, #tpu.memory_space<hbm>> -> memref<40x128xf32, #tpu.memory_space<hbm>>
      %dma_wait3A_215 = arith.constant 0 : i32
      %dma_wait3A_216 = tpu.memref_slice %arg7[%add3A_208, %dma_wait3A_215] : memref<20480x128xf32, #tpu.memory_space<hbm>> -> memref<40x128xf32, #tpu.memory_space<hbm>>
      tpu.wait_dma2 semaphore(%run_scoped3A : memref<!tpu.dma_semaphore, #tpu.memory_space<semaphore_mem>>) src(%arg11 : memref<40x128xf32, #tpu.memory_space<vmem>>) dst(%dma_wait3A_216 : memref<40x128xf32, #tpu.memory_space<hbm>>)
      tpu.yield
    }) : () -> ()
    return
  }
}

#map = affine_map<(d0, d1) -> (0, 0)>
#map1 = affine_map<(d0, d1) -> (0)>
module attributes {stable_mosaic.version = 14 : i64} {
  func.func @_sc_ef_body(%arg0: i32, %arg1: i32, %arg2: memref<320000x16xf32, #tpu.memory_space<hbm>>, %arg3: memref<320000xi32, #tpu.memory_space<hbm>>, %arg4: memref<20480x128xf32, #tpu.memory_space<hbm>>, %arg5: memref<128xi32, #tpu.memory_space<vmem>>, %arg6: memref<128xi32, #tpu.memory_space<vmem>>, %arg7: memref<128x16xf32, #tpu.memory_space<vmem>>, %arg8: memref<128xi32, #tpu.memory_space<vmem>>, %arg9: memref<128x128xf32, #tpu.memory_space<vmem>>, %arg10: memref<10240x128xf32, #tpu.memory_space<vmem_shared>>, %arg11: memref<!tpu.dma_semaphore, #tpu.memory_space<semaphore_mem>>, %arg12: memref<!tpu.dma_semaphore, #tpu.memory_space<semaphore_mem>>, %arg13: memref<!tpu.dma_semaphore, #tpu.memory_space<semaphore_mem>>) attributes {dimension_semantics = [#tpu.dimension_semantics<core_parallel>, #tpu.dimension_semantics<subcore_parallel>], iteration_bounds = array<i64: 2, 16>, scalar_prefetch = 0 : i64, scratch_operands = 9 : i64, tpu.core_type = #tpu.core_type<sc_vector_subcore>, window_params = [{transform_indices = #map}, {transform_indices = #map1}, {transform_indices = #map}]} {
    %mul3A = arith.constant 2 : i32
    %mul3A_0 = arith.muli %arg1, %mul3A : i32
    %add3A = arith.addi %mul3A_0, %arg0 : i32
    %scan3A = arith.constant 0 : i32
    %scan3A_1 = arith.constant 0 : i32
    %scan3A_2 = arith.constant 128 : i32
    %scan3A_3 = arith.addi %scan3A_1, %scan3A_2 : i32
    %scan3A_4 = arith.constant 1 : i32
    scf.for %scan3A_84 = %scan3A_1 to %scan3A_3 step %scan3A_4  : i32 {
      %broadcast_in_dim3A = arith.constant 0.000000e+00 : f32
      %broadcast_in_dim3A_85 = vector.broadcast %broadcast_in_dim3A : f32 to vector<16xf32>
      %swap3A = arith.index_cast %scan3A_84 : i32 to index
      %swap3A_86 = arith.constant 0 : index
      %swap3A_87 = tpu.vector_load %arg9[%swap3A, %swap3A_86] {strides = array<i32>} : memref<128x128xf32, #tpu.memory_space<vmem>>, vector<1x16xf32>,
      %swap3A_88 = vector.shape_cast %swap3A_87 : vector<1x16xf32> to vector<16xf32>
      %swap3A_89 = vector.shape_cast %broadcast_in_dim3A_85 : vector<16xf32> to vector<1x16xf32>
      tpu.vector_store %arg9[%swap3A, %swap3A_86], %swap3A_89 {strides = array<i32>} : memref<128x128xf32, #tpu.memory_space<vmem>>, vector<1x16xf32>,
      %broadcast_in_dim3A_90 = arith.constant 0.000000e+00 : f32
      %broadcast_in_dim3A_91 = vector.broadcast %broadcast_in_dim3A_90 : f32 to vector<16xf32>
      %swap3A_92 = arith.index_cast %scan3A_84 : i32 to index
      %swap3A_93 = arith.constant 16 : index
      %swap3A_94 = tpu.vector_load %arg9[%swap3A_92, %swap3A_93] {strides = array<i32>} : memref<128x128xf32, #tpu.memory_space<vmem>>, vector<1x16xf32>,
      %swap3A_95 = vector.shape_cast %swap3A_94 : vector<1x16xf32> to vector<16xf32>
      %swap3A_96 = vector.shape_cast %broadcast_in_dim3A_91 : vector<16xf32> to vector<1x16xf32>
      tpu.vector_store %arg9[%swap3A_92, %swap3A_93], %swap3A_96 {strides = array<i32>} : memref<128x128xf32, #tpu.memory_space<vmem>>, vector<1x16xf32>,
      %broadcast_in_dim3A_97 = arith.constant 0.000000e+00 : f32
      %broadcast_in_dim3A_98 = vector.broadcast %broadcast_in_dim3A_97 : f32 to vector<16xf32>
      %swap3A_99 = arith.index_cast %scan3A_84 : i32 to index
      %swap3A_100 = arith.constant 32 : index
      %swap3A_101 = tpu.vector_load %arg9[%swap3A_99, %swap3A_100] {strides = array<i32>} : memref<128x128xf32, #tpu.memory_space<vmem>>, vector<1x16xf32>,
      %swap3A_102 = vector.shape_cast %swap3A_101 : vector<1x16xf32> to vector<16xf32>
      %swap3A_103 = vector.shape_cast %broadcast_in_dim3A_98 : vector<16xf32> to vector<1x16xf32>
      tpu.vector_store %arg9[%swap3A_99, %swap3A_100], %swap3A_103 {strides = array<i32>} : memref<128x128xf32, #tpu.memory_space<vmem>>, vector<1x16xf32>,
      %broadcast_in_dim3A_104 = arith.constant 0.000000e+00 : f32
      %broadcast_in_dim3A_105 = vector.broadcast %broadcast_in_dim3A_104 : f32 to vector<16xf32>
      %swap3A_106 = arith.index_cast %scan3A_84 : i32 to index
      %swap3A_107 = arith.constant 48 : index
      %swap3A_108 = tpu.vector_load %arg9[%swap3A_106, %swap3A_107] {strides = array<i32>} : memref<128x128xf32, #tpu.memory_space<vmem>>, vector<1x16xf32>,
      %swap3A_109 = vector.shape_cast %swap3A_108 : vector<1x16xf32> to vector<16xf32>
      %swap3A_110 = vector.shape_cast %broadcast_in_dim3A_105 : vector<16xf32> to vector<1x16xf32>
      tpu.vector_store %arg9[%swap3A_106, %swap3A_107], %swap3A_110 {strides = array<i32>} : memref<128x128xf32, #tpu.memory_space<vmem>>, vector<1x16xf32>,
      %broadcast_in_dim3A_111 = arith.constant 0.000000e+00 : f32
      %broadcast_in_dim3A_112 = vector.broadcast %broadcast_in_dim3A_111 : f32 to vector<16xf32>
      %swap3A_113 = arith.index_cast %scan3A_84 : i32 to index
      %swap3A_114 = arith.constant 64 : index
      %swap3A_115 = tpu.vector_load %arg9[%swap3A_113, %swap3A_114] {strides = array<i32>} : memref<128x128xf32, #tpu.memory_space<vmem>>, vector<1x16xf32>,
      %swap3A_116 = vector.shape_cast %swap3A_115 : vector<1x16xf32> to vector<16xf32>
      %swap3A_117 = vector.shape_cast %broadcast_in_dim3A_112 : vector<16xf32> to vector<1x16xf32>
      tpu.vector_store %arg9[%swap3A_113, %swap3A_114], %swap3A_117 {strides = array<i32>} : memref<128x128xf32, #tpu.memory_space<vmem>>, vector<1x16xf32>,
      %broadcast_in_dim3A_118 = arith.constant 0.000000e+00 : f32
      %broadcast_in_dim3A_119 = vector.broadcast %broadcast_in_dim3A_118 : f32 to vector<16xf32>
      %swap3A_120 = arith.index_cast %scan3A_84 : i32 to index
      %swap3A_121 = arith.constant 80 : index
      %swap3A_122 = tpu.vector_load %arg9[%swap3A_120, %swap3A_121] {strides = array<i32>} : memref<128x128xf32, #tpu.memory_space<vmem>>, vector<1x16xf32>,
      %swap3A_123 = vector.shape_cast %swap3A_122 : vector<1x16xf32> to vector<16xf32>
      %swap3A_124 = vector.shape_cast %broadcast_in_dim3A_119 : vector<16xf32> to vector<1x16xf32>
      tpu.vector_store %arg9[%swap3A_120, %swap3A_121], %swap3A_124 {strides = array<i32>} : memref<128x128xf32, #tpu.memory_space<vmem>>, vector<1x16xf32>,
      %broadcast_in_dim3A_125 = arith.constant 0.000000e+00 : f32
      %broadcast_in_dim3A_126 = vector.broadcast %broadcast_in_dim3A_125 : f32 to vector<16xf32>
      %swap3A_127 = arith.index_cast %scan3A_84 : i32 to index
      %swap3A_128 = arith.constant 96 : index
      %swap3A_129 = tpu.vector_load %arg9[%swap3A_127, %swap3A_128] {strides = array<i32>} : memref<128x128xf32, #tpu.memory_space<vmem>>, vector<1x16xf32>,
      %swap3A_130 = vector.shape_cast %swap3A_129 : vector<1x16xf32> to vector<16xf32>
      %swap3A_131 = vector.shape_cast %broadcast_in_dim3A_126 : vector<16xf32> to vector<1x16xf32>
      tpu.vector_store %arg9[%swap3A_127, %swap3A_128], %swap3A_131 {strides = array<i32>} : memref<128x128xf32, #tpu.memory_space<vmem>>, vector<1x16xf32>,
      %broadcast_in_dim3A_132 = arith.constant 0.000000e+00 : f32
      %broadcast_in_dim3A_133 = vector.broadcast %broadcast_in_dim3A_132 : f32 to vector<16xf32>
      %swap3A_134 = arith.index_cast %scan3A_84 : i32 to index
      %swap3A_135 = arith.constant 112 : index
      %swap3A_136 = tpu.vector_load %arg9[%swap3A_134, %swap3A_135] {strides = array<i32>} : memref<128x128xf32, #tpu.memory_space<vmem>>, vector<1x16xf32>,
      %swap3A_137 = vector.shape_cast %swap3A_136 : vector<1x16xf32> to vector<16xf32>
      %swap3A_138 = vector.shape_cast %broadcast_in_dim3A_133 : vector<16xf32> to vector<1x16xf32>
      tpu.vector_store %arg9[%swap3A_134, %swap3A_135], %swap3A_138 {strides = array<i32>} : memref<128x128xf32, #tpu.memory_space<vmem>>, vector<1x16xf32>,
    }
    %scan3A_5 = arith.constant 128 : i32
    %mul3A_6 = arith.constant 640 : i32
    %mul3A_7 = arith.muli %arg1, %mul3A_6 : i32
    %add3A_8 = arith.constant 0 : i32
    %add3A_9 = arith.addi %mul3A_7, %add3A_8 : i32
    "tpu.region"() ({
      %run_scoped3A = tpu.sem_alloc : memref<!tpu.dma_semaphore, #tpu.memory_space<semaphore_mem>>
      %dma_start3A = arith.constant 0 : i32
      %dma_start3A_84 = tpu.memref_slice %arg10[%add3A_9, %dma_start3A] : memref<10240x128xf32, #tpu.memory_space<vmem_shared>> -> memref<128x128xf32, #tpu.memory_space<vmem_shared>>
      %dma_start3A_85 = arith.constant 0 : i32
      %dma_start3A_86 = tpu.memref_slice %arg10[%add3A_9, %dma_start3A_85] : memref<10240x128xf32, #tpu.memory_space<vmem_shared>> -> memref<128x128xf32, #tpu.memory_space<vmem_shared>>
      tpu.enqueue_dma source(%arg9 : memref<128x128xf32, #tpu.memory_space<vmem>>) target(%dma_start3A_86 : memref<128x128xf32, #tpu.memory_space<vmem_shared>>) target_semaphore(%run_scoped3A : memref<!tpu.dma_semaphore, #tpu.memory_space<semaphore_mem>>)
      %dma_wait3A = arith.constant 0 : i32
      %dma_wait3A_87 = tpu.memref_slice %arg10[%add3A_9, %dma_wait3A] : memref<10240x128xf32, #tpu.memory_space<vmem_shared>> -> memref<128x128xf32, #tpu.memory_space<vmem_shared>>
      %dma_wait3A_88 = arith.constant 0 : i32
      %dma_wait3A_89 = tpu.memref_slice %arg10[%add3A_9, %dma_wait3A_88] : memref<10240x128xf32, #tpu.memory_space<vmem_shared>> -> memref<128x128xf32, #tpu.memory_space<vmem_shared>>
      tpu.wait_dma2 semaphore(%run_scoped3A : memref<!tpu.dma_semaphore, #tpu.memory_space<semaphore_mem>>) src(%arg9 : memref<128x128xf32, #tpu.memory_space<vmem>>) dst(%dma_wait3A_89 : memref<128x128xf32, #tpu.memory_space<vmem_shared>>)
      tpu.yield
    }) : () -> ()
    %add3A_10 = arith.constant 128 : i32
    %add3A_11 = arith.addi %mul3A_7, %add3A_10 : i32
    "tpu.region"() ({
      %run_scoped3A = tpu.sem_alloc : memref<!tpu.dma_semaphore, #tpu.memory_space<semaphore_mem>>
      %dma_start3A = arith.constant 0 : i32
      %dma_start3A_84 = tpu.memref_slice %arg10[%add3A_11, %dma_start3A] : memref<10240x128xf32, #tpu.memory_space<vmem_shared>> -> memref<128x128xf32, #tpu.memory_space<vmem_shared>>
      %dma_start3A_85 = arith.constant 0 : i32
      %dma_start3A_86 = tpu.memref_slice %arg10[%add3A_11, %dma_start3A_85] : memref<10240x128xf32, #tpu.memory_space<vmem_shared>> -> memref<128x128xf32, #tpu.memory_space<vmem_shared>>
      tpu.enqueue_dma source(%arg9 : memref<128x128xf32, #tpu.memory_space<vmem>>) target(%dma_start3A_86 : memref<128x128xf32, #tpu.memory_space<vmem_shared>>) target_semaphore(%run_scoped3A : memref<!tpu.dma_semaphore, #tpu.memory_space<semaphore_mem>>)
      %dma_wait3A = arith.constant 0 : i32
      %dma_wait3A_87 = tpu.memref_slice %arg10[%add3A_11, %dma_wait3A] : memref<10240x128xf32, #tpu.memory_space<vmem_shared>> -> memref<128x128xf32, #tpu.memory_space<vmem_shared>>
      %dma_wait3A_88 = arith.constant 0 : i32
      %dma_wait3A_89 = tpu.memref_slice %arg10[%add3A_11, %dma_wait3A_88] : memref<10240x128xf32, #tpu.memory_space<vmem_shared>> -> memref<128x128xf32, #tpu.memory_space<vmem_shared>>
      tpu.wait_dma2 semaphore(%run_scoped3A : memref<!tpu.dma_semaphore, #tpu.memory_space<semaphore_mem>>) src(%arg9 : memref<128x128xf32, #tpu.memory_space<vmem>>) dst(%dma_wait3A_89 : memref<128x128xf32, #tpu.memory_space<vmem_shared>>)
      tpu.yield
    }) : () -> ()
    %add3A_12 = arith.constant 256 : i32
    %add3A_13 = arith.addi %mul3A_7, %add3A_12 : i32
    "tpu.region"() ({
      %run_scoped3A = tpu.sem_alloc : memref<!tpu.dma_semaphore, #tpu.memory_space<semaphore_mem>>
      %dma_start3A = arith.constant 0 : i32
      %dma_start3A_84 = tpu.memref_slice %arg10[%add3A_13, %dma_start3A] : memref<10240x128xf32, #tpu.memory_space<vmem_shared>> -> memref<128x128xf32, #tpu.memory_space<vmem_shared>>
      %dma_start3A_85 = arith.constant 0 : i32
      %dma_start3A_86 = tpu.memref_slice %arg10[%add3A_13, %dma_start3A_85] : memref<10240x128xf32, #tpu.memory_space<vmem_shared>> -> memref<128x128xf32, #tpu.memory_space<vmem_shared>>
      tpu.enqueue_dma source(%arg9 : memref<128x128xf32, #tpu.memory_space<vmem>>) target(%dma_start3A_86 : memref<128x128xf32, #tpu.memory_space<vmem_shared>>) target_semaphore(%run_scoped3A : memref<!tpu.dma_semaphore, #tpu.memory_space<semaphore_mem>>)
      %dma_wait3A = arith.constant 0 : i32
      %dma_wait3A_87 = tpu.memref_slice %arg10[%add3A_13, %dma_wait3A] : memref<10240x128xf32, #tpu.memory_space<vmem_shared>> -> memref<128x128xf32, #tpu.memory_space<vmem_shared>>
      %dma_wait3A_88 = arith.constant 0 : i32
      %dma_wait3A_89 = tpu.memref_slice %arg10[%add3A_13, %dma_wait3A_88] : memref<10240x128xf32, #tpu.memory_space<vmem_shared>> -> memref<128x128xf32, #tpu.memory_space<vmem_shared>>
      tpu.wait_dma2 semaphore(%run_scoped3A : memref<!tpu.dma_semaphore, #tpu.memory_space<semaphore_mem>>) src(%arg9 : memref<128x128xf32, #tpu.memory_space<vmem>>) dst(%dma_wait3A_89 : memref<128x128xf32, #tpu.memory_space<vmem_shared>>)
      tpu.yield
    }) : () -> ()
    %add3A_14 = arith.constant 384 : i32
    %add3A_15 = arith.addi %mul3A_7, %add3A_14 : i32
    "tpu.region"() ({
      %run_scoped3A = tpu.sem_alloc : memref<!tpu.dma_semaphore, #tpu.memory_space<semaphore_mem>>
      %dma_start3A = arith.constant 0 : i32
      %dma_start3A_84 = tpu.memref_slice %arg10[%add3A_15, %dma_start3A] : memref<10240x128xf32, #tpu.memory_space<vmem_shared>> -> memref<128x128xf32, #tpu.memory_space<vmem_shared>>
      %dma_start3A_85 = arith.constant 0 : i32
      %dma_start3A_86 = tpu.memref_slice %arg10[%add3A_15, %dma_start3A_85] : memref<10240x128xf32, #tpu.memory_space<vmem_shared>> -> memref<128x128xf32, #tpu.memory_space<vmem_shared>>
      tpu.enqueue_dma source(%arg9 : memref<128x128xf32, #tpu.memory_space<vmem>>) target(%dma_start3A_86 : memref<128x128xf32, #tpu.memory_space<vmem_shared>>) target_semaphore(%run_scoped3A : memref<!tpu.dma_semaphore, #tpu.memory_space<semaphore_mem>>)
      %dma_wait3A = arith.constant 0 : i32
      %dma_wait3A_87 = tpu.memref_slice %arg10[%add3A_15, %dma_wait3A] : memref<10240x128xf32, #tpu.memory_space<vmem_shared>> -> memref<128x128xf32, #tpu.memory_space<vmem_shared>>
      %dma_wait3A_88 = arith.constant 0 : i32
      %dma_wait3A_89 = tpu.memref_slice %arg10[%add3A_15, %dma_wait3A_88] : memref<10240x128xf32, #tpu.memory_space<vmem_shared>> -> memref<128x128xf32, #tpu.memory_space<vmem_shared>>
      tpu.wait_dma2 semaphore(%run_scoped3A : memref<!tpu.dma_semaphore, #tpu.memory_space<semaphore_mem>>) src(%arg9 : memref<128x128xf32, #tpu.memory_space<vmem>>) dst(%dma_wait3A_89 : memref<128x128xf32, #tpu.memory_space<vmem_shared>>)
      tpu.yield
    }) : () -> ()
    %add3A_16 = arith.constant 512 : i32
    %add3A_17 = arith.addi %mul3A_7, %add3A_16 : i32
    "tpu.region"() ({
      %run_scoped3A = tpu.sem_alloc : memref<!tpu.dma_semaphore, #tpu.memory_space<semaphore_mem>>
      %dma_start3A = arith.constant 0 : i32
      %dma_start3A_84 = tpu.memref_slice %arg10[%add3A_17, %dma_start3A] : memref<10240x128xf32, #tpu.memory_space<vmem_shared>> -> memref<128x128xf32, #tpu.memory_space<vmem_shared>>
      %dma_start3A_85 = arith.constant 0 : i32
      %dma_start3A_86 = tpu.memref_slice %arg10[%add3A_17, %dma_start3A_85] : memref<10240x128xf32, #tpu.memory_space<vmem_shared>> -> memref<128x128xf32, #tpu.memory_space<vmem_shared>>
      tpu.enqueue_dma source(%arg9 : memref<128x128xf32, #tpu.memory_space<vmem>>) target(%dma_start3A_86 : memref<128x128xf32, #tpu.memory_space<vmem_shared>>) target_semaphore(%run_scoped3A : memref<!tpu.dma_semaphore, #tpu.memory_space<semaphore_mem>>)
      %dma_wait3A = arith.constant 0 : i32
      %dma_wait3A_87 = tpu.memref_slice %arg10[%add3A_17, %dma_wait3A] : memref<10240x128xf32, #tpu.memory_space<vmem_shared>> -> memref<128x128xf32, #tpu.memory_space<vmem_shared>>
      %dma_wait3A_88 = arith.constant 0 : i32
      %dma_wait3A_89 = tpu.memref_slice %arg10[%add3A_17, %dma_wait3A_88] : memref<10240x128xf32, #tpu.memory_space<vmem_shared>> -> memref<128x128xf32, #tpu.memory_space<vmem_shared>>
      tpu.wait_dma2 semaphore(%run_scoped3A : memref<!tpu.dma_semaphore, #tpu.memory_space<semaphore_mem>>) src(%arg9 : memref<128x128xf32, #tpu.memory_space<vmem>>) dst(%dma_wait3A_89 : memref<128x128xf32, #tpu.memory_space<vmem_shared>>)
      tpu.yield
    }) : () -> ()
    %barrier3A = arith.constant 0 : index
    tpu.barrier barrier_id(%barrier3A)
    %scan3A_18 = arith.constant 0 : i32
    %scan3A_19 = arith.constant 0 : i32
    %scan3A_20 = arith.constant 128 : i32
    %scan3A_21 = arith.addi %scan3A_19, %scan3A_20 : i32
    %scan3A_22 = arith.constant 1 : i32
    scf.for %scan3A_84 = %scan3A_19 to %scan3A_21 step %scan3A_22  : i32 {
      %broadcast_in_dim3A = arith.constant 1.000000e+00 : f32
      %broadcast_in_dim3A_85 = vector.broadcast %broadcast_in_dim3A : f32 to vector<16xf32>
      %swap3A = arith.index_cast %scan3A_84 : i32 to index
      %swap3A_86 = arith.constant 16 : index
      %swap3A_87 = tpu.vector_load %arg9[%swap3A, %swap3A_86] {strides = array<i32>} : memref<128x128xf32, #tpu.memory_space<vmem>>, vector<1x16xf32>,
      %swap3A_88 = vector.shape_cast %swap3A_87 : vector<1x16xf32> to vector<16xf32>
      %swap3A_89 = vector.shape_cast %broadcast_in_dim3A_85 : vector<16xf32> to vector<1x16xf32>
      tpu.vector_store %arg9[%swap3A, %swap3A_86], %swap3A_89 {strides = array<i32>} : memref<128x128xf32, #tpu.memory_space<vmem>>, vector<1x16xf32>,
    }
    %scan3A_23 = arith.constant 128 : i32
    %add3A_24 = arith.constant 0 : i32
    %add3A_25 = arith.addi %add3A, %add3A_24 : i32
    %lt3A = arith.constant 2500 : i32
    %lt3A_26 = arith.cmpi slt, %add3A_25, %lt3A : i32
    %convert_element_type3A = arith.extui %lt3A_26 : i1 to i32
    %cond3A = arith.constant 0 : i32
    %cond3A_27 = arith.cmpi ne, %convert_element_type3A, %cond3A : i32
    scf.if %cond3A_27 {
      %add3A_84 = arith.constant 0 : i32
      %add3A_85 = arith.addi %add3A, %add3A_84 : i32
      %mul3A_86 = arith.constant 128 : i32
      %mul3A_87 = arith.muli %add3A_85, %mul3A_86 : i32
      %dma_start3A = tpu.memref_slice %arg3[%mul3A_87] : memref<320000xi32, #tpu.memory_space<hbm>> -> memref<128xi32, #tpu.memory_space<hbm>>
      %dma_start3A_88 = tpu.memref_slice %arg3[%mul3A_87] : memref<320000xi32, #tpu.memory_space<hbm>> -> memref<128xi32, #tpu.memory_space<hbm>>
      tpu.enqueue_dma source(%dma_start3A_88 : memref<128xi32, #tpu.memory_space<hbm>>) target(%arg5 : memref<128xi32, #tpu.memory_space<vmem>>) target_semaphore(%arg11 : memref<!tpu.dma_semaphore, #tpu.memory_space<semaphore_mem>>)
    } else {
    }
    %add3A_28 = arith.constant 32 : i32
    %add3A_29 = arith.addi %add3A, %add3A_28 : i32
    %lt3A_30 = arith.constant 2500 : i32
    %lt3A_31 = arith.cmpi slt, %add3A_29, %lt3A_30 : i32
    %convert_element_type3A_32 = arith.extui %lt3A_31 : i1 to i32
    %cond3A_33 = arith.constant 0 : i32
    %cond3A_34 = arith.cmpi ne, %convert_element_type3A_32, %cond3A_33 : i32
    scf.if %cond3A_34 {
      %add3A_84 = arith.constant 32 : i32
      %add3A_85 = arith.addi %add3A, %add3A_84 : i32
      %mul3A_86 = arith.constant 128 : i32
      %mul3A_87 = arith.muli %add3A_85, %mul3A_86 : i32
      %dma_start3A = tpu.memref_slice %arg3[%mul3A_87] : memref<320000xi32, #tpu.memory_space<hbm>> -> memref<128xi32, #tpu.memory_space<hbm>>
      %dma_start3A_88 = tpu.memref_slice %arg3[%mul3A_87] : memref<320000xi32, #tpu.memory_space<hbm>> -> memref<128xi32, #tpu.memory_space<hbm>>
      tpu.enqueue_dma source(%dma_start3A_88 : memref<128xi32, #tpu.memory_space<hbm>>) target(%arg6 : memref<128xi32, #tpu.memory_space<vmem>>) target_semaphore(%arg12 : memref<!tpu.dma_semaphore, #tpu.memory_space<semaphore_mem>>)
    } else {
    }
    %add3A_35 = arith.constant 0 : i32
    %add3A_36 = arith.addi %add3A, %add3A_35 : i32
    %lt3A_37 = arith.constant 2500 : i32
    %lt3A_38 = arith.cmpi slt, %add3A_36, %lt3A_37 : i32
    %convert_element_type3A_39 = arith.extui %lt3A_38 : i1 to i32
    %cond3A_40 = arith.constant 0 : i32
    %cond3A_41 = arith.cmpi ne, %convert_element_type3A_39, %cond3A_40 : i32
    scf.if %cond3A_41 {
      %add3A_84 = arith.constant 0 : i32
      %add3A_85 = arith.addi %add3A, %add3A_84 : i32
      %mul3A_86 = arith.constant 128 : i32
      %mul3A_87 = arith.muli %add3A_85, %mul3A_86 : i32
      %dma_start3A = arith.constant 0 : i32
      %dma_start3A_88 = tpu.memref_slice %arg2[%mul3A_87, %dma_start3A] : memref<320000x16xf32, #tpu.memory_space<hbm>> -> memref<128x16xf32, #tpu.memory_space<hbm>>
      %dma_start3A_89 = arith.constant 0 : i32
      %dma_start3A_90 = tpu.memref_slice %arg2[%mul3A_87, %dma_start3A_89] : memref<320000x16xf32, #tpu.memory_space<hbm>> -> memref<128x16xf32, #tpu.memory_space<hbm>>
      tpu.enqueue_dma source(%dma_start3A_90 : memref<128x16xf32, #tpu.memory_space<hbm>>) target(%arg7 : memref<128x16xf32, #tpu.memory_space<vmem>>) target_semaphore(%arg13 : memref<!tpu.dma_semaphore, #tpu.memory_space<semaphore_mem>>)
    } else {
    }
    %scan3A_42 = arith.constant 0 : i32
    %scan3A_43 = arith.constant 0 : i32
    %scan3A_44 = arith.constant 40 : i32
    %scan3A_45 = arith.addi %scan3A_43, %scan3A_44 : i32
    %scan3A_46 = arith.constant 1 : i32
    scf.for %scan3A_84 = %scan3A_43 to %scan3A_45 step %scan3A_46  : i32 {
      %mul3A_85 = arith.constant 2 : i32
      %mul3A_86 = arith.muli %scan3A_84, %mul3A_85 : i32
      %mul3A_87 = arith.constant 32 : i32
      %mul3A_88 = arith.muli %mul3A_86, %mul3A_87 : i32
      %add3A_89 = arith.addi %add3A, %mul3A_88 : i32
      %lt3A_90 = arith.constant 2500 : i32
      %lt3A_91 = arith.cmpi slt, %add3A_89, %lt3A_90 : i32
      %convert_element_type3A_92 = arith.extui %lt3A_91 : i1 to i32
      %cond3A_93 = arith.constant 0 : i32
      %cond3A_94 = arith.cmpi ne, %convert_element_type3A_92, %cond3A_93 : i32
      scf.if %cond3A_94 {
        %mul3A_105 = arith.constant 128 : i32
        %mul3A_106 = arith.muli %add3A_89, %mul3A_105 : i32
        %dma_wait3A = tpu.memref_slice %arg3[%mul3A_106] : memref<320000xi32, #tpu.memory_space<hbm>> -> memref<128xi32, #tpu.memory_space<hbm>>
        %dma_wait3A_107 = tpu.memref_slice %arg3[%mul3A_106] : memref<320000xi32, #tpu.memory_space<hbm>> -> memref<128xi32, #tpu.memory_space<hbm>>
        tpu.wait_dma2 semaphore(%arg11 : memref<!tpu.dma_semaphore, #tpu.memory_space<semaphore_mem>>) src(%dma_wait3A_107 : memref<128xi32, #tpu.memory_space<hbm>>) dst(%arg5 : memref<128xi32, #tpu.memory_space<vmem>>)
        %dma_wait3A_108 = arith.constant 0 : i32
        %dma_wait3A_109 = tpu.memref_slice %arg2[%mul3A_106, %dma_wait3A_108] : memref<320000x16xf32, #tpu.memory_space<hbm>> -> memref<128x16xf32, #tpu.memory_space<hbm>>
        %dma_wait3A_110 = arith.constant 0 : i32
        %dma_wait3A_111 = tpu.memref_slice %arg2[%mul3A_106, %dma_wait3A_110] : memref<320000x16xf32, #tpu.memory_space<hbm>> -> memref<128x16xf32, #tpu.memory_space<hbm>>
        tpu.wait_dma2 semaphore(%arg13 : memref<!tpu.dma_semaphore, #tpu.memory_space<semaphore_mem>>) src(%dma_wait3A_111 : memref<128x16xf32, #tpu.memory_space<hbm>>) dst(%arg7 : memref<128x16xf32, #tpu.memory_space<vmem>>)
        %get3A = arith.constant 0 : index
        %get3A_112 = tpu.vector_load %arg5[%get3A] {strides = array<i32>} : memref<128xi32, #tpu.memory_space<vmem>>, vector<16xi32>,
        %get3A_113 = vector.shape_cast %get3A_112 : vector<16xi32> to vector<16xi32>
        %swap3A = arith.constant 0 : index
        %swap3A_114 = tpu.vector_load %arg8[%swap3A] {strides = array<i32>} : memref<128xi32, #tpu.memory_space<vmem>>, vector<16xi32>,
        %swap3A_115 = vector.shape_cast %swap3A_114 : vector<16xi32> to vector<16xi32>
        %swap3A_116 = vector.shape_cast %get3A_113 : vector<16xi32> to vector<16xi32>
        tpu.vector_store %arg8[%swap3A], %swap3A_116 {strides = array<i32>} : memref<128xi32, #tpu.memory_space<vmem>>, vector<16xi32>,
        %get3A_117 = arith.constant 16 : index
        %get3A_118 = tpu.vector_load %arg5[%get3A_117] {strides = array<i32>} : memref<128xi32, #tpu.memory_space<vmem>>, vector<16xi32>,
        %get3A_119 = vector.shape_cast %get3A_118 : vector<16xi32> to vector<16xi32>
        %swap3A_120 = arith.constant 16 : index
        %swap3A_121 = tpu.vector_load %arg8[%swap3A_120] {strides = array<i32>} : memref<128xi32, #tpu.memory_space<vmem>>, vector<16xi32>,
        %swap3A_122 = vector.shape_cast %swap3A_121 : vector<16xi32> to vector<16xi32>
        %swap3A_123 = vector.shape_cast %get3A_119 : vector<16xi32> to vector<16xi32>
        tpu.vector_store %arg8[%swap3A_120], %swap3A_123 {strides = array<i32>} : memref<128xi32, #tpu.memory_space<vmem>>, vector<16xi32>,
        %get3A_124 = arith.constant 32 : index
        %get3A_125 = tpu.vector_load %arg5[%get3A_124] {strides = array<i32>} : memref<128xi32, #tpu.memory_space<vmem>>, vector<16xi32>,
        %get3A_126 = vector.shape_cast %get3A_125 : vector<16xi32> to vector<16xi32>
        %swap3A_127 = arith.constant 32 : index
        %swap3A_128 = tpu.vector_load %arg8[%swap3A_127] {strides = array<i32>} : memref<128xi32, #tpu.memory_space<vmem>>, vector<16xi32>,
        %swap3A_129 = vector.shape_cast %swap3A_128 : vector<16xi32> to vector<16xi32>
        %swap3A_130 = vector.shape_cast %get3A_126 : vector<16xi32> to vector<16xi32>
        tpu.vector_store %arg8[%swap3A_127], %swap3A_130 {strides = array<i32>} : memref<128xi32, #tpu.memory_space<vmem>>, vector<16xi32>,
        %get3A_131 = arith.constant 48 : index
        %get3A_132 = tpu.vector_load %arg5[%get3A_131] {strides = array<i32>} : memref<128xi32, #tpu.memory_space<vmem>>, vector<16xi32>,
        %get3A_133 = vector.shape_cast %get3A_132 : vector<16xi32> to vector<16xi32>
        %swap3A_134 = arith.constant 48 : index
        %swap3A_135 = tpu.vector_load %arg8[%swap3A_134] {strides = array<i32>} : memref<128xi32, #tpu.memory_space<vmem>>, vector<16xi32>,
        %swap3A_136 = vector.shape_cast %swap3A_135 : vector<16xi32> to vector<16xi32>
        %swap3A_137 = vector.shape_cast %get3A_133 : vector<16xi32> to vector<16xi32>
        tpu.vector_store %arg8[%swap3A_134], %swap3A_137 {strides = array<i32>} : memref<128xi32, #tpu.memory_space<vmem>>, vector<16xi32>,
        %get3A_138 = arith.constant 64 : index
        %get3A_139 = tpu.vector_load %arg5[%get3A_138] {strides = array<i32>} : memref<128xi32, #tpu.memory_space<vmem>>, vector<16xi32>,
        %get3A_140 = vector.shape_cast %get3A_139 : vector<16xi32> to vector<16xi32>
        %swap3A_141 = arith.constant 64 : index
        %swap3A_142 = tpu.vector_load %arg8[%swap3A_141] {strides = array<i32>} : memref<128xi32, #tpu.memory_space<vmem>>, vector<16xi32>,
        %swap3A_143 = vector.shape_cast %swap3A_142 : vector<16xi32> to vector<16xi32>
        %swap3A_144 = vector.shape_cast %get3A_140 : vector<16xi32> to vector<16xi32>
        tpu.vector_store %arg8[%swap3A_141], %swap3A_144 {strides = array<i32>} : memref<128xi32, #tpu.memory_space<vmem>>, vector<16xi32>,
        %get3A_145 = arith.constant 80 : index
        %get3A_146 = tpu.vector_load %arg5[%get3A_145] {strides = array<i32>} : memref<128xi32, #tpu.memory_space<vmem>>, vector<16xi32>,
        %get3A_147 = vector.shape_cast %get3A_146 : vector<16xi32> to vector<16xi32>
        %swap3A_148 = arith.constant 80 : index
        %swap3A_149 = tpu.vector_load %arg8[%swap3A_148] {strides = array<i32>} : memref<128xi32, #tpu.memory_space<vmem>>, vector<16xi32>,
        %swap3A_150 = vector.shape_cast %swap3A_149 : vector<16xi32> to vector<16xi32>
        %swap3A_151 = vector.shape_cast %get3A_147 : vector<16xi32> to vector<16xi32>
        tpu.vector_store %arg8[%swap3A_148], %swap3A_151 {strides = array<i32>} : memref<128xi32, #tpu.memory_space<vmem>>, vector<16xi32>,
        %get3A_152 = arith.constant 96 : index
        %get3A_153 = tpu.vector_load %arg5[%get3A_152] {strides = array<i32>} : memref<128xi32, #tpu.memory_space<vmem>>, vector<16xi32>,
        %get3A_154 = vector.shape_cast %get3A_153 : vector<16xi32> to vector<16xi32>
        %swap3A_155 = arith.constant 96 : index
        %swap3A_156 = tpu.vector_load %arg8[%swap3A_155] {strides = array<i32>} : memref<128xi32, #tpu.memory_space<vmem>>, vector<16xi32>,
        %swap3A_157 = vector.shape_cast %swap3A_156 : vector<16xi32> to vector<16xi32>
        %swap3A_158 = vector.shape_cast %get3A_154 : vector<16xi32> to vector<16xi32>
        tpu.vector_store %arg8[%swap3A_155], %swap3A_158 {strides = array<i32>} : memref<128xi32, #tpu.memory_space<vmem>>, vector<16xi32>,
        %get3A_159 = arith.constant 112 : index
        %get3A_160 = tpu.vector_load %arg5[%get3A_159] {strides = array<i32>} : memref<128xi32, #tpu.memory_space<vmem>>, vector<16xi32>,
        %get3A_161 = vector.shape_cast %get3A_160 : vector<16xi32> to vector<16xi32>
        %swap3A_162 = arith.constant 112 : index
        %swap3A_163 = tpu.vector_load %arg8[%swap3A_162] {strides = array<i32>} : memref<128xi32, #tpu.memory_space<vmem>>, vector<16xi32>,
        %swap3A_164 = vector.shape_cast %swap3A_163 : vector<16xi32> to vector<16xi32>
        %swap3A_165 = vector.shape_cast %get3A_161 : vector<16xi32> to vector<16xi32>
        tpu.vector_store %arg8[%swap3A_162], %swap3A_165 {strides = array<i32>} : memref<128xi32, #tpu.memory_space<vmem>>, vector<16xi32>,
        %add3A_166 = arith.constant 2 : i32
        %add3A_167 = arith.addi %mul3A_86, %add3A_166 : i32
        %mul3A_168 = arith.constant 32 : i32
        %mul3A_169 = arith.muli %add3A_167, %mul3A_168 : i32
        %add3A_170 = arith.addi %add3A, %mul3A_169 : i32
        %lt3A_171 = arith.constant 2500 : i32
        %lt3A_172 = arith.cmpi slt, %add3A_170, %lt3A_171 : i32
        %convert_element_type3A_173 = arith.extui %lt3A_172 : i1 to i32
        %cond3A_174 = arith.constant 0 : i32
        %cond3A_175 = arith.cmpi ne, %convert_element_type3A_173, %cond3A_174 : i32
        scf.if %cond3A_175 {
          %mul3A_192 = arith.constant 32 : i32
          %mul3A_193 = arith.muli %add3A_167, %mul3A_192 : i32
          %add3A_194 = arith.addi %add3A, %mul3A_193 : i32
          %mul3A_195 = arith.constant 128 : i32
          %mul3A_196 = arith.muli %add3A_194, %mul3A_195 : i32
          %dma_start3A = tpu.memref_slice %arg3[%mul3A_196] : memref<320000xi32, #tpu.memory_space<hbm>> -> memref<128xi32, #tpu.memory_space<hbm>>
          %dma_start3A_197 = tpu.memref_slice %arg3[%mul3A_196] : memref<320000xi32, #tpu.memory_space<hbm>> -> memref<128xi32, #tpu.memory_space<hbm>>
          tpu.enqueue_dma source(%dma_start3A_197 : memref<128xi32, #tpu.memory_space<hbm>>) target(%arg5 : memref<128xi32, #tpu.memory_space<vmem>>) target_semaphore(%arg11 : memref<!tpu.dma_semaphore, #tpu.memory_space<semaphore_mem>>)
        } else {
        }
        %scan3A_176 = arith.constant 0 : i32
        %scan3A_177 = arith.constant 0 : i32
        %scan3A_178 = arith.constant 128 : i32
        %scan3A_179 = arith.addi %scan3A_177, %scan3A_178 : i32
        %scan3A_180 = arith.constant 1 : i32
        scf.for %scan3A_192 = %scan3A_177 to %scan3A_179 step %scan3A_180  : i32 {
          %get3A_193 = arith.index_cast %scan3A_192 : i32 to index
          %get3A_194 = arith.constant 0 : index
          %get3A_195 = tpu.vector_load %arg7[%get3A_193, %get3A_194] {strides = array<i32>} : memref<128x16xf32, #tpu.memory_space<vmem>>, vector<1x16xf32>,
          %get3A_196 = vector.shape_cast %get3A_195 : vector<1x16xf32> to vector<16xf32>
          %swap3A_197 = arith.index_cast %scan3A_192 : i32 to index
          %swap3A_198 = arith.constant 0 : index
          %swap3A_199 = tpu.vector_load %arg9[%swap3A_197, %swap3A_198] {strides = array<i32>} : memref<128x128xf32, #tpu.memory_space<vmem>>, vector<1x16xf32>,
          %swap3A_200 = vector.shape_cast %swap3A_199 : vector<1x16xf32> to vector<16xf32>
          %swap3A_201 = vector.shape_cast %get3A_196 : vector<16xf32> to vector<1x16xf32>
          tpu.vector_store %arg9[%swap3A_197, %swap3A_198], %swap3A_201 {strides = array<i32>} : memref<128x128xf32, #tpu.memory_space<vmem>>, vector<1x16xf32>,
        }
        %scan3A_181 = arith.constant 128 : i32
        %add3A_182 = arith.constant 1 : i32
        %add3A_183 = arith.addi %mul3A_86, %add3A_182 : i32
        %mul3A_184 = arith.constant 32 : i32
        %mul3A_185 = arith.muli %add3A_183, %mul3A_184 : i32
        %add3A_186 = arith.addi %add3A, %mul3A_185 : i32
        %lt3A_187 = arith.constant 2500 : i32
        %lt3A_188 = arith.cmpi slt, %add3A_186, %lt3A_187 : i32
        %convert_element_type3A_189 = arith.extui %lt3A_188 : i1 to i32
        %cond3A_190 = arith.constant 0 : i32
        %cond3A_191 = arith.cmpi ne, %convert_element_type3A_189, %cond3A_190 : i32
        scf.if %cond3A_191 {
          %mul3A_192 = arith.constant 32 : i32
          %mul3A_193 = arith.muli %add3A_183, %mul3A_192 : i32
          %add3A_194 = arith.addi %add3A, %mul3A_193 : i32
          %mul3A_195 = arith.constant 128 : i32
          %mul3A_196 = arith.muli %add3A_194, %mul3A_195 : i32
          %dma_start3A = arith.constant 0 : i32
          %dma_start3A_197 = tpu.memref_slice %arg2[%mul3A_196, %dma_start3A] : memref<320000x16xf32, #tpu.memory_space<hbm>> -> memref<128x16xf32, #tpu.memory_space<hbm>>
          %dma_start3A_198 = arith.constant 0 : i32
          %dma_start3A_199 = tpu.memref_slice %arg2[%mul3A_196, %dma_start3A_198] : memref<320000x16xf32, #tpu.memory_space<hbm>> -> memref<128x16xf32, #tpu.memory_space<hbm>>
          tpu.enqueue_dma source(%dma_start3A_199 : memref<128x16xf32, #tpu.memory_space<hbm>>) target(%arg7 : memref<128x16xf32, #tpu.memory_space<vmem>>) target_semaphore(%arg13 : memref<!tpu.dma_semaphore, #tpu.memory_space<semaphore_mem>>)
        } else {
        }
        "tpu.region"() ({
          %run_scoped3A = tpu.sem_alloc : memref<!tpu.dma_semaphore, #tpu.memory_space<semaphore_mem>>
          %dma_start3A = arith.constant 0 : i32
          %dma_start3A_192 = arith.constant 0 : i32
          %dma_start3A_193 = tpu.memref_slice %arg10[%dma_start3A, %dma_start3A_192] : memref<10240x128xf32, #tpu.memory_space<vmem_shared>> -> memref<10240x128xf32, #tpu.memory_space<vmem_shared>>
          tpu.enqueue_indirect_dma source(%arg9 : memref<128x128xf32, #tpu.memory_space<vmem>>) target(%dma_start3A_193 : memref<10240x128xf32, #tpu.memory_space<vmem_shared>>) offsets(%arg8 : memref<128xi32, #tpu.memory_space<vmem>>) semaphore(%run_scoped3A : memref<!tpu.dma_semaphore, #tpu.memory_space<semaphore_mem>>) {add = true}
          %dma_wait3A_194 = arith.constant 0 : i32
          %dma_wait3A_195 = arith.constant 0 : i32
          %dma_wait3A_196 = tpu.memref_slice %arg10[%dma_wait3A_194, %dma_wait3A_195] : memref<10240x128xf32, #tpu.memory_space<vmem_shared>> -> memref<10240x128xf32, #tpu.memory_space<vmem_shared>>
          tpu.wait_indirect_dma semaphore(%run_scoped3A : memref<!tpu.dma_semaphore, #tpu.memory_space<semaphore_mem>>) src(%arg9 : memref<128x128xf32, #tpu.memory_space<vmem>>) dst(%dma_wait3A_196 : memref<10240x128xf32, #tpu.memory_space<vmem_shared>>)
          tpu.yield
        }) : () -> ()
      } else {
      }
      %add3A_95 = arith.constant 1 : i32
      %add3A_96 = arith.addi %mul3A_86, %add3A_95 : i32
      %mul3A_97 = arith.constant 32 : i32
      %mul3A_98 = arith.muli %add3A_96, %mul3A_97 : i32
      %add3A_99 = arith.addi %add3A, %mul3A_98 : i32
      %lt3A_100 = arith.constant 2500 : i32
      %lt3A_101 = arith.cmpi slt, %add3A_99, %lt3A_100 : i32
      %convert_element_type3A_102 = arith.extui %lt3A_101 : i1 to i32
      %cond3A_103 = arith.constant 0 : i32
      %cond3A_104 = arith.cmpi ne, %convert_element_type3A_102, %cond3A_103 : i32
      scf.if %cond3A_104 {
        %mul3A_105 = arith.constant 128 : i32
        %mul3A_106 = arith.muli %add3A_99, %mul3A_105 : i32
        %dma_wait3A = tpu.memref_slice %arg3[%mul3A_106] : memref<320000xi32, #tpu.memory_space<hbm>> -> memref<128xi32, #tpu.memory_space<hbm>>
        %dma_wait3A_107 = tpu.memref_slice %arg3[%mul3A_106] : memref<320000xi32, #tpu.memory_space<hbm>> -> memref<128xi32, #tpu.memory_space<hbm>>
        tpu.wait_dma2 semaphore(%arg12 : memref<!tpu.dma_semaphore, #tpu.memory_space<semaphore_mem>>) src(%dma_wait3A_107 : memref<128xi32, #tpu.memory_space<hbm>>) dst(%arg6 : memref<128xi32, #tpu.memory_space<vmem>>)
        %dma_wait3A_108 = arith.constant 0 : i32
        %dma_wait3A_109 = tpu.memref_slice %arg2[%mul3A_106, %dma_wait3A_108] : memref<320000x16xf32, #tpu.memory_space<hbm>> -> memref<128x16xf32, #tpu.memory_space<hbm>>
        %dma_wait3A_110 = arith.constant 0 : i32
        %dma_wait3A_111 = tpu.memref_slice %arg2[%mul3A_106, %dma_wait3A_110] : memref<320000x16xf32, #tpu.memory_space<hbm>> -> memref<128x16xf32, #tpu.memory_space<hbm>>
        tpu.wait_dma2 semaphore(%arg13 : memref<!tpu.dma_semaphore, #tpu.memory_space<semaphore_mem>>) src(%dma_wait3A_111 : memref<128x16xf32, #tpu.memory_space<hbm>>) dst(%arg7 : memref<128x16xf32, #tpu.memory_space<vmem>>)
        %get3A = arith.constant 0 : index
        %get3A_112 = tpu.vector_load %arg6[%get3A] {strides = array<i32>} : memref<128xi32, #tpu.memory_space<vmem>>, vector<16xi32>,
        %get3A_113 = vector.shape_cast %get3A_112 : vector<16xi32> to vector<16xi32>
        %swap3A = arith.constant 0 : index
        %swap3A_114 = tpu.vector_load %arg8[%swap3A] {strides = array<i32>} : memref<128xi32, #tpu.memory_space<vmem>>, vector<16xi32>,
        %swap3A_115 = vector.shape_cast %swap3A_114 : vector<16xi32> to vector<16xi32>
        %swap3A_116 = vector.shape_cast %get3A_113 : vector<16xi32> to vector<16xi32>
        tpu.vector_store %arg8[%swap3A], %swap3A_116 {strides = array<i32>} : memref<128xi32, #tpu.memory_space<vmem>>, vector<16xi32>,
        %get3A_117 = arith.constant 16 : index
        %get3A_118 = tpu.vector_load %arg6[%get3A_117] {strides = array<i32>} : memref<128xi32, #tpu.memory_space<vmem>>, vector<16xi32>,
        %get3A_119 = vector.shape_cast %get3A_118 : vector<16xi32> to vector<16xi32>
        %swap3A_120 = arith.constant 16 : index
        %swap3A_121 = tpu.vector_load %arg8[%swap3A_120] {strides = array<i32>} : memref<128xi32, #tpu.memory_space<vmem>>, vector<16xi32>,
        %swap3A_122 = vector.shape_cast %swap3A_121 : vector<16xi32> to vector<16xi32>
        %swap3A_123 = vector.shape_cast %get3A_119 : vector<16xi32> to vector<16xi32>
        tpu.vector_store %arg8[%swap3A_120], %swap3A_123 {strides = array<i32>} : memref<128xi32, #tpu.memory_space<vmem>>, vector<16xi32>,
        %get3A_124 = arith.constant 32 : index
        %get3A_125 = tpu.vector_load %arg6[%get3A_124] {strides = array<i32>} : memref<128xi32, #tpu.memory_space<vmem>>, vector<16xi32>,
        %get3A_126 = vector.shape_cast %get3A_125 : vector<16xi32> to vector<16xi32>
        %swap3A_127 = arith.constant 32 : index
        %swap3A_128 = tpu.vector_load %arg8[%swap3A_127] {strides = array<i32>} : memref<128xi32, #tpu.memory_space<vmem>>, vector<16xi32>,
        %swap3A_129 = vector.shape_cast %swap3A_128 : vector<16xi32> to vector<16xi32>
        %swap3A_130 = vector.shape_cast %get3A_126 : vector<16xi32> to vector<16xi32>
        tpu.vector_store %arg8[%swap3A_127], %swap3A_130 {strides = array<i32>} : memref<128xi32, #tpu.memory_space<vmem>>, vector<16xi32>,
        %get3A_131 = arith.constant 48 : index
        %get3A_132 = tpu.vector_load %arg6[%get3A_131] {strides = array<i32>} : memref<128xi32, #tpu.memory_space<vmem>>, vector<16xi32>,
        %get3A_133 = vector.shape_cast %get3A_132 : vector<16xi32> to vector<16xi32>
        %swap3A_134 = arith.constant 48 : index
        %swap3A_135 = tpu.vector_load %arg8[%swap3A_134] {strides = array<i32>} : memref<128xi32, #tpu.memory_space<vmem>>, vector<16xi32>,
        %swap3A_136 = vector.shape_cast %swap3A_135 : vector<16xi32> to vector<16xi32>
        %swap3A_137 = vector.shape_cast %get3A_133 : vector<16xi32> to vector<16xi32>
        tpu.vector_store %arg8[%swap3A_134], %swap3A_137 {strides = array<i32>} : memref<128xi32, #tpu.memory_space<vmem>>, vector<16xi32>,
        %get3A_138 = arith.constant 64 : index
        %get3A_139 = tpu.vector_load %arg6[%get3A_138] {strides = array<i32>} : memref<128xi32, #tpu.memory_space<vmem>>, vector<16xi32>,
        %get3A_140 = vector.shape_cast %get3A_139 : vector<16xi32> to vector<16xi32>
        %swap3A_141 = arith.constant 64 : index
        %swap3A_142 = tpu.vector_load %arg8[%swap3A_141] {strides = array<i32>} : memref<128xi32, #tpu.memory_space<vmem>>, vector<16xi32>,
        %swap3A_143 = vector.shape_cast %swap3A_142 : vector<16xi32> to vector<16xi32>
        %swap3A_144 = vector.shape_cast %get3A_140 : vector<16xi32> to vector<16xi32>
        tpu.vector_store %arg8[%swap3A_141], %swap3A_144 {strides = array<i32>} : memref<128xi32, #tpu.memory_space<vmem>>, vector<16xi32>,
        %get3A_145 = arith.constant 80 : index
        %get3A_146 = tpu.vector_load %arg6[%get3A_145] {strides = array<i32>} : memref<128xi32, #tpu.memory_space<vmem>>, vector<16xi32>,
        %get3A_147 = vector.shape_cast %get3A_146 : vector<16xi32> to vector<16xi32>
        %swap3A_148 = arith.constant 80 : index
        %swap3A_149 = tpu.vector_load %arg8[%swap3A_148] {strides = array<i32>} : memref<128xi32, #tpu.memory_space<vmem>>, vector<16xi32>,
        %swap3A_150 = vector.shape_cast %swap3A_149 : vector<16xi32> to vector<16xi32>
        %swap3A_151 = vector.shape_cast %get3A_147 : vector<16xi32> to vector<16xi32>
        tpu.vector_store %arg8[%swap3A_148], %swap3A_151 {strides = array<i32>} : memref<128xi32, #tpu.memory_space<vmem>>, vector<16xi32>,
        %get3A_152 = arith.constant 96 : index
        %get3A_153 = tpu.vector_load %arg6[%get3A_152] {strides = array<i32>} : memref<128xi32, #tpu.memory_space<vmem>>, vector<16xi32>,
        %get3A_154 = vector.shape_cast %get3A_153 : vector<16xi32> to vector<16xi32>
        %swap3A_155 = arith.constant 96 : index
        %swap3A_156 = tpu.vector_load %arg8[%swap3A_155] {strides = array<i32>} : memref<128xi32, #tpu.memory_space<vmem>>, vector<16xi32>,
        %swap3A_157 = vector.shape_cast %swap3A_156 : vector<16xi32> to vector<16xi32>
        %swap3A_158 = vector.shape_cast %get3A_154 : vector<16xi32> to vector<16xi32>
        tpu.vector_store %arg8[%swap3A_155], %swap3A_158 {strides = array<i32>} : memref<128xi32, #tpu.memory_space<vmem>>, vector<16xi32>,
        %get3A_159 = arith.constant 112 : index
        %get3A_160 = tpu.vector_load %arg6[%get3A_159] {strides = array<i32>} : memref<128xi32, #tpu.memory_space<vmem>>, vector<16xi32>,
        %get3A_161 = vector.shape_cast %get3A_160 : vector<16xi32> to vector<16xi32>
        %swap3A_162 = arith.constant 112 : index
        %swap3A_163 = tpu.vector_load %arg8[%swap3A_162] {strides = array<i32>} : memref<128xi32, #tpu.memory_space<vmem>>, vector<16xi32>,
        %swap3A_164 = vector.shape_cast %swap3A_163 : vector<16xi32> to vector<16xi32>
        %swap3A_165 = vector.shape_cast %get3A_161 : vector<16xi32> to vector<16xi32>
        tpu.vector_store %arg8[%swap3A_162], %swap3A_165 {strides = array<i32>} : memref<128xi32, #tpu.memory_space<vmem>>, vector<16xi32>,
        %add3A_166 = arith.constant 2 : i32
        %add3A_167 = arith.addi %add3A_96, %add3A_166 : i32
        %mul3A_168 = arith.constant 32 : i32
        %mul3A_169 = arith.muli %add3A_167, %mul3A_168 : i32
        %add3A_170 = arith.addi %add3A, %mul3A_169 : i32
        %lt3A_171 = arith.constant 2500 : i32
        %lt3A_172 = arith.cmpi slt, %add3A_170, %lt3A_171 : i32
        %convert_element_type3A_173 = arith.extui %lt3A_172 : i1 to i32
        %cond3A_174 = arith.constant 0 : i32
        %cond3A_175 = arith.cmpi ne, %convert_element_type3A_173, %cond3A_174 : i32
        scf.if %cond3A_175 {
          %mul3A_192 = arith.constant 32 : i32
          %mul3A_193 = arith.muli %add3A_167, %mul3A_192 : i32
          %add3A_194 = arith.addi %add3A, %mul3A_193 : i32
          %mul3A_195 = arith.constant 128 : i32
          %mul3A_196 = arith.muli %add3A_194, %mul3A_195 : i32
          %dma_start3A = tpu.memref_slice %arg3[%mul3A_196] : memref<320000xi32, #tpu.memory_space<hbm>> -> memref<128xi32, #tpu.memory_space<hbm>>
          %dma_start3A_197 = tpu.memref_slice %arg3[%mul3A_196] : memref<320000xi32, #tpu.memory_space<hbm>> -> memref<128xi32, #tpu.memory_space<hbm>>
          tpu.enqueue_dma source(%dma_start3A_197 : memref<128xi32, #tpu.memory_space<hbm>>) target(%arg6 : memref<128xi32, #tpu.memory_space<vmem>>) target_semaphore(%arg12 : memref<!tpu.dma_semaphore, #tpu.memory_space<semaphore_mem>>)
        } else {
        }
        %scan3A_176 = arith.constant 0 : i32
        %scan3A_177 = arith.constant 0 : i32
        %scan3A_178 = arith.constant 128 : i32
        %scan3A_179 = arith.addi %scan3A_177, %scan3A_178 : i32
        %scan3A_180 = arith.constant 1 : i32
        scf.for %scan3A_192 = %scan3A_177 to %scan3A_179 step %scan3A_180  : i32 {
          %get3A_193 = arith.index_cast %scan3A_192 : i32 to index
          %get3A_194 = arith.constant 0 : index
          %get3A_195 = tpu.vector_load %arg7[%get3A_193, %get3A_194] {strides = array<i32>} : memref<128x16xf32, #tpu.memory_space<vmem>>, vector<1x16xf32>,
          %get3A_196 = vector.shape_cast %get3A_195 : vector<1x16xf32> to vector<16xf32>
          %swap3A_197 = arith.index_cast %scan3A_192 : i32 to index
          %swap3A_198 = arith.constant 0 : index
          %swap3A_199 = tpu.vector_load %arg9[%swap3A_197, %swap3A_198] {strides = array<i32>} : memref<128x128xf32, #tpu.memory_space<vmem>>, vector<1x16xf32>,
          %swap3A_200 = vector.shape_cast %swap3A_199 : vector<1x16xf32> to vector<16xf32>
          %swap3A_201 = vector.shape_cast %get3A_196 : vector<16xf32> to vector<1x16xf32>
          tpu.vector_store %arg9[%swap3A_197, %swap3A_198], %swap3A_201 {strides = array<i32>} : memref<128x128xf32, #tpu.memory_space<vmem>>, vector<1x16xf32>,
        }
        %scan3A_181 = arith.constant 128 : i32
        %add3A_182 = arith.constant 1 : i32
        %add3A_183 = arith.addi %add3A_96, %add3A_182 : i32
        %mul3A_184 = arith.constant 32 : i32
        %mul3A_185 = arith.muli %add3A_183, %mul3A_184 : i32
        %add3A_186 = arith.addi %add3A, %mul3A_185 : i32
        %lt3A_187 = arith.constant 2500 : i32
        %lt3A_188 = arith.cmpi slt, %add3A_186, %lt3A_187 : i32
        %convert_element_type3A_189 = arith.extui %lt3A_188 : i1 to i32
        %cond3A_190 = arith.constant 0 : i32
        %cond3A_191 = arith.cmpi ne, %convert_element_type3A_189, %cond3A_190 : i32
        scf.if %cond3A_191 {
          %mul3A_192 = arith.constant 32 : i32
          %mul3A_193 = arith.muli %add3A_183, %mul3A_192 : i32
          %add3A_194 = arith.addi %add3A, %mul3A_193 : i32
          %mul3A_195 = arith.constant 128 : i32
          %mul3A_196 = arith.muli %add3A_194, %mul3A_195 : i32
          %dma_start3A = arith.constant 0 : i32
          %dma_start3A_197 = tpu.memref_slice %arg2[%mul3A_196, %dma_start3A] : memref<320000x16xf32, #tpu.memory_space<hbm>> -> memref<128x16xf32, #tpu.memory_space<hbm>>
          %dma_start3A_198 = arith.constant 0 : i32
          %dma_start3A_199 = tpu.memref_slice %arg2[%mul3A_196, %dma_start3A_198] : memref<320000x16xf32, #tpu.memory_space<hbm>> -> memref<128x16xf32, #tpu.memory_space<hbm>>
          tpu.enqueue_dma source(%dma_start3A_199 : memref<128x16xf32, #tpu.memory_space<hbm>>) target(%arg7 : memref<128x16xf32, #tpu.memory_space<vmem>>) target_semaphore(%arg13 : memref<!tpu.dma_semaphore, #tpu.memory_space<semaphore_mem>>)
        } else {
        }
        "tpu.region"() ({
          %run_scoped3A = tpu.sem_alloc : memref<!tpu.dma_semaphore, #tpu.memory_space<semaphore_mem>>
          %dma_start3A = arith.constant 0 : i32
          %dma_start3A_192 = arith.constant 0 : i32
          %dma_start3A_193 = tpu.memref_slice %arg10[%dma_start3A, %dma_start3A_192] : memref<10240x128xf32, #tpu.memory_space<vmem_shared>> -> memref<10240x128xf32, #tpu.memory_space<vmem_shared>>
          tpu.enqueue_indirect_dma source(%arg9 : memref<128x128xf32, #tpu.memory_space<vmem>>) target(%dma_start3A_193 : memref<10240x128xf32, #tpu.memory_space<vmem_shared>>) offsets(%arg8 : memref<128xi32, #tpu.memory_space<vmem>>) semaphore(%run_scoped3A : memref<!tpu.dma_semaphore, #tpu.memory_space<semaphore_mem>>) {add = true}
          %dma_wait3A_194 = arith.constant 0 : i32
          %dma_wait3A_195 = arith.constant 0 : i32
          %dma_wait3A_196 = tpu.memref_slice %arg10[%dma_wait3A_194, %dma_wait3A_195] : memref<10240x128xf32, #tpu.memory_space<vmem_shared>> -> memref<10240x128xf32, #tpu.memory_space<vmem_shared>>
          tpu.wait_indirect_dma semaphore(%run_scoped3A : memref<!tpu.dma_semaphore, #tpu.memory_space<semaphore_mem>>) src(%arg9 : memref<128x128xf32, #tpu.memory_space<vmem>>) dst(%dma_wait3A_196 : memref<10240x128xf32, #tpu.memory_space<vmem_shared>>)
          tpu.yield
        }) : () -> ()
      } else {
      }
    }
    %scan3A_47 = arith.constant 40 : i32
    %barrier3A_48 = arith.constant 0 : index
    tpu.barrier barrier_id(%barrier3A_48)
    %add3A_49 = arith.constant 0 : i32
    %add3A_50 = arith.addi %mul3A_7, %add3A_49 : i32
    "tpu.region"() ({
      %run_scoped3A = tpu.sem_alloc : memref<!tpu.dma_semaphore, #tpu.memory_space<semaphore_mem>>
      %dma_start3A = arith.constant 0 : i32
      %dma_start3A_84 = tpu.memref_slice %arg10[%add3A_50, %dma_start3A] : memref<10240x128xf32, #tpu.memory_space<vmem_shared>> -> memref<128x128xf32, #tpu.memory_space<vmem_shared>>
      %dma_start3A_85 = arith.constant 0 : i32
      %dma_start3A_86 = tpu.memref_slice %arg10[%add3A_50, %dma_start3A_85] : memref<10240x128xf32, #tpu.memory_space<vmem_shared>> -> memref<128x128xf32, #tpu.memory_space<vmem_shared>>
      tpu.enqueue_dma source(%dma_start3A_86 : memref<128x128xf32, #tpu.memory_space<vmem_shared>>) target(%arg9 : memref<128x128xf32, #tpu.memory_space<vmem>>) target_semaphore(%run_scoped3A : memref<!tpu.dma_semaphore, #tpu.memory_space<semaphore_mem>>)
      %dma_wait3A = arith.constant 0 : i32
      %dma_wait3A_87 = tpu.memref_slice %arg10[%add3A_50, %dma_wait3A] : memref<10240x128xf32, #tpu.memory_space<vmem_shared>> -> memref<128x128xf32, #tpu.memory_space<vmem_shared>>
      %dma_wait3A_88 = arith.constant 0 : i32
      %dma_wait3A_89 = tpu.memref_slice %arg10[%add3A_50, %dma_wait3A_88] : memref<10240x128xf32, #tpu.memory_space<vmem_shared>> -> memref<128x128xf32, #tpu.memory_space<vmem_shared>>
      tpu.wait_dma2 semaphore(%run_scoped3A : memref<!tpu.dma_semaphore, #tpu.memory_space<semaphore_mem>>) src(%dma_wait3A_89 : memref<128x128xf32, #tpu.memory_space<vmem_shared>>) dst(%arg9 : memref<128x128xf32, #tpu.memory_space<vmem>>)
      tpu.yield
    }) : () -> ()
    %mul3A_51 = arith.constant 10240 : i32
    %mul3A_52 = arith.muli %arg0, %mul3A_51 : i32
    %add3A_53 = arith.addi %mul3A_52, %mul3A_7 : i32
    %add3A_54 = arith.constant 0 : i32
    %add3A_55 = arith.addi %add3A_53, %add3A_54 : i32
    "tpu.region"() ({
      %run_scoped3A = tpu.sem_alloc : memref<!tpu.dma_semaphore, #tpu.memory_space<semaphore_mem>>
      %dma_start3A = arith.constant 0 : i32
      %dma_start3A_84 = tpu.memref_slice %arg4[%add3A_55, %dma_start3A] : memref<20480x128xf32, #tpu.memory_space<hbm>> -> memref<128x128xf32, #tpu.memory_space<hbm>>
      %dma_start3A_85 = arith.constant 0 : i32
      %dma_start3A_86 = tpu.memref_slice %arg4[%add3A_55, %dma_start3A_85] : memref<20480x128xf32, #tpu.memory_space<hbm>> -> memref<128x128xf32, #tpu.memory_space<hbm>>
      tpu.enqueue_dma source(%arg9 : memref<128x128xf32, #tpu.memory_space<vmem>>) target(%dma_start3A_86 : memref<128x128xf32, #tpu.memory_space<hbm>>) target_semaphore(%run_scoped3A : memref<!tpu.dma_semaphore, #tpu.memory_space<semaphore_mem>>)
      %dma_wait3A = arith.constant 0 : i32
      %dma_wait3A_87 = tpu.memref_slice %arg4[%add3A_55, %dma_wait3A] : memref<20480x128xf32, #tpu.memory_space<hbm>> -> memref<128x128xf32, #tpu.memory_space<hbm>>
      %dma_wait3A_88 = arith.constant 0 : i32
      %dma_wait3A_89 = tpu.memref_slice %arg4[%add3A_55, %dma_wait3A_88] : memref<20480x128xf32, #tpu.memory_space<hbm>> -> memref<128x128xf32, #tpu.memory_space<hbm>>
      tpu.wait_dma2 semaphore(%run_scoped3A : memref<!tpu.dma_semaphore, #tpu.memory_space<semaphore_mem>>) src(%arg9 : memref<128x128xf32, #tpu.memory_space<vmem>>) dst(%dma_wait3A_89 : memref<128x128xf32, #tpu.memory_space<hbm>>)
      tpu.yield
    }) : () -> ()
    %add3A_56 = arith.constant 128 : i32
    %add3A_57 = arith.addi %mul3A_7, %add3A_56 : i32
    "tpu.region"() ({
      %run_scoped3A = tpu.sem_alloc : memref<!tpu.dma_semaphore, #tpu.memory_space<semaphore_mem>>
      %dma_start3A = arith.constant 0 : i32
      %dma_start3A_84 = tpu.memref_slice %arg10[%add3A_57, %dma_start3A] : memref<10240x128xf32, #tpu.memory_space<vmem_shared>> -> memref<128x128xf32, #tpu.memory_space<vmem_shared>>
      %dma_start3A_85 = arith.constant 0 : i32
      %dma_start3A_86 = tpu.memref_slice %arg10[%add3A_57, %dma_start3A_85] : memref<10240x128xf32, #tpu.memory_space<vmem_shared>> -> memref<128x128xf32, #tpu.memory_space<vmem_shared>>
      tpu.enqueue_dma source(%dma_start3A_86 : memref<128x128xf32, #tpu.memory_space<vmem_shared>>) target(%arg9 : memref<128x128xf32, #tpu.memory_space<vmem>>) target_semaphore(%run_scoped3A : memref<!tpu.dma_semaphore, #tpu.memory_space<semaphore_mem>>)
      %dma_wait3A = arith.constant 0 : i32
      %dma_wait3A_87 = tpu.memref_slice %arg10[%add3A_57, %dma_wait3A] : memref<10240x128xf32, #tpu.memory_space<vmem_shared>> -> memref<128x128xf32, #tpu.memory_space<vmem_shared>>
      %dma_wait3A_88 = arith.constant 0 : i32
      %dma_wait3A_89 = tpu.memref_slice %arg10[%add3A_57, %dma_wait3A_88] : memref<10240x128xf32, #tpu.memory_space<vmem_shared>> -> memref<128x128xf32, #tpu.memory_space<vmem_shared>>
      tpu.wait_dma2 semaphore(%run_scoped3A : memref<!tpu.dma_semaphore, #tpu.memory_space<semaphore_mem>>) src(%dma_wait3A_89 : memref<128x128xf32, #tpu.memory_space<vmem_shared>>) dst(%arg9 : memref<128x128xf32, #tpu.memory_space<vmem>>)
      tpu.yield
    }) : () -> ()
    %mul3A_58 = arith.constant 10240 : i32
    %mul3A_59 = arith.muli %arg0, %mul3A_58 : i32
    %add3A_60 = arith.addi %mul3A_59, %mul3A_7 : i32
    %add3A_61 = arith.constant 128 : i32
    %add3A_62 = arith.addi %add3A_60, %add3A_61 : i32
    "tpu.region"() ({
      %run_scoped3A = tpu.sem_alloc : memref<!tpu.dma_semaphore, #tpu.memory_space<semaphore_mem>>
      %dma_start3A = arith.constant 0 : i32
      %dma_start3A_84 = tpu.memref_slice %arg4[%add3A_62, %dma_start3A] : memref<20480x128xf32, #tpu.memory_space<hbm>> -> memref<128x128xf32, #tpu.memory_space<hbm>>
      %dma_start3A_85 = arith.constant 0 : i32
      %dma_start3A_86 = tpu.memref_slice %arg4[%add3A_62, %dma_start3A_85] : memref<20480x128xf32, #tpu.memory_space<hbm>> -> memref<128x128xf32, #tpu.memory_space<hbm>>
      tpu.enqueue_dma source(%arg9 : memref<128x128xf32, #tpu.memory_space<vmem>>) target(%dma_start3A_86 : memref<128x128xf32, #tpu.memory_space<hbm>>) target_semaphore(%run_scoped3A : memref<!tpu.dma_semaphore, #tpu.memory_space<semaphore_mem>>)
      %dma_wait3A = arith.constant 0 : i32
      %dma_wait3A_87 = tpu.memref_slice %arg4[%add3A_62, %dma_wait3A] : memref<20480x128xf32, #tpu.memory_space<hbm>> -> memref<128x128xf32, #tpu.memory_space<hbm>>
      %dma_wait3A_88 = arith.constant 0 : i32
      %dma_wait3A_89 = tpu.memref_slice %arg4[%add3A_62, %dma_wait3A_88] : memref<20480x128xf32, #tpu.memory_space<hbm>> -> memref<128x128xf32, #tpu.memory_space<hbm>>
      tpu.wait_dma2 semaphore(%run_scoped3A : memref<!tpu.dma_semaphore, #tpu.memory_space<semaphore_mem>>) src(%arg9 : memref<128x128xf32, #tpu.memory_space<vmem>>) dst(%dma_wait3A_89 : memref<128x128xf32, #tpu.memory_space<hbm>>)
      tpu.yield
    }) : () -> ()
    %add3A_63 = arith.constant 256 : i32
    %add3A_64 = arith.addi %mul3A_7, %add3A_63 : i32
    "tpu.region"() ({
      %run_scoped3A = tpu.sem_alloc : memref<!tpu.dma_semaphore, #tpu.memory_space<semaphore_mem>>
      %dma_start3A = arith.constant 0 : i32
      %dma_start3A_84 = tpu.memref_slice %arg10[%add3A_64, %dma_start3A] : memref<10240x128xf32, #tpu.memory_space<vmem_shared>> -> memref<128x128xf32, #tpu.memory_space<vmem_shared>>
      %dma_start3A_85 = arith.constant 0 : i32
      %dma_start3A_86 = tpu.memref_slice %arg10[%add3A_64, %dma_start3A_85] : memref<10240x128xf32, #tpu.memory_space<vmem_shared>> -> memref<128x128xf32, #tpu.memory_space<vmem_shared>>
      tpu.enqueue_dma source(%dma_start3A_86 : memref<128x128xf32, #tpu.memory_space<vmem_shared>>) target(%arg9 : memref<128x128xf32, #tpu.memory_space<vmem>>) target_semaphore(%run_scoped3A : memref<!tpu.dma_semaphore, #tpu.memory_space<semaphore_mem>>)
      %dma_wait3A = arith.constant 0 : i32
      %dma_wait3A_87 = tpu.memref_slice %arg10[%add3A_64, %dma_wait3A] : memref<10240x128xf32, #tpu.memory_space<vmem_shared>> -> memref<128x128xf32, #tpu.memory_space<vmem_shared>>
      %dma_wait3A_88 = arith.constant 0 : i32
      %dma_wait3A_89 = tpu.memref_slice %arg10[%add3A_64, %dma_wait3A_88] : memref<10240x128xf32, #tpu.memory_space<vmem_shared>> -> memref<128x128xf32, #tpu.memory_space<vmem_shared>>
      tpu.wait_dma2 semaphore(%run_scoped3A : memref<!tpu.dma_semaphore, #tpu.memory_space<semaphore_mem>>) src(%dma_wait3A_89 : memref<128x128xf32, #tpu.memory_space<vmem_shared>>) dst(%arg9 : memref<128x128xf32, #tpu.memory_space<vmem>>)
      tpu.yield
    }) : () -> ()
    %mul3A_65 = arith.constant 10240 : i32
    %mul3A_66 = arith.muli %arg0, %mul3A_65 : i32
    %add3A_67 = arith.addi %mul3A_66, %mul3A_7 : i32
    %add3A_68 = arith.constant 256 : i32
    %add3A_69 = arith.addi %add3A_67, %add3A_68 : i32
    "tpu.region"() ({
      %run_scoped3A = tpu.sem_alloc : memref<!tpu.dma_semaphore, #tpu.memory_space<semaphore_mem>>
      %dma_start3A = arith.constant 0 : i32
      %dma_start3A_84 = tpu.memref_slice %arg4[%add3A_69, %dma_start3A] : memref<20480x128xf32, #tpu.memory_space<hbm>> -> memref<128x128xf32, #tpu.memory_space<hbm>>
      %dma_start3A_85 = arith.constant 0 : i32
      %dma_start3A_86 = tpu.memref_slice %arg4[%add3A_69, %dma_start3A_85] : memref<20480x128xf32, #tpu.memory_space<hbm>> -> memref<128x128xf32, #tpu.memory_space<hbm>>
      tpu.enqueue_dma source(%arg9 : memref<128x128xf32, #tpu.memory_space<vmem>>) target(%dma_start3A_86 : memref<128x128xf32, #tpu.memory_space<hbm>>) target_semaphore(%run_scoped3A : memref<!tpu.dma_semaphore, #tpu.memory_space<semaphore_mem>>)
      %dma_wait3A = arith.constant 0 : i32
      %dma_wait3A_87 = tpu.memref_slice %arg4[%add3A_69, %dma_wait3A] : memref<20480x128xf32, #tpu.memory_space<hbm>> -> memref<128x128xf32, #tpu.memory_space<hbm>>
      %dma_wait3A_88 = arith.constant 0 : i32
      %dma_wait3A_89 = tpu.memref_slice %arg4[%add3A_69, %dma_wait3A_88] : memref<20480x128xf32, #tpu.memory_space<hbm>> -> memref<128x128xf32, #tpu.memory_space<hbm>>
      tpu.wait_dma2 semaphore(%run_scoped3A : memref<!tpu.dma_semaphore, #tpu.memory_space<semaphore_mem>>) src(%arg9 : memref<128x128xf32, #tpu.memory_space<vmem>>) dst(%dma_wait3A_89 : memref<128x128xf32, #tpu.memory_space<hbm>>)
      tpu.yield
    }) : () -> ()
    %add3A_70 = arith.constant 384 : i32
    %add3A_71 = arith.addi %mul3A_7, %add3A_70 : i32
    "tpu.region"() ({
      %run_scoped3A = tpu.sem_alloc : memref<!tpu.dma_semaphore, #tpu.memory_space<semaphore_mem>>
      %dma_start3A = arith.constant 0 : i32
      %dma_start3A_84 = tpu.memref_slice %arg10[%add3A_71, %dma_start3A] : memref<10240x128xf32, #tpu.memory_space<vmem_shared>> -> memref<128x128xf32, #tpu.memory_space<vmem_shared>>
      %dma_start3A_85 = arith.constant 0 : i32
      %dma_start3A_86 = tpu.memref_slice %arg10[%add3A_71, %dma_start3A_85] : memref<10240x128xf32, #tpu.memory_space<vmem_shared>> -> memref<128x128xf32, #tpu.memory_space<vmem_shared>>
      tpu.enqueue_dma source(%dma_start3A_86 : memref<128x128xf32, #tpu.memory_space<vmem_shared>>) target(%arg9 : memref<128x128xf32, #tpu.memory_space<vmem>>) target_semaphore(%run_scoped3A : memref<!tpu.dma_semaphore, #tpu.memory_space<semaphore_mem>>)
      %dma_wait3A = arith.constant 0 : i32
      %dma_wait3A_87 = tpu.memref_slice %arg10[%add3A_71, %dma_wait3A] : memref<10240x128xf32, #tpu.memory_space<vmem_shared>> -> memref<128x128xf32, #tpu.memory_space<vmem_shared>>
      %dma_wait3A_88 = arith.constant 0 : i32
      %dma_wait3A_89 = tpu.memref_slice %arg10[%add3A_71, %dma_wait3A_88] : memref<10240x128xf32, #tpu.memory_space<vmem_shared>> -> memref<128x128xf32, #tpu.memory_space<vmem_shared>>
      tpu.wait_dma2 semaphore(%run_scoped3A : memref<!tpu.dma_semaphore, #tpu.memory_space<semaphore_mem>>) src(%dma_wait3A_89 : memref<128x128xf32, #tpu.memory_space<vmem_shared>>) dst(%arg9 : memref<128x128xf32, #tpu.memory_space<vmem>>)
      tpu.yield
    }) : () -> ()
    %mul3A_72 = arith.constant 10240 : i32
    %mul3A_73 = arith.muli %arg0, %mul3A_72 : i32
    %add3A_74 = arith.addi %mul3A_73, %mul3A_7 : i32
    %add3A_75 = arith.constant 384 : i32
    %add3A_76 = arith.addi %add3A_74, %add3A_75 : i32
    "tpu.region"() ({
      %run_scoped3A = tpu.sem_alloc : memref<!tpu.dma_semaphore, #tpu.memory_space<semaphore_mem>>
      %dma_start3A = arith.constant 0 : i32
      %dma_start3A_84 = tpu.memref_slice %arg4[%add3A_76, %dma_start3A] : memref<20480x128xf32, #tpu.memory_space<hbm>> -> memref<128x128xf32, #tpu.memory_space<hbm>>
      %dma_start3A_85 = arith.constant 0 : i32
      %dma_start3A_86 = tpu.memref_slice %arg4[%add3A_76, %dma_start3A_85] : memref<20480x128xf32, #tpu.memory_space<hbm>> -> memref<128x128xf32, #tpu.memory_space<hbm>>
      tpu.enqueue_dma source(%arg9 : memref<128x128xf32, #tpu.memory_space<vmem>>) target(%dma_start3A_86 : memref<128x128xf32, #tpu.memory_space<hbm>>) target_semaphore(%run_scoped3A : memref<!tpu.dma_semaphore, #tpu.memory_space<semaphore_mem>>)
      %dma_wait3A = arith.constant 0 : i32
      %dma_wait3A_87 = tpu.memref_slice %arg4[%add3A_76, %dma_wait3A] : memref<20480x128xf32, #tpu.memory_space<hbm>> -> memref<128x128xf32, #tpu.memory_space<hbm>>
      %dma_wait3A_88 = arith.constant 0 : i32
      %dma_wait3A_89 = tpu.memref_slice %arg4[%add3A_76, %dma_wait3A_88] : memref<20480x128xf32, #tpu.memory_space<hbm>> -> memref<128x128xf32, #tpu.memory_space<hbm>>
      tpu.wait_dma2 semaphore(%run_scoped3A : memref<!tpu.dma_semaphore, #tpu.memory_space<semaphore_mem>>) src(%arg9 : memref<128x128xf32, #tpu.memory_space<vmem>>) dst(%dma_wait3A_89 : memref<128x128xf32, #tpu.memory_space<hbm>>)
      tpu.yield
    }) : () -> ()
    %add3A_77 = arith.constant 512 : i32
    %add3A_78 = arith.addi %mul3A_7, %add3A_77 : i32
    "tpu.region"() ({
      %run_scoped3A = tpu.sem_alloc : memref<!tpu.dma_semaphore, #tpu.memory_space<semaphore_mem>>
      %dma_start3A = arith.constant 0 : i32
      %dma_start3A_84 = tpu.memref_slice %arg10[%add3A_78, %dma_start3A] : memref<10240x128xf32, #tpu.memory_space<vmem_shared>> -> memref<128x128xf32, #tpu.memory_space<vmem_shared>>
      %dma_start3A_85 = arith.constant 0 : i32
      %dma_start3A_86 = tpu.memref_slice %arg10[%add3A_78, %dma_start3A_85] : memref<10240x128xf32, #tpu.memory_space<vmem_shared>> -> memref<128x128xf32, #tpu.memory_space<vmem_shared>>
      tpu.enqueue_dma source(%dma_start3A_86 : memref<128x128xf32, #tpu.memory_space<vmem_shared>>) target(%arg9 : memref<128x128xf32, #tpu.memory_space<vmem>>) target_semaphore(%run_scoped3A : memref<!tpu.dma_semaphore, #tpu.memory_space<semaphore_mem>>)
      %dma_wait3A = arith.constant 0 : i32
      %dma_wait3A_87 = tpu.memref_slice %arg10[%add3A_78, %dma_wait3A] : memref<10240x128xf32, #tpu.memory_space<vmem_shared>> -> memref<128x128xf32, #tpu.memory_space<vmem_shared>>
      %dma_wait3A_88 = arith.constant 0 : i32
      %dma_wait3A_89 = tpu.memref_slice %arg10[%add3A_78, %dma_wait3A_88] : memref<10240x128xf32, #tpu.memory_space<vmem_shared>> -> memref<128x128xf32, #tpu.memory_space<vmem_shared>>
      tpu.wait_dma2 semaphore(%run_scoped3A : memref<!tpu.dma_semaphore, #tpu.memory_space<semaphore_mem>>) src(%dma_wait3A_89 : memref<128x128xf32, #tpu.memory_space<vmem_shared>>) dst(%arg9 : memref<128x128xf32, #tpu.memory_space<vmem>>)
      tpu.yield
    }) : () -> ()
    %mul3A_79 = arith.constant 10240 : i32
    %mul3A_80 = arith.muli %arg0, %mul3A_79 : i32
    %add3A_81 = arith.addi %mul3A_80, %mul3A_7 : i32
    %add3A_82 = arith.constant 512 : i32
    %add3A_83 = arith.addi %add3A_81, %add3A_82 : i32
    "tpu.region"() ({
      %run_scoped3A = tpu.sem_alloc : memref<!tpu.dma_semaphore, #tpu.memory_space<semaphore_mem>>
      %dma_start3A = arith.constant 0 : i32
      %dma_start3A_84 = tpu.memref_slice %arg4[%add3A_83, %dma_start3A] : memref<20480x128xf32, #tpu.memory_space<hbm>> -> memref<128x128xf32, #tpu.memory_space<hbm>>
      %dma_start3A_85 = arith.constant 0 : i32
      %dma_start3A_86 = tpu.memref_slice %arg4[%add3A_83, %dma_start3A_85] : memref<20480x128xf32, #tpu.memory_space<hbm>> -> memref<128x128xf32, #tpu.memory_space<hbm>>
      tpu.enqueue_dma source(%arg9 : memref<128x128xf32, #tpu.memory_space<vmem>>) target(%dma_start3A_86 : memref<128x128xf32, #tpu.memory_space<hbm>>) target_semaphore(%run_scoped3A : memref<!tpu.dma_semaphore, #tpu.memory_space<semaphore_mem>>)
      %dma_wait3A = arith.constant 0 : i32
      %dma_wait3A_87 = tpu.memref_slice %arg4[%add3A_83, %dma_wait3A] : memref<20480x128xf32, #tpu.memory_space<hbm>> -> memref<128x128xf32, #tpu.memory_space<hbm>>
      %dma_wait3A_88 = arith.constant 0 : i32
      %dma_wait3A_89 = tpu.memref_slice %arg4[%add3A_83, %dma_wait3A_88] : memref<20480x128xf32, #tpu.memory_space<hbm>> -> memref<128x128xf32, #tpu.memory_space<hbm>>
      tpu.wait_dma2 semaphore(%run_scoped3A : memref<!tpu.dma_semaphore, #tpu.memory_space<semaphore_mem>>) src(%arg9 : memref<128x128xf32, #tpu.memory_space<vmem>>) dst(%dma_wait3A_89 : memref<128x128xf32, #tpu.memory_space<hbm>>)
      tpu.yield
    }) : () -> ()
    return
  }
}

module attributes {stable_mosaic.version = 14 : i64} {
  func.func @_tc_proj_body(%arg0: memref<10000x128xf32, #tpu.memory_space<vmem>>, %arg1: memref<128x128xf32, #tpu.memory_space<vmem>>, %arg2: memref<128x128xf32, #tpu.memory_space<vmem>>, %arg3: memref<10000x128xf32, #tpu.memory_space<vmem>>, %arg4: memref<10000x128xf32, #tpu.memory_space<vmem>>) attributes {dimension_semantics = [], scalar_prefetch = 0 : i64, scratch_operands = 0 : i64, tpu.core_type = #tpu.core_type<tc>} {
    %get3A = arith.constant 0 : index
    %get3A_0 = arith.constant 0 : index
    %get3A_1 = vector.load %arg0[%get3A, %get3A_0] : memref<10000x128xf32, #tpu.memory_space<vmem>>, vector<10000x128xf32>
    %get3A_2 = arith.constant 0 : index
    %get3A_3 = arith.constant 0 : index
    %get3A_4 = vector.load %arg1[%get3A_2, %get3A_3] : memref<128x128xf32, #tpu.memory_space<vmem>>, vector<128x128xf32>
    %dot_general3A = arith.constant dense<0.000000e+00> : vector<10000x128xf32>
    %dot_general3A_5 = tpu.matmul %get3A_1, %get3A_4, %dot_general3A {dimension_numbers = #tpu.dot_dimension_numbers<[1], [0], [0], [1], [0, 0, 1, 1], [], []>, transpose_lhs_hint = false} : vector<10000x128xf32>, vector<128x128xf32>, vector<10000x128xf32> -> vector<10000x128xf32>
    %swap3A = arith.constant 0 : index
    %swap3A_6 = arith.constant 0 : index
    %swap3A_7 = vector.load %arg3[%swap3A, %swap3A_6] : memref<10000x128xf32, #tpu.memory_space<vmem>>, vector<10000x128xf32>
    tpu.vector_store %arg3[%swap3A, %swap3A_6], %dot_general3A_5 {strides = array<i32>} : memref<10000x128xf32, #tpu.memory_space<vmem>>, vector<10000x128xf32>,
    %get3A_8 = arith.constant 0 : index
    %get3A_9 = arith.constant 0 : index
    %get3A_10 = vector.load %arg2[%get3A_8, %get3A_9] : memref<128x128xf32, #tpu.memory_space<vmem>>, vector<128x128xf32>
    %dot_general3A_11 = arith.constant dense<0.000000e+00> : vector<10000x128xf32>
    %dot_general3A_12 = tpu.matmul %get3A_1, %get3A_10, %dot_general3A_11 {dimension_numbers = #tpu.dot_dimension_numbers<[1], [0], [0], [1], [0, 0, 1, 1], [], []>, transpose_lhs_hint = false} : vector<10000x128xf32>, vector<128x128xf32>, vector<10000x128xf32> -> vector<10000x128xf32>
    %swap3A_13 = arith.constant 0 : index
    %swap3A_14 = arith.constant 0 : index
    %swap3A_15 = vector.load %arg4[%swap3A_13, %swap3A_14] : memref<10000x128xf32, #tpu.memory_space<vmem>>, vector<10000x128xf32>
    tpu.vector_store %arg4[%swap3A_13, %swap3A_14], %dot_general3A_12 {strides = array<i32>} : memref<10000x128xf32, #tpu.memory_space<vmem>>, vector<10000x128xf32>,
    return
  }
}

module attributes {stable_mosaic.version = 14 : i64} {
  func.func @_tc_e_body(%arg0: i32, %arg1: memref<10000x128xf32, #tpu.memory_space<vmem>>, %arg2: memref<10000x16xf32, #tpu.memory_space<vmem>>, %arg3: memref<16x128xf32, #tpu.memory_space<vmem>>, %arg4: memref<1x128xf32, #tpu.memory_space<vmem>>, %arg5: memref<10000x128xf32, #tpu.memory_space<vmem>>) attributes {dimension_semantics = [#tpu.dimension_semantics<arbitrary>], iteration_bounds = array<i64: 32>, scalar_prefetch = 0 : i64, scratch_operands = 0 : i64, tpu.core_type = #tpu.core_type<tc>, window_params = [{transform_indices = @transform_0, window_bounds = array<i64: 10000, 128>}, {transform_indices = @transform_1, window_bounds = array<i64: 10000, 16>}, {pipeline_mode = #tpu.pipeline_mode<synchronous>, transform_indices = @transform_2, window_bounds = array<i64: 16, 128>}, {pipeline_mode = #tpu.pipeline_mode<synchronous>, transform_indices = @transform_3, window_bounds = array<i64: 1, 128>}, {transform_indices = @transform_4, window_bounds = array<i64: 10000, 128>}]} {
    %get3A = arith.constant 0 : index
    %get3A_0 = arith.constant 0 : index
    %get3A_1 = vector.load %arg1[%get3A, %get3A_0] : memref<10000x128xf32, #tpu.memory_space<vmem>>, vector<10000x128xf32>
    %get3A_2 = arith.constant 0 : index
    %get3A_3 = arith.constant 0 : index
    %get3A_4 = vector.load %arg2[%get3A_2, %get3A_3] : memref<10000x16xf32, #tpu.memory_space<vmem>>, vector<10000x16xf32>
    %get3A_5 = arith.constant 0 : index
    %get3A_6 = arith.constant 0 : index
    %get3A_7 = vector.load %arg3[%get3A_5, %get3A_6] : memref<16x128xf32, #tpu.memory_space<vmem>>, vector<16x128xf32>
    %dot_general3A = arith.constant dense<0.000000e+00> : vector<10000x128xf32>
    %dot_general3A_8 = tpu.matmul %get3A_4, %get3A_7, %dot_general3A {dimension_numbers = #tpu.dot_dimension_numbers<[1], [0], [0], [1], [0, 0, 1, 1], [], []>, transpose_lhs_hint = false} : vector<10000x16xf32>, vector<16x128xf32>, vector<10000x128xf32> -> vector<10000x128xf32>
    %add3A = arith.addf %get3A_1, %dot_general3A_8 : vector<10000x128xf32>
    %get3A_9 = arith.constant 0 : index
    %get3A_10 = arith.constant 0 : index
    %get3A_11 = vector.load %arg4[%get3A_9, %get3A_10] : memref<1x128xf32, #tpu.memory_space<vmem>>, vector<1x128xf32>
    %add3A_12 = vector.broadcast %get3A_11 : vector<1x128xf32> to vector<10000x128xf32>
    %add3A_13 = arith.addf %add3A, %add3A_12 : vector<10000x128xf32>
    %swap3A = arith.constant 0 : index
    %swap3A_14 = arith.constant 0 : index
    %swap3A_15 = vector.load %arg5[%swap3A, %swap3A_14] : memref<10000x128xf32, #tpu.memory_space<vmem>>, vector<10000x128xf32>
    tpu.vector_store %arg5[%swap3A, %swap3A_14], %add3A_13 {strides = array<i32>} : memref<10000x128xf32, #tpu.memory_space<vmem>>, vector<10000x128xf32>,
    return
  }
  func.func @transform_0(%arg0: i32) -> (i32, i32) {
    %c0_i32 = arith.constant 0 : i32
    %c0_i32_0 = arith.constant 0 : i32
    return %arg0, %c0_i32 : i32, i32
  }
  func.func @transform_1(%arg0: i32) -> (i32, i32) {
    %c0_i32 = arith.constant 0 : i32
    %c0_i32_0 = arith.constant 0 : i32
    return %arg0, %c0_i32 : i32, i32
  }
  func.func @transform_2(%arg0: i32) -> (i32, i32) {
    %c0_i32 = arith.constant 0 : i32
    %c0_i32_0 = arith.constant 0 : i32
    %c0_i32_1 = arith.constant 0 : i32
    return %c0_i32, %c0_i32_0 : i32, i32
  }
  func.func @transform_3(%arg0: i32) -> (i32, i32) {
    %c0_i32 = arith.constant 0 : i32
    %c0_i32_0 = arith.constant 0 : i32
    %c0_i32_1 = arith.constant 0 : i32
    return %c0_i32, %c0_i32_0 : i32, i32
  }
  func.func @transform_4(%arg0: i32) -> (i32, i32) {
    %c0_i32 = arith.constant 0 : i32
    %c0_i32_0 = arith.constant 0 : i32
    return %arg0, %c0_i32 : i32, i32
  }
}

module attributes {stable_mosaic.version = 14 : i64} {
  func.func @_tc_n_body(%arg0: i32, %arg1: memref<10000x128xf32, #tpu.memory_space<vmem>>, %arg2: memref<2x10000x128xf32, #tpu.memory_space<vmem>>, %arg3: memref<2x10000x128xf32, #tpu.memory_space<vmem>>, %arg4: memref<16x128xf32, #tpu.memory_space<vmem>>, %arg5: memref<1x128xf32, #tpu.memory_space<vmem>>, %arg6: memref<128x128xf32, #tpu.memory_space<vmem>>, %arg7: memref<128x128xf32, #tpu.memory_space<vmem>>, %arg8: memref<1x128xf32, #tpu.memory_space<vmem>>, %arg9: memref<10000x128xf32, #tpu.memory_space<vmem>>) attributes {dimension_semantics = [#tpu.dimension_semantics<arbitrary>], iteration_bounds = array<i64: 1>, scalar_prefetch = 0 : i64, scratch_operands = 0 : i64, tpu.core_type = #tpu.core_type<tc>, window_params = [{pipeline_mode = #tpu.pipeline_mode<synchronous>, transform_indices = @transform_0, window_bounds = array<i64: 10000, 128>}, {pipeline_mode = #tpu.pipeline_mode<synchronous>, transform_indices = @transform_1, window_bounds = array<i64: 2, 10000, 128>}, {pipeline_mode = #tpu.pipeline_mode<synchronous>, transform_indices = @transform_2, window_bounds = array<i64: 2, 10000, 128>}, {pipeline_mode = #tpu.pipeline_mode<synchronous>, transform_indices = @transform_3, window_bounds = array<i64: 16, 128>}, {pipeline_mode = #tpu.pipeline_mode<synchronous>, transform_indices = @transform_4, window_bounds = array<i64: 1, 128>}, {pipeline_mode = #tpu.pipeline_mode<synchronous>, transform_indices = @transform_5, window_bounds = array<i64: 128, 128>}, {pipeline_mode = #tpu.pipeline_mode<synchronous>, transform_indices = @transform_6, window_bounds = array<i64: 128, 128>}, {pipeline_mode = #tpu.pipeline_mode<synchronous>, transform_indices = @transform_7, window_bounds = array<i64: 1, 128>}, {pipeline_mode = #tpu.pipeline_mode<synchronous>, transform_indices = @transform_8, window_bounds = array<i64: 10000, 128>}]} {
    %get3A = arith.constant 0 : index
    %get3A_0 = arith.constant 0 : index
    %get3A_1 = arith.constant 16 : index
    %get3A_2 = vector.load %arg3[%get3A, %get3A_0, %get3A_1] : memref<2x10000x128xf32, #tpu.memory_space<vmem>>, vector<1x10000x1xf32>
    %get3A_3 = vector.shape_cast %get3A_2 : vector<1x10000x1xf32> to vector<10000x1xf32>
    %get3A_4 = arith.constant 1 : index
    %get3A_5 = arith.constant 0 : index
    %get3A_6 = arith.constant 16 : index
    %get3A_7 = vector.load %arg3[%get3A_4, %get3A_5, %get3A_6] : memref<2x10000x128xf32, #tpu.memory_space<vmem>>, vector<1x10000x1xf32>
    %get3A_8 = vector.shape_cast %get3A_7 : vector<1x10000x1xf32> to vector<10000x1xf32>
    %add3A = arith.addf %get3A_3, %get3A_8 : vector<10000x1xf32>
    %get3A_9 = arith.constant 0 : index
    %get3A_10 = arith.constant 0 : index
    %get3A_11 = arith.constant 0 : index
    %get3A_12 = vector.load %arg3[%get3A_9, %get3A_10, %get3A_11] : memref<2x10000x128xf32, #tpu.memory_space<vmem>>, vector<1x10000x16xf32>
    %get3A_13 = vector.shape_cast %get3A_12 : vector<1x10000x16xf32> to vector<10000x16xf32>
    %get3A_14 = arith.constant 1 : index
    %get3A_15 = arith.constant 0 : index
    %get3A_16 = arith.constant 0 : index
    %get3A_17 = vector.load %arg3[%get3A_14, %get3A_15, %get3A_16] : memref<2x10000x128xf32, #tpu.memory_space<vmem>>, vector<1x10000x16xf32>
    %get3A_18 = vector.shape_cast %get3A_17 : vector<1x10000x16xf32> to vector<10000x16xf32>
    %add3A_19 = arith.addf %get3A_13, %get3A_18 : vector<10000x16xf32>
    %get3A_20 = arith.constant 0 : index
    %get3A_21 = arith.constant 0 : index
    %get3A_22 = arith.constant 0 : index
    %get3A_23 = vector.load %arg2[%get3A_20, %get3A_21, %get3A_22] : memref<2x10000x128xf32, #tpu.memory_space<vmem>>, vector<1x10000x128xf32>
    %get3A_24 = vector.shape_cast %get3A_23 : vector<1x10000x128xf32> to vector<10000x128xf32>
    %get3A_25 = arith.constant 1 : index
    %get3A_26 = arith.constant 0 : index
    %get3A_27 = arith.constant 0 : index
    %get3A_28 = vector.load %arg2[%get3A_25, %get3A_26, %get3A_27] : memref<2x10000x128xf32, #tpu.memory_space<vmem>>, vector<1x10000x128xf32>
    %get3A_29 = vector.shape_cast %get3A_28 : vector<1x10000x128xf32> to vector<10000x128xf32>
    %add3A_30 = arith.addf %get3A_24, %get3A_29 : vector<10000x128xf32>
    %get3A_31 = arith.constant 0 : index
    %get3A_32 = arith.constant 0 : index
    %get3A_33 = vector.load %arg4[%get3A_31, %get3A_32] : memref<16x128xf32, #tpu.memory_space<vmem>>, vector<16x128xf32>
    %dot_general3A = arith.constant dense<0.000000e+00> : vector<10000x128xf32>
    %dot_general3A_34 = tpu.matmul %add3A_19, %get3A_33, %dot_general3A {dimension_numbers = #tpu.dot_dimension_numbers<[1], [0], [0], [1], [0, 0, 1, 1], [], []>, transpose_lhs_hint = false} : vector<10000x16xf32>, vector<16x128xf32>, vector<10000x128xf32> -> vector<10000x128xf32>
    %add3A_35 = arith.addf %add3A_30, %dot_general3A_34 : vector<10000x128xf32>
    %get3A_36 = arith.constant 0 : index
    %get3A_37 = arith.constant 0 : index
    %get3A_38 = vector.load %arg5[%get3A_36, %get3A_37] : memref<1x128xf32, #tpu.memory_space<vmem>>, vector<1x128xf32>
    %mul3A = vector.broadcast %add3A : vector<10000x1xf32> to vector<10000x128xf32>
    %mul3A_39 = vector.broadcast %get3A_38 : vector<1x128xf32> to vector<10000x128xf32>
    %mul3A_40 = arith.mulf %mul3A, %mul3A_39 : vector<10000x128xf32>
    %add3A_41 = arith.addf %add3A_35, %mul3A_40 : vector<10000x128xf32>
    %max3A = arith.constant 1.000000e+00 : f32
    %max3A_42 = vector.broadcast %max3A : f32 to vector<10000x1xf32>
    %max3A_43 = arith.maximumf %add3A, %max3A_42 : vector<10000x1xf32>
    %div3A = vector.broadcast %max3A_43 : vector<10000x1xf32> to vector<10000x128xf32>
    %div3A_44 = arith.divf %add3A_41, %div3A : vector<10000x128xf32>
    %get3A_45 = arith.constant 0 : index
    %get3A_46 = arith.constant 0 : index
    %get3A_47 = vector.load %arg1[%get3A_45, %get3A_46] : memref<10000x128xf32, #tpu.memory_space<vmem>>, vector<10000x128xf32>
    %get3A_48 = arith.constant 0 : index
    %get3A_49 = arith.constant 0 : index
    %get3A_50 = vector.load %arg6[%get3A_48, %get3A_49] : memref<128x128xf32, #tpu.memory_space<vmem>>, vector<128x128xf32>
    %dot_general3A_51 = arith.constant dense<0.000000e+00> : vector<10000x128xf32>
    %dot_general3A_52 = tpu.matmul %get3A_47, %get3A_50, %dot_general3A_51 {dimension_numbers = #tpu.dot_dimension_numbers<[1], [0], [0], [1], [0, 0, 1, 1], [], []>, transpose_lhs_hint = false} : vector<10000x128xf32>, vector<128x128xf32>, vector<10000x128xf32> -> vector<10000x128xf32>
    %get3A_53 = arith.constant 0 : index
    %get3A_54 = arith.constant 0 : index
    %get3A_55 = vector.load %arg7[%get3A_53, %get3A_54] : memref<128x128xf32, #tpu.memory_space<vmem>>, vector<128x128xf32>
    %dot_general3A_56 = arith.constant dense<0.000000e+00> : vector<10000x128xf32>
    %dot_general3A_57 = tpu.matmul %div3A_44, %get3A_55, %dot_general3A_56 {dimension_numbers = #tpu.dot_dimension_numbers<[1], [0], [0], [1], [0, 0, 1, 1], [], []>, transpose_lhs_hint = false} : vector<10000x128xf32>, vector<128x128xf32>, vector<10000x128xf32> -> vector<10000x128xf32>
    %add3A_58 = arith.addf %dot_general3A_52, %dot_general3A_57 : vector<10000x128xf32>
    %get3A_59 = arith.constant 0 : index
    %get3A_60 = arith.constant 0 : index
    %get3A_61 = vector.load %arg8[%get3A_59, %get3A_60] : memref<1x128xf32, #tpu.memory_space<vmem>>, vector<1x128xf32>
    %add3A_62 = vector.broadcast %get3A_61 : vector<1x128xf32> to vector<10000x128xf32>
    %add3A_63 = arith.addf %add3A_58, %add3A_62 : vector<10000x128xf32>
    %swap3A = arith.constant 0 : index
    %swap3A_64 = arith.constant 0 : index
    %swap3A_65 = vector.load %arg9[%swap3A, %swap3A_64] : memref<10000x128xf32, #tpu.memory_space<vmem>>, vector<10000x128xf32>
    tpu.vector_store %arg9[%swap3A, %swap3A_64], %add3A_63 {strides = array<i32>} : memref<10000x128xf32, #tpu.memory_space<vmem>>, vector<10000x128xf32>,
    return
  }
  func.func @transform_0(%arg0: i32) -> (i32, i32) {
    %c0_i32 = arith.constant 0 : i32
    %c0_i32_0 = arith.constant 0 : i32
    %c0_i32_1 = arith.constant 0 : i32
    return %c0_i32, %c0_i32_0 : i32, i32
  }
  func.func @transform_1(%arg0: i32) -> (i32, i32, i32) {
    %c0_i32 = arith.constant 0 : i32
    %c0_i32_0 = arith.constant 0 : i32
    %c0_i32_1 = arith.constant 0 : i32
    %c0_i32_2 = arith.constant 0 : i32
    return %c0_i32, %c0_i32_0, %c0_i32_1 : i32, i32, i32
  }
  func.func @transform_2(%arg0: i32) -> (i32, i32, i32) {
    %c0_i32 = arith.constant 0 : i32
    %c0_i32_0 = arith.constant 0 : i32
    %c0_i32_1 = arith.constant 0 : i32
    %c0_i32_2 = arith.constant 0 : i32
    return %c0_i32, %c0_i32_0, %c0_i32_1 : i32, i32, i32
  }
  func.func @transform_3(%arg0: i32) -> (i32, i32) {
    %c0_i32 = arith.constant 0 : i32
    %c0_i32_0 = arith.constant 0 : i32
    %c0_i32_1 = arith.constant 0 : i32
    return %c0_i32, %c0_i32_0 : i32, i32
  }
  func.func @transform_4(%arg0: i32) -> (i32, i32) {
    %c0_i32 = arith.constant 0 : i32
    %c0_i32_0 = arith.constant 0 : i32
    %c0_i32_1 = arith.constant 0 : i32
    return %c0_i32, %c0_i32_0 : i32, i32
  }
  func.func @transform_5(%arg0: i32) -> (i32, i32) {
    %c0_i32 = arith.constant 0 : i32
    %c0_i32_0 = arith.constant 0 : i32
    %c0_i32_1 = arith.constant 0 : i32
    return %c0_i32, %c0_i32_0 : i32, i32
  }
  func.func @transform_6(%arg0: i32) -> (i32, i32) {
    %c0_i32 = arith.constant 0 : i32
    %c0_i32_0 = arith.constant 0 : i32
    %c0_i32_1 = arith.constant 0 : i32
    return %c0_i32, %c0_i32_0 : i32, i32
  }
  func.func @transform_7(%arg0: i32) -> (i32, i32) {
    %c0_i32 = arith.constant 0 : i32
    %c0_i32_0 = arith.constant 0 : i32
    %c0_i32_1 = arith.constant 0 : i32
    return %c0_i32, %c0_i32_0 : i32, i32
  }
  func.func @transform_8(%arg0: i32) -> (i32, i32) {
    %c0_i32 = arith.constant 0 : i32
    %c0_i32_0 = arith.constant 0 : i32
    %c0_i32_1 = arith.constant 0 : i32
    return %c0_i32, %c0_i32_0 : i32, i32
  }
}

</mosaic_0001>

<sc_bundles>
// kernel: kernel.10.cloned.1.call-start
scs
__scs_entry_jumppad:
0x0: {  	(pc) =	sbr.rel $0x88, $3  }
0x1: {  	(tag) =	ssettag $0x0;
	lr =	simm.s32 $0x1  }
0x2: {  	[smem:$0x3F9A] =	sst lr;
	_ =	strace $0xD0000000  }
0x3: {  	_ = 	snop  }
0x4: {  	_ = 	snop  }
0x5: {  	_ = 	snop  }
0x6: {  	_ = 	snop  }
0x7: {  	_ = 	snop  }
__scs_overlays_trampoline_lowered:
0x8: {  	[smem:$0x3FA9] =	sst s0  }
0x9: {  	[smem:$0x3FAA] =	sst s1  }
0xa: {  	[smem:$0x3FAB] =	sst s2  }
0xb: {  	[smem:$0x3FAC] =	sst s3  }
0xc: {  	[smem:$0x3FAD] =	sst s4  }
0xd: {  	[smem:$0x3FAE] =	sst s5  }
0xe: {  	[smem:$0x3FAF] =	sst s6  }
0xf: {  	[smem:$0x3FB0] =	sst s7  }
0x10: {  	[smem:$0x3FB1] =	sst s8  }
0x11: {  	[smem:$0x3FB2] =	sst s9;
	s0 =	simm.s32 @!p0 $0x0  }
0x12: {  	s1 =	sld [smem:$0x3F98];
	s0 =	simm.s32 @p0 $0x1  }
0x13: {  	[smem:$0x3FB3] =	sst s0;
	s0 =	simm.s32 @!p1 $0x0  }
0x14: {  	s2 =	sld [smem:$0x3F97];
	s0 =	simm.s32 @p1 $0x1  }
0x15: {  	[smem:$0x3FB4] =	sst s0;
	s0 =	simm.s32 @!p2 $0x0  }
0x16: {  	s3 =	sld [smem:$0x3FDB];
	s0 =	simm.s32 @p2 $0x1  }
0x17: {  	s4 =	simm.s32 $0x1BF5;
	[smem:$0x3FB6] =	sst s0  }
0x18: {  	s0 =	sld [smem:$0x3F99];
	_ =	swait.ge [sflag:s4], $0x0  }
0x19: {  	s7 =	sld [smem:$0x3F9A]  }
0x1a: {  	s8 =	sadd.s32 $0xFFFFE003, lr  }
0x1b: {  	s9 =	sadd.s32 $0xFFFFFEF7, lr;
	s5 =	simm.s32 $0xFFFFFFFF;
	p2 =	slt.u32 s8, $0xFFFFF086  }
0x1c: {  	p1 =	slt.u32 s9, $0xF7A;
	s5 =	simm.s32 @!p2 $0x0  }
0x1d: {  	s5 =	simm.s32 @p1 $0x1;
	p0 =	seq.s32 s7, s2  }
0x1e: {  	s7 =	smul.u32 @!p0 $0xF7A, s2;
	p2 =	seq.s32 @!p0 s5, $0x0  }
0x1f: {  	s9 =	smul.u32 $0xF7A, s1;
	s8 =	simm.s32 @!p0 $0x1BF5;
	p2 =	por !p2, p0  }
0x20: {  	[sflag:s8] =	ssyncset.s32 @!p0 $0xFFFFF086;
	s6 =	sadd.s32 @!p0 s3, s7;
	s7 =	simm.s32 @!p0 $0x108  }
0x21: {  	s3 =	sadd.s32 s3, s9;
	s6 =	sadd.s32 @!p0 $0x88, s6;
	s7 =	simm.s32 @p2 $0x1082  }
0x22: {  	[simem:s7], [sflag:s8] =	dma.local @!p0 [hbm:s6], $0xF7A  }
0x23: {  	s9 =	sor.u32 $0xD0000000, s2;
	s6 =	simm.s32 $0x108;
	_ =	swait.ge @!p0 [sflag:s8], $0x0  }
0x24: {  	s3 =	sadd.s32 $0x88, s3;
	s6 =	simm.s32 @!p1 $0x1082;
	[sflag:s4] =	ssyncset.s32 $0xFFFFF086  }
0x25: {  	[simem:s6], [sflag:s4] =	dma.local [hbm:s3], $0xF7A  }
0x26: {  	[smem:$0x3F9A] =	sst s1;
	(tag) =	ssettag s2;
	_ =	strace s9  }
0x27: {  	s1 =	sld [smem:$0x3FAA]  }
0x28: {  	s2 =	sld [smem:$0x3FAB]  }
0x29: {  	s4 =	sld [smem:$0x3FAD]  }
0x2a: {  	p0 =	seq.s32 s5, $0x0;
	s5 =	sld [smem:$0x3FAE]  }
0x2b: {  	s6 =	sld [smem:$0x3FAF]  }
0x2c: {  	s7 =	sld [smem:$0x3FB0]  }
0x2d: {  	s3 =	simm.s32 $0x108;
	s8 =	sld [smem:$0x3FB1]  }
0x2e: {  	s3 =	simm.s32 @!p0 $0x1082;
	s9 =	sld [smem:$0x3FB2]  }
0x2f: {  	lr =	sadd.s32 s0, s3;
	s0 =	sld [smem:$0x3FA9]  }
0x30: {  	s3 =	sld [smem:$0x3FAC]  }
0x31: {  	[smem:$0x3FB5] =	sst s10  }
0x32: {  	s10 =	sld [smem:$0x3FB3];
	_ =	sdelay $0x3  }
0x33: {  	p0 =	seq.s32 s10, $0x1;
	s10 =	sld [smem:$0x3FB5];
	_ =	sdelay $0x3  }
0x34: {  	[smem:$0x3FB5] =	sst s10  }
0x35: {  	s10 =	sld [smem:$0x3FB4];
	_ =	sdelay $0x3  }
0x36: {  	p1 =	seq.s32 s10, $0x1;
	s10 =	sld [smem:$0x3FB5];
	_ =	sdelay $0x3  }
0x37: {  	[smem:$0x3FB5] =	sst s10  }
0x38: {  	s10 =	sld [smem:$0x3FB6]  }
0x39: {  	_ = 	snop;
	(pc) =	sbr.ind lr, $3  }
0x3a: {  	_ = 	snop  }
0x3b: {  	_ = 	snop  }
0x3c: {  	p2 =	seq.s32 s10, $0x1;
	s10 =	sld [smem:$0x3FB5]  }
0x3d: {  	_ =	shalt  }
0x3e: {  	_ =	shalt  }
0x3f: {  	_ =	shalt  }
0x40: {  	_ =	shalt  }
0x41: {  	_ =	shalt  }
0x42: {  	_ =	shalt  }
0x43: {  	_ =	shalt  }
0x44: {  	_ =	shalt  }
0x45: {  	_ =	shalt  }
0x46: {  	_ =	shalt  }
0x47: {  	_ =	shalt  }
0x48: {  	_ =	shalt  }
0x49: {  	_ =	shalt  }
0x4a: {  	_ =	shalt  }
0x4b: {  	_ =	shalt  }
0x4c: {  	_ =	shalt  }
0x4d: {  	_ =	shalt  }
0x4e: {  	_ =	shalt  }
0x4f: {  	_ =	shalt  }
0x50: {  	_ =	shalt  }
0x51: {  	_ =	shalt  }
0x52: {  	_ =	shalt  }
0x53: {  	_ =	shalt  }
0x54: {  	_ =	shalt  }
0x55: {  	_ =	shalt  }
0x56: {  	_ =	shalt  }
0x57: {  	_ =	shalt  }
0x58: {  	_ =	shalt  }
0x59: {  	_ =	shalt  }
0x5a: {  	_ =	shalt  }
0x5b: {  	_ =	shalt  }
0x5c: {  	_ =	shalt  }
0x5d: {  	_ =	shalt  }
0x5e: {  	_ =	shalt  }
0x5f: {  	_ =	shalt  }
0x60: {  	_ =	shalt  }
0x61: {  	_ =	shalt  }
0x62: {  	_ =	shalt  }
0x63: {  	_ =	shalt  }
0x64: {  	_ =	shalt  }
0x65: {  	_ =	shalt  }
0x66: {  	_ =	shalt  }
0x67: {  	_ =	shalt  }
0x68: {  	_ =	shalt  }
0x69: {  	_ =	shalt  }
0x6a: {  	_ =	shalt  }
0x6b: {  	_ =	shalt  }
0x6c: {  	_ =	shalt  }
0x6d: {  	_ =	shalt  }
0x6e: {  	_ =	shalt  }
0x6f: {  	_ =	shalt  }
0x70: {  	_ =	shalt  }
0x71: {  	_ =	shalt  }
0x72: {  	_ =	shalt  }
0x73: {  	_ =	shalt  }
0x74: {  	_ =	shalt  }
0x75: {  	_ =	shalt  }
0x76: {  	_ =	shalt  }
0x77: {  	_ =	shalt  }
0x78: {  	_ =	shalt  }
0x79: {  	_ =	shalt  }
0x7a: {  	_ =	shalt  }
0x7b: {  	_ =	shalt  }
0x7c: {  	_ =	shalt  }
0x7d: {  	_ =	shalt  }
0x7e: {  	_ =	shalt  }
0x7f: {  	_ =	shalt  }
0x80: {  	_ =	shalt  }
0x81: {  	_ =	shalt  }
0x82: {  	_ =	shalt  }
0x83: {  	_ =	shalt  }
0x84: {  	_ =	shalt  }
0x85: {  	_ =	shalt  }
0x86: {  	_ =	shalt  }
0x87: {  	_ =	shalt  }
.Lfunc_end0:
.L_simem_size_0:
called_computation.1_lowered:
.L_overlay_start_0:
0x88: {  	s2 =	sld [smem:$0x3FD9]  }
0x89: {  	s3 =	sld [smem:$0x3FFE];
	_ =	sdelay $0x1  }
0x8a: {  	s1 =	srdreg.scid  }
0x8b: {  	s0 =	sand.u32 $0x1, s1  }
0x8c: {  	s16 =	sshll.u32 s0, $0xA;
	s2 =	sadd.s32 s3, s2  }
0x8d: {  	s2 =	sadd.s32 s2, s16  }
0x8e: {  	[smem:$0x3FC1] =	sst s2  }
0x8f: {  	_ = 	snop  }
0x90: {  	(tm) =	ssettm $0x1  }
0x91: {  	s17 =	sld [smem:$0x3FFB];
	_ =	sdelay $0x3  }
0x92: {  	_ =	strace s17  }
0x93: {  	s2 =	sld [smem:$0x3FFC];
	_ =	sdelay $0x3  }
0x94: {  	_ =	strace s2  }
0x95: {  	s2 =	sld [smem:$0x3FFD];
	_ =	sdelay $0x3  }
0x96: {  	_ =	strace s2  }
0x97: {  	_ =	strace $0x8FFFFFFF  }
0x98: {  	s18 =	sld [smem:$0x3FDB];
	_ =	sdelay $0x1  }
0x99: {  	s19 =	simm.s32 $_scs_section_size  }
0x9a: {  	s4 =	simm.s32 $_size__tile_overlayer_lowered;
	s5 =	simm.s32 $_tile_overlayer_lowered  }
0x9b: {  	s22 =	simm.s32 $0x1BFF;
	s21 =	sshll.u32 s5, $0x1;
	s2 =	sadd.s32 s19, s18  }
0x9c: {  	s6 =	simm.s32 $0x0;
	s20 =	sshll.u32 s4, $0x1;
	s4 =	sadd.s32 s21, s2  }
0x9d: {  	[timem:s6], [sflag:s22] =	dma.local [hbm:s4], s20  }
0x9e: {  	_ =	swait.ge [sflag:s22], s20  }
0x9f: {  	s3 =	ssub.s32 $0x0, s20;
	[sflag:s22] =	ssyncset.done $0x0  }
0xa0: {  	[sflag:s22] =	ssyncadd.s32 s3;
	_ =	sdelay $0x1  }
0xa1: {  	s23 =	simm.s32 $0x1B8B  }
0xa2: {  	_ =	swait.ge [sflag:s23], $0x1  }
0xa3: {  	[sflag:s23] =	ssyncset.done $0x0  }
0xa4: {  	s25 =	simm.s32 $0x1B8E;
	s24 =	sld [smem:$0x3FFE];
	[sflag:s23] =	ssyncadd.s32 $0xFFFFFFFF  }
0xa5: {  	s26 =	simm.s32 $execute0_lowered;
	[smem:$0x3FD2] =	sst s25  }
0xa6: {  	s4 =	sshll.u32 s26, $0x1;
	_ =	strace $0x80000046;
	[dreg:$0x1] =	wrdreg $0xFFFFFFFF  }
0xa7: {  	s28 =	simm.s32 $_size_execute0_lowered;
	s2 =	sadd.s32 s2, s4;
	[dreg:$0x0] =	wrdreg $0x0  }
0xa8: {  	s4 =	sshll.u32 s28, $0x1;
	[dreg:$0x2] =	wrdreg s2  }
0xa9: {  	[dreg:$0x3] =	wrdreg s4  }
0xaa: {  	[dreg:$0x4] =	wrdreg $0xC0  }
0xab: {  	_ =	task [dreg:s6], $0x5FFFF  }
0xac: {  	[dreg:$0x1] =	wrdreg $0xFFFFFFFF  }
0xad: {  	[dreg:$0x0] =	wrdreg $0x60  }
0xae: {  	[dreg:$0x2] =	wrdreg s24  }
0xaf: {  	[dreg:$0x3] =	wrdreg $0x81800  }
0xb0: {  	[dreg:$0x4] =	wrdreg $0xA  }
0xb1: {  	_ =	task.clear_ibuf [dreg:s6], $0x5FFFF;
	_ =	strace $0x90000046  }
0xb2: {  	s29 =	simm.s32 $0xA;
	_ =	strace $0x80000048  }
0xb3: {  	_ =	swait.ge [sflag:s29], $0x1  }
0xb4: {  	[sflag:s29] =	ssyncadd.s32 $0xFFFFFFFF  }
0xb5: {  	_ =	strace $0x90000048  }
0xb6: {  	_ =	sfence  }
0xb7: {  	s30 =	sld [smem:$0x0];
	_ =	sdelay $0x2  }
0xb8: {  	s31 =	sshll.u32 s1, $0xD;
	s1 =	sshrl.u32 s1, $0x2  }
0xb9: {  	s3 =	sand.u32 $0x4000, s31;
	s1 =	sadd.s32 s1, s30  }
0xba: {  	s0 =	sor.u32 s3, s0;
	s1 =	sshll.u32 s1, $0x11  }
0xbb: {  	s0 =	sor.u32 s1, s0  }
0xbc: {  	s0 =	sadd.s32 $0x8F2B, s0  }
0xbd: {  	[sflag:s0] =	ssyncadd.remote.s32 $0x1  }
0xbe: {  	_ =	sfence.sel $0xFFFF  }
0xbf: {  	[dreg:$0x0] =	wrdreg $0xFFFFFFFF;
	(pc) =	sbr.abs _section_cstart, $3  }
0xc0: {  	[dreg:$0x1] =	wrdreg $0xFFFFFFFF  }
0xc1: {  	_ =	task.clear_ibuf [dreg:s6], $0x2FFFF;
	_ =	strace $0x9FFFFFFF  }
0xc2: {  	(tm) =	ssettm $0x7FFFFFFF  }
0xc3: {  	_ =	shalt  }
tec
execute0_lowered:
.L_overlay_start_1:
0x0: {  	(tag) =	ssettag $0x1  }
0x1: {  	s0 =	rddreg [dreg:$0x0];
	s1 =	srdreg.scid  }
0x2: {  	s9 =	stileid.u32;
	s2 =	rddreg [dreg:$0x1];
	s3 =	simm.s32 $0x0  }
0x3: {  	s28 =	simm.s32 $0x80;
	s30 =	simm.s32 $0x1;
	s31 =	simm.s32 $0x3  }
0x4: {  	s29 =	simm.s32 $0x2;
	s1 =	sand.u32 $0x1, s1;
	s4 =	smul.u32 $0x280, s9  }
0x5: {  	[smem:$0x7FF] =	sst s3;
	s7 =	smul.u32 $0x50000, s9;
	s10 =	sshll.u32 s9, $0x1  }
0x6: {  	s5 =	smul.u32 $0x2800, s1;
	_ =	strace $0x80000047;
	s23 =	ssub.s32 $0x2, s1  }
0x7: {  	s1 =	sor.u32 s1, s10;
	s15 =	ssub.s32 $0x9A4, s10;
	s8 =	sshrl.u32 s23, $0x1  }
0x8: {  	s7 =	sshrl.u32 s7, $0x2;
	s11 =	sshll.u32 s1, $0x4;
	s13 =	sshll.u32 s1, $0xB  }
0x9: {  	s17 =	sor.u32 $0x40, s1;
	s20 =	sor.u32 $0x60, s1;
	s5 =	sadd.s32 s4, s5  }
0xa: {  	s4 =	sadd.s32 $0x15C00, s0;
	s12 =	ssub.s32 s23, s8;
	s6 =	sshll.u32 s5, $0x4  }
0xb: {  	s5 =	sadd.s32 $0x2000, s0;
	s13 =	sadd.s32 s4, s13;
	s23 =	smax.u32 s12, $0x1  }
0xc: {  	s12 =	simm.s32 $0x0;
	s0 =	sadd.s32 s6, s0;
	s6 =	sadd.s32 s7, s2  }
0xd: {  	s14 =	sadd.s32 s5, s11;
	[dreg:$0x5] =	wrdreg s13;
	s7 =	sadd.s32 $0x4000, s6  }
0xe: {  	s8 =	sadd.s32 $0x8000, s6;
	s9 =	sadd.s32 $0xC000, s6;
	s11 =	sadd.s32 $0x10000, s6  }
0xf: {  	[dreg:$0x3] =	wrdreg s14;
	s14 =	sadd.s32 $0x200, s14;
	s24 =	sadd.s32 $0x4F7C00, s0  }
.Ltmp0:
0x10: {  	s25 =	sadd.s32 $0x4F8400, s0;
	[dreg:$0x4] =	wrdreg s14;
	(pc) =	sbr.rel .LBB2_1-.Ltmp0, $4  }
0x11: {  	s26 =	sadd.s32 $0x4F8C00, s0;
	s21 =	sadd.s32 $0x4F9400, s0;
	[dreg:$0x6] =	wrdreg s24  }
0x12: {  	s22 =	sadd.s32 $0x4F9C00, s0;
	s0 =	simm.s32 $0x5;
	[dreg:$0x7] =	wrdreg s25  }
0x13: {  	s14 =	ssub.s32 $0x9C4, s10;
	[dreg:$0x8] =	wrdreg s26;
	s24 =	sor.u32 $0x20, s1  }
0x14: {  	v0 =	vimm.f32 $0.0e+00;
	v1 =	vimm.f32 $1.000000000e+00;
	s25 =	simm.s32 $0x4180;
	s26 =	simm.s32 $0x4;
	s1 =	simm.s32 $0x4100  }
.LBB2_15:
0x15: {  	[bflag:$0x0] =	sbarrier.arrive $0xFFFF  }
0x16: {  	[tilespmem:s25], [sflag:$0x4] =	stream.linear.gather [spmem:s6], $0x4000, $0x38;
	[tilespmem:$0x1C180] =	vst v63  }
0x17: {  	_ =	swait.ge [sflag:s26], $0x4000  }
0x18: {  	[sflag:s26] =	ssyncset.done $0x0  }
0x19: {  	s10 =	rddreg [dreg:$0x6];
	[sflag:s26] =	ssyncadd.s32 $0xFFFFC000  }
0x1a: {  	[hbm4b:s10+s3] =	stream.linear.scatter [tilespmem:s25], [sflag:$0x4], $0x4000, $0x38;
	[tilespmem:$0x1C180] =	vst v63  }
0x1b: {  	_ =	swait.ge [sflag:s26], $0x4000  }
0x1c: {  	[sflag:s26] =	ssyncset.done $0x0  }
0x1d: {  	[sflag:s26] =	ssyncadd.s32 $0xFFFFC000  }
0x1e: {  	[tilespmem:s25], [sflag:$0x4] =	stream.linear.gather [spmem:s7], $0x4000, $0x38;
	[tilespmem:$0x1C180] =	vst v63  }
0x1f: {  	_ =	swait.ge [sflag:s26], $0x4000  }
0x20: {  	[sflag:s26] =	ssyncset.done $0x0  }
0x21: {  	s18 =	rddreg [dreg:$0x7];
	[sflag:s26] =	ssyncadd.s32 $0xFFFFC000  }
0x22: {  	[hbm4b:s18+s3] =	stream.linear.scatter [tilespmem:s25], [sflag:$0x4], $0x4000, $0x38;
	[tilespmem:$0x1C180] =	vst v63  }
0x23: {  	_ =	swait.ge [sflag:s26], $0x4000  }
0x24: {  	[sflag:s26] =	ssyncset.done $0x0  }
0x25: {  	[sflag:s26] =	ssyncadd.s32 $0xFFFFC000  }
0x26: {  	[tilespmem:s25], [sflag:$0x4] =	stream.linear.gather [spmem:s8], $0x4000, $0x38;
	[tilespmem:$0x1C180] =	vst v63  }
0x27: {  	_ =	swait.ge [sflag:s26], $0x4000  }
0x28: {  	[sflag:s26] =	ssyncset.done $0x0  }
0x29: {  	s19 =	rddreg [dreg:$0x8];
	[sflag:s26] =	ssyncadd.s32 $0xFFFFC000  }
0x2a: {  	[hbm4b:s19+s3] =	stream.linear.scatter [tilespmem:s25], [sflag:$0x4], $0x4000, $0x38;
	[tilespmem:$0x1C180] =	vst v63  }
0x2b: {  	_ =	swait.ge [sflag:s26], $0x4000  }
0x2c: {  	[sflag:s26] =	ssyncset.done $0x0  }
0x2d: {  	[sflag:s26] =	ssyncadd.s32 $0xFFFFC000  }
0x2e: {  	[tilespmem:s25], [sflag:$0x4] =	stream.linear.gather [spmem:s9], $0x4000, $0x38;
	[tilespmem:$0x1C180] =	vst v63  }
0x2f: {  	_ =	swait.ge [sflag:s26], $0x4000  }
0x30: {  	[sflag:s26] =	ssyncset.done $0x0  }
0x31: {  	[sflag:s26] =	ssyncadd.s32 $0xFFFFC000  }
0x32: {  	[hbm4b:s21+s3] =	stream.linear.scatter [tilespmem:s25], [sflag:$0x4], $0x4000, $0x38;
	[tilespmem:$0x1C180] =	vst v63  }
0x33: {  	_ =	swait.ge [sflag:s26], $0x4000  }
0x34: {  	[sflag:s26] =	ssyncset.done $0x0  }
0x35: {  	[sflag:s26] =	ssyncadd.s32 $0xFFFFC000  }
0x36: {  	[tilespmem:s25], [sflag:$0x4] =	stream.linear.gather [spmem:s11], $0x4000, $0x38;
	[tilespmem:$0x1C180] =	vst v63  }
0x37: {  	s12 =	sadd.s32 $0x1, s12;
	_ =	swait.ge [sflag:s26], $0x4000  }
0x38: {  	p0 =	sne.s32 s12, s23;
	[sflag:s26] =	ssyncset.done $0x0  }
.Ltmp1:
0x39: {  	[sflag:s26] =	ssyncadd.s32 $0xFFFFC000;
	(pc) =	sbr.rel @!p0 .LBB2_16-.Ltmp1, $4  }
0x3a: {  	[hbm4b:s22+s3] =	stream.linear.scatter [tilespmem:s25], [sflag:$0x4], $0x4000, $0x38;
	[tilespmem:$0x1C180] =	vst v63  }
0x3b: {  	_ =	swait.ge [sflag:s26], $0x4000  }
0x3c: {  	[sflag:s26] =	ssyncset.done $0x0  }
0x3d: {  	[sflag:s26] =	ssyncadd.s32 $0xFFFFC000  }
.LBB2_1:
0x3e: {  	s13 =	simm.s32 $0x0;
	s16 =	simm.s32 $0x200  }
.LBB2_2:
0x3f: {  	p0 =	sne.s32 s16, $0xFE00;
	[tilespmem:s13+$0x41F0] =	vst v0  }
0x40: {  	[tilespmem:s13+$0x4180] =	vst v0  }
0x41: {  	[tilespmem:s13+$0x4190] =	vst v0  }
.Ltmp2:
0x42: {  	[tilespmem:s13+$0x41A0] =	vst v0;
	(pc) =	sbr.rel @p0 .LBB2_2-.Ltmp2, $4  }
0x43: {  	[tilespmem:s13+$0x41B0] =	vst v0  }
0x44: {  	[tilespmem:s13+$0x41C0] =	vst v0  }
0x45: {  	[tilespmem:s13+$0x41D0] =	vst v0  }
0x46: {  	[tilespmem:s13+$0x41E0] =	vst v0;
	s13 =	sshra.s32 s16, $0x2;
	s16 =	sadd.s32 $0x200, s16  }
0x47: {  	[tilespmem:s13+$0x41F0] =	vst v0  }
0x48: {  	[tilespmem:s13+$0x4180] =	vst v0  }
0x49: {  	[tilespmem:s13+$0x4190] =	vst v0  }
0x4a: {  	[tilespmem:s13+$0x41A0] =	vst v0  }
0x4b: {  	[tilespmem:s13+$0x41B0] =	vst v0  }
0x4c: {  	[tilespmem:s13+$0x41C0] =	vst v0  }
0x4d: {  	[tilespmem:s13+$0x41D0] =	vst v0  }
0x4e: {  	[tilespmem:s13+$0x41E0] =	vst v0  }
0x4f: {  	[spmem:s6] =	stream.linear.scatter [tilespmem:s25], [sflag:$0x4], $0x4000, $0x38;
	[tilespmem:$0x1C180] =	vst v63  }
0x50: {  	_ =	swait.ge [sflag:s26], $0x4000  }
0x51: {  	[sflag:s26] =	ssyncset.done $0x0  }
0x52: {  	[sflag:s26] =	ssyncadd.s32 $0xFFFFC000  }
0x53: {  	[spmem:s7] =	stream.linear.scatter [tilespmem:s25], [sflag:$0x4], $0x4000, $0x38;
	[tilespmem:$0x1C180] =	vst v63  }
0x54: {  	_ =	swait.ge [sflag:s26], $0x4000  }
0x55: {  	[sflag:s26] =	ssyncset.done $0x0  }
0x56: {  	[sflag:s26] =	ssyncadd.s32 $0xFFFFC000  }
0x57: {  	[spmem:s8] =	stream.linear.scatter [tilespmem:s25], [sflag:$0x4], $0x4000, $0x38;
	[tilespmem:$0x1C180] =	vst v63  }
0x58: {  	_ =	swait.ge [sflag:s26], $0x4000  }
0x59: {  	[sflag:s26] =	ssyncset.done $0x0  }
0x5a: {  	[sflag:s26] =	ssyncadd.s32 $0xFFFFC000  }
0x5b: {  	[spmem:s9] =	stream.linear.scatter [tilespmem:s25], [sflag:$0x4], $0x4000, $0x38;
	[tilespmem:$0x1C180] =	vst v63  }
0x5c: {  	_ =	swait.ge [sflag:s26], $0x4000  }
0x5d: {  	[sflag:s26] =	ssyncset.done $0x0  }
0x5e: {  	[sflag:s26] =	ssyncadd.s32 $0xFFFFC000  }
0x5f: {  	[spmem:s11] =	stream.linear.scatter [tilespmem:s25], [sflag:$0x4], $0x4000, $0x38;
	[tilespmem:$0x1C180] =	vst v63  }
0x60: {  	_ =	swait.ge [sflag:s26], $0x4000  }
0x61: {  	[sflag:s26] =	ssyncset.done $0x0  }
0x62: {  	[sflag:s26] =	ssyncadd.s32 $0xFFFFC000  }
0x63: {  	s10 =	simm.s32 $0x200;
	s13 =	simm.s32 $0x0;
	[bflag:$0x0] =	sbarrier.arrive $0xFFFF  }
.LBB2_4:
0x64: {  	p0 =	sne.s32 s10, $0xFE00;
	[tilespmem:s13+$0x4190] =	vst v1;
	s13 =	smov.u32 s10;
	s10 =	sadd.s32 $0x200, s10  }
.Ltmp3:
0x65: {  	(pc) =	sbr.rel @p0 .LBB2_4-.Ltmp3, $2  }
0x66: {  	_ =	sdelay $0x2  }
0x67: {  	s13 =	sshra.s32 s13, $0x2  }
0x68: {  	[tilespmem:s13+$0x4190] =	vst v1;
	s13 =	simm.s32 $0x0;
	s10 =	rddreg [dreg:$0x3]  }
0x69: {  	[tilespmem:s13], [sflag:$0x1] =	stream.linear.gather [hbm4b:s10+s13], $0x80, $0x38;
	[tilespmem:$0x1C180] =	vst v63  }
.Ltmp4:
0x6a: {  	_ = 	snop;
	(pc) =	sbr.rel .LBB2_6-.Ltmp4, $4  }
0x6b: {  	s18 =	rddreg [dreg:$0x4]  }
0x6c: {  	[tilespmem:s28], [sflag:$0x2] =	stream.linear.gather [hbm4b:s18+s13], $0x80, $0x38;
	[tilespmem:$0x1C180] =	vst v63  }
0x6d: {  	s19 =	rddreg [dreg:$0x5];
	s16 =	simm.s32 $0x100  }
0x6e: {  	[tilespmem:s16], [sflag:$0x3] =	stream.linear.gather [hbm4b:s19+s13], $0x4000, $0x38;
	[tilespmem:$0x1C180] =	vst v63  }
.LBB2_14:
0x6f: {  	s13 =	sadd.s32 $0x1, s13  }
0x70: {  	p0 =	sne.s32 s13, $0x28  }
.Ltmp5:
0x71: {  	_ = 	snop;
	(pc) =	sbr.rel @!p0 .LBB2_15-.Ltmp5, $1  }
0x72: {  	_ =	sdelay $0x3  }
.LBB2_6:
0x73: {  	s16 =	sshll.u32 s13, $0x6  }
0x74: {  	p0 =	sge.u32 s16, s14  }
.Ltmp6:
0x75: {  	_ = 	snop;
	(pc) =	sbr.rel @p0 .LBB2_10-.Ltmp6, $1  }
0x76: {  	_ =	sdelay $0x3  }
0x77: {  	_ =	swait.ge [sflag:s30], $0x80  }
0x78: {  	[sflag:s30] =	ssyncset.done $0x0  }
0x79: {  	[sflag:s30] =	ssyncadd.s32 $0xFFFFFF80  }
0x7a: {  	_ =	swait.ge [sflag:s31], $0x4000  }
0x7b: {  	[sflag:s31] =	ssyncset.done $0x0  }
0x7c: {  	[sflag:s31] =	ssyncadd.s32 $0xFFFFC000  }
0x7d: {  	v2 =	vld [tilespmem:$0x0]  }
0x7e: {  	v3 =	vld [tilespmem:$0x10]  }
0x7f: {  	v4 =	vld [tilespmem:$0x20]  }
0x80: {  	v5 =	vld [tilespmem:$0x30]  }
0x81: {  	v6 =	vld [tilespmem:$0x40]  }
0x82: {  	v63 =	vld [tilespmem:$0x70];
	[tilespmem:$0x4100] =	vst v2  }
0x83: {  	v2 =	vld [tilespmem:$0x50];
	[tilespmem:$0x4110] =	vst v3  }
0x84: {  	v3 =	vld [tilespmem:$0x60];
	[tilespmem:$0x4120] =	vst v4  }
0x85: {  	[tilespmem:$0x4130] =	vst v5  }
0x86: {  	s10 =	sadd.s32 s17, s16;
	[tilespmem:$0x4140] =	vst v6  }
0x87: {  	p0 =	sgt.u32 s10, $0x9C3;
	[tilespmem:$0x4170] =	vst v63  }
0x88: {  	s10 =	sshll.u32 @!p0 s10, $0x4;
	[tilespmem:$0x4150] =	vst v2  }
0x89: {  	s18 =	simm.s32 @!p0 $0x0;
	s10 =	sadd.s32 @!p0 s5, s10;
	[tilespmem:$0x4160] =	vst v3  }
0x8a: {  	[tilespmem:s18], [sflag:$0x1] =	stream.linear.gather @!p0 [hbm4b:s10+s18], $0x80, $0x38;
	[tilespmem:$0x1C180] =	vst v63  }
0x8b: {  	s10 =	simm.s32 $0x0  }
0x8c: {  	s18 =	simm.s32 $0x200;
	v2 =	vld [tilespmem:s10+$0x100]  }
.LBB2_8:
0x8d: {  	p0 =	sne.s32 s18, $0xFE00  }
.Ltmp7:
0x8e: {  	_ = 	snop;
	(pc) =	sbr.rel @p0 .LBB2_8-.Ltmp7, $3  }
0x8f: {  	_ =	sdelay $0x1  }
0x90: {  	[tilespmem:s10+$0x4180] =	vst v2;
	s10 =	sshra.s32 s18, $0x2;
	s18 =	sadd.s32 $0x200, s18  }
0x91: {  	v2 =	vld [tilespmem:s10+$0x100]  }
0x92: {  	_ = 	snop  }
0x93: {  	s18 =	sor.u32 s24, s16  }
0x94: {  	p0 =	sgt.u32 s18, $0x9C3  }
0x95: {  	s18 =	sshll.u32 @!p0 s18, $0xB  }
0x96: {  	s19 =	simm.s32 @!p0 $0x100;
	[tilespmem:s10+$0x4180] =	vst v2;
	s10 =	sadd.s32 @!p0 s4, s18;
	s18 =	simm.s32 @!p0 $0x0  }
0x97: {  	[tilespmem:s19], [sflag:$0x3] =	stream.linear.gather @!p0 [hbm4b:s10+s18], $0x4000, $0x38;
	[tilespmem:$0x1C180] =	vst v63  }
0x98: {  	_ = 	snop  }
0x99: {  	[spmem:s2] =	stream.indirect.scatter.add.f32 [tilespmem:s25], [sflag:$0x5], $0x80, s1, s28, $0xb8;
	[tilespmem:$0x1C180] =	vst v63  }
0x9a: {  	_ =	swait.ge [sflag:s0], $0x4000  }
0x9b: {  	[sflag:s0] =	ssyncset.done $0x0  }
0x9c: {  	[sflag:s0] =	ssyncadd.s32 $0xFFFFC000  }
.LBB2_10:
0x9d: {  	p0 =	sge.u32 s16, s15  }
.Ltmp8:
0x9e: {  	_ = 	snop;
	(pc) =	sbr.rel @p0 .LBB2_14-.Ltmp8, $1  }
0x9f: {  	_ =	sdelay $0x3  }
0xa0: {  	_ =	swait.ge [sflag:s29], $0x80  }
0xa1: {  	[sflag:s29] =	ssyncset.done $0x0  }
0xa2: {  	[sflag:s29] =	ssyncadd.s32 $0xFFFFFF80  }
0xa3: {  	_ =	swait.ge [sflag:s31], $0x4000  }
0xa4: {  	[sflag:s31] =	ssyncset.done $0x0  }
0xa5: {  	[sflag:s31] =	ssyncadd.s32 $0xFFFFC000  }
0xa6: {  	v2 =	vld [tilespmem:$0x80]  }
0xa7: {  	v3 =	vld [tilespmem:$0x90]  }
0xa8: {  	v4 =	vld [tilespmem:$0xA0]  }
0xa9: {  	v5 =	vld [tilespmem:$0xB0]  }
0xaa: {  	v6 =	vld [tilespmem:$0xC0]  }
0xab: {  	v63 =	vld [tilespmem:$0xF0];
	[tilespmem:$0x4100] =	vst v2  }
0xac: {  	v2 =	vld [tilespmem:$0xD0];
	[tilespmem:$0x4110] =	vst v3  }
0xad: {  	v3 =	vld [tilespmem:$0xE0];
	[tilespmem:$0x4120] =	vst v4  }
0xae: {  	[tilespmem:$0x4130] =	vst v5  }
0xaf: {  	s10 =	sadd.s32 s20, s16;
	[tilespmem:$0x4140] =	vst v6  }
0xb0: {  	p0 =	sgt.u32 s10, $0x9C3;
	[tilespmem:$0x4170] =	vst v63  }
0xb1: {  	s10 =	sshll.u32 @!p0 s10, $0x4;
	[tilespmem:$0x4150] =	vst v2  }
0xb2: {  	s18 =	simm.s32 @!p0 $0x0;
	s19 =	simm.s32 @!p0 $0x80;
	s10 =	sadd.s32 @!p0 s5, s10;
	[tilespmem:$0x4160] =	vst v3  }
0xb3: {  	[tilespmem:s19], [sflag:$0x2] =	stream.linear.gather @!p0 [hbm4b:s10+s18], $0x80, $0x38;
	[tilespmem:$0x1C180] =	vst v63  }
0xb4: {  	s10 =	simm.s32 $0x0  }
0xb5: {  	s18 =	simm.s32 $0x200;
	v2 =	vld [tilespmem:s10+$0x100]  }
.LBB2_12:
0xb6: {  	p0 =	sne.s32 s18, $0xFE00  }
.Ltmp9:
0xb7: {  	_ = 	snop;
	(pc) =	sbr.rel @p0 .LBB2_12-.Ltmp9, $3  }
0xb8: {  	_ =	sdelay $0x1  }
0xb9: {  	[tilespmem:s10+$0x4180] =	vst v2;
	s10 =	sshra.s32 s18, $0x2;
	s18 =	sadd.s32 $0x200, s18  }
0xba: {  	v2 =	vld [tilespmem:s10+$0x100]  }
0xbb: {  	_ = 	snop  }
0xbc: {  	s16 =	sadd.s32 s17, s16  }
0xbd: {  	p0 =	sgt.u32 s16, $0x9C3  }
0xbe: {  	s16 =	sshll.u32 @!p0 s16, $0xB  }
0xbf: {  	s18 =	simm.s32 @!p0 $0x100;
	[tilespmem:s10+$0x4180] =	vst v2;
	s10 =	sadd.s32 @!p0 s4, s16;
	s16 =	simm.s32 @!p0 $0x0  }
0xc0: {  	[tilespmem:s18], [sflag:$0x3] =	stream.linear.gather @!p0 [hbm4b:s10+s16], $0x4000, $0x38;
	[tilespmem:$0x1C180] =	vst v63  }
.Ltmp10:
0xc1: {  	_ = 	snop;
	(pc) =	sbr.rel .LBB2_14-.Ltmp10, $4  }
0xc2: {  	[spmem:s2] =	stream.indirect.scatter.add.f32 [tilespmem:s25], [sflag:$0x4], $0x80, s1, s28, $0xb8;
	[tilespmem:$0x1C180] =	vst v63  }
0xc3: {  	_ =	swait.ge [sflag:s26], $0x4000  }
0xc4: {  	[sflag:s26] =	ssyncset.done $0x0  }
0xc5: {  	[sflag:s26] =	ssyncadd.s32 $0xFFFFC000  }
.LBB2_16:
0xc6: {  	_ =	sfence.sel $0x180000  }
0xc7: {  	[bflag:$0x0] =	sbarrier.arrive $0xFFFF  }
0xc8: {  	_ =	strace $0x90000047  }
0xc9: {  	s0 =	stileid.u32;
	[bflag:$0x2] =	sbarrier.arrive $0xFFFF  }
0xca: {  	p0 =	sne.s32 s0, $0x0;
	s0 =	rddreg [dreg:$0x2]  }
0xcb: {  	s0 =	sadd.s32 @!p0 $0x100000, s0  }
0xcc: {  	[sflag:s0] =	ssyncadd.tile.s32 @!p0 $0x1;
	_ =	shalt  }
.Lfunc_end2:
_tile_overlayer_lowered:
.L_overlay_start_2:
0xcd: {  	(tag) =	ssettag $0x2  }
0xce: {  	s0 =	rddreg [dreg:$0x0];
	s2 =	stileid.u32  }
0xcf: {  	s1 =	rddreg [dreg:$0x1];
	p0 =	sne.s32 s2, $0x0  }
0xd0: {  	s3 =	rddreg [dreg:$0x2];
	[bflag:$0x3] =	sbarrier.arrive $0xFFFF;
	s2 =	simm.s32 @!p0 $0x1C04  }
0xd1: {  	[timem:s3], [sflag:s2] =	dma.local @!p0 [hbm:s0], s1  }
0xd2: {  	s0 =	simm.s32 @!p0 $0x4  }
0xd3: {  	_ =	swait.ge @!p0 [sflag:s0], s1  }
0xd4: {  	s1 =	ssub.s32 @!p0 $0x0, s1;
	[sflag:s0] =	ssyncset.done @!p0 $0x0  }
0xd5: {  	[sflag:s0] =	ssyncadd.s32 @!p0 s1  }
0xd6: {  	[bflag:$0x3] =	sbarrier.arrive $0xFFFF  }
0xd7: {  	_ =	shalt  }

// kernel: kernel.7.cloned.1.call-start
scs
__scs_entry_jumppad:
0x0: {  	(pc) =	sbr.rel $0x88, $3  }
0x1: {  	(tag) =	ssettag $0x0;
	lr =	simm.s32 $0x1  }
0x2: {  	[smem:$0x3F9A] =	sst lr;
	_ =	strace $0xD0000000  }
0x3: {  	_ = 	snop  }
0x4: {  	_ = 	snop  }
0x5: {  	_ = 	snop  }
0x6: {  	_ = 	snop  }
0x7: {  	_ = 	snop  }
__scs_overlays_trampoline_lowered:
0x8: {  	[smem:$0x3FA9] =	sst s0  }
0x9: {  	[smem:$0x3FAA] =	sst s1  }
0xa: {  	[smem:$0x3FAB] =	sst s2  }
0xb: {  	[smem:$0x3FAC] =	sst s3  }
0xc: {  	[smem:$0x3FAD] =	sst s4  }
0xd: {  	[smem:$0x3FAE] =	sst s5  }
0xe: {  	[smem:$0x3FAF] =	sst s6  }
0xf: {  	[smem:$0x3FB0] =	sst s7  }
0x10: {  	[smem:$0x3FB1] =	sst s8  }
0x11: {  	[smem:$0x3FB2] =	sst s9;
	s0 =	simm.s32 @!p0 $0x0  }
0x12: {  	s1 =	sld [smem:$0x3F98];
	s0 =	simm.s32 @p0 $0x1  }
0x13: {  	[smem:$0x3FB3] =	sst s0;
	s0 =	simm.s32 @!p1 $0x0  }
0x14: {  	s2 =	sld [smem:$0x3F97];
	s0 =	simm.s32 @p1 $0x1  }
0x15: {  	[smem:$0x3FB4] =	sst s0;
	s0 =	simm.s32 @!p2 $0x0  }
0x16: {  	s3 =	sld [smem:$0x3FDB];
	s0 =	simm.s32 @p2 $0x1  }
0x17: {  	s4 =	simm.s32 $0x1BF5;
	[smem:$0x3FB6] =	sst s0  }
0x18: {  	s0 =	sld [smem:$0x3F99];
	_ =	swait.ge [sflag:s4], $0x0  }
0x19: {  	s7 =	sld [smem:$0x3F9A]  }
0x1a: {  	s8 =	sadd.s32 $0xFFFFE003, lr  }
0x1b: {  	s9 =	sadd.s32 $0xFFFFFEF7, lr;
	s5 =	simm.s32 $0xFFFFFFFF;
	p2 =	slt.u32 s8, $0xFFFFF086  }
0x1c: {  	p1 =	slt.u32 s9, $0xF7A;
	s5 =	simm.s32 @!p2 $0x0  }
0x1d: {  	s5 =	simm.s32 @p1 $0x1;
	p0 =	seq.s32 s7, s2  }
0x1e: {  	s7 =	smul.u32 @!p0 $0xF7A, s2;
	p2 =	seq.s32 @!p0 s5, $0x0  }
0x1f: {  	s9 =	smul.u32 $0xF7A, s1;
	s8 =	simm.s32 @!p0 $0x1BF5;
	p2 =	por !p2, p0  }
0x20: {  	[sflag:s8] =	ssyncset.s32 @!p0 $0xFFFFF086;
	s6 =	sadd.s32 @!p0 s3, s7;
	s7 =	simm.s32 @!p0 $0x108  }
0x21: {  	s3 =	sadd.s32 s3, s9;
	s6 =	sadd.s32 @!p0 $0x88, s6;
	s7 =	simm.s32 @p2 $0x1082  }
0x22: {  	[simem:s7], [sflag:s8] =	dma.local @!p0 [hbm:s6], $0xF7A  }
0x23: {  	s9 =	sor.u32 $0xD0000000, s2;
	s6 =	simm.s32 $0x108;
	_ =	swait.ge @!p0 [sflag:s8], $0x0  }
0x24: {  	s3 =	sadd.s32 $0x88, s3;
	s6 =	simm.s32 @!p1 $0x1082;
	[sflag:s4] =	ssyncset.s32 $0xFFFFF086  }
0x25: {  	[simem:s6], [sflag:s4] =	dma.local [hbm:s3], $0xF7A  }
0x26: {  	[smem:$0x3F9A] =	sst s1;
	(tag) =	ssettag s2;
	_ =	strace s9  }
0x27: {  	s1 =	sld [smem:$0x3FAA]  }
0x28: {  	s2 =	sld [smem:$0x3FAB]  }
0x29: {  	s4 =	sld [smem:$0x3FAD]  }
0x2a: {  	p0 =	seq.s32 s5, $0x0;
	s5 =	sld [smem:$0x3FAE]  }
0x2b: {  	s6 =	sld [smem:$0x3FAF]  }
0x2c: {  	s7 =	sld [smem:$0x3FB0]  }
0x2d: {  	s3 =	simm.s32 $0x108;
	s8 =	sld [smem:$0x3FB1]  }
0x2e: {  	s3 =	simm.s32 @!p0 $0x1082;
	s9 =	sld [smem:$0x3FB2]  }
0x2f: {  	lr =	sadd.s32 s0, s3;
	s0 =	sld [smem:$0x3FA9]  }
0x30: {  	s3 =	sld [smem:$0x3FAC]  }
0x31: {  	[smem:$0x3FB5] =	sst s10  }
0x32: {  	s10 =	sld [smem:$0x3FB3];
	_ =	sdelay $0x3  }
0x33: {  	p0 =	seq.s32 s10, $0x1;
	s10 =	sld [smem:$0x3FB5];
	_ =	sdelay $0x3  }
0x34: {  	[smem:$0x3FB5] =	sst s10  }
0x35: {  	s10 =	sld [smem:$0x3FB4];
	_ =	sdelay $0x3  }
0x36: {  	p1 =	seq.s32 s10, $0x1;
	s10 =	sld [smem:$0x3FB5];
	_ =	sdelay $0x3  }
0x37: {  	[smem:$0x3FB5] =	sst s10  }
0x38: {  	s10 =	sld [smem:$0x3FB6]  }
0x39: {  	_ = 	snop;
	(pc) =	sbr.ind lr, $3  }
0x3a: {  	_ = 	snop  }
0x3b: {  	_ = 	snop  }
0x3c: {  	p2 =	seq.s32 s10, $0x1;
	s10 =	sld [smem:$0x3FB5]  }
0x3d: {  	_ =	shalt  }
0x3e: {  	_ =	shalt  }
0x3f: {  	_ =	shalt  }
0x40: {  	_ =	shalt  }
0x41: {  	_ =	shalt  }
0x42: {  	_ =	shalt  }
0x43: {  	_ =	shalt  }
0x44: {  	_ =	shalt  }
0x45: {  	_ =	shalt  }
0x46: {  	_ =	shalt  }
0x47: {  	_ =	shalt  }
0x48: {  	_ =	shalt  }
0x49: {  	_ =	shalt  }
0x4a: {  	_ =	shalt  }
0x4b: {  	_ =	shalt  }
0x4c: {  	_ =	shalt  }
0x4d: {  	_ =	shalt  }
0x4e: {  	_ =	shalt  }
0x4f: {  	_ =	shalt  }
0x50: {  	_ =	shalt  }
0x51: {  	_ =	shalt  }
0x52: {  	_ =	shalt  }
0x53: {  	_ =	shalt  }
0x54: {  	_ =	shalt  }
0x55: {  	_ =	shalt  }
0x56: {  	_ =	shalt  }
0x57: {  	_ =	shalt  }
0x58: {  	_ =	shalt  }
0x59: {  	_ =	shalt  }
0x5a: {  	_ =	shalt  }
0x5b: {  	_ =	shalt  }
0x5c: {  	_ =	shalt  }
0x5d: {  	_ =	shalt  }
0x5e: {  	_ =	shalt  }
0x5f: {  	_ =	shalt  }
0x60: {  	_ =	shalt  }
0x61: {  	_ =	shalt  }
0x62: {  	_ =	shalt  }
0x63: {  	_ =	shalt  }
0x64: {  	_ =	shalt  }
0x65: {  	_ =	shalt  }
0x66: {  	_ =	shalt  }
0x67: {  	_ =	shalt  }
0x68: {  	_ =	shalt  }
0x69: {  	_ =	shalt  }
0x6a: {  	_ =	shalt  }
0x6b: {  	_ =	shalt  }
0x6c: {  	_ =	shalt  }
0x6d: {  	_ =	shalt  }
0x6e: {  	_ =	shalt  }
0x6f: {  	_ =	shalt  }
0x70: {  	_ =	shalt  }
0x71: {  	_ =	shalt  }
0x72: {  	_ =	shalt  }
0x73: {  	_ =	shalt  }
0x74: {  	_ =	shalt  }
0x75: {  	_ =	shalt  }
0x76: {  	_ =	shalt  }
0x77: {  	_ =	shalt  }
0x78: {  	_ =	shalt  }
0x79: {  	_ =	shalt  }
0x7a: {  	_ =	shalt  }
0x7b: {  	_ =	shalt  }
0x7c: {  	_ =	shalt  }
0x7d: {  	_ =	shalt  }
0x7e: {  	_ =	shalt  }
0x7f: {  	_ =	shalt  }
0x80: {  	_ =	shalt  }
0x81: {  	_ =	shalt  }
0x82: {  	_ =	shalt  }
0x83: {  	_ =	shalt  }
0x84: {  	_ =	shalt  }
0x85: {  	_ =	shalt  }
0x86: {  	_ =	shalt  }
0x87: {  	_ =	shalt  }
.Lfunc_end0:
.L_simem_size_0:
called_computation_lowered:
.L_overlay_start_0:
0x88: {  	s2 =	sld [smem:$0x3FD9]  }
0x89: {  	s3 =	sld [smem:$0x3FFE];
	_ =	sdelay $0x1  }
0x8a: {  	s1 =	srdreg.scid  }
0x8b: {  	s0 =	sand.u32 $0x1, s1  }
0x8c: {  	s15 =	sshll.u32 s0, $0xA;
	s2 =	sadd.s32 s3, s2  }
0x8d: {  	s2 =	sadd.s32 s2, s15  }
0x8e: {  	[smem:$0x3FC1] =	sst s2  }
0x8f: {  	_ = 	snop  }
0x90: {  	s2 =	sld [smem:$0x3FD0];
	_ =	sdelay $0x2  }
0x91: {  	s16 =	simm.s32 $0xB;
	s4 =	simm.s32 $0x10  }
0x92: {  	[smem:s4], [sflag:s16] =	dma.local [hbm:s2], $0x1  }
0x93: {  	_ =	swait.eq [sflag:s16], $0x1  }
0x94: {  	[sflag:s16] =	ssyncset.done $0x0  }
0x95: {  	s17 =	sld [smem:$0x10];
	[sflag:s16] =	ssyncadd.s32 $0xFFFFFFFF  }
0x96: {  	s18 =	sld [smem:$0x11];
	(tm) =	ssettm $0x1  }
0x97: {  	s19 =	sld [smem:$0x3FFB];
	_ =	sdelay $0x3  }
0x98: {  	_ =	strace s19  }
0x99: {  	s2 =	sld [smem:$0x3FFC];
	_ =	sdelay $0x3  }
0x9a: {  	_ =	strace s2  }
0x9b: {  	s2 =	sld [smem:$0x3FFD];
	_ =	sdelay $0x3  }
0x9c: {  	_ =	strace s2  }
0x9d: {  	_ =	strace $0x8FFFFFFF  }
0x9e: {  	s20 =	sld [smem:$0x3FDB];
	_ =	sdelay $0x1  }
0x9f: {  	s5 =	simm.s32 $_scs_section_size  }
0xa0: {  	s6 =	simm.s32 $_size__tile_overlayer_lowered;
	s7 =	simm.s32 $_tile_overlayer_lowered  }
0xa1: {  	s8 =	simm.s32 $0x1BFF;
	s21 =	sshll.u32 s7, $0x1;
	s5 =	sadd.s32 s5, s20  }
0xa2: {  	s22 =	simm.s32 $0x0;
	s6 =	sshll.u32 s6, $0x1;
	s7 =	sadd.s32 s21, s5  }
0xa3: {  	[timem:s22], [sflag:s8] =	dma.local [hbm:s7], s6  }
0xa4: {  	_ =	swait.ge [sflag:s8], s6  }
0xa5: {  	s6 =	ssub.s32 $0x0, s6;
	[sflag:s8] =	ssyncset.done $0x0  }
0xa6: {  	[sflag:s8] =	ssyncadd.s32 s6;
	_ =	sdelay $0x1  }
0xa7: {  	s23 =	simm.s32 $0x1B8B  }
0xa8: {  	_ =	swait.ge [sflag:s23], $0x1  }
0xa9: {  	[sflag:s23] =	ssyncset.done $0x0  }
0xaa: {  	[sflag:s23] =	ssyncadd.s32 $0xFFFFFFFF  }
0xab: {  	s6 =	sld [smem:$0x0]  }
0xac: {  	s7 =	sand.u32 $0xFFFFFFFE, s1  }
0xad: {  	p0 =	sne.s32 s1, s7  }
0xae: {  	s7 =	sshll.u32 @p0 s7, $0xE  }
0xaf: {  	s7 =	sadd.s32 @p0 $0x11B8D, s7;
	s8 =	sshll.u32 @p0 s6, $0x11  }
0xb0: {  	s7 =	sor.u32 @p0 s8, s7  }
0xb1: {  	[sflag:s7] =	ssyncadd.remote.s32 @p0 $0x1;
	_ =	sdelay $0x1  }
0xb2: {  	s7 =	simm.s32 @p0 $0x1B8D  }
0xb3: {  	_ =	swait.eq @p0 [sflag:s7], $0x1  }
0xb4: {  	[sflag:s7] =	ssyncadd.s32 @p0 $0xFFFFFFFF  }
0xb5: {  	s8 =	sshll.u32 @!p0 s1, $0xE  }
0xb6: {  	s8 =	sor.u32 @!p0 $0x4000, s8;
	s7 =	simm.s32 @!p0 $0x1B8D  }
0xb7: {  	s6 =	sshll.u32 @!p0 s6, $0x11;
	s8 =	sadd.s32 @!p0 $0x11B8D, s8;
	_ =	swait.eq @!p0 [sflag:s7], $0x1  }
0xb8: {  	s6 =	sor.u32 @!p0 s6, s8;
	[sflag:s7] =	ssyncadd.s32 @!p0 $0xFFFFFFFF  }
0xb9: {  	s25 =	simm.s32 $0x1B8E;
	s24 =	sld [smem:$0x3FFE];
	[sflag:s6] =	ssyncadd.remote.s32 @!p0 $0x1  }
0xba: {  	s26 =	simm.s32 $execute0_lowered;
	[smem:$0x3FD2] =	sst s25  }
0xbb: {  	s7 =	sshll.u32 s26, $0x1;
	_ =	strace $0x80000049;
	[dreg:$0x1] =	wrdreg $0xFFFFFFFF  }
0xbc: {  	s28 =	simm.s32 $_size_execute0_lowered;
	s5 =	sadd.s32 s5, s7;
	[dreg:$0x0] =	wrdreg $0x0  }
0xbd: {  	s7 =	sshll.u32 s28, $0x1;
	[dreg:$0x2] =	wrdreg s5  }
0xbe: {  	[dreg:$0x3] =	wrdreg s7  }
0xbf: {  	[dreg:$0x4] =	wrdreg $0xC0  }
0xc0: {  	_ =	task [dreg:s22], $0x5FFFF  }
0xc1: {  	[dreg:$0x1] =	wrdreg $0xFFFFFFFF  }
0xc2: {  	[dreg:$0x0] =	wrdreg $0x60  }
0xc3: {  	[dreg:$0x2] =	wrdreg s17  }
0xc4: {  	[dreg:$0x3] =	wrdreg s24  }
0xc5: {  	[dreg:$0x4] =	wrdreg s18  }
0xc6: {  	[dreg:$0x5] =	wrdreg $0x7C800  }
0xc7: {  	[dreg:$0x6] =	wrdreg $0x9  }
0xc8: {  	_ =	task.clear_ibuf [dreg:s22], $0x7FFFF;
	_ =	strace $0x90000049  }
0xc9: {  	s29 =	simm.s32 $0x9;
	_ =	strace $0x8000004B  }
0xca: {  	_ =	swait.ge [sflag:s29], $0x1  }
0xcb: {  	[sflag:s29] =	ssyncadd.s32 $0xFFFFFFFF  }
0xcc: {  	_ =	strace $0x9000004B  }
0xcd: {  	_ =	sfence  }
0xce: {  	s30 =	sld [smem:$0x0];
	_ =	sdelay $0x2  }
0xcf: {  	s31 =	sshll.u32 s1, $0xD;
	s1 =	sshrl.u32 s1, $0x2  }
0xd0: {  	s4 =	sand.u32 $0x4000, s31;
	s1 =	sadd.s32 s1, s30  }
0xd1: {  	s0 =	sor.u32 s4, s0;
	s1 =	sshll.u32 s1, $0x11  }
0xd2: {  	s0 =	sor.u32 s1, s0  }
0xd3: {  	s0 =	sadd.s32 $0x8F2B, s0  }
0xd4: {  	[sflag:s0] =	ssyncadd.remote.s32 $0x1  }
0xd5: {  	_ =	sfence.sel $0xFFFF  }
0xd6: {  	[dreg:$0x0] =	wrdreg $0xFFFFFFFF;
	(pc) =	sbr.abs _section_cstart, $3  }
0xd7: {  	[dreg:$0x1] =	wrdreg $0xFFFFFFFF  }
0xd8: {  	_ =	task.clear_ibuf [dreg:s22], $0x2FFFF;
	_ =	strace $0x9FFFFFFF  }
0xd9: {  	(tm) =	ssettm $0x7FFFFFFF  }
tec
execute0_lowered:
.L_overlay_start_1:
0x0: {  	(tag) =	ssettag $0x1  }
0x1: {  	s1 =	rddreg [dreg:$0x0]  }
0x2: {  	s0 =	rddreg [dreg:$0x1]  }
0x3: {  	s4 =	rddreg [dreg:$0x2]  }
0x4: {  	s2 =	rddreg [dreg:$0x3]  }
0x5: {  	s3 =	simm.s32 $0x0;
	s6 =	srdreg.scid;
	s12 =	stileid.u32  }
0x6: {  	[smem:$0x7FF] =	sst s3;
	s5 =	sadd.s32 $0x547C00, s0;
	s11 =	smul.u32 $0x50000, s12  }
0x7: {  	s9 =	sand.u32 $0x1, s6;
	s6 =	sadd.s32 $0xBE00, s0;
	s21 =	sshll.u32 s12, $0x1  }
0x8: {  	s7 =	sadd.s32 $0x2000, s0;
	s13 =	sor.u32 s9, s21;
	s11 =	sshrl.u32 s11, $0x2  }
0x9: {  	_ =	strace $0x8000004A;
	[dreg:$0x5] =	wrdreg s13;
	s21 =	sadd.s32 s11, s2  }
0xa: {  	s8 =	sadd.s32 $0x56EE00, s0;
	s26 =	sadd.s32 $0x3C00, s21;
	[dreg:$0x6] =	wrdreg s21  }
0xb: {  	s22 =	smul.u32 $0x280, s12;
	s14 =	sadd.s32 $0x5000, s21;
	[dreg:$0x9] =	wrdreg s26  }
0xc: {  	s25 =	smul.u32 $0x5, s13;
	s16 =	sadd.s32 $0x7800, s21;
	[dreg:$0xa] =	wrdreg s14  }
0xd: {  	s10 =	ssub.s32 $0x2, s9;
	s17 =	sadd.s32 $0x8C00, s21;
	[dreg:$0xc] =	wrdreg s16  }
0xe: {  	s20 =	sshrl.u32 s10, $0x1;
	s18 =	sadd.s32 s6, s25;
	[dreg:$0xd] =	wrdreg s17  }
0xf: {  	s0 =	ssub.s32 s10, s20;
	s11 =	sadd.s32 s7, s25;
	[dreg:$0xe] =	wrdreg s18  }
0x10: {  	s15 =	smul.u32 $0x28, s13;
	s0 =	smax.u32 s0, $0x1;
	[dreg:$0xf] =	wrdreg s11  }
0x11: {  	s9 =	smul.u32 $0x2800, s9;
	s10 =	sadd.s32 $0xA000, s21;
	[dreg:$0x15] =	wrdreg s0  }
0x12: {  	s12 =	sshrl.u32 s15, $0x3;
	s15 =	sadd.s32 $0xF000, s21;
	[dreg:$0x16] =	wrdreg s10  }
0x13: {  	s23 =	sadd.s32 $0x1400, s21;
	[dreg:$0x1a] =	wrdreg s15  }
0x14: {  	s9 =	sadd.s32 s22, s9;
	s24 =	sadd.s32 $0x2800, s21;
	[dreg:$0x7] =	wrdreg s23  }
0x15: {  	s14 =	sadd.s32 $0x6400, s21;
	s19 =	sadd.s32 $0xA0, s12;
	[dreg:$0x8] =	wrdreg s24  }
0x16: {  	s22 =	sadd.s32 $0x140, s12;
	s12 =	sadd.s32 $0xC800, s21;
	[dreg:$0xb] =	wrdreg s14  }
0x17: {  	s16 =	sadd.s32 $0x10400, s21;
	[dreg:$0x18] =	wrdreg s12  }
0x18: {  	s17 =	sadd.s32 $0x11800, s21;
	[dreg:$0x1b] =	wrdreg s16  }
0x19: {  	s9 =	sshll.u32 s9, $0x4;
	s18 =	sadd.s32 $0x12C00, s21;
	[dreg:$0x1c] =	wrdreg s17  }
0x1a: {  	s4 =	sadd.s32 s4, s9;
	[dreg:$0x1d] =	wrdreg s18  }
0x1b: {  	s20 =	sadd.s32 s6, s19;
	[dreg:$0x12] =	wrdreg s4  }
0x1c: {  	s11 =	sadd.s32 s7, s19;
	[dreg:$0x10] =	wrdreg s20  }
0x1d: {  	s25 =	sadd.s32 s6, s22;
	[dreg:$0x11] =	wrdreg s11  }
0x1e: {  	s26 =	sadd.s32 s7, s22;
	[dreg:$0x13] =	wrdreg s25  }
0x1f: {  	s14 =	sadd.s32 $0xDC00, s21;
	[dreg:$0x14] =	wrdreg s26  }
0x20: {  	s19 =	sor.u32 $0x60, s13;
	[dreg:$0x19] =	wrdreg s14  }
0x21: {  	s22 =	sor.u32 $0x20, s13;
	[dreg:$0x1e] =	wrdreg s19  }
0x22: {  	s9 =	sadd.s32 $0x280, s4;
	[smem:$0x7EC] =	sst s22  }
0x23: {  	s10 =	sadd.s32 $0x500, s4;
	[smem:$0x7EF] =	sst s9  }
0x24: {  	s12 =	sadd.s32 $0xA00, s4;
	[smem:$0x7F0] =	sst s10  }
0x25: {  	s15 =	sadd.s32 $0x1180, s4;
	[smem:$0x7F2] =	sst s12  }
0x26: {  	s28 =	simm.s32 $0x3;
	s16 =	sadd.s32 $0x1400, s4;
	[smem:$0x7F5] =	sst s15  }
0x27: {  	s29 =	simm.s32 $0x4;
	s17 =	sadd.s32 $0x1680, s4;
	[smem:$0x7F6] =	sst s16  }
0x28: {  	s31 =	simm.s32 $0x5;
	s18 =	sadd.s32 $0x1900, s4;
	[smem:$0x7F7] =	sst s17  }
0x29: {  	s30 =	simm.s32 $0x9;
	s11 =	sadd.s32 $0xB400, s21;
	[smem:$0x7F8] =	sst s18  }
0x2a: {  	s0 =	simm.s32 $0x6;
	s20 =	sor.u32 $0x80, s13;
	[dreg:$0x17] =	wrdreg s11  }
0x2b: {  	s25 =	sor.u32 $0xA0, s13;
	s26 =	sor.u32 $0x40, s13;
	[dreg:$0x1f] =	wrdreg s20  }
0x2c: {  	s13 =	sadd.s32 $0xC80, s4;
	s14 =	sadd.s32 $0xF00, s4;
	[smem:$0x7ED] =	sst s25  }
0x2d: {  	s19 =	sadd.s32 $0x1B80, s4;
	s22 =	sadd.s32 $0x2080, s4;
	[smem:$0x7EE] =	sst s26  }
0x2e: {  	s15 =	simm.s32 $0x2;
	s16 =	simm.s32 $0x28;
	[smem:$0x7F3] =	sst s13  }
0x2f: {  	s18 =	simm.s32 $0xE;
	s10 =	simm.s32 $0x5480;
	[smem:$0x7F4] =	sst s14  }
0x30: {  	s12 =	simm.s32 $0xA;
	s17 =	simm.s32 $0x10;
	[smem:$0x7F9] =	sst s19  }
0x31: {  	s11 =	sadd.s32 $0x780, s4;
	s20 =	sadd.s32 $0x1E00, s4;
	[smem:$0x7FB] =	sst s22  }
.Ltmp0:
0x32: {  	s25 =	sadd.s32 $0x2300, s4;
	[smem:$0x7F1] =	sst s11;
	(pc) =	sbr.rel .LBB2_1-.Ltmp0, $4  }
0x33: {  	s26 =	sadd.s32 $0x2580, s4;
	s22 =	simm.s32 $0x13;
	[smem:$0x7FA] =	sst s20  }
0x34: {  	s14 =	simm.s32 $0x1;
	s4 =	simm.s32 $0xD;
	[smem:$0x7FC] =	sst s25  }
0x35: {  	s13 =	simm.s32 $0xF;
	s19 =	simm.s32 $0x0;
	[smem:$0x7FD] =	sst s26  }
0x36: {  	v0 =	vimm.f32 $0.0e+00;
	s25 =	simm.s32 $0x180;
	s11 =	simm.s32 $0xB;
	s20 =	simm.s32 $0xC  }
.LBB2_14:
0x37: {  	_ =	swait.ge [sflag:s31], $0x1400  }
0x38: {  	[sflag:s31] =	ssyncset.done $0x0  }
0x39: {  	[sflag:s31] =	ssyncadd.s32 $0xFFFFEC00  }
0x3a: {  	_ =	swait.ge [sflag:s0], $0x1400  }
0x3b: {  	[sflag:s0] =	ssyncset.done $0x0  }
0x3c: {  	[sflag:s0] =	ssyncadd.s32 $0xFFFFEC00  }
.LBB2_12:
0x3d: {  	[bflag:$0x0] =	sbarrier.arrive $0xFFFF  }
0x3e: {  	s21 =	rddreg [dreg:$0x6]  }
0x3f: {  	[tilespmem:s25], [sflag:$0x13] =	stream.linear.gather [spmem:s21], $0x1400, $0x38;
	[tilespmem:$0x1BC80] =	vst v63  }
0x40: {  	_ =	swait.ge [sflag:s22], $0x1400  }
0x41: {  	[sflag:s22] =	ssyncset.done $0x0  }
0x42: {  	s9 =	rddreg [dreg:$0x12];
	[sflag:s22] =	ssyncadd.s32 $0xFFFFEC00  }
0x43: {  	[hbm4b:s9+s3] =	stream.linear.scatter [tilespmem:s25], [sflag:$0x13], $0x1400, $0x38;
	[tilespmem:$0x1BC80] =	vst v63  }
0x44: {  	_ =	swait.ge [sflag:s22], $0x1400  }
0x45: {  	[sflag:s22] =	ssyncset.done $0x0  }
0x46: {  	s23 =	rddreg [dreg:$0x7];
	[sflag:s22] =	ssyncadd.s32 $0xFFFFEC00  }
0x47: {  	[tilespmem:s25], [sflag:$0x13] =	stream.linear.gather [spmem:s23], $0x1400, $0x38;
	[tilespmem:$0x1BC80] =	vst v63  }
0x48: {  	_ =	swait.ge [sflag:s22], $0x1400  }
0x49: {  	s26 =	sld [smem:$0x7EF]  }
0x4a: {  	[sflag:s22] =	ssyncset.done $0x0  }
0x4b: {  	[sflag:s22] =	ssyncadd.s32 $0xFFFFEC00  }
0x4c: {  	[hbm4b:s26+s3] =	stream.linear.scatter [tilespmem:s25], [sflag:$0x13], $0x1400, $0x38;
	[tilespmem:$0x1BC80] =	vst v63  }
0x4d: {  	_ =	swait.ge [sflag:s22], $0x1400  }
0x4e: {  	[sflag:s22] =	ssyncset.done $0x0  }
0x4f: {  	s24 =	rddreg [dreg:$0x8];
	[sflag:s22] =	ssyncadd.s32 $0xFFFFEC00  }
0x50: {  	[tilespmem:s25], [sflag:$0x13] =	stream.linear.gather [spmem:s24], $0x1400, $0x38;
	[tilespmem:$0x1BC80] =	vst v63  }
0x51: {  	_ =	swait.ge [sflag:s22], $0x1400  }
0x52: {  	s19 =	sld [smem:$0x7F0]  }
0x53: {  	[sflag:s22] =	ssyncset.done $0x0  }
0x54: {  	[sflag:s22] =	ssyncadd.s32 $0xFFFFEC00  }
0x55: {  	[hbm4b:s19+s3] =	stream.linear.scatter [tilespmem:s25], [sflag:$0x13], $0x1400, $0x38;
	[tilespmem:$0x1BC80] =	vst v63  }
0x56: {  	_ =	swait.ge [sflag:s22], $0x1400  }
0x57: {  	[sflag:s22] =	ssyncset.done $0x0  }
0x58: {  	s26 =	rddreg [dreg:$0x9];
	[sflag:s22] =	ssyncadd.s32 $0xFFFFEC00  }
0x59: {  	[tilespmem:s25], [sflag:$0x13] =	stream.linear.gather [spmem:s26], $0x1400, $0x38;
	[tilespmem:$0x1BC80] =	vst v63  }
0x5a: {  	_ =	swait.ge [sflag:s22], $0x1400  }
0x5b: {  	s19 =	sld [smem:$0x7F1]  }
0x5c: {  	[sflag:s22] =	ssyncset.done $0x0  }
0x5d: {  	[sflag:s22] =	ssyncadd.s32 $0xFFFFEC00  }
0x5e: {  	[hbm4b:s19+s3] =	stream.linear.scatter [tilespmem:s25], [sflag:$0x13], $0x1400, $0x38;
	[tilespmem:$0x1BC80] =	vst v63  }
0x5f: {  	_ =	swait.ge [sflag:s22], $0x1400  }
0x60: {  	[sflag:s22] =	ssyncset.done $0x0  }
0x61: {  	s26 =	rddreg [dreg:$0xa];
	[sflag:s22] =	ssyncadd.s32 $0xFFFFEC00  }
0x62: {  	[tilespmem:s25], [sflag:$0x13] =	stream.linear.gather [spmem:s26], $0x1400, $0x38;
	[tilespmem:$0x1BC80] =	vst v63  }
0x63: {  	_ =	swait.ge [sflag:s22], $0x1400  }
0x64: {  	s19 =	sld [smem:$0x7F2]  }
0x65: {  	[sflag:s22] =	ssyncset.done $0x0  }
0x66: {  	[sflag:s22] =	ssyncadd.s32 $0xFFFFEC00  }
0x67: {  	[hbm4b:s19+s3] =	stream.linear.scatter [tilespmem:s25], [sflag:$0x13], $0x1400, $0x38;
	[tilespmem:$0x1BC80] =	vst v63  }
0x68: {  	_ =	swait.ge [sflag:s22], $0x1400  }
0x69: {  	[sflag:s22] =	ssyncset.done $0x0  }
0x6a: {  	s26 =	rddreg [dreg:$0xb];
	[sflag:s22] =	ssyncadd.s32 $0xFFFFEC00  }
0x6b: {  	[tilespmem:s25], [sflag:$0x13] =	stream.linear.gather [spmem:s26], $0x1400, $0x38;
	[tilespmem:$0x1BC80] =	vst v63  }
0x6c: {  	_ =	swait.ge [sflag:s22], $0x1400  }
0x6d: {  	s19 =	sld [smem:$0x7F3]  }
0x6e: {  	[sflag:s22] =	ssyncset.done $0x0  }
0x6f: {  	[sflag:s22] =	ssyncadd.s32 $0xFFFFEC00  }
0x70: {  	[hbm4b:s19+s3] =	stream.linear.scatter [tilespmem:s25], [sflag:$0x13], $0x1400, $0x38;
	[tilespmem:$0x1BC80] =	vst v63  }
0x71: {  	_ =	swait.ge [sflag:s22], $0x1400  }
0x72: {  	[sflag:s22] =	ssyncset.done $0x0  }
0x73: {  	s26 =	rddreg [dreg:$0xc];
	[sflag:s22] =	ssyncadd.s32 $0xFFFFEC00  }
0x74: {  	[tilespmem:s25], [sflag:$0x13] =	stream.linear.gather [spmem:s26], $0x1400, $0x38;
	[tilespmem:$0x1BC80] =	vst v63  }
0x75: {  	_ =	swait.ge [sflag:s22], $0x1400  }
0x76: {  	s19 =	sld [smem:$0x7F4]  }
0x77: {  	[sflag:s22] =	ssyncset.done $0x0  }
0x78: {  	[sflag:s22] =	ssyncadd.s32 $0xFFFFEC00  }
0x79: {  	[hbm4b:s19+s3] =	stream.linear.scatter [tilespmem:s25], [sflag:$0x13], $0x1400, $0x38;
	[tilespmem:$0x1BC80] =	vst v63  }
0x7a: {  	_ =	swait.ge [sflag:s22], $0x1400  }
0x7b: {  	[sflag:s22] =	ssyncset.done $0x0  }
0x7c: {  	s26 =	rddreg [dreg:$0xd];
	[sflag:s22] =	ssyncadd.s32 $0xFFFFEC00  }
0x7d: {  	[tilespmem:s25], [sflag:$0x13] =	stream.linear.gather [spmem:s26], $0x1400, $0x38;
	[tilespmem:$0x1BC80] =	vst v63  }
0x7e: {  	_ =	swait.ge [sflag:s22], $0x1400  }
0x7f: {  	s19 =	sld [smem:$0x7F5]  }
0x80: {  	[sflag:s22] =	ssyncset.done $0x0  }
0x81: {  	[sflag:s22] =	ssyncadd.s32 $0xFFFFEC00  }
0x82: {  	[hbm4b:s19+s3] =	stream.linear.scatter [tilespmem:s25], [sflag:$0x13], $0x1400, $0x38;
	[tilespmem:$0x1BC80] =	vst v63  }
0x83: {  	_ =	swait.ge [sflag:s22], $0x1400  }
0x84: {  	[sflag:s22] =	ssyncset.done $0x0  }
0x85: {  	s26 =	rddreg [dreg:$0x16];
	[sflag:s22] =	ssyncadd.s32 $0xFFFFEC00  }
0x86: {  	[tilespmem:s25], [sflag:$0x13] =	stream.linear.gather [spmem:s26], $0x1400, $0x38;
	[tilespmem:$0x1BC80] =	vst v63  }
0x87: {  	_ =	swait.ge [sflag:s22], $0x1400  }
0x88: {  	s19 =	sld [smem:$0x7F6]  }
0x89: {  	[sflag:s22] =	ssyncset.done $0x0  }
0x8a: {  	[sflag:s22] =	ssyncadd.s32 $0xFFFFEC00  }
0x8b: {  	[hbm4b:s19+s3] =	stream.linear.scatter [tilespmem:s25], [sflag:$0x13], $0x1400, $0x38;
	[tilespmem:$0x1BC80] =	vst v63  }
0x8c: {  	_ =	swait.ge [sflag:s22], $0x1400  }
0x8d: {  	[sflag:s22] =	ssyncset.done $0x0  }
0x8e: {  	s26 =	rddreg [dreg:$0x17];
	[sflag:s22] =	ssyncadd.s32 $0xFFFFEC00  }
0x8f: {  	[tilespmem:s25], [sflag:$0x13] =	stream.linear.gather [spmem:s26], $0x1400, $0x38;
	[tilespmem:$0x1BC80] =	vst v63  }
0x90: {  	_ =	swait.ge [sflag:s22], $0x1400  }
0x91: {  	s19 =	sld [smem:$0x7F7]  }
0x92: {  	[sflag:s22] =	ssyncset.done $0x0  }
0x93: {  	[sflag:s22] =	ssyncadd.s32 $0xFFFFEC00  }
0x94: {  	[hbm4b:s19+s3] =	stream.linear.scatter [tilespmem:s25], [sflag:$0x13], $0x1400, $0x38;
	[tilespmem:$0x1BC80] =	vst v63  }
0x95: {  	_ =	swait.ge [sflag:s22], $0x1400  }
0x96: {  	[sflag:s22] =	ssyncset.done $0x0  }
0x97: {  	s26 =	rddreg [dreg:$0x18];
	[sflag:s22] =	ssyncadd.s32 $0xFFFFEC00  }
0x98: {  	[tilespmem:s25], [sflag:$0x13] =	stream.linear.gather [spmem:s26], $0x1400, $0x38;
	[tilespmem:$0x1BC80] =	vst v63  }
0x99: {  	_ =	swait.ge [sflag:s22], $0x1400  }
0x9a: {  	s19 =	sld [smem:$0x7F8]  }
0x9b: {  	[sflag:s22] =	ssyncset.done $0x0  }
0x9c: {  	[sflag:s22] =	ssyncadd.s32 $0xFFFFEC00  }
0x9d: {  	[hbm4b:s19+s3] =	stream.linear.scatter [tilespmem:s25], [sflag:$0x13], $0x1400, $0x38;
	[tilespmem:$0x1BC80] =	vst v63  }
0x9e: {  	_ =	swait.ge [sflag:s22], $0x1400  }
0x9f: {  	[sflag:s22] =	ssyncset.done $0x0  }
0xa0: {  	s26 =	rddreg [dreg:$0x19];
	[sflag:s22] =	ssyncadd.s32 $0xFFFFEC00  }
0xa1: {  	[tilespmem:s25], [sflag:$0x13] =	stream.linear.gather [spmem:s26], $0x1400, $0x38;
	[tilespmem:$0x1BC80] =	vst v63  }
0xa2: {  	_ =	swait.ge [sflag:s22], $0x1400  }
0xa3: {  	s19 =	sld [smem:$0x7F9]  }
0xa4: {  	[sflag:s22] =	ssyncset.done $0x0  }
0xa5: {  	[sflag:s22] =	ssyncadd.s32 $0xFFFFEC00  }
0xa6: {  	[hbm4b:s19+s3] =	stream.linear.scatter [tilespmem:s25], [sflag:$0x13], $0x1400, $0x38;
	[tilespmem:$0x1BC80] =	vst v63  }
0xa7: {  	_ =	swait.ge [sflag:s22], $0x1400  }
0xa8: {  	[sflag:s22] =	ssyncset.done $0x0  }
0xa9: {  	s26 =	rddreg [dreg:$0x1a];
	[sflag:s22] =	ssyncadd.s32 $0xFFFFEC00  }
0xaa: {  	[tilespmem:s25], [sflag:$0x13] =	stream.linear.gather [spmem:s26], $0x1400, $0x38;
	[tilespmem:$0x1BC80] =	vst v63  }
0xab: {  	_ =	swait.ge [sflag:s22], $0x1400  }
0xac: {  	s19 =	sld [smem:$0x7FA]  }
0xad: {  	[sflag:s22] =	ssyncset.done $0x0  }
0xae: {  	[sflag:s22] =	ssyncadd.s32 $0xFFFFEC00  }
0xaf: {  	[hbm4b:s19+s3] =	stream.linear.scatter [tilespmem:s25], [sflag:$0x13], $0x1400, $0x38;
	[tilespmem:$0x1BC80] =	vst v63  }
0xb0: {  	_ =	swait.ge [sflag:s22], $0x1400  }
0xb1: {  	[sflag:s22] =	ssyncset.done $0x0  }
0xb2: {  	s26 =	rddreg [dreg:$0x1b];
	[sflag:s22] =	ssyncadd.s32 $0xFFFFEC00  }
0xb3: {  	[tilespmem:s25], [sflag:$0x13] =	stream.linear.gather [spmem:s26], $0x1400, $0x38;
	[tilespmem:$0x1BC80] =	vst v63  }
0xb4: {  	_ =	swait.ge [sflag:s22], $0x1400  }
0xb5: {  	s19 =	sld [smem:$0x7FB]  }
0xb6: {  	[sflag:s22] =	ssyncset.done $0x0  }
0xb7: {  	[sflag:s22] =	ssyncadd.s32 $0xFFFFEC00  }
0xb8: {  	[hbm4b:s19+s3] =	stream.linear.scatter [tilespmem:s25], [sflag:$0x13], $0x1400, $0x38;
	[tilespmem:$0x1BC80] =	vst v63  }
0xb9: {  	_ =	swait.ge [sflag:s22], $0x1400  }
0xba: {  	[sflag:s22] =	ssyncset.done $0x0  }
0xbb: {  	s26 =	rddreg [dreg:$0x1c];
	[sflag:s22] =	ssyncadd.s32 $0xFFFFEC00  }
0xbc: {  	[tilespmem:s25], [sflag:$0x13] =	stream.linear.gather [spmem:s26], $0x1400, $0x38;
	[tilespmem:$0x1BC80] =	vst v63  }
0xbd: {  	_ =	swait.ge [sflag:s22], $0x1400  }
0xbe: {  	s19 =	sld [smem:$0x7FC]  }
0xbf: {  	[sflag:s22] =	ssyncset.done $0x0  }
0xc0: {  	[sflag:s22] =	ssyncadd.s32 $0xFFFFEC00  }
0xc1: {  	[hbm4b:s19+s3] =	stream.linear.scatter [tilespmem:s25], [sflag:$0x13], $0x1400, $0x38;
	[tilespmem:$0x1BC80] =	vst v63  }
0xc2: {  	_ =	swait.ge [sflag:s22], $0x1400  }
0xc3: {  	[sflag:s22] =	ssyncset.done $0x0  }
0xc4: {  	s26 =	rddreg [dreg:$0x1d];
	[sflag:s22] =	ssyncadd.s32 $0xFFFFEC00  }
0xc5: {  	[tilespmem:s25], [sflag:$0x13] =	stream.linear.gather [spmem:s26], $0x1400, $0x38;
	[tilespmem:$0x1BC80] =	vst v63  }
0xc6: {  	_ =	swait.ge [sflag:s22], $0x1400  }
0xc7: {  	s19 =	sld [smem:$0x7FD]  }
0xc8: {  	[sflag:s22] =	ssyncset.done $0x0  }
0xc9: {  	[sflag:s22] =	ssyncadd.s32 $0xFFFFEC00  }
0xca: {  	[hbm4b:s19+s3] =	stream.linear.scatter [tilespmem:s25], [sflag:$0x13], $0x1400, $0x38;
	[tilespmem:$0x1BC80] =	vst v63  }
0xcb: {  	_ =	swait.ge [sflag:s22], $0x1400  }
0xcc: {  	s19 =	sld [smem:$0x7EB];
	_ =	sdelay $0x2  }
0xcd: {  	s26 =	rddreg [dreg:$0x15];
	s19 =	sadd.s32 $0x1, s19  }
0xce: {  	p0 =	sne.s32 s19, s26  }
.Ltmp1:
0xcf: {  	_ = 	snop;
	(pc) =	sbr.rel @!p0 .LBB2_13-.Ltmp1, $3  }
0xd0: {  	_ =	sdelay $0x1  }
0xd1: {  	[sflag:s22] =	ssyncset.done $0x0  }
0xd2: {  	[sflag:s22] =	ssyncadd.s32 $0xFFFFEC00  }
.LBB2_1:
0xd3: {  	[smem:$0x7EB] =	sst s19;
	s9 =	simm.s32 $0x0;
	s19 =	simm.s32 $0x200  }
.LBB2_2:
0xd4: {  	p0 =	sne.s32 s19, $0x4E00;
	[tilespmem:s9+$0x1F0] =	vst v0  }
0xd5: {  	[tilespmem:s9+$0x180] =	vst v0  }
0xd6: {  	[tilespmem:s9+$0x190] =	vst v0  }
.Ltmp2:
0xd7: {  	[tilespmem:s9+$0x1A0] =	vst v0;
	(pc) =	sbr.rel @p0 .LBB2_2-.Ltmp2, $4  }
0xd8: {  	[tilespmem:s9+$0x1B0] =	vst v0  }
0xd9: {  	[tilespmem:s9+$0x1C0] =	vst v0  }
0xda: {  	[tilespmem:s9+$0x1D0] =	vst v0  }
0xdb: {  	[tilespmem:s9+$0x1E0] =	vst v0;
	s9 =	sshra.s32 s19, $0x2;
	s19 =	sadd.s32 $0x200, s19  }
0xdc: {  	[tilespmem:s9+$0x1F0] =	vst v0  }
0xdd: {  	[tilespmem:s9+$0x180] =	vst v0  }
0xde: {  	[tilespmem:s9+$0x190] =	vst v0  }
0xdf: {  	[tilespmem:s9+$0x1A0] =	vst v0  }
0xe0: {  	[tilespmem:s9+$0x1B0] =	vst v0  }
0xe1: {  	[tilespmem:s9+$0x1C0] =	vst v0  }
0xe2: {  	[tilespmem:s9+$0x1D0] =	vst v0  }
0xe3: {  	[tilespmem:s9+$0x1E0] =	vst v0  }
0xe4: {  	[spmem:s21] =	stream.linear.scatter [tilespmem:s25], [sflag:$0x13], $0x1400, $0x38;
	[tilespmem:$0x1BC80] =	vst v63  }
0xe5: {  	_ =	swait.ge [sflag:s22], $0x1400  }
0xe6: {  	[sflag:s22] =	ssyncset.done $0x0  }
0xe7: {  	[sflag:s22] =	ssyncadd.s32 $0xFFFFEC00  }
0xe8: {  	[spmem:s23] =	stream.linear.scatter [tilespmem:s25], [sflag:$0x13], $0x1400, $0x38;
	[tilespmem:$0x1BC80] =	vst v63  }
0xe9: {  	_ =	swait.ge [sflag:s22], $0x1400  }
0xea: {  	[sflag:s22] =	ssyncset.done $0x0  }
0xeb: {  	[sflag:s22] =	ssyncadd.s32 $0xFFFFEC00  }
0xec: {  	[spmem:s24] =	stream.linear.scatter [tilespmem:s25], [sflag:$0x13], $0x1400, $0x38;
	[tilespmem:$0x1BC80] =	vst v63  }
0xed: {  	_ =	swait.ge [sflag:s22], $0x1400  }
0xee: {  	[sflag:s22] =	ssyncset.done $0x0  }
0xef: {  	s23 =	rddreg [dreg:$0x9];
	[sflag:s22] =	ssyncadd.s32 $0xFFFFEC00  }
0xf0: {  	[spmem:s23] =	stream.linear.scatter [tilespmem:s25], [sflag:$0x13], $0x1400, $0x38;
	[tilespmem:$0x1BC80] =	vst v63  }
0xf1: {  	_ =	swait.ge [sflag:s22], $0x1400  }
0xf2: {  	[sflag:s22] =	ssyncset.done $0x0  }
0xf3: {  	s24 =	rddreg [dreg:$0xa];
	[sflag:s22] =	ssyncadd.s32 $0xFFFFEC00  }
0xf4: {  	[spmem:s24] =	stream.linear.scatter [tilespmem:s25], [sflag:$0x13], $0x1400, $0x38;
	[tilespmem:$0x1BC80] =	vst v63  }
0xf5: {  	_ =	swait.ge [sflag:s22], $0x1400  }
0xf6: {  	[sflag:s22] =	ssyncset.done $0x0  }
0xf7: {  	s26 =	rddreg [dreg:$0xb];
	[sflag:s22] =	ssyncadd.s32 $0xFFFFEC00  }
0xf8: {  	[spmem:s26] =	stream.linear.scatter [tilespmem:s25], [sflag:$0x13], $0x1400, $0x38;
	[tilespmem:$0x1BC80] =	vst v63  }
0xf9: {  	_ =	swait.ge [sflag:s22], $0x1400  }
0xfa: {  	[sflag:s22] =	ssyncset.done $0x0  }
0xfb: {  	s19 =	rddreg [dreg:$0xc];
	[sflag:s22] =	ssyncadd.s32 $0xFFFFEC00  }
0xfc: {  	[spmem:s19] =	stream.linear.scatter [tilespmem:s25], [sflag:$0x13], $0x1400, $0x38;
	[tilespmem:$0x1BC80] =	vst v63  }
0xfd: {  	_ =	swait.ge [sflag:s22], $0x1400  }
0xfe: {  	[sflag:s22] =	ssyncset.done $0x0  }
0xff: {  	s21 =	rddreg [dreg:$0xd];
	[sflag:s22] =	ssyncadd.s32 $0xFFFFEC00  }
0x100: {  	[spmem:s21] =	stream.linear.scatter [tilespmem:s25], [sflag:$0x13], $0x1400, $0x38;
	[tilespmem:$0x1BC80] =	vst v63  }
0x101: {  	_ =	swait.ge [sflag:s22], $0x1400  }
0x102: {  	[sflag:s22] =	ssyncset.done $0x0  }
0x103: {  	s23 =	rddreg [dreg:$0x16];
	[sflag:s22] =	ssyncadd.s32 $0xFFFFEC00  }
0x104: {  	[spmem:s23] =	stream.linear.scatter [tilespmem:s25], [sflag:$0x13], $0x1400, $0x38;
	[tilespmem:$0x1BC80] =	vst v63  }
0x105: {  	_ =	swait.ge [sflag:s22], $0x1400  }
0x106: {  	[sflag:s22] =	ssyncset.done $0x0  }
0x107: {  	s24 =	rddreg [dreg:$0x17];
	[sflag:s22] =	ssyncadd.s32 $0xFFFFEC00  }
0x108: {  	[spmem:s24] =	stream.linear.scatter [tilespmem:s25], [sflag:$0x13], $0x1400, $0x38;
	[tilespmem:$0x1BC80] =	vst v63  }
0x109: {  	_ =	swait.ge [sflag:s22], $0x1400  }
0x10a: {  	[sflag:s22] =	ssyncset.done $0x0  }
0x10b: {  	s26 =	rddreg [dreg:$0x18];
	[sflag:s22] =	ssyncadd.s32 $0xFFFFEC00  }
0x10c: {  	[spmem:s26] =	stream.linear.scatter [tilespmem:s25], [sflag:$0x13], $0x1400, $0x38;
	[tilespmem:$0x1BC80] =	vst v63  }
0x10d: {  	_ =	swait.ge [sflag:s22], $0x1400  }
0x10e: {  	[sflag:s22] =	ssyncset.done $0x0  }
0x10f: {  	s19 =	rddreg [dreg:$0x19];
	[sflag:s22] =	ssyncadd.s32 $0xFFFFEC00  }
0x110: {  	[spmem:s19] =	stream.linear.scatter [tilespmem:s25], [sflag:$0x13], $0x1400, $0x38;
	[tilespmem:$0x1BC80] =	vst v63  }
0x111: {  	_ =	swait.ge [sflag:s22], $0x1400  }
0x112: {  	[sflag:s22] =	ssyncset.done $0x0  }
0x113: {  	s21 =	rddreg [dreg:$0x1a];
	[sflag:s22] =	ssyncadd.s32 $0xFFFFEC00  }
0x114: {  	[spmem:s21] =	stream.linear.scatter [tilespmem:s25], [sflag:$0x13], $0x1400, $0x38;
	[tilespmem:$0x1BC80] =	vst v63  }
0x115: {  	_ =	swait.ge [sflag:s22], $0x1400  }
0x116: {  	[sflag:s22] =	ssyncset.done $0x0  }
0x117: {  	s23 =	rddreg [dreg:$0x1b];
	[sflag:s22] =	ssyncadd.s32 $0xFFFFEC00  }
0x118: {  	[spmem:s23] =	stream.linear.scatter [tilespmem:s25], [sflag:$0x13], $0x1400, $0x38;
	[tilespmem:$0x1BC80] =	vst v63  }
0x119: {  	_ =	swait.ge [sflag:s22], $0x1400  }
0x11a: {  	[sflag:s22] =	ssyncset.done $0x0  }
0x11b: {  	s24 =	rddreg [dreg:$0x1c];
	[sflag:s22] =	ssyncadd.s32 $0xFFFFEC00  }
0x11c: {  	[spmem:s24] =	stream.linear.scatter [tilespmem:s25], [sflag:$0x13], $0x1400, $0x38;
	[tilespmem:$0x1BC80] =	vst v63  }
0x11d: {  	_ =	swait.ge [sflag:s22], $0x1400  }
0x11e: {  	[sflag:s22] =	ssyncset.done $0x0  }
0x11f: {  	s26 =	rddreg [dreg:$0x1d];
	[sflag:s22] =	ssyncadd.s32 $0xFFFFEC00  }
0x120: {  	[spmem:s26] =	stream.linear.scatter [tilespmem:s25], [sflag:$0x13], $0x1400, $0x38;
	[tilespmem:$0x1BC80] =	vst v63  }
0x121: {  	_ =	swait.ge [sflag:s22], $0x1400  }
0x122: {  	[sflag:s22] =	ssyncset.done $0x0  }
0x123: {  	[sflag:s22] =	ssyncadd.s32 $0xFFFFEC00  }
0x124: {  	[bflag:$0x0] =	sbarrier.arrive $0xFFFF  }
0x125: {  	s21 =	simm.s32 $0x0;
	s19 =	rddreg [dreg:$0xe]  }
0x126: {  	[tilespmem:s21], [sflag:$0x1] =	stream.linear.gather [hbm4b:s19+s21], $0x28, $0x38;
	[tilespmem:$0x1BC80] =	vst v63  }
0x127: {  	s23 =	rddreg [dreg:$0xf];
	s19 =	simm.s32 $0x80  }
0x128: {  	[tilespmem:s19], [sflag:$0x2] =	stream.linear.gather [hbm4b:s23+s21], $0x28, $0x38;
	[tilespmem:$0x1BC80] =	vst v63  }
0x129: {  	s24 =	rddreg [dreg:$0x10];
	s23 =	simm.s32 $0x2980  }
0x12a: {  	[tilespmem:s23], [sflag:$0x7] =	stream.linear.gather [hbm4b:s24+s21], $0x28, $0x38;
	[tilespmem:$0x1BC80] =	vst v63  }
0x12b: {  	s26 =	rddreg [dreg:$0x11];
	s24 =	simm.s32 $0x2A00  }
0x12c: {  	[tilespmem:s24], [sflag:$0x8] =	stream.linear.gather [hbm4b:s26+s21], $0x28, $0x38;
	[tilespmem:$0x1BC80] =	vst v63  }
0x12d: {  	s9 =	rddreg [dreg:$0x13];
	s26 =	simm.s32 $0x5300  }
0x12e: {  	[tilespmem:s26], [sflag:$0xD] =	stream.linear.gather [hbm4b:s9+s21], $0x28, $0x38;
	[tilespmem:$0x1BC80] =	vst v63  }
0x12f: {  	s9 =	rddreg [dreg:$0x14];
	s26 =	simm.s32 $0x5380  }
0x130: {  	[tilespmem:s26], [sflag:$0xE] =	stream.linear.gather [hbm4b:s9+s21], $0x28, $0x38;
	[tilespmem:$0x1BC80] =	vst v63  }
0x131: {  	_ =	swait.ge [sflag:s14], $0x28  }
0x132: {  	[sflag:s14] =	ssyncset.done $0x0  }
0x133: {  	[sflag:s14] =	ssyncadd.s32 $0xFFFFFFD8  }
0x134: {  	_ =	swait.ge [sflag:s15], $0x28  }
0x135: {  	[sflag:s15] =	ssyncset.done $0x0  }
0x136: {  	[sflag:s15] =	ssyncadd.s32 $0xFFFFFFD8  }
0x137: {  	[tilespmem:s25], [sflag:$0x3] =	stream.indirect.gather [hbm4b:s1+s16], $0x80, s21, s16, $0xb8;
	[tilespmem:$0x1BC80] =	vst v63  }
0x138: {  	s26 =	simm.s32 $0x1580  }
0x139: {  	[tilespmem:s26], [sflag:$0x4] =	stream.indirect.gather [hbm4b:s5+s16], $0x80, s19, s16, $0xb8;
	[tilespmem:$0x1BC80] =	vst v63  }
0x13a: {  	s19 =	simm.s32 $0x7  }
0x13b: {  	_ =	swait.ge [sflag:s19], $0x28  }
0x13c: {  	[sflag:s19] =	ssyncset.done $0x0  }
0x13d: {  	s26 =	simm.s32 $0x8;
	[sflag:s19] =	ssyncadd.s32 $0xFFFFFFD8  }
0x13e: {  	_ =	swait.ge [sflag:s26], $0x28  }
0x13f: {  	[sflag:s26] =	ssyncset.done $0x0  }
0x140: {  	s19 =	simm.s32 $0x2B00;
	[sflag:s26] =	ssyncadd.s32 $0xFFFFFFD8  }
0x141: {  	[tilespmem:s19], [sflag:$0x9] =	stream.indirect.gather [hbm4b:s1+s16], $0x80, s23, s16, $0xb8;
	[tilespmem:$0x1BC80] =	vst v63  }
0x142: {  	s26 =	simm.s32 $0x3F00  }
0x143: {  	[tilespmem:s26], [sflag:$0xA] =	stream.indirect.gather [hbm4b:s5+s16], $0x80, s24, s16, $0xb8;
	[tilespmem:$0x1BC80] =	vst v63  }
.LBB2_4:
0x144: {  	_ =	swait.ge [sflag:s28], $0x1400  }
0x145: {  	[sflag:s28] =	ssyncset.done $0x0  }
0x146: {  	[sflag:s28] =	ssyncadd.s32 $0xFFFFEC00  }
0x147: {  	_ =	swait.ge [sflag:s29], $0x1400  }
0x148: {  	[sflag:s29] =	ssyncset.done $0x0  }
0x149: {  	[sflag:s29] =	ssyncadd.s32 $0xFFFFEC00  }
0x14a: {  	v1 =	vld [tilespmem:$0x80]  }
0x14b: {  	p0 =	seq.s32 s21, $0x53;
	v2 =	vld [tilespmem:$0x90]  }
0x14c: {  	s9 =	smul.u32 @!p0 $0x60, s21;
	v3 =	vld [tilespmem:$0x98]  }
0x14d: {  	s19 =	rddreg [dreg:$0x1e]  }
0x14e: {  	s9 =	sadd.s32 @!p0 s19, s9  }
0x14f: {  	s9 =	smul.u32 @!p0 $0x5, s9;
	[tilespmem:$0x100] =	vst v1  }
0x150: {  	[tilespmem:$0x110] =	vst v2  }
0x151: {  	s23 =	simm.s32 @!p0 $0x0;
	s19 =	sadd.s32 @!p0 s6, s9;
	[tilespmem:$0x118] =	vst v3  }
0x152: {  	[tilespmem:s23], [sflag:$0x1] =	stream.linear.gather @!p0 [hbm4b:s19+s23], $0x28, $0x38;
	[tilespmem:$0x1BC80] =	vst v63  }
0x153: {  	s24 =	simm.s32 $0x0;
	s9 =	sadd.s32 @!p0 s7, s9;
	s19 =	simm.s32 @!p0 $0x80  }
0x154: {  	[tilespmem:s19], [sflag:$0x2] =	stream.linear.gather @!p0 [hbm4b:s9+s23], $0x28, $0x38;
	[tilespmem:$0x1BC80] =	vst v63  }
0x155: {  	v1 =	vld [tilespmem:s24+$0x1770]  }
0x156: {  	v2 =	vld [tilespmem:s24+$0x1580]  }
0x157: {  	v3 =	vld [tilespmem:s24+$0x1590]  }
0x158: {  	v4 =	vld [tilespmem:s24+$0x15A0]  }
0x159: {  	v5 =	vld [tilespmem:s24+$0x15B0]  }
0x15a: {  	v6 =	vld [tilespmem:s24+$0x15C0]  }
0x15b: {  	v7 =	vld [tilespmem:s24+$0x15D0]  }
0x15c: {  	v8 =	vld [tilespmem:s24+$0x15E0]  }
0x15d: {  	v9 =	vld [tilespmem:s24+$0x15F0]  }
0x15e: {  	v10 =	vld [tilespmem:s24+$0x1600]  }
0x15f: {  	v11 =	vld [tilespmem:s24+$0x1610]  }
0x160: {  	v12 =	vld [tilespmem:s24+$0x1620]  }
0x161: {  	v13 =	vld [tilespmem:s24+$0x1630]  }
0x162: {  	v14 =	vld [tilespmem:s24+$0x1640]  }
0x163: {  	v15 =	vld [tilespmem:s24+$0x1650]  }
0x164: {  	v16 =	vld [tilespmem:s24+$0x1660]  }
0x165: {  	v17 =	vld [tilespmem:s24+$0x1670]  }
0x166: {  	v18 =	vld [tilespmem:s24+$0x1680]  }
0x167: {  	v19 =	vld [tilespmem:s24+$0x1690]  }
0x168: {  	v20 =	vld [tilespmem:s24+$0x16A0]  }
0x169: {  	v21 =	vld [tilespmem:s24+$0x16B0]  }
0x16a: {  	v22 =	vld [tilespmem:s24+$0x16C0]  }
0x16b: {  	v23 =	vld [tilespmem:s24+$0x16D0]  }
0x16c: {  	v24 =	vld [tilespmem:s24+$0x16E0]  }
0x16d: {  	v25 =	vld [tilespmem:s24+$0x16F0]  }
0x16e: {  	v26 =	vld [tilespmem:s24+$0x1700]  }
0x16f: {  	v27 =	vld [tilespmem:s24+$0x1710]  }
0x170: {  	v28 =	vld [tilespmem:s24+$0x1720]  }
0x171: {  	v29 =	vld [tilespmem:s24+$0x1730]  }
0x172: {  	v30 =	vld [tilespmem:s24+$0x1740]  }
0x173: {  	v31 =	vld [tilespmem:s24+$0x1750]  }
0x174: {  	[tilespmem:s24+$0x370] =	vst.add.f32.msk $0xffff, v1  }
0x175: {  	v1 =	vld [tilespmem:s24+$0x1760]  }
0x176: {  	[tilespmem:s24+$0x180] =	vst.add.f32.msk $0xffff, v2  }
0x177: {  	[tilespmem:s24+$0x190] =	vst.add.f32.msk $0xffff, v3  }
0x178: {  	[tilespmem:s24+$0x1A0] =	vst.add.f32.msk $0xffff, v4  }
0x179: {  	[tilespmem:s24+$0x1B0] =	vst.add.f32.msk $0xffff, v5  }
0x17a: {  	[tilespmem:s24+$0x1C0] =	vst.add.f32.msk $0xffff, v6  }
0x17b: {  	[tilespmem:s24+$0x1D0] =	vst.add.f32.msk $0xffff, v7  }
0x17c: {  	[tilespmem:s24+$0x1E0] =	vst.add.f32.msk $0xffff, v8  }
0x17d: {  	[tilespmem:s24+$0x1F0] =	vst.add.f32.msk $0xffff, v9  }
0x17e: {  	[tilespmem:s24+$0x200] =	vst.add.f32.msk $0xffff, v10  }
0x17f: {  	[tilespmem:s24+$0x210] =	vst.add.f32.msk $0xffff, v11  }
0x180: {  	[tilespmem:s24+$0x220] =	vst.add.f32.msk $0xffff, v12  }
0x181: {  	[tilespmem:s24+$0x230] =	vst.add.f32.msk $0xffff, v13  }
0x182: {  	[tilespmem:s24+$0x240] =	vst.add.f32.msk $0xffff, v14  }
0x183: {  	[tilespmem:s24+$0x250] =	vst.add.f32.msk $0xffff, v15  }
0x184: {  	[tilespmem:s24+$0x260] =	vst.add.f32.msk $0xffff, v16  }
0x185: {  	[tilespmem:s24+$0x270] =	vst.add.f32.msk $0xffff, v17  }
0x186: {  	[tilespmem:s24+$0x280] =	vst.add.f32.msk $0xffff, v18  }
0x187: {  	[tilespmem:s24+$0x290] =	vst.add.f32.msk $0xffff, v19  }
0x188: {  	[tilespmem:s24+$0x2A0] =	vst.add.f32.msk $0xffff, v20  }
0x189: {  	[tilespmem:s24+$0x2B0] =	vst.add.f32.msk $0xffff, v21  }
0x18a: {  	[tilespmem:s24+$0x2C0] =	vst.add.f32.msk $0xffff, v22  }
0x18b: {  	[tilespmem:s24+$0x2D0] =	vst.add.f32.msk $0xffff, v23  }
0x18c: {  	[tilespmem:s24+$0x2E0] =	vst.add.f32.msk $0xffff, v24  }
0x18d: {  	[tilespmem:s24+$0x2F0] =	vst.add.f32.msk $0xffff, v25  }
0x18e: {  	[tilespmem:s24+$0x300] =	vst.add.f32.msk $0xffff, v26  }
0x18f: {  	[tilespmem:s24+$0x310] =	vst.add.f32.msk $0xffff, v27  }
0x190: {  	[tilespmem:s24+$0x320] =	vst.add.f32.msk $0xffff, v28  }
0x191: {  	[tilespmem:s24+$0x330] =	vst.add.f32.msk $0xffff, v29  }
0x192: {  	[tilespmem:s24+$0x340] =	vst.add.f32.msk $0xffff, v30  }
0x193: {  	s9 =	smul.u32 $0x3, s21;
	s23 =	simm.s32 $0x0;
	s19 =	simm.s32 $0x800;
	[tilespmem:s24+$0x350] =	vst.add.f32.msk $0xffff, v31  }
.LBB2_5:
0x194: {  	s23 =	sadd.s32 $0x4, s23;
	[tilespmem:s24+$0x360] =	vst.add.f32.msk $0xffff, v1;
	s24 =	sshra.s32 s19, $0x2  }
0x195: {  	v1 =	vld [tilespmem:s24+$0x1770];
	p1 =	slt.u32 s23, $0x24  }
0x196: {  	v2 =	vld [tilespmem:s24+$0x1580]  }
0x197: {  	v3 =	vld [tilespmem:s24+$0x1590]  }
0x198: {  	v4 =	vld [tilespmem:s24+$0x15A0]  }
0x199: {  	v5 =	vld [tilespmem:s24+$0x15B0]  }
0x19a: {  	[tilespmem:s24+$0x370] =	vst.add.f32.msk $0xffff, v1  }
0x19b: {  	v6 =	vld [tilespmem:s24+$0x15C0]  }
0x19c: {  	v7 =	vld [tilespmem:s24+$0x15D0]  }
0x19d: {  	v8 =	vld [tilespmem:s24+$0x15E0]  }
0x19e: {  	v9 =	vld [tilespmem:s24+$0x15F0]  }
0x19f: {  	v10 =	vld [tilespmem:s24+$0x1600]  }
0x1a0: {  	v11 =	vld [tilespmem:s24+$0x1610]  }
0x1a1: {  	v12 =	vld [tilespmem:s24+$0x1620]  }
0x1a2: {  	v13 =	vld [tilespmem:s24+$0x1630]  }
0x1a3: {  	v14 =	vld [tilespmem:s24+$0x1640]  }
0x1a4: {  	v15 =	vld [tilespmem:s24+$0x1650]  }
0x1a5: {  	v16 =	vld [tilespmem:s24+$0x1660]  }
0x1a6: {  	v17 =	vld [tilespmem:s24+$0x1670]  }
0x1a7: {  	v18 =	vld [tilespmem:s24+$0x1680]  }
0x1a8: {  	v19 =	vld [tilespmem:s24+$0x1690]  }
0x1a9: {  	v20 =	vld [tilespmem:s24+$0x16A0]  }
0x1aa: {  	v21 =	vld [tilespmem:s24+$0x16B0]  }
0x1ab: {  	v22 =	vld [tilespmem:s24+$0x16C0]  }
0x1ac: {  	v23 =	vld [tilespmem:s24+$0x16D0]  }
0x1ad: {  	v24 =	vld [tilespmem:s24+$0x16E0]  }
0x1ae: {  	v25 =	vld [tilespmem:s24+$0x16F0]  }
0x1af: {  	v26 =	vld [tilespmem:s24+$0x1700]  }
0x1b0: {  	v27 =	vld [tilespmem:s24+$0x1710]  }
0x1b1: {  	v28 =	vld [tilespmem:s24+$0x1720]  }
0x1b2: {  	v29 =	vld [tilespmem:s24+$0x1730]  }
0x1b3: {  	v30 =	vld [tilespmem:s24+$0x1740]  }
0x1b4: {  	v31 =	vld [tilespmem:s24+$0x1750]  }
0x1b5: {  	v1 =	vld [tilespmem:s24+$0x1760]  }
0x1b6: {  	[tilespmem:s24+$0x180] =	vst.add.f32.msk $0xffff, v2  }
0x1b7: {  	[tilespmem:s24+$0x190] =	vst.add.f32.msk $0xffff, v3  }
0x1b8: {  	[tilespmem:s24+$0x1A0] =	vst.add.f32.msk $0xffff, v4  }
0x1b9: {  	[tilespmem:s24+$0x1B0] =	vst.add.f32.msk $0xffff, v5  }
0x1ba: {  	[tilespmem:s24+$0x1C0] =	vst.add.f32.msk $0xffff, v6  }
0x1bb: {  	[tilespmem:s24+$0x1D0] =	vst.add.f32.msk $0xffff, v7  }
0x1bc: {  	[tilespmem:s24+$0x1E0] =	vst.add.f32.msk $0xffff, v8  }
0x1bd: {  	[tilespmem:s24+$0x1F0] =	vst.add.f32.msk $0xffff, v9  }
0x1be: {  	[tilespmem:s24+$0x200] =	vst.add.f32.msk $0xffff, v10  }
0x1bf: {  	[tilespmem:s24+$0x210] =	vst.add.f32.msk $0xffff, v11  }
0x1c0: {  	[tilespmem:s24+$0x220] =	vst.add.f32.msk $0xffff, v12  }
0x1c1: {  	[tilespmem:s24+$0x230] =	vst.add.f32.msk $0xffff, v13  }
0x1c2: {  	[tilespmem:s24+$0x240] =	vst.add.f32.msk $0xffff, v14  }
0x1c3: {  	[tilespmem:s24+$0x250] =	vst.add.f32.msk $0xffff, v15  }
0x1c4: {  	[tilespmem:s24+$0x260] =	vst.add.f32.msk $0xffff, v16  }
0x1c5: {  	[tilespmem:s24+$0x270] =	vst.add.f32.msk $0xffff, v17  }
0x1c6: {  	[tilespmem:s24+$0x280] =	vst.add.f32.msk $0xffff, v18  }
0x1c7: {  	[tilespmem:s24+$0x290] =	vst.add.f32.msk $0xffff, v19  }
0x1c8: {  	[tilespmem:s24+$0x2A0] =	vst.add.f32.msk $0xffff, v20  }
0x1c9: {  	[tilespmem:s24+$0x2B0] =	vst.add.f32.msk $0xffff, v21  }
0x1ca: {  	[tilespmem:s24+$0x2C0] =	vst.add.f32.msk $0xffff, v22  }
0x1cb: {  	[tilespmem:s24+$0x2D0] =	vst.add.f32.msk $0xffff, v23  }
0x1cc: {  	[tilespmem:s24+$0x2E0] =	vst.add.f32.msk $0xffff, v24  }
0x1cd: {  	[tilespmem:s24+$0x2F0] =	vst.add.f32.msk $0xffff, v25  }
0x1ce: {  	[tilespmem:s24+$0x300] =	vst.add.f32.msk $0xffff, v26  }
.Ltmp3:
0x1cf: {  	[tilespmem:s24+$0x310] =	vst.add.f32.msk $0xffff, v27;
	(pc) =	sbr.rel @p1 .LBB2_5-.Ltmp3, $4  }
0x1d0: {  	[tilespmem:s24+$0x320] =	vst.add.f32.msk $0xffff, v28  }
0x1d1: {  	[tilespmem:s24+$0x330] =	vst.add.f32.msk $0xffff, v29  }
0x1d2: {  	[tilespmem:s24+$0x340] =	vst.add.f32.msk $0xffff, v30  }
0x1d3: {  	s19 =	sadd.s32 $0x800, s19;
	[tilespmem:s24+$0x350] =	vst.add.f32.msk $0xffff, v31  }
0x1d4: {  	s23 =	smul.u32 $0x60, s21  }
0x1d5: {  	s19 =	rddreg [dreg:$0x5]  }
0x1d6: {  	s19 =	sor.u32 s19, s23  }
0x1d7: {  	s19 =	smul.u32 $0x280, s19  }
0x1d8: {  	s9 =	sadd.s32 $0xFFFFFFFF, s9  }
0x1d9: {  	[tilespmem:s24+$0x360] =	vst.add.f32.msk $0xffff, v1;
	p1 =	sgt.u32 s9, $0xF9;
	s19 =	sadd.s32 s8, s19  }
0x1da: {  	[hbm4b:s19+s3] =	stream.linear.scatter [tilespmem:s25], [sflag:$0x5], $0x1400, $0x38;
	[tilespmem:$0x1BC80] =	vst v63  }
0x1db: {  	s26 =	simm.s32 $0x100;
	s9 =	simm.s32 @!p1 $0x11  }
0x1dc: {  	[spmem:s2] =	stream.indirect.scatter.add.f32 [tilespmem:s25], [sflag:$0x6], $0x80, s26, s16, $0xb8;
	[tilespmem:$0x1BC80] =	vst v63  }
0x1dd: {  	_ =	swait.ge @!p1 [sflag:s9], $0x1400  }
.Ltmp4:
0x1de: {  	[sflag:s9] =	ssyncset.done @!p1 $0x0;
	(pc) =	sbr.rel @p0 .LBB2_14-.Ltmp4, $4  }
0x1df: {  	[sflag:s9] =	ssyncadd.s32 @!p1 $0xFFFFEC00;
	s9 =	simm.s32 @!p1 $0x12  }
0x1e0: {  	_ =	swait.ge @!p1 [sflag:s9], $0x1400  }
0x1e1: {  	[sflag:s9] =	ssyncset.done @!p1 $0x0  }
0x1e2: {  	[sflag:s9] =	ssyncadd.s32 @!p1 $0xFFFFEC00  }
0x1e3: {  	_ =	swait.ge [sflag:s4], $0x28  }
0x1e4: {  	[sflag:s4] =	ssyncset.done $0x0  }
0x1e5: {  	[sflag:s4] =	ssyncadd.s32 $0xFFFFFFD8  }
0x1e6: {  	_ =	swait.ge [sflag:s18], $0x28  }
0x1e7: {  	[sflag:s18] =	ssyncset.done $0x0  }
0x1e8: {  	s9 =	simm.s32 $0x5300;
	[sflag:s18] =	ssyncadd.s32 $0xFFFFFFD8  }
0x1e9: {  	[tilespmem:s10], [sflag:$0xF] =	stream.indirect.gather [hbm4b:s1+s16], $0x80, s9, s16, $0xb8;
	[tilespmem:$0x1BC80] =	vst v63  }
0x1ea: {  	s26 =	simm.s32 $0x5380;
	s19 =	simm.s32 $0x6880  }
0x1eb: {  	[tilespmem:s19], [sflag:$0x10] =	stream.indirect.gather [hbm4b:s5+s16], $0x80, s26, s16, $0xb8;
	[tilespmem:$0x1BC80] =	vst v63  }
0x1ec: {  	_ =	swait.ge [sflag:s30], $0x1400  }
0x1ed: {  	[sflag:s30] =	ssyncset.done $0x0  }
0x1ee: {  	[sflag:s30] =	ssyncadd.s32 $0xFFFFEC00  }
0x1ef: {  	_ =	swait.ge [sflag:s12], $0x1400  }
0x1f0: {  	[sflag:s12] =	ssyncset.done $0x0  }
0x1f1: {  	[sflag:s12] =	ssyncadd.s32 $0xFFFFEC00  }
0x1f2: {  	v1 =	vld [tilespmem:$0x2A00]  }
0x1f3: {  	v2 =	vld [tilespmem:$0x2A10]  }
0x1f4: {  	v3 =	vld [tilespmem:$0x2A18]  }
0x1f5: {  	p0 =	sgt.u32 s21, $0x51;
	s9 =	rddreg [dreg:$0x1f]  }
0x1f6: {  	s9 =	sadd.s32 @!p0 s9, s23  }
0x1f7: {  	s9 =	smul.u32 @!p0 $0x5, s9;
	[tilespmem:$0x2A80] =	vst v1  }
0x1f8: {  	[tilespmem:$0x2A90] =	vst v2  }
0x1f9: {  	s24 =	simm.s32 @!p0 $0x0;
	s26 =	simm.s32 @!p0 $0x2980;
	s19 =	sadd.s32 @!p0 s6, s9;
	[tilespmem:$0x2A98] =	vst v3  }
0x1fa: {  	[tilespmem:s26], [sflag:$0x7] =	stream.linear.gather @!p0 [hbm4b:s19+s24], $0x28, $0x38;
	[tilespmem:$0x1BC80] =	vst v63  }
0x1fb: {  	s9 =	sadd.s32 @!p0 s7, s9;
	s19 =	simm.s32 @!p0 $0x2A00  }
0x1fc: {  	[tilespmem:s19], [sflag:$0x8] =	stream.linear.gather @!p0 [hbm4b:s9+s24], $0x28, $0x38;
	[tilespmem:$0x1BC80] =	vst v63  }
0x1fd: {  	s24 =	simm.s32 $0x0  }
0x1fe: {  	v1 =	vld [tilespmem:s24+$0x40F0]  }
0x1ff: {  	v2 =	vld [tilespmem:s24+$0x3F00]  }
0x200: {  	v3 =	vld [tilespmem:s24+$0x3F10]  }
0x201: {  	v4 =	vld [tilespmem:s24+$0x3F20]  }
0x202: {  	v5 =	vld [tilespmem:s24+$0x3F30]  }
0x203: {  	v6 =	vld [tilespmem:s24+$0x3F40]  }
0x204: {  	v7 =	vld [tilespmem:s24+$0x3F50]  }
0x205: {  	v8 =	vld [tilespmem:s24+$0x3F60]  }
0x206: {  	v9 =	vld [tilespmem:s24+$0x3F70]  }
0x207: {  	v10 =	vld [tilespmem:s24+$0x3F80]  }
0x208: {  	v11 =	vld [tilespmem:s24+$0x3F90]  }
0x209: {  	v12 =	vld [tilespmem:s24+$0x3FA0]  }
0x20a: {  	v13 =	vld [tilespmem:s24+$0x3FB0]  }
0x20b: {  	v14 =	vld [tilespmem:s24+$0x3FC0]  }
0x20c: {  	v15 =	vld [tilespmem:s24+$0x3FD0]  }
0x20d: {  	v16 =	vld [tilespmem:s24+$0x3FE0]  }
0x20e: {  	v17 =	vld [tilespmem:s24+$0x3FF0]  }
0x20f: {  	v18 =	vld [tilespmem:s24+$0x4000]  }
0x210: {  	v19 =	vld [tilespmem:s24+$0x4010]  }
0x211: {  	v20 =	vld [tilespmem:s24+$0x4020]  }
0x212: {  	v21 =	vld [tilespmem:s24+$0x4030]  }
0x213: {  	v22 =	vld [tilespmem:s24+$0x4040]  }
0x214: {  	v23 =	vld [tilespmem:s24+$0x4050]  }
0x215: {  	v24 =	vld [tilespmem:s24+$0x4060]  }
0x216: {  	v25 =	vld [tilespmem:s24+$0x4070]  }
0x217: {  	v26 =	vld [tilespmem:s24+$0x4080]  }
0x218: {  	v27 =	vld [tilespmem:s24+$0x4090]  }
0x219: {  	v28 =	vld [tilespmem:s24+$0x40A0]  }
0x21a: {  	v29 =	vld [tilespmem:s24+$0x40B0]  }
0x21b: {  	v30 =	vld [tilespmem:s24+$0x40C0]  }
0x21c: {  	v31 =	vld [tilespmem:s24+$0x40D0]  }
0x21d: {  	[tilespmem:s24+$0x2CF0] =	vst.add.f32.msk $0xffff, v1  }
0x21e: {  	v1 =	vld [tilespmem:s24+$0x40E0]  }
0x21f: {  	[tilespmem:s24+$0x2B00] =	vst.add.f32.msk $0xffff, v2  }
0x220: {  	[tilespmem:s24+$0x2B10] =	vst.add.f32.msk $0xffff, v3  }
0x221: {  	[tilespmem:s24+$0x2B20] =	vst.add.f32.msk $0xffff, v4  }
0x222: {  	[tilespmem:s24+$0x2B30] =	vst.add.f32.msk $0xffff, v5  }
0x223: {  	[tilespmem:s24+$0x2B40] =	vst.add.f32.msk $0xffff, v6  }
0x224: {  	[tilespmem:s24+$0x2B50] =	vst.add.f32.msk $0xffff, v7  }
0x225: {  	[tilespmem:s24+$0x2B60] =	vst.add.f32.msk $0xffff, v8  }
0x226: {  	[tilespmem:s24+$0x2B70] =	vst.add.f32.msk $0xffff, v9  }
0x227: {  	[tilespmem:s24+$0x2B80] =	vst.add.f32.msk $0xffff, v10  }
0x228: {  	[tilespmem:s24+$0x2B90] =	vst.add.f32.msk $0xffff, v11  }
0x229: {  	[tilespmem:s24+$0x2BA0] =	vst.add.f32.msk $0xffff, v12  }
0x22a: {  	[tilespmem:s24+$0x2BB0] =	vst.add.f32.msk $0xffff, v13  }
0x22b: {  	[tilespmem:s24+$0x2BC0] =	vst.add.f32.msk $0xffff, v14  }
0x22c: {  	[tilespmem:s24+$0x2BD0] =	vst.add.f32.msk $0xffff, v15  }
0x22d: {  	[tilespmem:s24+$0x2BE0] =	vst.add.f32.msk $0xffff, v16  }
0x22e: {  	[tilespmem:s24+$0x2BF0] =	vst.add.f32.msk $0xffff, v17  }
0x22f: {  	[tilespmem:s24+$0x2C00] =	vst.add.f32.msk $0xffff, v18  }
0x230: {  	[tilespmem:s24+$0x2C10] =	vst.add.f32.msk $0xffff, v19  }
0x231: {  	[tilespmem:s24+$0x2C20] =	vst.add.f32.msk $0xffff, v20  }
0x232: {  	[tilespmem:s24+$0x2C30] =	vst.add.f32.msk $0xffff, v21  }
0x233: {  	[tilespmem:s24+$0x2C40] =	vst.add.f32.msk $0xffff, v22  }
0x234: {  	[tilespmem:s24+$0x2C50] =	vst.add.f32.msk $0xffff, v23  }
0x235: {  	[tilespmem:s24+$0x2C60] =	vst.add.f32.msk $0xffff, v24  }
0x236: {  	[tilespmem:s24+$0x2C70] =	vst.add.f32.msk $0xffff, v25  }
0x237: {  	[tilespmem:s24+$0x2C80] =	vst.add.f32.msk $0xffff, v26  }
0x238: {  	[tilespmem:s24+$0x2C90] =	vst.add.f32.msk $0xffff, v27  }
0x239: {  	[tilespmem:s24+$0x2CA0] =	vst.add.f32.msk $0xffff, v28  }
0x23a: {  	[tilespmem:s24+$0x2CB0] =	vst.add.f32.msk $0xffff, v29  }
0x23b: {  	[tilespmem:s24+$0x2CC0] =	vst.add.f32.msk $0xffff, v30  }
0x23c: {  	s9 =	simm.s32 $0x0;
	s19 =	simm.s32 $0x800;
	[tilespmem:s24+$0x2CD0] =	vst.add.f32.msk $0xffff, v31  }
.LBB2_8:
0x23d: {  	s9 =	sadd.s32 $0x4, s9;
	[tilespmem:s24+$0x2CE0] =	vst.add.f32.msk $0xffff, v1;
	s24 =	sshra.s32 s19, $0x2  }
0x23e: {  	v1 =	vld [tilespmem:s24+$0x40F0];
	p1 =	slt.u32 s9, $0x24  }
0x23f: {  	v2 =	vld [tilespmem:s24+$0x3F00]  }
0x240: {  	v3 =	vld [tilespmem:s24+$0x3F10]  }
0x241: {  	v4 =	vld [tilespmem:s24+$0x3F20]  }
0x242: {  	v5 =	vld [tilespmem:s24+$0x3F30]  }
0x243: {  	[tilespmem:s24+$0x2CF0] =	vst.add.f32.msk $0xffff, v1  }
0x244: {  	v6 =	vld [tilespmem:s24+$0x3F40]  }
0x245: {  	v7 =	vld [tilespmem:s24+$0x3F50]  }
0x246: {  	v8 =	vld [tilespmem:s24+$0x3F60]  }
0x247: {  	v9 =	vld [tilespmem:s24+$0x3F70]  }
0x248: {  	v10 =	vld [tilespmem:s24+$0x3F80]  }
0x249: {  	v11 =	vld [tilespmem:s24+$0x3F90]  }
0x24a: {  	v12 =	vld [tilespmem:s24+$0x3FA0]  }
0x24b: {  	v13 =	vld [tilespmem:s24+$0x3FB0]  }
0x24c: {  	v14 =	vld [tilespmem:s24+$0x3FC0]  }
0x24d: {  	v15 =	vld [tilespmem:s24+$0x3FD0]  }
0x24e: {  	v16 =	vld [tilespmem:s24+$0x3FE0]  }
0x24f: {  	v17 =	vld [tilespmem:s24+$0x3FF0]  }
0x250: {  	v18 =	vld [tilespmem:s24+$0x4000]  }
0x251: {  	v19 =	vld [tilespmem:s24+$0x4010]  }
0x252: {  	v20 =	vld [tilespmem:s24+$0x4020]  }
0x253: {  	v21 =	vld [tilespmem:s24+$0x4030]  }
0x254: {  	v22 =	vld [tilespmem:s24+$0x4040]  }
0x255: {  	v23 =	vld [tilespmem:s24+$0x4050]  }
0x256: {  	v24 =	vld [tilespmem:s24+$0x4060]  }
0x257: {  	v25 =	vld [tilespmem:s24+$0x4070]  }
0x258: {  	v26 =	vld [tilespmem:s24+$0x4080]  }
0x259: {  	v27 =	vld [tilespmem:s24+$0x4090]  }
0x25a: {  	v28 =	vld [tilespmem:s24+$0x40A0]  }
0x25b: {  	v29 =	vld [tilespmem:s24+$0x40B0]  }
0x25c: {  	v30 =	vld [tilespmem:s24+$0x40C0]  }
0x25d: {  	v31 =	vld [tilespmem:s24+$0x40D0]  }
0x25e: {  	v1 =	vld [tilespmem:s24+$0x40E0]  }
0x25f: {  	[tilespmem:s24+$0x2B00] =	vst.add.f32.msk $0xffff, v2  }
0x260: {  	[tilespmem:s24+$0x2B10] =	vst.add.f32.msk $0xffff, v3  }
0x261: {  	[tilespmem:s24+$0x2B20] =	vst.add.f32.msk $0xffff, v4  }
0x262: {  	[tilespmem:s24+$0x2B30] =	vst.add.f32.msk $0xffff, v5  }
0x263: {  	[tilespmem:s24+$0x2B40] =	vst.add.f32.msk $0xffff, v6  }
0x264: {  	[tilespmem:s24+$0x2B50] =	vst.add.f32.msk $0xffff, v7  }
0x265: {  	[tilespmem:s24+$0x2B60] =	vst.add.f32.msk $0xffff, v8  }
0x266: {  	[tilespmem:s24+$0x2B70] =	vst.add.f32.msk $0xffff, v9  }
0x267: {  	[tilespmem:s24+$0x2B80] =	vst.add.f32.msk $0xffff, v10  }
0x268: {  	[tilespmem:s24+$0x2B90] =	vst.add.f32.msk $0xffff, v11  }
0x269: {  	[tilespmem:s24+$0x2BA0] =	vst.add.f32.msk $0xffff, v12  }
0x26a: {  	[tilespmem:s24+$0x2BB0] =	vst.add.f32.msk $0xffff, v13  }
0x26b: {  	[tilespmem:s24+$0x2BC0] =	vst.add.f32.msk $0xffff, v14  }
0x26c: {  	[tilespmem:s24+$0x2BD0] =	vst.add.f32.msk $0xffff, v15  }
0x26d: {  	[tilespmem:s24+$0x2BE0] =	vst.add.f32.msk $0xffff, v16  }
0x26e: {  	[tilespmem:s24+$0x2BF0] =	vst.add.f32.msk $0xffff, v17  }
0x26f: {  	[tilespmem:s24+$0x2C00] =	vst.add.f32.msk $0xffff, v18  }
0x270: {  	[tilespmem:s24+$0x2C10] =	vst.add.f32.msk $0xffff, v19  }
0x271: {  	[tilespmem:s24+$0x2C20] =	vst.add.f32.msk $0xffff, v20  }
0x272: {  	[tilespmem:s24+$0x2C30] =	vst.add.f32.msk $0xffff, v21  }
0x273: {  	[tilespmem:s24+$0x2C40] =	vst.add.f32.msk $0xffff, v22  }
0x274: {  	[tilespmem:s24+$0x2C50] =	vst.add.f32.msk $0xffff, v23  }
0x275: {  	[tilespmem:s24+$0x2C60] =	vst.add.f32.msk $0xffff, v24  }
0x276: {  	[tilespmem:s24+$0x2C70] =	vst.add.f32.msk $0xffff, v25  }
0x277: {  	[tilespmem:s24+$0x2C80] =	vst.add.f32.msk $0xffff, v26  }
.Ltmp5:
0x278: {  	[tilespmem:s24+$0x2C90] =	vst.add.f32.msk $0xffff, v27;
	(pc) =	sbr.rel @p1 .LBB2_8-.Ltmp5, $4  }
0x279: {  	[tilespmem:s24+$0x2CA0] =	vst.add.f32.msk $0xffff, v28  }
0x27a: {  	[tilespmem:s24+$0x2CB0] =	vst.add.f32.msk $0xffff, v29  }
0x27b: {  	[tilespmem:s24+$0x2CC0] =	vst.add.f32.msk $0xffff, v30  }
0x27c: {  	s19 =	sadd.s32 $0x800, s19;
	[tilespmem:s24+$0x2CD0] =	vst.add.f32.msk $0xffff, v31  }
0x27d: {  	s9 =	sld [smem:$0x7EC];
	_ =	sdelay $0x2  }
0x27e: {  	s9 =	sadd.s32 s9, s23  }
0x27f: {  	s9 =	smul.u32 $0x280, s9;
	_ =	sdelay $0x1  }
0x280: {  	[tilespmem:s24+$0x2CE0] =	vst.add.f32.msk $0xffff, v1;
	s19 =	simm.s32 $0x2B00;
	s9 =	sadd.s32 s8, s9  }
0x281: {  	[hbm4b:s9+s3] =	stream.linear.scatter [tilespmem:s19], [sflag:$0xB], $0x1400, $0x38;
	[tilespmem:$0x1BC80] =	vst v63  }
0x282: {  	s26 =	simm.s32 $0x2A80  }
0x283: {  	[spmem:s2] =	stream.indirect.scatter.add.f32 [tilespmem:s19], [sflag:$0xC], $0x80, s26, s16, $0xb8;
	[tilespmem:$0x1BC80] =	vst v63  }
0x284: {  	_ =	swait.ge [sflag:s31], $0x1400  }
0x285: {  	[sflag:s31] =	ssyncset.done $0x0  }
0x286: {  	[sflag:s31] =	ssyncadd.s32 $0xFFFFEC00  }
0x287: {  	_ =	swait.ge [sflag:s0], $0x1400  }
0x288: {  	[sflag:s0] =	ssyncset.done $0x0  }
0x289: {  	[sflag:s0] =	ssyncadd.s32 $0xFFFFEC00  }
0x28a: {  	_ =	swait.ge [sflag:s14], $0x28  }
0x28b: {  	[sflag:s14] =	ssyncset.done $0x0  }
0x28c: {  	[sflag:s14] =	ssyncadd.s32 $0xFFFFFFD8  }
0x28d: {  	_ =	swait.ge [sflag:s15], $0x28  }
0x28e: {  	[sflag:s15] =	ssyncset.done $0x0  }
0x28f: {  	[sflag:s15] =	ssyncadd.s32 $0xFFFFFFD8  }
0x290: {  	[tilespmem:s25], [sflag:$0x3] =	stream.indirect.gather [hbm4b:s1+s16], $0x80, s3, s16, $0xb8;
	[tilespmem:$0x1BC80] =	vst v63  }
0x291: {  	s24 =	simm.s32 $0x80;
	s26 =	simm.s32 $0x1580  }
0x292: {  	[tilespmem:s26], [sflag:$0x4] =	stream.indirect.gather [hbm4b:s5+s16], $0x80, s24, s16, $0xb8;
	[tilespmem:$0x1BC80] =	vst v63  }
0x293: {  	_ =	swait.ge [sflag:s13], $0x1400  }
0x294: {  	[sflag:s13] =	ssyncset.done $0x0  }
0x295: {  	[sflag:s13] =	ssyncadd.s32 $0xFFFFEC00  }
0x296: {  	_ =	swait.ge [sflag:s17], $0x1400  }
0x297: {  	[sflag:s17] =	ssyncset.done $0x0  }
0x298: {  	[sflag:s17] =	ssyncadd.s32 $0xFFFFEC00  }
0x299: {  	v1 =	vld [tilespmem:$0x5380]  }
0x29a: {  	s9 =	sld [smem:$0x7ED];
	v2 =	vld [tilespmem:$0x5390]  }
0x29b: {  	v3 =	vld [tilespmem:$0x5398];
	_ =	sdelay $0x1  }
0x29c: {  	s9 =	sadd.s32 @!p0 s9, s23  }
0x29d: {  	s9 =	smul.u32 @!p0 $0x5, s9;
	[tilespmem:$0x5400] =	vst v1  }
0x29e: {  	[tilespmem:$0x5410] =	vst v2  }
0x29f: {  	s24 =	simm.s32 @!p0 $0x0;
	s26 =	simm.s32 @!p0 $0x5300;
	s19 =	sadd.s32 @!p0 s6, s9;
	[tilespmem:$0x5418] =	vst v3  }
0x2a0: {  	[tilespmem:s26], [sflag:$0xD] =	stream.linear.gather @!p0 [hbm4b:s19+s24], $0x28, $0x38;
	[tilespmem:$0x1BC80] =	vst v63  }
0x2a1: {  	s9 =	sadd.s32 @!p0 s7, s9;
	s19 =	simm.s32 @!p0 $0x5380  }
0x2a2: {  	[tilespmem:s19], [sflag:$0xE] =	stream.linear.gather @!p0 [hbm4b:s9+s24], $0x28, $0x38;
	[tilespmem:$0x1BC80] =	vst v63  }
0x2a3: {  	s24 =	simm.s32 $0x0  }
0x2a4: {  	v1 =	vld [tilespmem:s24+$0x6A70]  }
0x2a5: {  	v2 =	vld [tilespmem:s24+$0x6880]  }
0x2a6: {  	v3 =	vld [tilespmem:s24+$0x6890]  }
0x2a7: {  	v4 =	vld [tilespmem:s24+$0x68A0]  }
0x2a8: {  	v5 =	vld [tilespmem:s24+$0x68B0]  }
0x2a9: {  	v6 =	vld [tilespmem:s24+$0x68C0]  }
0x2aa: {  	v7 =	vld [tilespmem:s24+$0x68D0]  }
0x2ab: {  	v8 =	vld [tilespmem:s24+$0x68E0]  }
0x2ac: {  	v9 =	vld [tilespmem:s24+$0x68F0]  }
0x2ad: {  	v10 =	vld [tilespmem:s24+$0x6900]  }
0x2ae: {  	v11 =	vld [tilespmem:s24+$0x6910]  }
0x2af: {  	v12 =	vld [tilespmem:s24+$0x6920]  }
0x2b0: {  	v13 =	vld [tilespmem:s24+$0x6930]  }
0x2b1: {  	v14 =	vld [tilespmem:s24+$0x6940]  }
0x2b2: {  	v15 =	vld [tilespmem:s24+$0x6950]  }
0x2b3: {  	v16 =	vld [tilespmem:s24+$0x6960]  }
0x2b4: {  	v17 =	vld [tilespmem:s24+$0x6970]  }
0x2b5: {  	v18 =	vld [tilespmem:s24+$0x6980]  }
0x2b6: {  	v19 =	vld [tilespmem:s24+$0x6990]  }
0x2b7: {  	v20 =	vld [tilespmem:s24+$0x69A0]  }
0x2b8: {  	v21 =	vld [tilespmem:s24+$0x69B0]  }
0x2b9: {  	v22 =	vld [tilespmem:s24+$0x69C0]  }
0x2ba: {  	v23 =	vld [tilespmem:s24+$0x69D0]  }
0x2bb: {  	v24 =	vld [tilespmem:s24+$0x69E0]  }
0x2bc: {  	v25 =	vld [tilespmem:s24+$0x69F0]  }
0x2bd: {  	v26 =	vld [tilespmem:s24+$0x6A00]  }
0x2be: {  	v27 =	vld [tilespmem:s24+$0x6A10]  }
0x2bf: {  	v28 =	vld [tilespmem:s24+$0x6A20]  }
0x2c0: {  	v29 =	vld [tilespmem:s24+$0x6A30]  }
0x2c1: {  	v30 =	vld [tilespmem:s24+$0x6A40]  }
0x2c2: {  	v31 =	vld [tilespmem:s24+$0x6A50]  }
0x2c3: {  	[tilespmem:s24+$0x5670] =	vst.add.f32.msk $0xffff, v1  }
0x2c4: {  	v1 =	vld [tilespmem:s24+$0x6A60]  }
0x2c5: {  	[tilespmem:s24+$0x5480] =	vst.add.f32.msk $0xffff, v2  }
0x2c6: {  	[tilespmem:s24+$0x5490] =	vst.add.f32.msk $0xffff, v3  }
0x2c7: {  	[tilespmem:s24+$0x54A0] =	vst.add.f32.msk $0xffff, v4  }
0x2c8: {  	[tilespmem:s24+$0x54B0] =	vst.add.f32.msk $0xffff, v5  }
0x2c9: {  	[tilespmem:s24+$0x54C0] =	vst.add.f32.msk $0xffff, v6  }
0x2ca: {  	[tilespmem:s24+$0x54D0] =	vst.add.f32.msk $0xffff, v7  }
0x2cb: {  	[tilespmem:s24+$0x54E0] =	vst.add.f32.msk $0xffff, v8  }
0x2cc: {  	[tilespmem:s24+$0x54F0] =	vst.add.f32.msk $0xffff, v9  }
0x2cd: {  	[tilespmem:s24+$0x5500] =	vst.add.f32.msk $0xffff, v10  }
0x2ce: {  	[tilespmem:s24+$0x5510] =	vst.add.f32.msk $0xffff, v11  }
0x2cf: {  	[tilespmem:s24+$0x5520] =	vst.add.f32.msk $0xffff, v12  }
0x2d0: {  	[tilespmem:s24+$0x5530] =	vst.add.f32.msk $0xffff, v13  }
0x2d1: {  	[tilespmem:s24+$0x5540] =	vst.add.f32.msk $0xffff, v14  }
0x2d2: {  	[tilespmem:s24+$0x5550] =	vst.add.f32.msk $0xffff, v15  }
0x2d3: {  	[tilespmem:s24+$0x5560] =	vst.add.f32.msk $0xffff, v16  }
0x2d4: {  	[tilespmem:s24+$0x5570] =	vst.add.f32.msk $0xffff, v17  }
0x2d5: {  	[tilespmem:s24+$0x5580] =	vst.add.f32.msk $0xffff, v18  }
0x2d6: {  	[tilespmem:s24+$0x5590] =	vst.add.f32.msk $0xffff, v19  }
0x2d7: {  	[tilespmem:s24+$0x55A0] =	vst.add.f32.msk $0xffff, v20  }
0x2d8: {  	[tilespmem:s24+$0x55B0] =	vst.add.f32.msk $0xffff, v21  }
0x2d9: {  	[tilespmem:s24+$0x55C0] =	vst.add.f32.msk $0xffff, v22  }
0x2da: {  	[tilespmem:s24+$0x55D0] =	vst.add.f32.msk $0xffff, v23  }
0x2db: {  	[tilespmem:s24+$0x55E0] =	vst.add.f32.msk $0xffff, v24  }
0x2dc: {  	[tilespmem:s24+$0x55F0] =	vst.add.f32.msk $0xffff, v25  }
0x2dd: {  	[tilespmem:s24+$0x5600] =	vst.add.f32.msk $0xffff, v26  }
0x2de: {  	[tilespmem:s24+$0x5610] =	vst.add.f32.msk $0xffff, v27  }
0x2df: {  	[tilespmem:s24+$0x5620] =	vst.add.f32.msk $0xffff, v28  }
0x2e0: {  	[tilespmem:s24+$0x5630] =	vst.add.f32.msk $0xffff, v29  }
0x2e1: {  	[tilespmem:s24+$0x5640] =	vst.add.f32.msk $0xffff, v30  }
0x2e2: {  	s9 =	simm.s32 $0x0;
	s19 =	simm.s32 $0x800;
	[tilespmem:s24+$0x5650] =	vst.add.f32.msk $0xffff, v31  }
.LBB2_10:
0x2e3: {  	s9 =	sadd.s32 $0x4, s9;
	[tilespmem:s24+$0x5660] =	vst.add.f32.msk $0xffff, v1;
	s24 =	sshra.s32 s19, $0x2  }
0x2e4: {  	v1 =	vld [tilespmem:s24+$0x6A70];
	p1 =	slt.u32 s9, $0x24  }
0x2e5: {  	v2 =	vld [tilespmem:s24+$0x6880]  }
0x2e6: {  	v3 =	vld [tilespmem:s24+$0x6890]  }
0x2e7: {  	v4 =	vld [tilespmem:s24+$0x68A0]  }
0x2e8: {  	v5 =	vld [tilespmem:s24+$0x68B0]  }
0x2e9: {  	[tilespmem:s24+$0x5670] =	vst.add.f32.msk $0xffff, v1  }
0x2ea: {  	v6 =	vld [tilespmem:s24+$0x68C0]  }
0x2eb: {  	v7 =	vld [tilespmem:s24+$0x68D0]  }
0x2ec: {  	v8 =	vld [tilespmem:s24+$0x68E0]  }
0x2ed: {  	v9 =	vld [tilespmem:s24+$0x68F0]  }
0x2ee: {  	v10 =	vld [tilespmem:s24+$0x6900]  }
0x2ef: {  	v11 =	vld [tilespmem:s24+$0x6910]  }
0x2f0: {  	v12 =	vld [tilespmem:s24+$0x6920]  }
0x2f1: {  	v13 =	vld [tilespmem:s24+$0x6930]  }
0x2f2: {  	v14 =	vld [tilespmem:s24+$0x6940]  }
0x2f3: {  	v15 =	vld [tilespmem:s24+$0x6950]  }
0x2f4: {  	v16 =	vld [tilespmem:s24+$0x6960]  }
0x2f5: {  	v17 =	vld [tilespmem:s24+$0x6970]  }
0x2f6: {  	v18 =	vld [tilespmem:s24+$0x6980]  }
0x2f7: {  	v19 =	vld [tilespmem:s24+$0x6990]  }
0x2f8: {  	v20 =	vld [tilespmem:s24+$0x69A0]  }
0x2f9: {  	v21 =	vld [tilespmem:s24+$0x69B0]  }
0x2fa: {  	v22 =	vld [tilespmem:s24+$0x69C0]  }
0x2fb: {  	v23 =	vld [tilespmem:s24+$0x69D0]  }
0x2fc: {  	v24 =	vld [tilespmem:s24+$0x69E0]  }
0x2fd: {  	v25 =	vld [tilespmem:s24+$0x69F0]  }
0x2fe: {  	v26 =	vld [tilespmem:s24+$0x6A00]  }
0x2ff: {  	v27 =	vld [tilespmem:s24+$0x6A10]  }
0x300: {  	v28 =	vld [tilespmem:s24+$0x6A20]  }
0x301: {  	v29 =	vld [tilespmem:s24+$0x6A30]  }
0x302: {  	v30 =	vld [tilespmem:s24+$0x6A40]  }
0x303: {  	v31 =	vld [tilespmem:s24+$0x6A50]  }
0x304: {  	v1 =	vld [tilespmem:s24+$0x6A60]  }
0x305: {  	[tilespmem:s24+$0x5480] =	vst.add.f32.msk $0xffff, v2  }
0x306: {  	[tilespmem:s24+$0x5490] =	vst.add.f32.msk $0xffff, v3  }
0x307: {  	[tilespmem:s24+$0x54A0] =	vst.add.f32.msk $0xffff, v4  }
0x308: {  	[tilespmem:s24+$0x54B0] =	vst.add.f32.msk $0xffff, v5  }
0x309: {  	[tilespmem:s24+$0x54C0] =	vst.add.f32.msk $0xffff, v6  }
0x30a: {  	[tilespmem:s24+$0x54D0] =	vst.add.f32.msk $0xffff, v7  }
0x30b: {  	[tilespmem:s24+$0x54E0] =	vst.add.f32.msk $0xffff, v8  }
0x30c: {  	[tilespmem:s24+$0x54F0] =	vst.add.f32.msk $0xffff, v9  }
0x30d: {  	[tilespmem:s24+$0x5500] =	vst.add.f32.msk $0xffff, v10  }
0x30e: {  	[tilespmem:s24+$0x5510] =	vst.add.f32.msk $0xffff, v11  }
0x30f: {  	[tilespmem:s24+$0x5520] =	vst.add.f32.msk $0xffff, v12  }
0x310: {  	[tilespmem:s24+$0x5530] =	vst.add.f32.msk $0xffff, v13  }
0x311: {  	[tilespmem:s24+$0x5540] =	vst.add.f32.msk $0xffff, v14  }
0x312: {  	[tilespmem:s24+$0x5550] =	vst.add.f32.msk $0xffff, v15  }
0x313: {  	[tilespmem:s24+$0x5560] =	vst.add.f32.msk $0xffff, v16  }
0x314: {  	[tilespmem:s24+$0x5570] =	vst.add.f32.msk $0xffff, v17  }
0x315: {  	[tilespmem:s24+$0x5580] =	vst.add.f32.msk $0xffff, v18  }
0x316: {  	[tilespmem:s24+$0x5590] =	vst.add.f32.msk $0xffff, v19  }
0x317: {  	[tilespmem:s24+$0x55A0] =	vst.add.f32.msk $0xffff, v20  }
0x318: {  	[tilespmem:s24+$0x55B0] =	vst.add.f32.msk $0xffff, v21  }
0x319: {  	[tilespmem:s24+$0x55C0] =	vst.add.f32.msk $0xffff, v22  }
0x31a: {  	[tilespmem:s24+$0x55D0] =	vst.add.f32.msk $0xffff, v23  }
0x31b: {  	[tilespmem:s24+$0x55E0] =	vst.add.f32.msk $0xffff, v24  }
0x31c: {  	[tilespmem:s24+$0x55F0] =	vst.add.f32.msk $0xffff, v25  }
0x31d: {  	[tilespmem:s24+$0x5600] =	vst.add.f32.msk $0xffff, v26  }
.Ltmp6:
0x31e: {  	[tilespmem:s24+$0x5610] =	vst.add.f32.msk $0xffff, v27;
	(pc) =	sbr.rel @p1 .LBB2_10-.Ltmp6, $4  }
0x31f: {  	[tilespmem:s24+$0x5620] =	vst.add.f32.msk $0xffff, v28  }
0x320: {  	[tilespmem:s24+$0x5630] =	vst.add.f32.msk $0xffff, v29  }
0x321: {  	[tilespmem:s24+$0x5640] =	vst.add.f32.msk $0xffff, v30  }
0x322: {  	s19 =	sadd.s32 $0x800, s19;
	[tilespmem:s24+$0x5650] =	vst.add.f32.msk $0xffff, v31  }
0x323: {  	s9 =	sld [smem:$0x7EE];
	_ =	sdelay $0x2  }
0x324: {  	s9 =	sadd.s32 s9, s23  }
0x325: {  	s9 =	smul.u32 $0x280, s9;
	_ =	sdelay $0x1  }
0x326: {  	[tilespmem:s24+$0x5660] =	vst.add.f32.msk $0xffff, v1;
	s9 =	sadd.s32 s8, s9  }
0x327: {  	[hbm4b:s9+s3] =	stream.linear.scatter [tilespmem:s10], [sflag:$0x11], $0x1400, $0x38;
	[tilespmem:$0x1BC80] =	vst v63  }
0x328: {  	s26 =	simm.s32 $0x5400  }
0x329: {  	[spmem:s2] =	stream.indirect.scatter.add.f32 [tilespmem:s10], [sflag:$0x12], $0x80, s26, s16, $0xb8;
	[tilespmem:$0x1BC80] =	vst v63  }
0x32a: {  	_ =	swait.ge [sflag:s11], $0x1400  }
0x32b: {  	[sflag:s11] =	ssyncset.done $0x0  }
0x32c: {  	[sflag:s11] =	ssyncadd.s32 $0xFFFFEC00  }
0x32d: {  	_ =	swait.ge [sflag:s20], $0x1400  }
0x32e: {  	[sflag:s20] =	ssyncset.done $0x0  }
0x32f: {  	s9 =	simm.s32 @!p0 $0x7;
	[sflag:s20] =	ssyncadd.s32 $0xFFFFEC00  }
0x330: {  	_ =	swait.ge @!p0 [sflag:s9], $0x28  }
0x331: {  	[sflag:s9] =	ssyncset.done @!p0 $0x0  }
0x332: {  	[sflag:s9] =	ssyncadd.s32 @!p0 $0xFFFFFFD8;
	s9 =	simm.s32 @!p0 $0x8  }
0x333: {  	_ =	swait.ge @!p0 [sflag:s9], $0x28  }
0x334: {  	s19 =	simm.s32 @!p0 $0x2980;
	[sflag:s9] =	ssyncset.done @!p0 $0x0  }
0x335: {  	s23 =	simm.s32 @!p0 $0x2B00;
	[sflag:s9] =	ssyncadd.s32 @!p0 $0xFFFFFFD8;
	s9 =	simm.s32 @!p0 $0x28  }
0x336: {  	[tilespmem:s23], [sflag:$0x9] =	stream.indirect.gather @!p0 [hbm4b:s1+s9], $0x80, s19, s9, $0xb8;
	[tilespmem:$0x1BC80] =	vst v63  }
0x337: {  	s21 =	sadd.s32 $0x1, s21;
	s19 =	simm.s32 @!p0 $0x2A00;
	s23 =	simm.s32 @!p0 $0x3F00  }
0x338: {  	[tilespmem:s23], [sflag:$0xA] =	stream.indirect.gather @!p0 [hbm4b:s5+s9], $0x80, s19, s9, $0xb8;
	[tilespmem:$0x1BC80] =	vst v63  }
0x339: {  	p0 =	sne.s32 s21, $0x54  }
.Ltmp7:
0x33a: {  	_ = 	snop;
	(pc) =	sbr.rel @p0 .LBB2_4-.Ltmp7, $4  }
.Ltmp8:
0x33b: {  	_ = 	snop;
	(pc) =	sbr.rel @!p0 .LBB2_12-.Ltmp8, $4  }
0x33c: {  	_ = 	snop  }
0x33d: {  	_ = 	snop  }
0x33e: {  	_ = 	snop  }
0x33f: {  	_ = 	snop  }
.LBB2_13:
0x340: {  	_ =	sfence.sel $0x180000  }
0x341: {  	[bflag:$0x0] =	sbarrier.arrive $0xFFFF  }
0x342: {  	_ =	strace $0x9000004A  }
0x343: {  	s0 =	stileid.u32;
	[bflag:$0x2] =	sbarrier.arrive $0xFFFF  }
0x344: {  	p0 =	sne.s32 s0, $0x0;
	s0 =	rddreg [dreg:$0x4]  }
0x345: {  	s0 =	sadd.s32 @!p0 $0x100000, s0  }
0x346: {  	[sflag:s0] =	ssyncadd.tile.s32 @!p0 $0x1;
	_ =	shalt  }
.Lfunc_end2:
_tile_overlayer_lowered:
.L_overlay_start_2:
0x347: {  	(tag) =	ssettag $0x2  }
0x348: {  	s0 =	rddreg [dreg:$0x0];
	s2 =	stileid.u32  }
0x349: {  	s1 =	rddreg [dreg:$0x1];
	p0 =	sne.s32 s2, $0x0  }
0x34a: {  	s3 =	rddreg [dreg:$0x2];
	[bflag:$0x3] =	sbarrier.arrive $0xFFFF;
	s2 =	simm.s32 @!p0 $0x1C13  }
0x34b: {  	[timem:s3], [sflag:s2] =	dma.local @!p0 [hbm:s0], s1  }
0x34c: {  	s0 =	simm.s32 @!p0 $0x13  }
0x34d: {  	_ =	swait.ge @!p0 [sflag:s0], s1  }
0x34e: {  	s1 =	ssub.s32 @!p0 $0x0, s1;
	[sflag:s0] =	ssyncset.done @!p0 $0x0  }
0x34f: {  	[sflag:s0] =	ssyncadd.s32 @!p0 s1  }
0x350: {  	[bflag:$0x3] =	sbarrier.arrive $0xFFFF  }
0x351: {  	_ =	shalt  }

</sc_bundles>
